<compile_context>
chip_gen: v7x
topology: tpu7x:2x2x1
jax: 0.10.2.dev20260603
libtpu: 0.0.44.dev20260713+nightly
codegen_flags: <defaults>
</compile_context>

<pallas_src>
import functools

import jax
import jax.numpy as jnp
from jax import lax
from jax.experimental import pallas as pl
from jax.experimental.pallas import tpu as pltpu
from jax.experimental.pallas import tpu_sc as plsc

N = 10000
D = 128
E = 320000
NC = 2
NS = 16
NW = NC * NS
EPT = E // NW
K = 80
NCHUNK = 128
HC = 64
NP = N + 8
STRIPE = 624
SCH = 48
REM = N - NS * STRIPE
BR = 1000


def _dotT(a, w):
    return lax.dot_general(a, w, (((1,), (1,)), ((), ())),
                           preferred_element_type=jnp.float32)



def _tc_pre(x, Wl, Wr, b):
    def body(x_ref, wl_ref, wr_ref, b_ref, p_ref, r_ref):
        xb = x_ref[...]
        p_ref[...] = _dotT(xb, wl_ref[...])
        r_ref[...] = _dotT(xb, wr_ref[...]) + b_ref[...]

    return pl.pallas_call(
        body,
        grid=(N // BR,),
        in_specs=[
            pl.BlockSpec((BR, D), lambda i: (i, 0)),
            pl.BlockSpec((D, D), lambda i: (0, 0)),
            pl.BlockSpec((D, D), lambda i: (0, 0)),
            pl.BlockSpec((1, D), lambda i: (0, 0)),
        ],
        out_specs=[pl.BlockSpec((BR, D), lambda i: (i, 0))] * 2,
        out_shape=[jax.ShapeDtypeStruct((N, D), jnp.float32)] * 2,
    )(x, Wl, Wr, b.reshape(1, D))


def _tc_mid(s1a, s1b, ca, cb, r1, Wl, Wr, b2):
    def body(sa, sb, ca_r, cb_r, r1_r, wl, wr, b_r, p2, r2):
        cnt = ca_r[...][:, :1] + cb_r[...][:, :1]
        inv = 1.0 / jnp.maximum(cnt, 1.0)
        h = jnp.maximum((sa[...] + sb[...]) * inv + r1_r[...], 0.0)
        p2[...] = _dotT(h, wl[...])
        r2[...] = _dotT(h, wr[...]) + b_r[...]

    return pl.pallas_call(
        body,
        grid=(N // BR,),
        in_specs=[
            pl.BlockSpec((BR, D), lambda i: (i, 0)),
            pl.BlockSpec((BR, D), lambda i: (i, 0)),
            pl.BlockSpec((BR, D), lambda i: (i, 0)),
            pl.BlockSpec((BR, D), lambda i: (i, 0)),
            pl.BlockSpec((BR, D), lambda i: (i, 0)),
            pl.BlockSpec((D, D), lambda i: (0, 0)),
            pl.BlockSpec((D, D), lambda i: (0, 0)),
            pl.BlockSpec((1, D), lambda i: (0, 0)),
        ],
        out_specs=[pl.BlockSpec((BR, D), lambda i: (i, 0))] * 2,
        out_shape=[jax.ShapeDtypeStruct((N, D), jnp.float32)] * 2,
    )(s1a, s1b, ca, cb, r1, Wl, Wr, b2.reshape(1, D))


def _tc_post(s2a, s2b, ca, cb, r2):
    def body(sa, sb, ca_r, cb_r, r2_r, out):
        cnt = ca_r[...][:, :1] + cb_r[...][:, :1]
        inv = 1.0 / jnp.maximum(cnt, 1.0)
        o = (sa[...] + sb[...]) * inv + r2_r[...]
        m = jnp.max(o, axis=1, keepdims=True)
        e = jnp.exp(o - m)
        lse = jnp.log(jnp.sum(e, axis=1, keepdims=True))
        out[...] = o - m - lse

    return pl.pallas_call(
        body,
        grid=(N // BR,),
        in_specs=[
            pl.BlockSpec((BR, D), lambda i: (i, 0)),
            pl.BlockSpec((BR, D), lambda i: (i, 0)),
            pl.BlockSpec((BR, D), lambda i: (i, 0)),
            pl.BlockSpec((BR, D), lambda i: (i, 0)),
            pl.BlockSpec((BR, D), lambda i: (i, 0)),
        ],
        out_specs=pl.BlockSpec((BR, D), lambda i: (i, 0)),
        out_shape=jax.ShapeDtypeStruct((N, D), jnp.float32),
    )(s2a, s2b, ca, cb, r2)



def _sc_agg(P, src3, dst3):
    mesh = plsc.VectorSubcoreMesh(core_axis_name="c", subcore_axis_name="s", num_cores=NC, num_subcores=NS)

    out_type = jax.ShapeDtypeStruct((NC, N, D), jnp.float32)

    scratch = [
        pltpu.VMEM_SHARED((NP, D), jnp.float32),
        pltpu.VMEM((HC, K), jnp.int32),
        pltpu.VMEM((HC, K), jnp.int32),
        pltpu.VMEM((K, D), jnp.float32),
        pltpu.VMEM((K, D), jnp.float32),
        pltpu.VMEM((SCH, D), jnp.float32),
        pltpu.SemaphoreType.DMA,
        pltpu.SemaphoreType.DMA,
    ]

    def body(P_hbm, src_hbm, dst_hbm, out_hbm, acc, src_v, dst_v, rows_a,
             rows_b, zbuf, sem_a, sem_b):
        c = lax.axis_index("c")
        s = lax.axis_index("s")
        wid = s * NC + c
        row0 = s * STRIPE

        zero16 = jnp.zeros((16,), jnp.float32)

        def zrow(i, carry):
            for j in range(D // 16):
                zbuf[i, pl.ds(j * 16, 16)] = zero16
            return carry

        lax.fori_loop(0, SCH, zrow, 0)

        for t in range(STRIPE // SCH):
            pltpu.sync_copy(zbuf, acc.at[pl.ds(row0 + t * SCH, SCH)])

        @pl.when(s == 0)
        def _zero_rem():
            pltpu.sync_copy(zbuf.at[pl.ds(0, REM)], acc.at[pl.ds(NS * STRIPE, REM)])

        plsc.subcore_barrier()

        for h in range(NCHUNK // HC):
            pltpu.sync_copy(src_hbm.at[wid, pl.ds(h * HC, HC)], src_v)
            pltpu.sync_copy(dst_hbm.at[wid, pl.ds(h * HC, HC)], dst_v)

            def pair(i, carry):
                j = 2 * i
                da = pltpu.async_copy(P_hbm.at[src_v.at[j]], rows_a, sem_a)
                db = pltpu.async_copy(P_hbm.at[src_v.at[j + 1]], rows_b, sem_b)
                da.wait()
                pltpu.sync_copy(rows_a, acc.at[dst_v.at[j]], add=True)
                db.wait()
                pltpu.sync_copy(rows_b, acc.at[dst_v.at[j + 1]], add=True)
                return carry

            lax.fori_loop(0, HC // 2, pair, 0)

        plsc.subcore_barrier()

        for t in range(STRIPE // SCH):
            r = row0 + t * SCH
            pltpu.sync_copy(acc.at[pl.ds(r, SCH)], zbuf)
            pltpu.sync_copy(zbuf, out_hbm.at[c, pl.ds(r, SCH)])

        @pl.when(s == 0)
        def _wb_rem():
            pltpu.sync_copy(acc.at[pl.ds(NS * STRIPE, REM)], zbuf.at[pl.ds(0, REM)])
            pltpu.sync_copy(zbuf.at[pl.ds(0, REM)], out_hbm.at[c, pl.ds(NS * STRIPE, REM)])

    run = pl.kernel(body, out_type=out_type, mesh=mesh, scratch_types=scratch)
    return run(P, src3, dst3)


def _sc_cnt(dst3):
    mesh = plsc.VectorSubcoreMesh(core_axis_name="c", subcore_axis_name="s", num_cores=NC, num_subcores=NS)

    out_type = jax.ShapeDtypeStruct((NC, N, D), jnp.float32)

    scratch = [
        pltpu.VMEM_SHARED((NP, D), jnp.float32),
        pltpu.VMEM((NCHUNK, K), jnp.int32),
        pltpu.VMEM((K, D), jnp.float32),
        pltpu.VMEM((SCH, D), jnp.float32),
    ]

    def body(dst_hbm, cnt_hbm, cntacc, dst_v, ones_v, zbuf):
        c = lax.axis_index("c")
        s = lax.axis_index("s")
        wid = s * NC + c
        row0 = s * STRIPE

        pltpu.sync_copy(dst_hbm.at[wid], dst_v)

        zero16 = jnp.zeros((16,), jnp.float32)
        one16 = jnp.ones((16,), jnp.float32)

        def orow(i, carry):
            for j in range(D // 16):
                ones_v[i, pl.ds(j * 16, 16)] = one16
            return carry

        lax.fori_loop(0, K, orow, 0)

        def zrow(i, carry):
            for j in range(D // 16):
                zbuf[i, pl.ds(j * 16, 16)] = zero16
            return carry

        lax.fori_loop(0, SCH, zrow, 0)

        for t in range(STRIPE // SCH):
            pltpu.sync_copy(zbuf, cntacc.at[pl.ds(row0 + t * SCH, SCH)])

        @pl.when(s == 0)
        def _zero_rem():
            pltpu.sync_copy(zbuf.at[pl.ds(0, REM)], cntacc.at[pl.ds(NS * STRIPE, REM)])

        plsc.subcore_barrier()

        def chunk(j, carry):
            pltpu.sync_copy(ones_v, cntacc.at[dst_v.at[j]], add=True)
            return carry

        lax.fori_loop(0, NCHUNK, chunk, 0)
        plsc.subcore_barrier()

        for t in range(STRIPE // SCH):
            r = row0 + t * SCH
            pltpu.sync_copy(cntacc.at[pl.ds(r, SCH)], zbuf)
            pltpu.sync_copy(zbuf, cnt_hbm.at[c, pl.ds(r, SCH)])

        @pl.when(s == 0)
        def _wb_rem():
            pltpu.sync_copy(cntacc.at[pl.ds(NS * STRIPE, REM)], zbuf.at[pl.ds(0, REM)])
            pltpu.sync_copy(zbuf.at[pl.ds(0, REM)], cnt_hbm.at[c, pl.ds(NS * STRIPE, REM)])

    run = pl.kernel(body, out_type=out_type, mesh=mesh, scratch_types=scratch)
    return run(dst3)


def kernel(x, edge_index, W1_l, b1, W1_r, W2_l, b2, W2_r):
    pad = NCHUNK * K - EPT
    src_fill = jnp.broadcast_to(jnp.arange(pad, dtype=jnp.int32) % N, (NW, pad))
    src2 = jnp.concatenate([edge_index[0].reshape(NW, EPT), src_fill], axis=1)
    dst2 = jnp.pad(edge_index[1].reshape(NW, EPT), ((0, 0), (0, pad)),
                   constant_values=N)
    src3 = src2.reshape(NW, NCHUNK, K)
    dst3 = dst2.reshape(NW, NCHUNK, K)

    C = _sc_cnt(dst3)
    P1, R1 = _tc_pre(x, W1_l, W1_r, b1)
    S1 = _sc_agg(P1, src3, dst3)
    P2, R2 = _tc_mid(S1[0], S1[1], C[0], C[1], R1, W2_l, W2_r, b2)
    S2 = _sc_agg(P2, src3, dst3)
    return _tc_post(S2[0], S2[1], C[0], C[1], R2)

# --- scband reference (transcript-rebuilt; emitter-appended) ---
"""Pipeline reference for scband-graph-sage-25898652795240 (READ-ONLY COPY).

The authoritative reference and input builder live on the scoring server;
editing this copy changes nothing except your own understanding.
"""

import jax, jax.numpy as jnp
import numpy as np

N = 10000
E = 320000
D_IN = 128
D_HID = 128
D_OUT = 128


def _sage_conv(x, edge_index, W_l, b_l, W_r, num_nodes):
    # PyG SAGEConv with mean aggregation:
    #   out = lin_l(mean_{j in N(i)} x_j) + lin_r(x_i)
    src = edge_index[0]
    dst = edge_index[1]
    msg = jnp.take(x, src, axis=0)
    agg = jax.ops.segment_sum(msg, dst, num_segments=num_nodes)
    cnt = jax.ops.segment_sum(jnp.ones((edge_index.shape[1],), dtype=x.dtype), dst, num_segments=num_nodes)
    agg = agg / jnp.clip(cnt, 1.0, None)[:, None]
    return agg @ W_l.T + b_l + x @ W_r.T


def setup_inputs(seed: int = 0) -> dict:
    key = jax.random.key(seed)
    ks = jax.random.split(key, 8)
    x = jax.random.normal(ks[0], (N, D_IN), dtype=jnp.float32)
    edge_index = jax.random.randint(ks[1], (2, E), 0, N, dtype=jnp.int32)
    s_in = 1.0 / np.sqrt(D_IN)
    s_hid = 1.0 / np.sqrt(D_HID)
    W1_l = jax.random.normal(ks[2], (D_HID, D_IN), dtype=jnp.float32) * s_in
    b1 = jnp.zeros((D_HID,), dtype=jnp.float32)
    W1_r = jax.random.normal(ks[3], (D_HID, D_IN), dtype=jnp.float32) * s_in
    W2_l = jax.random.normal(ks[4], (D_OUT, D_HID), dtype=jnp.float32) * s_hid
    b2 = jnp.zeros((D_OUT,), dtype=jnp.float32)
    W2_r = jax.random.normal(ks[5], (D_OUT, D_HID), dtype=jnp.float32) * s_hid
    return {"x": x, "edge_index": edge_index, "W1_l": W1_l, "b1": b1, "W1_r": W1_r, "W2_l": W2_l, "b2": b2, "W2_r": W2_r}


def reference(x, edge_index, W1_l, b1, W1_r, W2_l, b2, W2_r):
    h = _sage_conv(x, edge_index, W1_l, b1, W1_r, N)
    h = jax.nn.relu(h)
    # F.dropout(training=self.training) is a no-op in eval mode
    h = _sage_conv(h, edge_index, W2_l, b2, W2_r, N)
    return jax.nn.log_softmax(h, axis=1)

if __name__ == "__main__":
    import jax
    _d = setup_inputs()
    print(jax.jit(kernel)(*tuple(_d.values())))

</pallas_src>

<mosaic_0001>
#map = affine_map<(d0, d1) -> (0, 0)>
#map1 = affine_map<(d0, d1) -> (0, 0, 0)>
module attributes {stable_mosaic.version = 14 : i64} {
  func.func @body(%arg0: i32, %arg1: i32, %arg2: memref<10000x128xf32, #tpu.memory_space<hbm>>, %arg3: memref<32x128x80xi32, #tpu.memory_space<hbm>>, %arg4: memref<32x128x80xi32, #tpu.memory_space<hbm>>, %arg5: memref<2x10000x128xf32, #tpu.memory_space<hbm>>, %arg6: memref<10008x128xf32, #tpu.memory_space<vmem_shared>>, %arg7: memref<64x80xi32, #tpu.memory_space<vmem>>, %arg8: memref<64x80xi32, #tpu.memory_space<vmem>>, %arg9: memref<80x128xf32, #tpu.memory_space<vmem>>, %arg10: memref<80x128xf32, #tpu.memory_space<vmem>>, %arg11: memref<48x128xf32, #tpu.memory_space<vmem>>, %arg12: memref<!tpu.dma_semaphore, #tpu.memory_space<semaphore_mem>>, %arg13: memref<!tpu.dma_semaphore, #tpu.memory_space<semaphore_mem>>) attributes {dimension_semantics = [#tpu.dimension_semantics<core_parallel>, #tpu.dimension_semantics<subcore_parallel>], iteration_bounds = array<i64: 2, 16>, scalar_prefetch = 0 : i64, scratch_operands = 8 : i64, tpu.core_type = #tpu.core_type<sc_vector_subcore>, window_params = [{transform_indices = #map}, {transform_indices = #map1}, {transform_indices = #map1}, {transform_indices = #map1}]} {
    %mul3A = arith.constant 2 : i32
    %mul3A_0 = arith.muli %arg1, %mul3A : i32
    %add3A = arith.addi %mul3A_0, %arg0 : i32
    %mul3A_1 = arith.constant 624 : i32
    %mul3A_2 = arith.muli %arg1, %mul3A_1 : i32
    %broadcast_in_dim3A = arith.constant 0.000000e+00 : f32
    %broadcast_in_dim3A_3 = vector.broadcast %broadcast_in_dim3A : f32 to vector<16xf32>
    %scan3A = arith.constant 0 : i32
    %scan3A_4 = arith.constant 0 : i32
    %scan3A_5 = arith.constant 48 : i32
    %scan3A_6 = arith.addi %scan3A_4, %scan3A_5 : i32
    %scan3A_7 = arith.constant 1 : i32
    scf.for %scan3A_81 = %scan3A_4 to %scan3A_6 step %scan3A_7  : i32 {
      %swap3A = arith.index_cast %scan3A_81 : i32 to index
      %swap3A_82 = arith.constant 0 : index
      %swap3A_83 = tpu.vector_load %arg11[%swap3A, %swap3A_82] {strides = array<i32>} : memref<48x128xf32, #tpu.memory_space<vmem>>, vector<1x16xf32>,
      %swap3A_84 = vector.shape_cast %swap3A_83 : vector<1x16xf32> to vector<16xf32>
      %swap3A_85 = vector.shape_cast %broadcast_in_dim3A_3 : vector<16xf32> to vector<1x16xf32>
      tpu.vector_store %arg11[%swap3A, %swap3A_82], %swap3A_85 {strides = array<i32>} : memref<48x128xf32, #tpu.memory_space<vmem>>, vector<1x16xf32>,
      %swap3A_86 = arith.index_cast %scan3A_81 : i32 to index
      %swap3A_87 = arith.constant 16 : index
      %swap3A_88 = tpu.vector_load %arg11[%swap3A_86, %swap3A_87] {strides = array<i32>} : memref<48x128xf32, #tpu.memory_space<vmem>>, vector<1x16xf32>,
      %swap3A_89 = vector.shape_cast %swap3A_88 : vector<1x16xf32> to vector<16xf32>
      %swap3A_90 = vector.shape_cast %broadcast_in_dim3A_3 : vector<16xf32> to vector<1x16xf32>
      tpu.vector_store %arg11[%swap3A_86, %swap3A_87], %swap3A_90 {strides = array<i32>} : memref<48x128xf32, #tpu.memory_space<vmem>>, vector<1x16xf32>,
      %swap3A_91 = arith.index_cast %scan3A_81 : i32 to index
      %swap3A_92 = arith.constant 32 : index
      %swap3A_93 = tpu.vector_load %arg11[%swap3A_91, %swap3A_92] {strides = array<i32>} : memref<48x128xf32, #tpu.memory_space<vmem>>, vector<1x16xf32>,
      %swap3A_94 = vector.shape_cast %swap3A_93 : vector<1x16xf32> to vector<16xf32>
      %swap3A_95 = vector.shape_cast %broadcast_in_dim3A_3 : vector<16xf32> to vector<1x16xf32>
      tpu.vector_store %arg11[%swap3A_91, %swap3A_92], %swap3A_95 {strides = array<i32>} : memref<48x128xf32, #tpu.memory_space<vmem>>, vector<1x16xf32>,
      %swap3A_96 = arith.index_cast %scan3A_81 : i32 to index
      %swap3A_97 = arith.constant 48 : index
      %swap3A_98 = tpu.vector_load %arg11[%swap3A_96, %swap3A_97] {strides = array<i32>} : memref<48x128xf32, #tpu.memory_space<vmem>>, vector<1x16xf32>,
      %swap3A_99 = vector.shape_cast %swap3A_98 : vector<1x16xf32> to vector<16xf32>
      %swap3A_100 = vector.shape_cast %broadcast_in_dim3A_3 : vector<16xf32> to vector<1x16xf32>
      tpu.vector_store %arg11[%swap3A_96, %swap3A_97], %swap3A_100 {strides = array<i32>} : memref<48x128xf32, #tpu.memory_space<vmem>>, vector<1x16xf32>,
      %swap3A_101 = arith.index_cast %scan3A_81 : i32 to index
      %swap3A_102 = arith.constant 64 : index
      %swap3A_103 = tpu.vector_load %arg11[%swap3A_101, %swap3A_102] {strides = array<i32>} : memref<48x128xf32, #tpu.memory_space<vmem>>, vector<1x16xf32>,
      %swap3A_104 = vector.shape_cast %swap3A_103 : vector<1x16xf32> to vector<16xf32>
      %swap3A_105 = vector.shape_cast %broadcast_in_dim3A_3 : vector<16xf32> to vector<1x16xf32>
      tpu.vector_store %arg11[%swap3A_101, %swap3A_102], %swap3A_105 {strides = array<i32>} : memref<48x128xf32, #tpu.memory_space<vmem>>, vector<1x16xf32>,
      %swap3A_106 = arith.index_cast %scan3A_81 : i32 to index
      %swap3A_107 = arith.constant 80 : index
      %swap3A_108 = tpu.vector_load %arg11[%swap3A_106, %swap3A_107] {strides = array<i32>} : memref<48x128xf32, #tpu.memory_space<vmem>>, vector<1x16xf32>,
      %swap3A_109 = vector.shape_cast %swap3A_108 : vector<1x16xf32> to vector<16xf32>
      %swap3A_110 = vector.shape_cast %broadcast_in_dim3A_3 : vector<16xf32> to vector<1x16xf32>
      tpu.vector_store %arg11[%swap3A_106, %swap3A_107], %swap3A_110 {strides = array<i32>} : memref<48x128xf32, #tpu.memory_space<vmem>>, vector<1x16xf32>,
      %swap3A_111 = arith.index_cast %scan3A_81 : i32 to index
      %swap3A_112 = arith.constant 96 : index
      %swap3A_113 = tpu.vector_load %arg11[%swap3A_111, %swap3A_112] {strides = array<i32>} : memref<48x128xf32, #tpu.memory_space<vmem>>, vector<1x16xf32>,
      %swap3A_114 = vector.shape_cast %swap3A_113 : vector<1x16xf32> to vector<16xf32>
      %swap3A_115 = vector.shape_cast %broadcast_in_dim3A_3 : vector<16xf32> to vector<1x16xf32>
      tpu.vector_store %arg11[%swap3A_111, %swap3A_112], %swap3A_115 {strides = array<i32>} : memref<48x128xf32, #tpu.memory_space<vmem>>, vector<1x16xf32>,
      %swap3A_116 = arith.index_cast %scan3A_81 : i32 to index
      %swap3A_117 = arith.constant 112 : index
      %swap3A_118 = tpu.vector_load %arg11[%swap3A_116, %swap3A_117] {strides = array<i32>} : memref<48x128xf32, #tpu.memory_space<vmem>>, vector<1x16xf32>,
      %swap3A_119 = vector.shape_cast %swap3A_118 : vector<1x16xf32> to vector<16xf32>
      %swap3A_120 = vector.shape_cast %broadcast_in_dim3A_3 : vector<16xf32> to vector<1x16xf32>
      tpu.vector_store %arg11[%swap3A_116, %swap3A_117], %swap3A_120 {strides = array<i32>} : memref<48x128xf32, #tpu.memory_space<vmem>>, vector<1x16xf32>,
    }
    %scan3A_8 = arith.constant 48 : i32
    %add3A_9 = arith.constant 0 : i32
    %add3A_10 = arith.addi %mul3A_2, %add3A_9 : i32
    "tpu.region"() ({
      %run_scoped3A = tpu.sem_alloc : memref<!tpu.dma_semaphore, #tpu.memory_space<semaphore_mem>>
      %dma_start3A = arith.constant 0 : i32
      %dma_start3A_81 = tpu.memref_slice %arg6[%add3A_10, %dma_start3A] : memref<10008x128xf32, #tpu.memory_space<vmem_shared>> -> memref<48x128xf32, #tpu.memory_space<vmem_shared>>
      %dma_start3A_82 = arith.constant 0 : i32
      %dma_start3A_83 = tpu.memref_slice %arg6[%add3A_10, %dma_start3A_82] : memref<10008x128xf32, #tpu.memory_space<vmem_shared>> -> memref<48x128xf32, #tpu.memory_space<vmem_shared>>
      tpu.enqueue_dma source(%arg11 : memref<48x128xf32, #tpu.memory_space<vmem>>) target(%dma_start3A_83 : memref<48x128xf32, #tpu.memory_space<vmem_shared>>) target_semaphore(%run_scoped3A : memref<!tpu.dma_semaphore, #tpu.memory_space<semaphore_mem>>)
      %dma_wait3A = arith.constant 0 : i32
      %dma_wait3A_84 = tpu.memref_slice %arg6[%add3A_10, %dma_wait3A] : memref<10008x128xf32, #tpu.memory_space<vmem_shared>> -> memref<48x128xf32, #tpu.memory_space<vmem_shared>>
      %dma_wait3A_85 = arith.constant 0 : i32
      %dma_wait3A_86 = tpu.memref_slice %arg6[%add3A_10, %dma_wait3A_85] : memref<10008x128xf32, #tpu.memory_space<vmem_shared>> -> memref<48x128xf32, #tpu.memory_space<vmem_shared>>
      tpu.wait_dma2 semaphore(%run_scoped3A : memref<!tpu.dma_semaphore, #tpu.memory_space<semaphore_mem>>) src(%arg11 : memref<48x128xf32, #tpu.memory_space<vmem>>) dst(%dma_wait3A_86 : memref<48x128xf32, #tpu.memory_space<vmem_shared>>)
      tpu.yield
    }) : () -> ()
    %add3A_11 = arith.constant 48 : i32
    %add3A_12 = arith.addi %mul3A_2, %add3A_11 : i32
    "tpu.region"() ({
      %run_scoped3A = tpu.sem_alloc : memref<!tpu.dma_semaphore, #tpu.memory_space<semaphore_mem>>
      %dma_start3A = arith.constant 0 : i32
      %dma_start3A_81 = tpu.memref_slice %arg6[%add3A_12, %dma_start3A] : memref<10008x128xf32, #tpu.memory_space<vmem_shared>> -> memref<48x128xf32, #tpu.memory_space<vmem_shared>>
      %dma_start3A_82 = arith.constant 0 : i32
      %dma_start3A_83 = tpu.memref_slice %arg6[%add3A_12, %dma_start3A_82] : memref<10008x128xf32, #tpu.memory_space<vmem_shared>> -> memref<48x128xf32, #tpu.memory_space<vmem_shared>>
      tpu.enqueue_dma source(%arg11 : memref<48x128xf32, #tpu.memory_space<vmem>>) target(%dma_start3A_83 : memref<48x128xf32, #tpu.memory_space<vmem_shared>>) target_semaphore(%run_scoped3A : memref<!tpu.dma_semaphore, #tpu.memory_space<semaphore_mem>>)
      %dma_wait3A = arith.constant 0 : i32
      %dma_wait3A_84 = tpu.memref_slice %arg6[%add3A_12, %dma_wait3A] : memref<10008x128xf32, #tpu.memory_space<vmem_shared>> -> memref<48x128xf32, #tpu.memory_space<vmem_shared>>
      %dma_wait3A_85 = arith.constant 0 : i32
      %dma_wait3A_86 = tpu.memref_slice %arg6[%add3A_12, %dma_wait3A_85] : memref<10008x128xf32, #tpu.memory_space<vmem_shared>> -> memref<48x128xf32, #tpu.memory_space<vmem_shared>>
      tpu.wait_dma2 semaphore(%run_scoped3A : memref<!tpu.dma_semaphore, #tpu.memory_space<semaphore_mem>>) src(%arg11 : memref<48x128xf32, #tpu.memory_space<vmem>>) dst(%dma_wait3A_86 : memref<48x128xf32, #tpu.memory_space<vmem_shared>>)
      tpu.yield
    }) : () -> ()
    %add3A_13 = arith.constant 96 : i32
    %add3A_14 = arith.addi %mul3A_2, %add3A_13 : i32
    "tpu.region"() ({
      %run_scoped3A = tpu.sem_alloc : memref<!tpu.dma_semaphore, #tpu.memory_space<semaphore_mem>>
      %dma_start3A = arith.constant 0 : i32
      %dma_start3A_81 = tpu.memref_slice %arg6[%add3A_14, %dma_start3A] : memref<10008x128xf32, #tpu.memory_space<vmem_shared>> -> memref<48x128xf32, #tpu.memory_space<vmem_shared>>
      %dma_start3A_82 = arith.constant 0 : i32
      %dma_start3A_83 = tpu.memref_slice %arg6[%add3A_14, %dma_start3A_82] : memref<10008x128xf32, #tpu.memory_space<vmem_shared>> -> memref<48x128xf32, #tpu.memory_space<vmem_shared>>
      tpu.enqueue_dma source(%arg11 : memref<48x128xf32, #tpu.memory_space<vmem>>) target(%dma_start3A_83 : memref<48x128xf32, #tpu.memory_space<vmem_shared>>) target_semaphore(%run_scoped3A : memref<!tpu.dma_semaphore, #tpu.memory_space<semaphore_mem>>)
      %dma_wait3A = arith.constant 0 : i32
      %dma_wait3A_84 = tpu.memref_slice %arg6[%add3A_14, %dma_wait3A] : memref<10008x128xf32, #tpu.memory_space<vmem_shared>> -> memref<48x128xf32, #tpu.memory_space<vmem_shared>>
      %dma_wait3A_85 = arith.constant 0 : i32
      %dma_wait3A_86 = tpu.memref_slice %arg6[%add3A_14, %dma_wait3A_85] : memref<10008x128xf32, #tpu.memory_space<vmem_shared>> -> memref<48x128xf32, #tpu.memory_space<vmem_shared>>
      tpu.wait_dma2 semaphore(%run_scoped3A : memref<!tpu.dma_semaphore, #tpu.memory_space<semaphore_mem>>) src(%arg11 : memref<48x128xf32, #tpu.memory_space<vmem>>) dst(%dma_wait3A_86 : memref<48x128xf32, #tpu.memory_space<vmem_shared>>)
      tpu.yield
    }) : () -> ()
    %add3A_15 = arith.constant 144 : i32
    %add3A_16 = arith.addi %mul3A_2, %add3A_15 : i32
    "tpu.region"() ({
      %run_scoped3A = tpu.sem_alloc : memref<!tpu.dma_semaphore, #tpu.memory_space<semaphore_mem>>
      %dma_start3A = arith.constant 0 : i32
      %dma_start3A_81 = tpu.memref_slice %arg6[%add3A_16, %dma_start3A] : memref<10008x128xf32, #tpu.memory_space<vmem_shared>> -> memref<48x128xf32, #tpu.memory_space<vmem_shared>>
      %dma_start3A_82 = arith.constant 0 : i32
      %dma_start3A_83 = tpu.memref_slice %arg6[%add3A_16, %dma_start3A_82] : memref<10008x128xf32, #tpu.memory_space<vmem_shared>> -> memref<48x128xf32, #tpu.memory_space<vmem_shared>>
      tpu.enqueue_dma source(%arg11 : memref<48x128xf32, #tpu.memory_space<vmem>>) target(%dma_start3A_83 : memref<48x128xf32, #tpu.memory_space<vmem_shared>>) target_semaphore(%run_scoped3A : memref<!tpu.dma_semaphore, #tpu.memory_space<semaphore_mem>>)
      %dma_wait3A = arith.constant 0 : i32
      %dma_wait3A_84 = tpu.memref_slice %arg6[%add3A_16, %dma_wait3A] : memref<10008x128xf32, #tpu.memory_space<vmem_shared>> -> memref<48x128xf32, #tpu.memory_space<vmem_shared>>
      %dma_wait3A_85 = arith.constant 0 : i32
      %dma_wait3A_86 = tpu.memref_slice %arg6[%add3A_16, %dma_wait3A_85] : memref<10008x128xf32, #tpu.memory_space<vmem_shared>> -> memref<48x128xf32, #tpu.memory_space<vmem_shared>>
      tpu.wait_dma2 semaphore(%run_scoped3A : memref<!tpu.dma_semaphore, #tpu.memory_space<semaphore_mem>>) src(%arg11 : memref<48x128xf32, #tpu.memory_space<vmem>>) dst(%dma_wait3A_86 : memref<48x128xf32, #tpu.memory_space<vmem_shared>>)
      tpu.yield
    }) : () -> ()
    %add3A_17 = arith.constant 192 : i32
    %add3A_18 = arith.addi %mul3A_2, %add3A_17 : i32
    "tpu.region"() ({
      %run_scoped3A = tpu.sem_alloc : memref<!tpu.dma_semaphore, #tpu.memory_space<semaphore_mem>>
      %dma_start3A = arith.constant 0 : i32
      %dma_start3A_81 = tpu.memref_slice %arg6[%add3A_18, %dma_start3A] : memref<10008x128xf32, #tpu.memory_space<vmem_shared>> -> memref<48x128xf32, #tpu.memory_space<vmem_shared>>
      %dma_start3A_82 = arith.constant 0 : i32
      %dma_start3A_83 = tpu.memref_slice %arg6[%add3A_18, %dma_start3A_82] : memref<10008x128xf32, #tpu.memory_space<vmem_shared>> -> memref<48x128xf32, #tpu.memory_space<vmem_shared>>
      tpu.enqueue_dma source(%arg11 : memref<48x128xf32, #tpu.memory_space<vmem>>) target(%dma_start3A_83 : memref<48x128xf32, #tpu.memory_space<vmem_shared>>) target_semaphore(%run_scoped3A : memref<!tpu.dma_semaphore, #tpu.memory_space<semaphore_mem>>)
      %dma_wait3A = arith.constant 0 : i32
      %dma_wait3A_84 = tpu.memref_slice %arg6[%add3A_18, %dma_wait3A] : memref<10008x128xf32, #tpu.memory_space<vmem_shared>> -> memref<48x128xf32, #tpu.memory_space<vmem_shared>>
      %dma_wait3A_85 = arith.constant 0 : i32
      %dma_wait3A_86 = tpu.memref_slice %arg6[%add3A_18, %dma_wait3A_85] : memref<10008x128xf32, #tpu.memory_space<vmem_shared>> -> memref<48x128xf32, #tpu.memory_space<vmem_shared>>
      tpu.wait_dma2 semaphore(%run_scoped3A : memref<!tpu.dma_semaphore, #tpu.memory_space<semaphore_mem>>) src(%arg11 : memref<48x128xf32, #tpu.memory_space<vmem>>) dst(%dma_wait3A_86 : memref<48x128xf32, #tpu.memory_space<vmem_shared>>)
      tpu.yield
    }) : () -> ()
    %add3A_19 = arith.constant 240 : i32
    %add3A_20 = arith.addi %mul3A_2, %add3A_19 : i32
    "tpu.region"() ({
      %run_scoped3A = tpu.sem_alloc : memref<!tpu.dma_semaphore, #tpu.memory_space<semaphore_mem>>
      %dma_start3A = arith.constant 0 : i32
      %dma_start3A_81 = tpu.memref_slice %arg6[%add3A_20, %dma_start3A] : memref<10008x128xf32, #tpu.memory_space<vmem_shared>> -> memref<48x128xf32, #tpu.memory_space<vmem_shared>>
      %dma_start3A_82 = arith.constant 0 : i32
      %dma_start3A_83 = tpu.memref_slice %arg6[%add3A_20, %dma_start3A_82] : memref<10008x128xf32, #tpu.memory_space<vmem_shared>> -> memref<48x128xf32, #tpu.memory_space<vmem_shared>>
      tpu.enqueue_dma source(%arg11 : memref<48x128xf32, #tpu.memory_space<vmem>>) target(%dma_start3A_83 : memref<48x128xf32, #tpu.memory_space<vmem_shared>>) target_semaphore(%run_scoped3A : memref<!tpu.dma_semaphore, #tpu.memory_space<semaphore_mem>>)
      %dma_wait3A = arith.constant 0 : i32
      %dma_wait3A_84 = tpu.memref_slice %arg6[%add3A_20, %dma_wait3A] : memref<10008x128xf32, #tpu.memory_space<vmem_shared>> -> memref<48x128xf32, #tpu.memory_space<vmem_shared>>
      %dma_wait3A_85 = arith.constant 0 : i32
      %dma_wait3A_86 = tpu.memref_slice %arg6[%add3A_20, %dma_wait3A_85] : memref<10008x128xf32, #tpu.memory_space<vmem_shared>> -> memref<48x128xf32, #tpu.memory_space<vmem_shared>>
      tpu.wait_dma2 semaphore(%run_scoped3A : memref<!tpu.dma_semaphore, #tpu.memory_space<semaphore_mem>>) src(%arg11 : memref<48x128xf32, #tpu.memory_space<vmem>>) dst(%dma_wait3A_86 : memref<48x128xf32, #tpu.memory_space<vmem_shared>>)
      tpu.yield
    }) : () -> ()
    %add3A_21 = arith.constant 288 : i32
    %add3A_22 = arith.addi %mul3A_2, %add3A_21 : i32
    "tpu.region"() ({
      %run_scoped3A = tpu.sem_alloc : memref<!tpu.dma_semaphore, #tpu.memory_space<semaphore_mem>>
      %dma_start3A = arith.constant 0 : i32
      %dma_start3A_81 = tpu.memref_slice %arg6[%add3A_22, %dma_start3A] : memref<10008x128xf32, #tpu.memory_space<vmem_shared>> -> memref<48x128xf32, #tpu.memory_space<vmem_shared>>
      %dma_start3A_82 = arith.constant 0 : i32
      %dma_start3A_83 = tpu.memref_slice %arg6[%add3A_22, %dma_start3A_82] : memref<10008x128xf32, #tpu.memory_space<vmem_shared>> -> memref<48x128xf32, #tpu.memory_space<vmem_shared>>
      tpu.enqueue_dma source(%arg11 : memref<48x128xf32, #tpu.memory_space<vmem>>) target(%dma_start3A_83 : memref<48x128xf32, #tpu.memory_space<vmem_shared>>) target_semaphore(%run_scoped3A : memref<!tpu.dma_semaphore, #tpu.memory_space<semaphore_mem>>)
      %dma_wait3A = arith.constant 0 : i32
      %dma_wait3A_84 = tpu.memref_slice %arg6[%add3A_22, %dma_wait3A] : memref<10008x128xf32, #tpu.memory_space<vmem_shared>> -> memref<48x128xf32, #tpu.memory_space<vmem_shared>>
      %dma_wait3A_85 = arith.constant 0 : i32
      %dma_wait3A_86 = tpu.memref_slice %arg6[%add3A_22, %dma_wait3A_85] : memref<10008x128xf32, #tpu.memory_space<vmem_shared>> -> memref<48x128xf32, #tpu.memory_space<vmem_shared>>
      tpu.wait_dma2 semaphore(%run_scoped3A : memref<!tpu.dma_semaphore, #tpu.memory_space<semaphore_mem>>) src(%arg11 : memref<48x128xf32, #tpu.memory_space<vmem>>) dst(%dma_wait3A_86 : memref<48x128xf32, #tpu.memory_space<vmem_shared>>)
      tpu.yield
    }) : () -> ()
    %add3A_23 = arith.constant 336 : i32
    %add3A_24 = arith.addi %mul3A_2, %add3A_23 : i32
    "tpu.region"() ({
      %run_scoped3A = tpu.sem_alloc : memref<!tpu.dma_semaphore, #tpu.memory_space<semaphore_mem>>
      %dma_start3A = arith.constant 0 : i32
      %dma_start3A_81 = tpu.memref_slice %arg6[%add3A_24, %dma_start3A] : memref<10008x128xf32, #tpu.memory_space<vmem_shared>> -> memref<48x128xf32, #tpu.memory_space<vmem_shared>>
      %dma_start3A_82 = arith.constant 0 : i32
      %dma_start3A_83 = tpu.memref_slice %arg6[%add3A_24, %dma_start3A_82] : memref<10008x128xf32, #tpu.memory_space<vmem_shared>> -> memref<48x128xf32, #tpu.memory_space<vmem_shared>>
      tpu.enqueue_dma source(%arg11 : memref<48x128xf32, #tpu.memory_space<vmem>>) target(%dma_start3A_83 : memref<48x128xf32, #tpu.memory_space<vmem_shared>>) target_semaphore(%run_scoped3A : memref<!tpu.dma_semaphore, #tpu.memory_space<semaphore_mem>>)
      %dma_wait3A = arith.constant 0 : i32
      %dma_wait3A_84 = tpu.memref_slice %arg6[%add3A_24, %dma_wait3A] : memref<10008x128xf32, #tpu.memory_space<vmem_shared>> -> memref<48x128xf32, #tpu.memory_space<vmem_shared>>
      %dma_wait3A_85 = arith.constant 0 : i32
      %dma_wait3A_86 = tpu.memref_slice %arg6[%add3A_24, %dma_wait3A_85] : memref<10008x128xf32, #tpu.memory_space<vmem_shared>> -> memref<48x128xf32, #tpu.memory_space<vmem_shared>>
      tpu.wait_dma2 semaphore(%run_scoped3A : memref<!tpu.dma_semaphore, #tpu.memory_space<semaphore_mem>>) src(%arg11 : memref<48x128xf32, #tpu.memory_space<vmem>>) dst(%dma_wait3A_86 : memref<48x128xf32, #tpu.memory_space<vmem_shared>>)
      tpu.yield
    }) : () -> ()
    %add3A_25 = arith.constant 384 : i32
    %add3A_26 = arith.addi %mul3A_2, %add3A_25 : i32
    "tpu.region"() ({
      %run_scoped3A = tpu.sem_alloc : memref<!tpu.dma_semaphore, #tpu.memory_space<semaphore_mem>>
      %dma_start3A = arith.constant 0 : i32
      %dma_start3A_81 = tpu.memref_slice %arg6[%add3A_26, %dma_start3A] : memref<10008x128xf32, #tpu.memory_space<vmem_shared>> -> memref<48x128xf32, #tpu.memory_space<vmem_shared>>
      %dma_start3A_82 = arith.constant 0 : i32
      %dma_start3A_83 = tpu.memref_slice %arg6[%add3A_26, %dma_start3A_82] : memref<10008x128xf32, #tpu.memory_space<vmem_shared>> -> memref<48x128xf32, #tpu.memory_space<vmem_shared>>
      tpu.enqueue_dma source(%arg11 : memref<48x128xf32, #tpu.memory_space<vmem>>) target(%dma_start3A_83 : memref<48x128xf32, #tpu.memory_space<vmem_shared>>) target_semaphore(%run_scoped3A : memref<!tpu.dma_semaphore, #tpu.memory_space<semaphore_mem>>)
      %dma_wait3A = arith.constant 0 : i32
      %dma_wait3A_84 = tpu.memref_slice %arg6[%add3A_26, %dma_wait3A] : memref<10008x128xf32, #tpu.memory_space<vmem_shared>> -> memref<48x128xf32, #tpu.memory_space<vmem_shared>>
      %dma_wait3A_85 = arith.constant 0 : i32
      %dma_wait3A_86 = tpu.memref_slice %arg6[%add3A_26, %dma_wait3A_85] : memref<10008x128xf32, #tpu.memory_space<vmem_shared>> -> memref<48x128xf32, #tpu.memory_space<vmem_shared>>
      tpu.wait_dma2 semaphore(%run_scoped3A : memref<!tpu.dma_semaphore, #tpu.memory_space<semaphore_mem>>) src(%arg11 : memref<48x128xf32, #tpu.memory_space<vmem>>) dst(%dma_wait3A_86 : memref<48x128xf32, #tpu.memory_space<vmem_shared>>)
      tpu.yield
    }) : () -> ()
    %add3A_27 = arith.constant 432 : i32
    %add3A_28 = arith.addi %mul3A_2, %add3A_27 : i32
    "tpu.region"() ({
      %run_scoped3A = tpu.sem_alloc : memref<!tpu.dma_semaphore, #tpu.memory_space<semaphore_mem>>
      %dma_start3A = arith.constant 0 : i32
      %dma_start3A_81 = tpu.memref_slice %arg6[%add3A_28, %dma_start3A] : memref<10008x128xf32, #tpu.memory_space<vmem_shared>> -> memref<48x128xf32, #tpu.memory_space<vmem_shared>>
      %dma_start3A_82 = arith.constant 0 : i32
      %dma_start3A_83 = tpu.memref_slice %arg6[%add3A_28, %dma_start3A_82] : memref<10008x128xf32, #tpu.memory_space<vmem_shared>> -> memref<48x128xf32, #tpu.memory_space<vmem_shared>>
      tpu.enqueue_dma source(%arg11 : memref<48x128xf32, #tpu.memory_space<vmem>>) target(%dma_start3A_83 : memref<48x128xf32, #tpu.memory_space<vmem_shared>>) target_semaphore(%run_scoped3A : memref<!tpu.dma_semaphore, #tpu.memory_space<semaphore_mem>>)
      %dma_wait3A = arith.constant 0 : i32
      %dma_wait3A_84 = tpu.memref_slice %arg6[%add3A_28, %dma_wait3A] : memref<10008x128xf32, #tpu.memory_space<vmem_shared>> -> memref<48x128xf32, #tpu.memory_space<vmem_shared>>
      %dma_wait3A_85 = arith.constant 0 : i32
      %dma_wait3A_86 = tpu.memref_slice %arg6[%add3A_28, %dma_wait3A_85] : memref<10008x128xf32, #tpu.memory_space<vmem_shared>> -> memref<48x128xf32, #tpu.memory_space<vmem_shared>>
      tpu.wait_dma2 semaphore(%run_scoped3A : memref<!tpu.dma_semaphore, #tpu.memory_space<semaphore_mem>>) src(%arg11 : memref<48x128xf32, #tpu.memory_space<vmem>>) dst(%dma_wait3A_86 : memref<48x128xf32, #tpu.memory_space<vmem_shared>>)
      tpu.yield
    }) : () -> ()
    %add3A_29 = arith.constant 480 : i32
    %add3A_30 = arith.addi %mul3A_2, %add3A_29 : i32
    "tpu.region"() ({
      %run_scoped3A = tpu.sem_alloc : memref<!tpu.dma_semaphore, #tpu.memory_space<semaphore_mem>>
      %dma_start3A = arith.constant 0 : i32
      %dma_start3A_81 = tpu.memref_slice %arg6[%add3A_30, %dma_start3A] : memref<10008x128xf32, #tpu.memory_space<vmem_shared>> -> memref<48x128xf32, #tpu.memory_space<vmem_shared>>
      %dma_start3A_82 = arith.constant 0 : i32
      %dma_start3A_83 = tpu.memref_slice %arg6[%add3A_30, %dma_start3A_82] : memref<10008x128xf32, #tpu.memory_space<vmem_shared>> -> memref<48x128xf32, #tpu.memory_space<vmem_shared>>
      tpu.enqueue_dma source(%arg11 : memref<48x128xf32, #tpu.memory_space<vmem>>) target(%dma_start3A_83 : memref<48x128xf32, #tpu.memory_space<vmem_shared>>) target_semaphore(%run_scoped3A : memref<!tpu.dma_semaphore, #tpu.memory_space<semaphore_mem>>)
      %dma_wait3A = arith.constant 0 : i32
      %dma_wait3A_84 = tpu.memref_slice %arg6[%add3A_30, %dma_wait3A] : memref<10008x128xf32, #tpu.memory_space<vmem_shared>> -> memref<48x128xf32, #tpu.memory_space<vmem_shared>>
      %dma_wait3A_85 = arith.constant 0 : i32
      %dma_wait3A_86 = tpu.memref_slice %arg6[%add3A_30, %dma_wait3A_85] : memref<10008x128xf32, #tpu.memory_space<vmem_shared>> -> memref<48x128xf32, #tpu.memory_space<vmem_shared>>
      tpu.wait_dma2 semaphore(%run_scoped3A : memref<!tpu.dma_semaphore, #tpu.memory_space<semaphore_mem>>) src(%arg11 : memref<48x128xf32, #tpu.memory_space<vmem>>) dst(%dma_wait3A_86 : memref<48x128xf32, #tpu.memory_space<vmem_shared>>)
      tpu.yield
    }) : () -> ()
    %add3A_31 = arith.constant 528 : i32
    %add3A_32 = arith.addi %mul3A_2, %add3A_31 : i32
    "tpu.region"() ({
      %run_scoped3A = tpu.sem_alloc : memref<!tpu.dma_semaphore, #tpu.memory_space<semaphore_mem>>
      %dma_start3A = arith.constant 0 : i32
      %dma_start3A_81 = tpu.memref_slice %arg6[%add3A_32, %dma_start3A] : memref<10008x128xf32, #tpu.memory_space<vmem_shared>> -> memref<48x128xf32, #tpu.memory_space<vmem_shared>>
      %dma_start3A_82 = arith.constant 0 : i32
      %dma_start3A_83 = tpu.memref_slice %arg6[%add3A_32, %dma_start3A_82] : memref<10008x128xf32, #tpu.memory_space<vmem_shared>> -> memref<48x128xf32, #tpu.memory_space<vmem_shared>>
      tpu.enqueue_dma source(%arg11 : memref<48x128xf32, #tpu.memory_space<vmem>>) target(%dma_start3A_83 : memref<48x128xf32, #tpu.memory_space<vmem_shared>>) target_semaphore(%run_scoped3A : memref<!tpu.dma_semaphore, #tpu.memory_space<semaphore_mem>>)
      %dma_wait3A = arith.constant 0 : i32
      %dma_wait3A_84 = tpu.memref_slice %arg6[%add3A_32, %dma_wait3A] : memref<10008x128xf32, #tpu.memory_space<vmem_shared>> -> memref<48x128xf32, #tpu.memory_space<vmem_shared>>
      %dma_wait3A_85 = arith.constant 0 : i32
      %dma_wait3A_86 = tpu.memref_slice %arg6[%add3A_32, %dma_wait3A_85] : memref<10008x128xf32, #tpu.memory_space<vmem_shared>> -> memref<48x128xf32, #tpu.memory_space<vmem_shared>>
      tpu.wait_dma2 semaphore(%run_scoped3A : memref<!tpu.dma_semaphore, #tpu.memory_space<semaphore_mem>>) src(%arg11 : memref<48x128xf32, #tpu.memory_space<vmem>>) dst(%dma_wait3A_86 : memref<48x128xf32, #tpu.memory_space<vmem_shared>>)
      tpu.yield
    }) : () -> ()
    %add3A_33 = arith.constant 576 : i32
    %add3A_34 = arith.addi %mul3A_2, %add3A_33 : i32
    "tpu.region"() ({
      %run_scoped3A = tpu.sem_alloc : memref<!tpu.dma_semaphore, #tpu.memory_space<semaphore_mem>>
      %dma_start3A = arith.constant 0 : i32
      %dma_start3A_81 = tpu.memref_slice %arg6[%add3A_34, %dma_start3A] : memref<10008x128xf32, #tpu.memory_space<vmem_shared>> -> memref<48x128xf32, #tpu.memory_space<vmem_shared>>
      %dma_start3A_82 = arith.constant 0 : i32
      %dma_start3A_83 = tpu.memref_slice %arg6[%add3A_34, %dma_start3A_82] : memref<10008x128xf32, #tpu.memory_space<vmem_shared>> -> memref<48x128xf32, #tpu.memory_space<vmem_shared>>
      tpu.enqueue_dma source(%arg11 : memref<48x128xf32, #tpu.memory_space<vmem>>) target(%dma_start3A_83 : memref<48x128xf32, #tpu.memory_space<vmem_shared>>) target_semaphore(%run_scoped3A : memref<!tpu.dma_semaphore, #tpu.memory_space<semaphore_mem>>)
      %dma_wait3A = arith.constant 0 : i32
      %dma_wait3A_84 = tpu.memref_slice %arg6[%add3A_34, %dma_wait3A] : memref<10008x128xf32, #tpu.memory_space<vmem_shared>> -> memref<48x128xf32, #tpu.memory_space<vmem_shared>>
      %dma_wait3A_85 = arith.constant 0 : i32
      %dma_wait3A_86 = tpu.memref_slice %arg6[%add3A_34, %dma_wait3A_85] : memref<10008x128xf32, #tpu.memory_space<vmem_shared>> -> memref<48x128xf32, #tpu.memory_space<vmem_shared>>
      tpu.wait_dma2 semaphore(%run_scoped3A : memref<!tpu.dma_semaphore, #tpu.memory_space<semaphore_mem>>) src(%arg11 : memref<48x128xf32, #tpu.memory_space<vmem>>) dst(%dma_wait3A_86 : memref<48x128xf32, #tpu.memory_space<vmem_shared>>)
      tpu.yield
    }) : () -> ()
    %eq3A = arith.constant 0 : i32
    %eq3A_35 = arith.cmpi eq, %arg1, %eq3A : i32
    %convert_element_type3A = arith.extui %eq3A_35 : i1 to i32
    %cond3A = arith.constant 0 : i32
    %cond3A_36 = arith.cmpi ne, %convert_element_type3A, %cond3A : i32
    scf.if %cond3A_36 {
      "tpu.region"() ({
        %run_scoped3A = tpu.sem_alloc : memref<!tpu.dma_semaphore, #tpu.memory_space<semaphore_mem>>
        %dma_start3A = arith.constant 0 : i32
        %dma_start3A_81 = arith.constant 0 : i32
        %dma_start3A_82 = tpu.memref_slice %arg11[%dma_start3A, %dma_start3A_81] : memref<48x128xf32, #tpu.memory_space<vmem>> -> memref<16x128xf32, #tpu.memory_space<vmem>>
        %dma_start3A_83 = arith.constant 9984 : i32
        %dma_start3A_84 = arith.constant 0 : i32
        %dma_start3A_85 = tpu.memref_slice %arg6[%dma_start3A_83, %dma_start3A_84] : memref<10008x128xf32, #tpu.memory_space<vmem_shared>> -> memref<16x128xf32, #tpu.memory_space<vmem_shared>>
        %dma_start3A_86 = arith.constant 9984 : i32
        %dma_start3A_87 = arith.constant 0 : i32
        %dma_start3A_88 = tpu.memref_slice %arg6[%dma_start3A_86, %dma_start3A_87] : memref<10008x128xf32, #tpu.memory_space<vmem_shared>> -> memref<16x128xf32, #tpu.memory_space<vmem_shared>>
        %dma_start3A_89 = arith.constant 0 : i32
        %dma_start3A_90 = arith.constant 0 : i32
        %dma_start3A_91 = tpu.memref_slice %arg11[%dma_start3A_89, %dma_start3A_90] : memref<48x128xf32, #tpu.memory_space<vmem>> -> memref<16x128xf32, #tpu.memory_space<vmem>>
        tpu.enqueue_dma source(%dma_start3A_91 : memref<16x128xf32, #tpu.memory_space<vmem>>) target(%dma_start3A_88 : memref<16x128xf32, #tpu.memory_space<vmem_shared>>) target_semaphore(%run_scoped3A : memref<!tpu.dma_semaphore, #tpu.memory_space<semaphore_mem>>)
        %dma_wait3A = arith.constant 0 : i32
        %dma_wait3A_92 = arith.constant 0 : i32
        %dma_wait3A_93 = tpu.memref_slice %arg11[%dma_wait3A, %dma_wait3A_92] : memref<48x128xf32, #tpu.memory_space<vmem>> -> memref<16x128xf32, #tpu.memory_space<vmem>>
        %dma_wait3A_94 = arith.constant 9984 : i32
        %dma_wait3A_95 = arith.constant 0 : i32
        %dma_wait3A_96 = tpu.memref_slice %arg6[%dma_wait3A_94, %dma_wait3A_95] : memref<10008x128xf32, #tpu.memory_space<vmem_shared>> -> memref<16x128xf32, #tpu.memory_space<vmem_shared>>
        %dma_wait3A_97 = arith.constant 9984 : i32
        %dma_wait3A_98 = arith.constant 0 : i32
        %dma_wait3A_99 = tpu.memref_slice %arg6[%dma_wait3A_97, %dma_wait3A_98] : memref<10008x128xf32, #tpu.memory_space<vmem_shared>> -> memref<16x128xf32, #tpu.memory_space<vmem_shared>>
        %dma_wait3A_100 = arith.constant 0 : i32
        %dma_wait3A_101 = arith.constant 0 : i32
        %dma_wait3A_102 = tpu.memref_slice %arg11[%dma_wait3A_100, %dma_wait3A_101] : memref<48x128xf32, #tpu.memory_space<vmem>> -> memref<16x128xf32, #tpu.memory_space<vmem>>
        tpu.wait_dma2 semaphore(%run_scoped3A : memref<!tpu.dma_semaphore, #tpu.memory_space<semaphore_mem>>) src(%dma_wait3A_102 : memref<16x128xf32, #tpu.memory_space<vmem>>) dst(%dma_wait3A_99 : memref<16x128xf32, #tpu.memory_space<vmem_shared>>)
        tpu.yield
      }) : () -> ()
    } else {
    }
    %barrier3A = arith.constant 0 : index
    tpu.barrier barrier_id(%barrier3A)
    "tpu.region"() ({
      %run_scoped3A = tpu.sem_alloc : memref<!tpu.dma_semaphore, #tpu.memory_space<semaphore_mem>>
      %dma_start3A = arith.constant 0 : i32
      %dma_start3A_81 = arith.constant 0 : i32
      %dma_start3A_82 = tpu.memref_slice %arg3[%add3A, %dma_start3A, %dma_start3A_81] : memref<32x128x80xi32, #tpu.memory_space<hbm>> -> memref<1x64x80xi32, #tpu.memory_space<hbm>>
      %dma_start3A_83 = tpu.memref_squeeze %dma_start3A_82 : memref<1x64x80xi32, #tpu.memory_space<hbm>> -> memref<64x80xi32, #tpu.memory_space<hbm>>
      %dma_start3A_84 = arith.constant 0 : i32
      %dma_start3A_85 = arith.constant 0 : i32
      %dma_start3A_86 = tpu.memref_slice %arg3[%add3A, %dma_start3A_84, %dma_start3A_85] : memref<32x128x80xi32, #tpu.memory_space<hbm>> -> memref<1x64x80xi32, #tpu.memory_space<hbm>>
      %dma_start3A_87 = tpu.memref_squeeze %dma_start3A_86 : memref<1x64x80xi32, #tpu.memory_space<hbm>> -> memref<64x80xi32, #tpu.memory_space<hbm>>
      tpu.enqueue_dma source(%dma_start3A_87 : memref<64x80xi32, #tpu.memory_space<hbm>>) target(%arg7 : memref<64x80xi32, #tpu.memory_space<vmem>>) target_semaphore(%run_scoped3A : memref<!tpu.dma_semaphore, #tpu.memory_space<semaphore_mem>>)
      %dma_wait3A = arith.constant 0 : i32
      %dma_wait3A_88 = arith.constant 0 : i32
      %dma_wait3A_89 = tpu.memref_slice %arg3[%add3A, %dma_wait3A, %dma_wait3A_88] : memref<32x128x80xi32, #tpu.memory_space<hbm>> -> memref<1x64x80xi32, #tpu.memory_space<hbm>>
      %dma_wait3A_90 = tpu.memref_squeeze %dma_wait3A_89 : memref<1x64x80xi32, #tpu.memory_space<hbm>> -> memref<64x80xi32, #tpu.memory_space<hbm>>
      %dma_wait3A_91 = arith.constant 0 : i32
      %dma_wait3A_92 = arith.constant 0 : i32
      %dma_wait3A_93 = tpu.memref_slice %arg3[%add3A, %dma_wait3A_91, %dma_wait3A_92] : memref<32x128x80xi32, #tpu.memory_space<hbm>> -> memref<1x64x80xi32, #tpu.memory_space<hbm>>
      %dma_wait3A_94 = tpu.memref_squeeze %dma_wait3A_93 : memref<1x64x80xi32, #tpu.memory_space<hbm>> -> memref<64x80xi32, #tpu.memory_space<hbm>>
      tpu.wait_dma2 semaphore(%run_scoped3A : memref<!tpu.dma_semaphore, #tpu.memory_space<semaphore_mem>>) src(%dma_wait3A_94 : memref<64x80xi32, #tpu.memory_space<hbm>>) dst(%arg7 : memref<64x80xi32, #tpu.memory_space<vmem>>)
      tpu.yield
    }) : () -> ()
    "tpu.region"() ({
      %run_scoped3A = tpu.sem_alloc : memref<!tpu.dma_semaphore, #tpu.memory_space<semaphore_mem>>
      %dma_start3A = arith.constant 0 : i32
      %dma_start3A_81 = arith.constant 0 : i32
      %dma_start3A_82 = tpu.memref_slice %arg4[%add3A, %dma_start3A, %dma_start3A_81] : memref<32x128x80xi32, #tpu.memory_space<hbm>> -> memref<1x64x80xi32, #tpu.memory_space<hbm>>
      %dma_start3A_83 = tpu.memref_squeeze %dma_start3A_82 : memref<1x64x80xi32, #tpu.memory_space<hbm>> -> memref<64x80xi32, #tpu.memory_space<hbm>>
      %dma_start3A_84 = arith.constant 0 : i32
      %dma_start3A_85 = arith.constant 0 : i32
      %dma_start3A_86 = tpu.memref_slice %arg4[%add3A, %dma_start3A_84, %dma_start3A_85] : memref<32x128x80xi32, #tpu.memory_space<hbm>> -> memref<1x64x80xi32, #tpu.memory_space<hbm>>
      %dma_start3A_87 = tpu.memref_squeeze %dma_start3A_86 : memref<1x64x80xi32, #tpu.memory_space<hbm>> -> memref<64x80xi32, #tpu.memory_space<hbm>>
      tpu.enqueue_dma source(%dma_start3A_87 : memref<64x80xi32, #tpu.memory_space<hbm>>) target(%arg8 : memref<64x80xi32, #tpu.memory_space<vmem>>) target_semaphore(%run_scoped3A : memref<!tpu.dma_semaphore, #tpu.memory_space<semaphore_mem>>)
      %dma_wait3A = arith.constant 0 : i32
      %dma_wait3A_88 = arith.constant 0 : i32
      %dma_wait3A_89 = tpu.memref_slice %arg4[%add3A, %dma_wait3A, %dma_wait3A_88] : memref<32x128x80xi32, #tpu.memory_space<hbm>> -> memref<1x64x80xi32, #tpu.memory_space<hbm>>
      %dma_wait3A_90 = tpu.memref_squeeze %dma_wait3A_89 : memref<1x64x80xi32, #tpu.memory_space<hbm>> -> memref<64x80xi32, #tpu.memory_space<hbm>>
      %dma_wait3A_91 = arith.constant 0 : i32
      %dma_wait3A_92 = arith.constant 0 : i32
      %dma_wait3A_93 = tpu.memref_slice %arg4[%add3A, %dma_wait3A_91, %dma_wait3A_92] : memref<32x128x80xi32, #tpu.memory_space<hbm>> -> memref<1x64x80xi32, #tpu.memory_space<hbm>>
      %dma_wait3A_94 = tpu.memref_squeeze %dma_wait3A_93 : memref<1x64x80xi32, #tpu.memory_space<hbm>> -> memref<64x80xi32, #tpu.memory_space<hbm>>
      tpu.wait_dma2 semaphore(%run_scoped3A : memref<!tpu.dma_semaphore, #tpu.memory_space<semaphore_mem>>) src(%dma_wait3A_94 : memref<64x80xi32, #tpu.memory_space<hbm>>) dst(%arg8 : memref<64x80xi32, #tpu.memory_space<vmem>>)
      tpu.yield
    }) : () -> ()
    %scan3A_37 = arith.constant 0 : i32
    %scan3A_38 = arith.constant 0 : i32
    %scan3A_39 = arith.constant 32 : i32
    %scan3A_40 = arith.addi %scan3A_38, %scan3A_39 : i32
    %scan3A_41 = arith.constant 1 : i32
    scf.for %scan3A_81 = %scan3A_38 to %scan3A_40 step %scan3A_41  : i32 {
      %mul3A_82 = arith.constant 2 : i32
      %mul3A_83 = arith.muli %mul3A_82, %scan3A_81 : i32
      %dma_start3A = arith.constant 0 : i32
      %dma_start3A_84 = tpu.memref_slice %arg7[%mul3A_83, %dma_start3A] : memref<64x80xi32, #tpu.memory_space<vmem>> -> memref<1x80xi32, #tpu.memory_space<vmem>>
      %dma_start3A_85 = tpu.memref_squeeze %dma_start3A_84 : memref<1x80xi32, #tpu.memory_space<vmem>> -> memref<80xi32, #tpu.memory_space<vmem>>
      %dma_start3A_86 = arith.constant 0 : i32
      %dma_start3A_87 = arith.constant 0 : i32
      %dma_start3A_88 = tpu.memref_slice %arg2[%dma_start3A_86, %dma_start3A_87] : memref<10000x128xf32, #tpu.memory_space<hbm>> -> memref<10000x128xf32, #tpu.memory_space<hbm>>
      tpu.enqueue_indirect_dma source(%dma_start3A_88 : memref<10000x128xf32, #tpu.memory_space<hbm>>) target(%arg9 : memref<80x128xf32, #tpu.memory_space<vmem>>) offsets(%dma_start3A_85 : memref<80xi32, #tpu.memory_space<vmem>>) semaphore(%arg12 : memref<!tpu.dma_semaphore, #tpu.memory_space<semaphore_mem>>)
      %add3A_89 = arith.constant 1 : i32
      %add3A_90 = arith.addi %mul3A_83, %add3A_89 : i32
      %dma_start3A_91 = arith.constant 0 : i32
      %dma_start3A_92 = tpu.memref_slice %arg7[%add3A_90, %dma_start3A_91] : memref<64x80xi32, #tpu.memory_space<vmem>> -> memref<1x80xi32, #tpu.memory_space<vmem>>
      %dma_start3A_93 = tpu.memref_squeeze %dma_start3A_92 : memref<1x80xi32, #tpu.memory_space<vmem>> -> memref<80xi32, #tpu.memory_space<vmem>>
      %dma_start3A_94 = arith.constant 0 : i32
      %dma_start3A_95 = arith.constant 0 : i32
      %dma_start3A_96 = tpu.memref_slice %arg2[%dma_start3A_94, %dma_start3A_95] : memref<10000x128xf32, #tpu.memory_space<hbm>> -> memref<10000x128xf32, #tpu.memory_space<hbm>>
      tpu.enqueue_indirect_dma source(%dma_start3A_96 : memref<10000x128xf32, #tpu.memory_space<hbm>>) target(%arg10 : memref<80x128xf32, #tpu.memory_space<vmem>>) offsets(%dma_start3A_93 : memref<80xi32, #tpu.memory_space<vmem>>) semaphore(%arg13 : memref<!tpu.dma_semaphore, #tpu.memory_space<semaphore_mem>>)
      %dma_wait3A = arith.constant 0 : i32
      %dma_wait3A_97 = tpu.memref_slice %arg7[%mul3A_83, %dma_wait3A] : memref<64x80xi32, #tpu.memory_space<vmem>> -> memref<1x80xi32, #tpu.memory_space<vmem>>
      %dma_wait3A_98 = tpu.memref_squeeze %dma_wait3A_97 : memref<1x80xi32, #tpu.memory_space<vmem>> -> memref<80xi32, #tpu.memory_space<vmem>>
      %dma_wait3A_99 = arith.constant 0 : i32
      %dma_wait3A_100 = arith.constant 0 : i32
      %dma_wait3A_101 = tpu.memref_slice %arg2[%dma_wait3A_99, %dma_wait3A_100] : memref<10000x128xf32, #tpu.memory_space<hbm>> -> memref<10000x128xf32, #tpu.memory_space<hbm>>
      tpu.wait_indirect_dma semaphore(%arg12 : memref<!tpu.dma_semaphore, #tpu.memory_space<semaphore_mem>>) src(%dma_wait3A_101 : memref<10000x128xf32, #tpu.memory_space<hbm>>) dst(%arg9 : memref<80x128xf32, #tpu.memory_space<vmem>>)
      "tpu.region"() ({
        %run_scoped3A = tpu.sem_alloc : memref<!tpu.dma_semaphore, #tpu.memory_space<semaphore_mem>>
        %dma_start3A_110 = arith.constant 0 : i32
        %dma_start3A_111 = tpu.memref_slice %arg8[%mul3A_83, %dma_start3A_110] : memref<64x80xi32, #tpu.memory_space<vmem>> -> memref<1x80xi32, #tpu.memory_space<vmem>>
        %dma_start3A_112 = tpu.memref_squeeze %dma_start3A_111 : memref<1x80xi32, #tpu.memory_space<vmem>> -> memref<80xi32, #tpu.memory_space<vmem>>
        %dma_start3A_113 = arith.constant 0 : i32
        %dma_start3A_114 = arith.constant 0 : i32
        %dma_start3A_115 = tpu.memref_slice %arg6[%dma_start3A_113, %dma_start3A_114] : memref<10008x128xf32, #tpu.memory_space<vmem_shared>> -> memref<10008x128xf32, #tpu.memory_space<vmem_shared>>
        tpu.enqueue_indirect_dma source(%arg9 : memref<80x128xf32, #tpu.memory_space<vmem>>) target(%dma_start3A_115 : memref<10008x128xf32, #tpu.memory_space<vmem_shared>>) offsets(%dma_start3A_112 : memref<80xi32, #tpu.memory_space<vmem>>) semaphore(%run_scoped3A : memref<!tpu.dma_semaphore, #tpu.memory_space<semaphore_mem>>) {add = true}
        %dma_wait3A_116 = arith.constant 0 : i32
        %dma_wait3A_117 = tpu.memref_slice %arg8[%mul3A_83, %dma_wait3A_116] : memref<64x80xi32, #tpu.memory_space<vmem>> -> memref<1x80xi32, #tpu.memory_space<vmem>>
        %dma_wait3A_118 = tpu.memref_squeeze %dma_wait3A_117 : memref<1x80xi32, #tpu.memory_space<vmem>> -> memref<80xi32, #tpu.memory_space<vmem>>
        %dma_wait3A_119 = arith.constant 0 : i32
        %dma_wait3A_120 = arith.constant 0 : i32
        %dma_wait3A_121 = tpu.memref_slice %arg6[%dma_wait3A_119, %dma_wait3A_120] : memref<10008x128xf32, #tpu.memory_space<vmem_shared>> -> memref<10008x128xf32, #tpu.memory_space<vmem_shared>>
        tpu.wait_indirect_dma semaphore(%run_scoped3A : memref<!tpu.dma_semaphore, #tpu.memory_space<semaphore_mem>>) src(%arg9 : memref<80x128xf32, #tpu.memory_space<vmem>>) dst(%dma_wait3A_121 : memref<10008x128xf32, #tpu.memory_space<vmem_shared>>)
        tpu.yield
      }) : () -> ()
      %dma_wait3A_102 = arith.constant 0 : i32
      %dma_wait3A_103 = tpu.memref_slice %arg7[%add3A_90, %dma_wait3A_102] : memref<64x80xi32, #tpu.memory_space<vmem>> -> memref<1x80xi32, #tpu.memory_space<vmem>>
      %dma_wait3A_104 = tpu.memref_squeeze %dma_wait3A_103 : memref<1x80xi32, #tpu.memory_space<vmem>> -> memref<80xi32, #tpu.memory_space<vmem>>
      %dma_wait3A_105 = arith.constant 0 : i32
      %dma_wait3A_106 = arith.constant 0 : i32
      %dma_wait3A_107 = tpu.memref_slice %arg2[%dma_wait3A_105, %dma_wait3A_106] : memref<10000x128xf32, #tpu.memory_space<hbm>> -> memref<10000x128xf32, #tpu.memory_space<hbm>>
      tpu.wait_indirect_dma semaphore(%arg13 : memref<!tpu.dma_semaphore, #tpu.memory_space<semaphore_mem>>) src(%dma_wait3A_107 : memref<10000x128xf32, #tpu.memory_space<hbm>>) dst(%arg10 : memref<80x128xf32, #tpu.memory_space<vmem>>)
      %add3A_108 = arith.constant 1 : i32
      %add3A_109 = arith.addi %mul3A_83, %add3A_108 : i32
      "tpu.region"() ({
        %run_scoped3A = tpu.sem_alloc : memref<!tpu.dma_semaphore, #tpu.memory_space<semaphore_mem>>
        %dma_start3A_110 = arith.constant 0 : i32
        %dma_start3A_111 = tpu.memref_slice %arg8[%add3A_109, %dma_start3A_110] : memref<64x80xi32, #tpu.memory_space<vmem>> -> memref<1x80xi32, #tpu.memory_space<vmem>>
        %dma_start3A_112 = tpu.memref_squeeze %dma_start3A_111 : memref<1x80xi32, #tpu.memory_space<vmem>> -> memref<80xi32, #tpu.memory_space<vmem>>
        %dma_start3A_113 = arith.constant 0 : i32
        %dma_start3A_114 = arith.constant 0 : i32
        %dma_start3A_115 = tpu.memref_slice %arg6[%dma_start3A_113, %dma_start3A_114] : memref<10008x128xf32, #tpu.memory_space<vmem_shared>> -> memref<10008x128xf32, #tpu.memory_space<vmem_shared>>
        tpu.enqueue_indirect_dma source(%arg10 : memref<80x128xf32, #tpu.memory_space<vmem>>) target(%dma_start3A_115 : memref<10008x128xf32, #tpu.memory_space<vmem_shared>>) offsets(%dma_start3A_112 : memref<80xi32, #tpu.memory_space<vmem>>) semaphore(%run_scoped3A : memref<!tpu.dma_semaphore, #tpu.memory_space<semaphore_mem>>) {add = true}
        %dma_wait3A_116 = arith.constant 0 : i32
        %dma_wait3A_117 = tpu.memref_slice %arg8[%add3A_109, %dma_wait3A_116] : memref<64x80xi32, #tpu.memory_space<vmem>> -> memref<1x80xi32, #tpu.memory_space<vmem>>
        %dma_wait3A_118 = tpu.memref_squeeze %dma_wait3A_117 : memref<1x80xi32, #tpu.memory_space<vmem>> -> memref<80xi32, #tpu.memory_space<vmem>>
        %dma_wait3A_119 = arith.constant 0 : i32
        %dma_wait3A_120 = arith.constant 0 : i32
        %dma_wait3A_121 = tpu.memref_slice %arg6[%dma_wait3A_119, %dma_wait3A_120] : memref<10008x128xf32, #tpu.memory_space<vmem_shared>> -> memref<10008x128xf32, #tpu.memory_space<vmem_shared>>
        tpu.wait_indirect_dma semaphore(%run_scoped3A : memref<!tpu.dma_semaphore, #tpu.memory_space<semaphore_mem>>) src(%arg10 : memref<80x128xf32, #tpu.memory_space<vmem>>) dst(%dma_wait3A_121 : memref<10008x128xf32, #tpu.memory_space<vmem_shared>>)
        tpu.yield
      }) : () -> ()
    }
    %scan3A_42 = arith.constant 32 : i32
    "tpu.region"() ({
      %run_scoped3A = tpu.sem_alloc : memref<!tpu.dma_semaphore, #tpu.memory_space<semaphore_mem>>
      %dma_start3A = arith.constant 64 : i32
      %dma_start3A_81 = arith.constant 0 : i32
      %dma_start3A_82 = tpu.memref_slice %arg3[%add3A, %dma_start3A, %dma_start3A_81] : memref<32x128x80xi32, #tpu.memory_space<hbm>> -> memref<1x64x80xi32, #tpu.memory_space<hbm>>
      %dma_start3A_83 = tpu.memref_squeeze %dma_start3A_82 : memref<1x64x80xi32, #tpu.memory_space<hbm>> -> memref<64x80xi32, #tpu.memory_space<hbm>>
      %dma_start3A_84 = arith.constant 64 : i32
      %dma_start3A_85 = arith.constant 0 : i32
      %dma_start3A_86 = tpu.memref_slice %arg3[%add3A, %dma_start3A_84, %dma_start3A_85] : memref<32x128x80xi32, #tpu.memory_space<hbm>> -> memref<1x64x80xi32, #tpu.memory_space<hbm>>
      %dma_start3A_87 = tpu.memref_squeeze %dma_start3A_86 : memref<1x64x80xi32, #tpu.memory_space<hbm>> -> memref<64x80xi32, #tpu.memory_space<hbm>>
      tpu.enqueue_dma source(%dma_start3A_87 : memref<64x80xi32, #tpu.memory_space<hbm>>) target(%arg7 : memref<64x80xi32, #tpu.memory_space<vmem>>) target_semaphore(%run_scoped3A : memref<!tpu.dma_semaphore, #tpu.memory_space<semaphore_mem>>)
      %dma_wait3A = arith.constant 64 : i32
      %dma_wait3A_88 = arith.constant 0 : i32
      %dma_wait3A_89 = tpu.memref_slice %arg3[%add3A, %dma_wait3A, %dma_wait3A_88] : memref<32x128x80xi32, #tpu.memory_space<hbm>> -> memref<1x64x80xi32, #tpu.memory_space<hbm>>
      %dma_wait3A_90 = tpu.memref_squeeze %dma_wait3A_89 : memref<1x64x80xi32, #tpu.memory_space<hbm>> -> memref<64x80xi32, #tpu.memory_space<hbm>>
      %dma_wait3A_91 = arith.constant 64 : i32
      %dma_wait3A_92 = arith.constant 0 : i32
      %dma_wait3A_93 = tpu.memref_slice %arg3[%add3A, %dma_wait3A_91, %dma_wait3A_92] : memref<32x128x80xi32, #tpu.memory_space<hbm>> -> memref<1x64x80xi32, #tpu.memory_space<hbm>>
      %dma_wait3A_94 = tpu.memref_squeeze %dma_wait3A_93 : memref<1x64x80xi32, #tpu.memory_space<hbm>> -> memref<64x80xi32, #tpu.memory_space<hbm>>
      tpu.wait_dma2 semaphore(%run_scoped3A : memref<!tpu.dma_semaphore, #tpu.memory_space<semaphore_mem>>) src(%dma_wait3A_94 : memref<64x80xi32, #tpu.memory_space<hbm>>) dst(%arg7 : memref<64x80xi32, #tpu.memory_space<vmem>>)
      tpu.yield
    }) : () -> ()
    "tpu.region"() ({
      %run_scoped3A = tpu.sem_alloc : memref<!tpu.dma_semaphore, #tpu.memory_space<semaphore_mem>>
      %dma_start3A = arith.constant 64 : i32
      %dma_start3A_81 = arith.constant 0 : i32
      %dma_start3A_82 = tpu.memref_slice %arg4[%add3A, %dma_start3A, %dma_start3A_81] : memref<32x128x80xi32, #tpu.memory_space<hbm>> -> memref<1x64x80xi32, #tpu.memory_space<hbm>>
      %dma_start3A_83 = tpu.memref_squeeze %dma_start3A_82 : memref<1x64x80xi32, #tpu.memory_space<hbm>> -> memref<64x80xi32, #tpu.memory_space<hbm>>
      %dma_start3A_84 = arith.constant 64 : i32
      %dma_start3A_85 = arith.constant 0 : i32
      %dma_start3A_86 = tpu.memref_slice %arg4[%add3A, %dma_start3A_84, %dma_start3A_85] : memref<32x128x80xi32, #tpu.memory_space<hbm>> -> memref<1x64x80xi32, #tpu.memory_space<hbm>>
      %dma_start3A_87 = tpu.memref_squeeze %dma_start3A_86 : memref<1x64x80xi32, #tpu.memory_space<hbm>> -> memref<64x80xi32, #tpu.memory_space<hbm>>
      tpu.enqueue_dma source(%dma_start3A_87 : memref<64x80xi32, #tpu.memory_space<hbm>>) target(%arg8 : memref<64x80xi32, #tpu.memory_space<vmem>>) target_semaphore(%run_scoped3A : memref<!tpu.dma_semaphore, #tpu.memory_space<semaphore_mem>>)
      %dma_wait3A = arith.constant 64 : i32
      %dma_wait3A_88 = arith.constant 0 : i32
      %dma_wait3A_89 = tpu.memref_slice %arg4[%add3A, %dma_wait3A, %dma_wait3A_88] : memref<32x128x80xi32, #tpu.memory_space<hbm>> -> memref<1x64x80xi32, #tpu.memory_space<hbm>>
      %dma_wait3A_90 = tpu.memref_squeeze %dma_wait3A_89 : memref<1x64x80xi32, #tpu.memory_space<hbm>> -> memref<64x80xi32, #tpu.memory_space<hbm>>
      %dma_wait3A_91 = arith.constant 64 : i32
      %dma_wait3A_92 = arith.constant 0 : i32
      %dma_wait3A_93 = tpu.memref_slice %arg4[%add3A, %dma_wait3A_91, %dma_wait3A_92] : memref<32x128x80xi32, #tpu.memory_space<hbm>> -> memref<1x64x80xi32, #tpu.memory_space<hbm>>
      %dma_wait3A_94 = tpu.memref_squeeze %dma_wait3A_93 : memref<1x64x80xi32, #tpu.memory_space<hbm>> -> memref<64x80xi32, #tpu.memory_space<hbm>>
      tpu.wait_dma2 semaphore(%run_scoped3A : memref<!tpu.dma_semaphore, #tpu.memory_space<semaphore_mem>>) src(%dma_wait3A_94 : memref<64x80xi32, #tpu.memory_space<hbm>>) dst(%arg8 : memref<64x80xi32, #tpu.memory_space<vmem>>)
      tpu.yield
    }) : () -> ()
    %scan3A_43 = arith.constant 0 : i32
    %scan3A_44 = arith.constant 0 : i32
    %scan3A_45 = arith.constant 32 : i32
    %scan3A_46 = arith.addi %scan3A_44, %scan3A_45 : i32
    %scan3A_47 = arith.constant 1 : i32
    scf.for %scan3A_81 = %scan3A_44 to %scan3A_46 step %scan3A_47  : i32 {
      %mul3A_82 = arith.constant 2 : i32
      %mul3A_83 = arith.muli %mul3A_82, %scan3A_81 : i32
      %dma_start3A = arith.constant 0 : i32
      %dma_start3A_84 = tpu.memref_slice %arg7[%mul3A_83, %dma_start3A] : memref<64x80xi32, #tpu.memory_space<vmem>> -> memref<1x80xi32, #tpu.memory_space<vmem>>
      %dma_start3A_85 = tpu.memref_squeeze %dma_start3A_84 : memref<1x80xi32, #tpu.memory_space<vmem>> -> memref<80xi32, #tpu.memory_space<vmem>>
      %dma_start3A_86 = arith.constant 0 : i32
      %dma_start3A_87 = arith.constant 0 : i32
      %dma_start3A_88 = tpu.memref_slice %arg2[%dma_start3A_86, %dma_start3A_87] : memref<10000x128xf32, #tpu.memory_space<hbm>> -> memref<10000x128xf32, #tpu.memory_space<hbm>>
      tpu.enqueue_indirect_dma source(%dma_start3A_88 : memref<10000x128xf32, #tpu.memory_space<hbm>>) target(%arg9 : memref<80x128xf32, #tpu.memory_space<vmem>>) offsets(%dma_start3A_85 : memref<80xi32, #tpu.memory_space<vmem>>) semaphore(%arg12 : memref<!tpu.dma_semaphore, #tpu.memory_space<semaphore_mem>>)
      %add3A_89 = arith.constant 1 : i32
      %add3A_90 = arith.addi %mul3A_83, %add3A_89 : i32
      %dma_start3A_91 = arith.constant 0 : i32
      %dma_start3A_92 = tpu.memref_slice %arg7[%add3A_90, %dma_start3A_91] : memref<64x80xi32, #tpu.memory_space<vmem>> -> memref<1x80xi32, #tpu.memory_space<vmem>>
      %dma_start3A_93 = tpu.memref_squeeze %dma_start3A_92 : memref<1x80xi32, #tpu.memory_space<vmem>> -> memref<80xi32, #tpu.memory_space<vmem>>
      %dma_start3A_94 = arith.constant 0 : i32
      %dma_start3A_95 = arith.constant 0 : i32
      %dma_start3A_96 = tpu.memref_slice %arg2[%dma_start3A_94, %dma_start3A_95] : memref<10000x128xf32, #tpu.memory_space<hbm>> -> memref<10000x128xf32, #tpu.memory_space<hbm>>
      tpu.enqueue_indirect_dma source(%dma_start3A_96 : memref<10000x128xf32, #tpu.memory_space<hbm>>) target(%arg10 : memref<80x128xf32, #tpu.memory_space<vmem>>) offsets(%dma_start3A_93 : memref<80xi32, #tpu.memory_space<vmem>>) semaphore(%arg13 : memref<!tpu.dma_semaphore, #tpu.memory_space<semaphore_mem>>)
      %dma_wait3A = arith.constant 0 : i32
      %dma_wait3A_97 = tpu.memref_slice %arg7[%mul3A_83, %dma_wait3A] : memref<64x80xi32, #tpu.memory_space<vmem>> -> memref<1x80xi32, #tpu.memory_space<vmem>>
      %dma_wait3A_98 = tpu.memref_squeeze %dma_wait3A_97 : memref<1x80xi32, #tpu.memory_space<vmem>> -> memref<80xi32, #tpu.memory_space<vmem>>
      %dma_wait3A_99 = arith.constant 0 : i32
      %dma_wait3A_100 = arith.constant 0 : i32
      %dma_wait3A_101 = tpu.memref_slice %arg2[%dma_wait3A_99, %dma_wait3A_100] : memref<10000x128xf32, #tpu.memory_space<hbm>> -> memref<10000x128xf32, #tpu.memory_space<hbm>>
      tpu.wait_indirect_dma semaphore(%arg12 : memref<!tpu.dma_semaphore, #tpu.memory_space<semaphore_mem>>) src(%dma_wait3A_101 : memref<10000x128xf32, #tpu.memory_space<hbm>>) dst(%arg9 : memref<80x128xf32, #tpu.memory_space<vmem>>)
      "tpu.region"() ({
        %run_scoped3A = tpu.sem_alloc : memref<!tpu.dma_semaphore, #tpu.memory_space<semaphore_mem>>
        %dma_start3A_110 = arith.constant 0 : i32
        %dma_start3A_111 = tpu.memref_slice %arg8[%mul3A_83, %dma_start3A_110] : memref<64x80xi32, #tpu.memory_space<vmem>> -> memref<1x80xi32, #tpu.memory_space<vmem>>
        %dma_start3A_112 = tpu.memref_squeeze %dma_start3A_111 : memref<1x80xi32, #tpu.memory_space<vmem>> -> memref<80xi32, #tpu.memory_space<vmem>>
        %dma_start3A_113 = arith.constant 0 : i32
        %dma_start3A_114 = arith.constant 0 : i32
        %dma_start3A_115 = tpu.memref_slice %arg6[%dma_start3A_113, %dma_start3A_114] : memref<10008x128xf32, #tpu.memory_space<vmem_shared>> -> memref<10008x128xf32, #tpu.memory_space<vmem_shared>>
        tpu.enqueue_indirect_dma source(%arg9 : memref<80x128xf32, #tpu.memory_space<vmem>>) target(%dma_start3A_115 : memref<10008x128xf32, #tpu.memory_space<vmem_shared>>) offsets(%dma_start3A_112 : memref<80xi32, #tpu.memory_space<vmem>>) semaphore(%run_scoped3A : memref<!tpu.dma_semaphore, #tpu.memory_space<semaphore_mem>>) {add = true}
        %dma_wait3A_116 = arith.constant 0 : i32
        %dma_wait3A_117 = tpu.memref_slice %arg8[%mul3A_83, %dma_wait3A_116] : memref<64x80xi32, #tpu.memory_space<vmem>> -> memref<1x80xi32, #tpu.memory_space<vmem>>
        %dma_wait3A_118 = tpu.memref_squeeze %dma_wait3A_117 : memref<1x80xi32, #tpu.memory_space<vmem>> -> memref<80xi32, #tpu.memory_space<vmem>>
        %dma_wait3A_119 = arith.constant 0 : i32
        %dma_wait3A_120 = arith.constant 0 : i32
        %dma_wait3A_121 = tpu.memref_slice %arg6[%dma_wait3A_119, %dma_wait3A_120] : memref<10008x128xf32, #tpu.memory_space<vmem_shared>> -> memref<10008x128xf32, #tpu.memory_space<vmem_shared>>
        tpu.wait_indirect_dma semaphore(%run_scoped3A : memref<!tpu.dma_semaphore, #tpu.memory_space<semaphore_mem>>) src(%arg9 : memref<80x128xf32, #tpu.memory_space<vmem>>) dst(%dma_wait3A_121 : memref<10008x128xf32, #tpu.memory_space<vmem_shared>>)
        tpu.yield
      }) : () -> ()
      %dma_wait3A_102 = arith.constant 0 : i32
      %dma_wait3A_103 = tpu.memref_slice %arg7[%add3A_90, %dma_wait3A_102] : memref<64x80xi32, #tpu.memory_space<vmem>> -> memref<1x80xi32, #tpu.memory_space<vmem>>
      %dma_wait3A_104 = tpu.memref_squeeze %dma_wait3A_103 : memref<1x80xi32, #tpu.memory_space<vmem>> -> memref<80xi32, #tpu.memory_space<vmem>>
      %dma_wait3A_105 = arith.constant 0 : i32
      %dma_wait3A_106 = arith.constant 0 : i32
      %dma_wait3A_107 = tpu.memref_slice %arg2[%dma_wait3A_105, %dma_wait3A_106] : memref<10000x128xf32, #tpu.memory_space<hbm>> -> memref<10000x128xf32, #tpu.memory_space<hbm>>
      tpu.wait_indirect_dma semaphore(%arg13 : memref<!tpu.dma_semaphore, #tpu.memory_space<semaphore_mem>>) src(%dma_wait3A_107 : memref<10000x128xf32, #tpu.memory_space<hbm>>) dst(%arg10 : memref<80x128xf32, #tpu.memory_space<vmem>>)
      %add3A_108 = arith.constant 1 : i32
      %add3A_109 = arith.addi %mul3A_83, %add3A_108 : i32
      "tpu.region"() ({
        %run_scoped3A = tpu.sem_alloc : memref<!tpu.dma_semaphore, #tpu.memory_space<semaphore_mem>>
        %dma_start3A_110 = arith.constant 0 : i32
        %dma_start3A_111 = tpu.memref_slice %arg8[%add3A_109, %dma_start3A_110] : memref<64x80xi32, #tpu.memory_space<vmem>> -> memref<1x80xi32, #tpu.memory_space<vmem>>
        %dma_start3A_112 = tpu.memref_squeeze %dma_start3A_111 : memref<1x80xi32, #tpu.memory_space<vmem>> -> memref<80xi32, #tpu.memory_space<vmem>>
        %dma_start3A_113 = arith.constant 0 : i32
        %dma_start3A_114 = arith.constant 0 : i32
        %dma_start3A_115 = tpu.memref_slice %arg6[%dma_start3A_113, %dma_start3A_114] : memref<10008x128xf32, #tpu.memory_space<vmem_shared>> -> memref<10008x128xf32, #tpu.memory_space<vmem_shared>>
        tpu.enqueue_indirect_dma source(%arg10 : memref<80x128xf32, #tpu.memory_space<vmem>>) target(%dma_start3A_115 : memref<10008x128xf32, #tpu.memory_space<vmem_shared>>) offsets(%dma_start3A_112 : memref<80xi32, #tpu.memory_space<vmem>>) semaphore(%run_scoped3A : memref<!tpu.dma_semaphore, #tpu.memory_space<semaphore_mem>>) {add = true}
        %dma_wait3A_116 = arith.constant 0 : i32
        %dma_wait3A_117 = tpu.memref_slice %arg8[%add3A_109, %dma_wait3A_116] : memref<64x80xi32, #tpu.memory_space<vmem>> -> memref<1x80xi32, #tpu.memory_space<vmem>>
        %dma_wait3A_118 = tpu.memref_squeeze %dma_wait3A_117 : memref<1x80xi32, #tpu.memory_space<vmem>> -> memref<80xi32, #tpu.memory_space<vmem>>
        %dma_wait3A_119 = arith.constant 0 : i32
        %dma_wait3A_120 = arith.constant 0 : i32
        %dma_wait3A_121 = tpu.memref_slice %arg6[%dma_wait3A_119, %dma_wait3A_120] : memref<10008x128xf32, #tpu.memory_space<vmem_shared>> -> memref<10008x128xf32, #tpu.memory_space<vmem_shared>>
        tpu.wait_indirect_dma semaphore(%run_scoped3A : memref<!tpu.dma_semaphore, #tpu.memory_space<semaphore_mem>>) src(%arg10 : memref<80x128xf32, #tpu.memory_space<vmem>>) dst(%dma_wait3A_121 : memref<10008x128xf32, #tpu.memory_space<vmem_shared>>)
        tpu.yield
      }) : () -> ()
    }
    %scan3A_48 = arith.constant 32 : i32
    %barrier3A_49 = arith.constant 0 : index
    tpu.barrier barrier_id(%barrier3A_49)
    %add3A_50 = arith.constant 0 : i32
    %add3A_51 = arith.addi %mul3A_2, %add3A_50 : i32
    "tpu.region"() ({
      %run_scoped3A = tpu.sem_alloc : memref<!tpu.dma_semaphore, #tpu.memory_space<semaphore_mem>>
      %dma_start3A = arith.constant 0 : i32
      %dma_start3A_81 = tpu.memref_slice %arg6[%add3A_51, %dma_start3A] : memref<10008x128xf32, #tpu.memory_space<vmem_shared>> -> memref<48x128xf32, #tpu.memory_space<vmem_shared>>
      %dma_start3A_82 = arith.constant 0 : i32
      %dma_start3A_83 = tpu.memref_slice %arg6[%add3A_51, %dma_start3A_82] : memref<10008x128xf32, #tpu.memory_space<vmem_shared>> -> memref<48x128xf32, #tpu.memory_space<vmem_shared>>
      tpu.enqueue_dma source(%dma_start3A_83 : memref<48x128xf32, #tpu.memory_space<vmem_shared>>) target(%arg11 : memref<48x128xf32, #tpu.memory_space<vmem>>) target_semaphore(%run_scoped3A : memref<!tpu.dma_semaphore, #tpu.memory_space<semaphore_mem>>)
      %dma_wait3A = arith.constant 0 : i32
      %dma_wait3A_84 = tpu.memref_slice %arg6[%add3A_51, %dma_wait3A] : memref<10008x128xf32, #tpu.memory_space<vmem_shared>> -> memref<48x128xf32, #tpu.memory_space<vmem_shared>>
      %dma_wait3A_85 = arith.constant 0 : i32
      %dma_wait3A_86 = tpu.memref_slice %arg6[%add3A_51, %dma_wait3A_85] : memref<10008x128xf32, #tpu.memory_space<vmem_shared>> -> memref<48x128xf32, #tpu.memory_space<vmem_shared>>
      tpu.wait_dma2 semaphore(%run_scoped3A : memref<!tpu.dma_semaphore, #tpu.memory_space<semaphore_mem>>) src(%dma_wait3A_86 : memref<48x128xf32, #tpu.memory_space<vmem_shared>>) dst(%arg11 : memref<48x128xf32, #tpu.memory_space<vmem>>)
      tpu.yield
    }) : () -> ()
    "tpu.region"() ({
      %run_scoped3A = tpu.sem_alloc : memref<!tpu.dma_semaphore, #tpu.memory_space<semaphore_mem>>
      %dma_start3A = arith.constant 0 : i32
      %dma_start3A_81 = tpu.memref_slice %arg5[%arg0, %add3A_51, %dma_start3A] : memref<2x10000x128xf32, #tpu.memory_space<hbm>> -> memref<1x48x128xf32, #tpu.memory_space<hbm>>
      %dma_start3A_82 = tpu.memref_squeeze %dma_start3A_81 : memref<1x48x128xf32, #tpu.memory_space<hbm>> -> memref<48x128xf32, #tpu.memory_space<hbm>>
      %dma_start3A_83 = arith.constant 0 : i32
      %dma_start3A_84 = tpu.memref_slice %arg5[%arg0, %add3A_51, %dma_start3A_83] : memref<2x10000x128xf32, #tpu.memory_space<hbm>> -> memref<1x48x128xf32, #tpu.memory_space<hbm>>
      %dma_start3A_85 = tpu.memref_squeeze %dma_start3A_84 : memref<1x48x128xf32, #tpu.memory_space<hbm>> -> memref<48x128xf32, #tpu.memory_space<hbm>>
      tpu.enqueue_dma source(%arg11 : memref<48x128xf32, #tpu.memory_space<vmem>>) target(%dma_start3A_85 : memref<48x128xf32, #tpu.memory_space<hbm>>) target_semaphore(%run_scoped3A : memref<!tpu.dma_semaphore, #tpu.memory_space<semaphore_mem>>)
      %dma_wait3A = arith.constant 0 : i32
      %dma_wait3A_86 = tpu.memref_slice %arg5[%arg0, %add3A_51, %dma_wait3A] : memref<2x10000x128xf32, #tpu.memory_space<hbm>> -> memref<1x48x128xf32, #tpu.memory_space<hbm>>
      %dma_wait3A_87 = tpu.memref_squeeze %dma_wait3A_86 : memref<1x48x128xf32, #tpu.memory_space<hbm>> -> memref<48x128xf32, #tpu.memory_space<hbm>>
      %dma_wait3A_88 = arith.constant 0 : i32
      %dma_wait3A_89 = tpu.memref_slice %arg5[%arg0, %add3A_51, %dma_wait3A_88] : memref<2x10000x128xf32, #tpu.memory_space<hbm>> -> memref<1x48x128xf32, #tpu.memory_space<hbm>>
      %dma_wait3A_90 = tpu.memref_squeeze %dma_wait3A_89 : memref<1x48x128xf32, #tpu.memory_space<hbm>> -> memref<48x128xf32, #tpu.memory_space<hbm>>
      tpu.wait_dma2 semaphore(%run_scoped3A : memref<!tpu.dma_semaphore, #tpu.memory_space<semaphore_mem>>) src(%arg11 : memref<48x128xf32, #tpu.memory_space<vmem>>) dst(%dma_wait3A_90 : memref<48x128xf32, #tpu.memory_space<hbm>>)
      tpu.yield
    }) : () -> ()
    %add3A_52 = arith.constant 48 : i32
    %add3A_53 = arith.addi %mul3A_2, %add3A_52 : i32
    "tpu.region"() ({
      %run_scoped3A = tpu.sem_alloc : memref<!tpu.dma_semaphore, #tpu.memory_space<semaphore_mem>>
      %dma_start3A = arith.constant 0 : i32
      %dma_start3A_81 = tpu.memref_slice %arg6[%add3A_53, %dma_start3A] : memref<10008x128xf32, #tpu.memory_space<vmem_shared>> -> memref<48x128xf32, #tpu.memory_space<vmem_shared>>
      %dma_start3A_82 = arith.constant 0 : i32
      %dma_start3A_83 = tpu.memref_slice %arg6[%add3A_53, %dma_start3A_82] : memref<10008x128xf32, #tpu.memory_space<vmem_shared>> -> memref<48x128xf32, #tpu.memory_space<vmem_shared>>
      tpu.enqueue_dma source(%dma_start3A_83 : memref<48x128xf32, #tpu.memory_space<vmem_shared>>) target(%arg11 : memref<48x128xf32, #tpu.memory_space<vmem>>) target_semaphore(%run_scoped3A : memref<!tpu.dma_semaphore, #tpu.memory_space<semaphore_mem>>)
      %dma_wait3A = arith.constant 0 : i32
      %dma_wait3A_84 = tpu.memref_slice %arg6[%add3A_53, %dma_wait3A] : memref<10008x128xf32, #tpu.memory_space<vmem_shared>> -> memref<48x128xf32, #tpu.memory_space<vmem_shared>>
      %dma_wait3A_85 = arith.constant 0 : i32
      %dma_wait3A_86 = tpu.memref_slice %arg6[%add3A_53, %dma_wait3A_85] : memref<10008x128xf32, #tpu.memory_space<vmem_shared>> -> memref<48x128xf32, #tpu.memory_space<vmem_shared>>
      tpu.wait_dma2 semaphore(%run_scoped3A : memref<!tpu.dma_semaphore, #tpu.memory_space<semaphore_mem>>) src(%dma_wait3A_86 : memref<48x128xf32, #tpu.memory_space<vmem_shared>>) dst(%arg11 : memref<48x128xf32, #tpu.memory_space<vmem>>)
      tpu.yield
    }) : () -> ()
    "tpu.region"() ({
      %run_scoped3A = tpu.sem_alloc : memref<!tpu.dma_semaphore, #tpu.memory_space<semaphore_mem>>
      %dma_start3A = arith.constant 0 : i32
      %dma_start3A_81 = tpu.memref_slice %arg5[%arg0, %add3A_53, %dma_start3A] : memref<2x10000x128xf32, #tpu.memory_space<hbm>> -> memref<1x48x128xf32, #tpu.memory_space<hbm>>
      %dma_start3A_82 = tpu.memref_squeeze %dma_start3A_81 : memref<1x48x128xf32, #tpu.memory_space<hbm>> -> memref<48x128xf32, #tpu.memory_space<hbm>>
      %dma_start3A_83 = arith.constant 0 : i32
      %dma_start3A_84 = tpu.memref_slice %arg5[%arg0, %add3A_53, %dma_start3A_83] : memref<2x10000x128xf32, #tpu.memory_space<hbm>> -> memref<1x48x128xf32, #tpu.memory_space<hbm>>
      %dma_start3A_85 = tpu.memref_squeeze %dma_start3A_84 : memref<1x48x128xf32, #tpu.memory_space<hbm>> -> memref<48x128xf32, #tpu.memory_space<hbm>>
      tpu.enqueue_dma source(%arg11 : memref<48x128xf32, #tpu.memory_space<vmem>>) target(%dma_start3A_85 : memref<48x128xf32, #tpu.memory_space<hbm>>) target_semaphore(%run_scoped3A : memref<!tpu.dma_semaphore, #tpu.memory_space<semaphore_mem>>)
      %dma_wait3A = arith.constant 0 : i32
      %dma_wait3A_86 = tpu.memref_slice %arg5[%arg0, %add3A_53, %dma_wait3A] : memref<2x10000x128xf32, #tpu.memory_space<hbm>> -> memref<1x48x128xf32, #tpu.memory_space<hbm>>
      %dma_wait3A_87 = tpu.memref_squeeze %dma_wait3A_86 : memref<1x48x128xf32, #tpu.memory_space<hbm>> -> memref<48x128xf32, #tpu.memory_space<hbm>>
      %dma_wait3A_88 = arith.constant 0 : i32
      %dma_wait3A_89 = tpu.memref_slice %arg5[%arg0, %add3A_53, %dma_wait3A_88] : memref<2x10000x128xf32, #tpu.memory_space<hbm>> -> memref<1x48x128xf32, #tpu.memory_space<hbm>>
      %dma_wait3A_90 = tpu.memref_squeeze %dma_wait3A_89 : memref<1x48x128xf32, #tpu.memory_space<hbm>> -> memref<48x128xf32, #tpu.memory_space<hbm>>
      tpu.wait_dma2 semaphore(%run_scoped3A : memref<!tpu.dma_semaphore, #tpu.memory_space<semaphore_mem>>) src(%arg11 : memref<48x128xf32, #tpu.memory_space<vmem>>) dst(%dma_wait3A_90 : memref<48x128xf32, #tpu.memory_space<hbm>>)
      tpu.yield
    }) : () -> ()
    %add3A_54 = arith.constant 96 : i32
    %add3A_55 = arith.addi %mul3A_2, %add3A_54 : i32
    "tpu.region"() ({
      %run_scoped3A = tpu.sem_alloc : memref<!tpu.dma_semaphore, #tpu.memory_space<semaphore_mem>>
      %dma_start3A = arith.constant 0 : i32
      %dma_start3A_81 = tpu.memref_slice %arg6[%add3A_55, %dma_start3A] : memref<10008x128xf32, #tpu.memory_space<vmem_shared>> -> memref<48x128xf32, #tpu.memory_space<vmem_shared>>
      %dma_start3A_82 = arith.constant 0 : i32
      %dma_start3A_83 = tpu.memref_slice %arg6[%add3A_55, %dma_start3A_82] : memref<10008x128xf32, #tpu.memory_space<vmem_shared>> -> memref<48x128xf32, #tpu.memory_space<vmem_shared>>
      tpu.enqueue_dma source(%dma_start3A_83 : memref<48x128xf32, #tpu.memory_space<vmem_shared>>) target(%arg11 : memref<48x128xf32, #tpu.memory_space<vmem>>) target_semaphore(%run_scoped3A : memref<!tpu.dma_semaphore, #tpu.memory_space<semaphore_mem>>)
      %dma_wait3A = arith.constant 0 : i32
      %dma_wait3A_84 = tpu.memref_slice %arg6[%add3A_55, %dma_wait3A] : memref<10008x128xf32, #tpu.memory_space<vmem_shared>> -> memref<48x128xf32, #tpu.memory_space<vmem_shared>>
      %dma_wait3A_85 = arith.constant 0 : i32
      %dma_wait3A_86 = tpu.memref_slice %arg6[%add3A_55, %dma_wait3A_85] : memref<10008x128xf32, #tpu.memory_space<vmem_shared>> -> memref<48x128xf32, #tpu.memory_space<vmem_shared>>
      tpu.wait_dma2 semaphore(%run_scoped3A : memref<!tpu.dma_semaphore, #tpu.memory_space<semaphore_mem>>) src(%dma_wait3A_86 : memref<48x128xf32, #tpu.memory_space<vmem_shared>>) dst(%arg11 : memref<48x128xf32, #tpu.memory_space<vmem>>)
      tpu.yield
    }) : () -> ()
    "tpu.region"() ({
      %run_scoped3A = tpu.sem_alloc : memref<!tpu.dma_semaphore, #tpu.memory_space<semaphore_mem>>
      %dma_start3A = arith.constant 0 : i32
      %dma_start3A_81 = tpu.memref_slice %arg5[%arg0, %add3A_55, %dma_start3A] : memref<2x10000x128xf32, #tpu.memory_space<hbm>> -> memref<1x48x128xf32, #tpu.memory_space<hbm>>
      %dma_start3A_82 = tpu.memref_squeeze %dma_start3A_81 : memref<1x48x128xf32, #tpu.memory_space<hbm>> -> memref<48x128xf32, #tpu.memory_space<hbm>>
      %dma_start3A_83 = arith.constant 0 : i32
      %dma_start3A_84 = tpu.memref_slice %arg5[%arg0, %add3A_55, %dma_start3A_83] : memref<2x10000x128xf32, #tpu.memory_space<hbm>> -> memref<1x48x128xf32, #tpu.memory_space<hbm>>
      %dma_start3A_85 = tpu.memref_squeeze %dma_start3A_84 : memref<1x48x128xf32, #tpu.memory_space<hbm>> -> memref<48x128xf32, #tpu.memory_space<hbm>>
      tpu.enqueue_dma source(%arg11 : memref<48x128xf32, #tpu.memory_space<vmem>>) target(%dma_start3A_85 : memref<48x128xf32, #tpu.memory_space<hbm>>) target_semaphore(%run_scoped3A : memref<!tpu.dma_semaphore, #tpu.memory_space<semaphore_mem>>)
      %dma_wait3A = arith.constant 0 : i32
      %dma_wait3A_86 = tpu.memref_slice %arg5[%arg0, %add3A_55, %dma_wait3A] : memref<2x10000x128xf32, #tpu.memory_space<hbm>> -> memref<1x48x128xf32, #tpu.memory_space<hbm>>
      %dma_wait3A_87 = tpu.memref_squeeze %dma_wait3A_86 : memref<1x48x128xf32, #tpu.memory_space<hbm>> -> memref<48x128xf32, #tpu.memory_space<hbm>>
      %dma_wait3A_88 = arith.constant 0 : i32
      %dma_wait3A_89 = tpu.memref_slice %arg5[%arg0, %add3A_55, %dma_wait3A_88] : memref<2x10000x128xf32, #tpu.memory_space<hbm>> -> memref<1x48x128xf32, #tpu.memory_space<hbm>>
      %dma_wait3A_90 = tpu.memref_squeeze %dma_wait3A_89 : memref<1x48x128xf32, #tpu.memory_space<hbm>> -> memref<48x128xf32, #tpu.memory_space<hbm>>
      tpu.wait_dma2 semaphore(%run_scoped3A : memref<!tpu.dma_semaphore, #tpu.memory_space<semaphore_mem>>) src(%arg11 : memref<48x128xf32, #tpu.memory_space<vmem>>) dst(%dma_wait3A_90 : memref<48x128xf32, #tpu.memory_space<hbm>>)
      tpu.yield
    }) : () -> ()
    %add3A_56 = arith.constant 144 : i32
    %add3A_57 = arith.addi %mul3A_2, %add3A_56 : i32
    "tpu.region"() ({
      %run_scoped3A = tpu.sem_alloc : memref<!tpu.dma_semaphore, #tpu.memory_space<semaphore_mem>>
      %dma_start3A = arith.constant 0 : i32
      %dma_start3A_81 = tpu.memref_slice %arg6[%add3A_57, %dma_start3A] : memref<10008x128xf32, #tpu.memory_space<vmem_shared>> -> memref<48x128xf32, #tpu.memory_space<vmem_shared>>
      %dma_start3A_82 = arith.constant 0 : i32
      %dma_start3A_83 = tpu.memref_slice %arg6[%add3A_57, %dma_start3A_82] : memref<10008x128xf32, #tpu.memory_space<vmem_shared>> -> memref<48x128xf32, #tpu.memory_space<vmem_shared>>
      tpu.enqueue_dma source(%dma_start3A_83 : memref<48x128xf32, #tpu.memory_space<vmem_shared>>) target(%arg11 : memref<48x128xf32, #tpu.memory_space<vmem>>) target_semaphore(%run_scoped3A : memref<!tpu.dma_semaphore, #tpu.memory_space<semaphore_mem>>)
      %dma_wait3A = arith.constant 0 : i32
      %dma_wait3A_84 = tpu.memref_slice %arg6[%add3A_57, %dma_wait3A] : memref<10008x128xf32, #tpu.memory_space<vmem_shared>> -> memref<48x128xf32, #tpu.memory_space<vmem_shared>>
      %dma_wait3A_85 = arith.constant 0 : i32
      %dma_wait3A_86 = tpu.memref_slice %arg6[%add3A_57, %dma_wait3A_85] : memref<10008x128xf32, #tpu.memory_space<vmem_shared>> -> memref<48x128xf32, #tpu.memory_space<vmem_shared>>
      tpu.wait_dma2 semaphore(%run_scoped3A : memref<!tpu.dma_semaphore, #tpu.memory_space<semaphore_mem>>) src(%dma_wait3A_86 : memref<48x128xf32, #tpu.memory_space<vmem_shared>>) dst(%arg11 : memref<48x128xf32, #tpu.memory_space<vmem>>)
      tpu.yield
    }) : () -> ()
    "tpu.region"() ({
      %run_scoped3A = tpu.sem_alloc : memref<!tpu.dma_semaphore, #tpu.memory_space<semaphore_mem>>
      %dma_start3A = arith.constant 0 : i32
      %dma_start3A_81 = tpu.memref_slice %arg5[%arg0, %add3A_57, %dma_start3A] : memref<2x10000x128xf32, #tpu.memory_space<hbm>> -> memref<1x48x128xf32, #tpu.memory_space<hbm>>
      %dma_start3A_82 = tpu.memref_squeeze %dma_start3A_81 : memref<1x48x128xf32, #tpu.memory_space<hbm>> -> memref<48x128xf32, #tpu.memory_space<hbm>>
      %dma_start3A_83 = arith.constant 0 : i32
      %dma_start3A_84 = tpu.memref_slice %arg5[%arg0, %add3A_57, %dma_start3A_83] : memref<2x10000x128xf32, #tpu.memory_space<hbm>> -> memref<1x48x128xf32, #tpu.memory_space<hbm>>
      %dma_start3A_85 = tpu.memref_squeeze %dma_start3A_84 : memref<1x48x128xf32, #tpu.memory_space<hbm>> -> memref<48x128xf32, #tpu.memory_space<hbm>>
      tpu.enqueue_dma source(%arg11 : memref<48x128xf32, #tpu.memory_space<vmem>>) target(%dma_start3A_85 : memref<48x128xf32, #tpu.memory_space<hbm>>) target_semaphore(%run_scoped3A : memref<!tpu.dma_semaphore, #tpu.memory_space<semaphore_mem>>)
      %dma_wait3A = arith.constant 0 : i32
      %dma_wait3A_86 = tpu.memref_slice %arg5[%arg0, %add3A_57, %dma_wait3A] : memref<2x10000x128xf32, #tpu.memory_space<hbm>> -> memref<1x48x128xf32, #tpu.memory_space<hbm>>
      %dma_wait3A_87 = tpu.memref_squeeze %dma_wait3A_86 : memref<1x48x128xf32, #tpu.memory_space<hbm>> -> memref<48x128xf32, #tpu.memory_space<hbm>>
      %dma_wait3A_88 = arith.constant 0 : i32
      %dma_wait3A_89 = tpu.memref_slice %arg5[%arg0, %add3A_57, %dma_wait3A_88] : memref<2x10000x128xf32, #tpu.memory_space<hbm>> -> memref<1x48x128xf32, #tpu.memory_space<hbm>>
      %dma_wait3A_90 = tpu.memref_squeeze %dma_wait3A_89 : memref<1x48x128xf32, #tpu.memory_space<hbm>> -> memref<48x128xf32, #tpu.memory_space<hbm>>
      tpu.wait_dma2 semaphore(%run_scoped3A : memref<!tpu.dma_semaphore, #tpu.memory_space<semaphore_mem>>) src(%arg11 : memref<48x128xf32, #tpu.memory_space<vmem>>) dst(%dma_wait3A_90 : memref<48x128xf32, #tpu.memory_space<hbm>>)
      tpu.yield
    }) : () -> ()
    %add3A_58 = arith.constant 192 : i32
    %add3A_59 = arith.addi %mul3A_2, %add3A_58 : i32
    "tpu.region"() ({
      %run_scoped3A = tpu.sem_alloc : memref<!tpu.dma_semaphore, #tpu.memory_space<semaphore_mem>>
      %dma_start3A = arith.constant 0 : i32
      %dma_start3A_81 = tpu.memref_slice %arg6[%add3A_59, %dma_start3A] : memref<10008x128xf32, #tpu.memory_space<vmem_shared>> -> memref<48x128xf32, #tpu.memory_space<vmem_shared>>
      %dma_start3A_82 = arith.constant 0 : i32
      %dma_start3A_83 = tpu.memref_slice %arg6[%add3A_59, %dma_start3A_82] : memref<10008x128xf32, #tpu.memory_space<vmem_shared>> -> memref<48x128xf32, #tpu.memory_space<vmem_shared>>
      tpu.enqueue_dma source(%dma_start3A_83 : memref<48x128xf32, #tpu.memory_space<vmem_shared>>) target(%arg11 : memref<48x128xf32, #tpu.memory_space<vmem>>) target_semaphore(%run_scoped3A : memref<!tpu.dma_semaphore, #tpu.memory_space<semaphore_mem>>)
      %dma_wait3A = arith.constant 0 : i32
      %dma_wait3A_84 = tpu.memref_slice %arg6[%add3A_59, %dma_wait3A] : memref<10008x128xf32, #tpu.memory_space<vmem_shared>> -> memref<48x128xf32, #tpu.memory_space<vmem_shared>>
      %dma_wait3A_85 = arith.constant 0 : i32
      %dma_wait3A_86 = tpu.memref_slice %arg6[%add3A_59, %dma_wait3A_85] : memref<10008x128xf32, #tpu.memory_space<vmem_shared>> -> memref<48x128xf32, #tpu.memory_space<vmem_shared>>
      tpu.wait_dma2 semaphore(%run_scoped3A : memref<!tpu.dma_semaphore, #tpu.memory_space<semaphore_mem>>) src(%dma_wait3A_86 : memref<48x128xf32, #tpu.memory_space<vmem_shared>>) dst(%arg11 : memref<48x128xf32, #tpu.memory_space<vmem>>)
      tpu.yield
    }) : () -> ()
    "tpu.region"() ({
      %run_scoped3A = tpu.sem_alloc : memref<!tpu.dma_semaphore, #tpu.memory_space<semaphore_mem>>
      %dma_start3A = arith.constant 0 : i32
      %dma_start3A_81 = tpu.memref_slice %arg5[%arg0, %add3A_59, %dma_start3A] : memref<2x10000x128xf32, #tpu.memory_space<hbm>> -> memref<1x48x128xf32, #tpu.memory_space<hbm>>
      %dma_start3A_82 = tpu.memref_squeeze %dma_start3A_81 : memref<1x48x128xf32, #tpu.memory_space<hbm>> -> memref<48x128xf32, #tpu.memory_space<hbm>>
      %dma_start3A_83 = arith.constant 0 : i32
      %dma_start3A_84 = tpu.memref_slice %arg5[%arg0, %add3A_59, %dma_start3A_83] : memref<2x10000x128xf32, #tpu.memory_space<hbm>> -> memref<1x48x128xf32, #tpu.memory_space<hbm>>
      %dma_start3A_85 = tpu.memref_squeeze %dma_start3A_84 : memref<1x48x128xf32, #tpu.memory_space<hbm>> -> memref<48x128xf32, #tpu.memory_space<hbm>>
      tpu.enqueue_dma source(%arg11 : memref<48x128xf32, #tpu.memory_space<vmem>>) target(%dma_start3A_85 : memref<48x128xf32, #tpu.memory_space<hbm>>) target_semaphore(%run_scoped3A : memref<!tpu.dma_semaphore, #tpu.memory_space<semaphore_mem>>)
      %dma_wait3A = arith.constant 0 : i32
      %dma_wait3A_86 = tpu.memref_slice %arg5[%arg0, %add3A_59, %dma_wait3A] : memref<2x10000x128xf32, #tpu.memory_space<hbm>> -> memref<1x48x128xf32, #tpu.memory_space<hbm>>
      %dma_wait3A_87 = tpu.memref_squeeze %dma_wait3A_86 : memref<1x48x128xf32, #tpu.memory_space<hbm>> -> memref<48x128xf32, #tpu.memory_space<hbm>>
      %dma_wait3A_88 = arith.constant 0 : i32
      %dma_wait3A_89 = tpu.memref_slice %arg5[%arg0, %add3A_59, %dma_wait3A_88] : memref<2x10000x128xf32, #tpu.memory_space<hbm>> -> memref<1x48x128xf32, #tpu.memory_space<hbm>>
      %dma_wait3A_90 = tpu.memref_squeeze %dma_wait3A_89 : memref<1x48x128xf32, #tpu.memory_space<hbm>> -> memref<48x128xf32, #tpu.memory_space<hbm>>
      tpu.wait_dma2 semaphore(%run_scoped3A : memref<!tpu.dma_semaphore, #tpu.memory_space<semaphore_mem>>) src(%arg11 : memref<48x128xf32, #tpu.memory_space<vmem>>) dst(%dma_wait3A_90 : memref<48x128xf32, #tpu.memory_space<hbm>>)
      tpu.yield
    }) : () -> ()
    %add3A_60 = arith.constant 240 : i32
    %add3A_61 = arith.addi %mul3A_2, %add3A_60 : i32
    "tpu.region"() ({
      %run_scoped3A = tpu.sem_alloc : memref<!tpu.dma_semaphore, #tpu.memory_space<semaphore_mem>>
      %dma_start3A = arith.constant 0 : i32
      %dma_start3A_81 = tpu.memref_slice %arg6[%add3A_61, %dma_start3A] : memref<10008x128xf32, #tpu.memory_space<vmem_shared>> -> memref<48x128xf32, #tpu.memory_space<vmem_shared>>
      %dma_start3A_82 = arith.constant 0 : i32
      %dma_start3A_83 = tpu.memref_slice %arg6[%add3A_61, %dma_start3A_82] : memref<10008x128xf32, #tpu.memory_space<vmem_shared>> -> memref<48x128xf32, #tpu.memory_space<vmem_shared>>
      tpu.enqueue_dma source(%dma_start3A_83 : memref<48x128xf32, #tpu.memory_space<vmem_shared>>) target(%arg11 : memref<48x128xf32, #tpu.memory_space<vmem>>) target_semaphore(%run_scoped3A : memref<!tpu.dma_semaphore, #tpu.memory_space<semaphore_mem>>)
      %dma_wait3A = arith.constant 0 : i32
      %dma_wait3A_84 = tpu.memref_slice %arg6[%add3A_61, %dma_wait3A] : memref<10008x128xf32, #tpu.memory_space<vmem_shared>> -> memref<48x128xf32, #tpu.memory_space<vmem_shared>>
      %dma_wait3A_85 = arith.constant 0 : i32
      %dma_wait3A_86 = tpu.memref_slice %arg6[%add3A_61, %dma_wait3A_85] : memref<10008x128xf32, #tpu.memory_space<vmem_shared>> -> memref<48x128xf32, #tpu.memory_space<vmem_shared>>
      tpu.wait_dma2 semaphore(%run_scoped3A : memref<!tpu.dma_semaphore, #tpu.memory_space<semaphore_mem>>) src(%dma_wait3A_86 : memref<48x128xf32, #tpu.memory_space<vmem_shared>>) dst(%arg11 : memref<48x128xf32, #tpu.memory_space<vmem>>)
      tpu.yield
    }) : () -> ()
    "tpu.region"() ({
      %run_scoped3A = tpu.sem_alloc : memref<!tpu.dma_semaphore, #tpu.memory_space<semaphore_mem>>
      %dma_start3A = arith.constant 0 : i32
      %dma_start3A_81 = tpu.memref_slice %arg5[%arg0, %add3A_61, %dma_start3A] : memref<2x10000x128xf32, #tpu.memory_space<hbm>> -> memref<1x48x128xf32, #tpu.memory_space<hbm>>
      %dma_start3A_82 = tpu.memref_squeeze %dma_start3A_81 : memref<1x48x128xf32, #tpu.memory_space<hbm>> -> memref<48x128xf32, #tpu.memory_space<hbm>>
      %dma_start3A_83 = arith.constant 0 : i32
      %dma_start3A_84 = tpu.memref_slice %arg5[%arg0, %add3A_61, %dma_start3A_83] : memref<2x10000x128xf32, #tpu.memory_space<hbm>> -> memref<1x48x128xf32, #tpu.memory_space<hbm>>
      %dma_start3A_85 = tpu.memref_squeeze %dma_start3A_84 : memref<1x48x128xf32, #tpu.memory_space<hbm>> -> memref<48x128xf32, #tpu.memory_space<hbm>>
      tpu.enqueue_dma source(%arg11 : memref<48x128xf32, #tpu.memory_space<vmem>>) target(%dma_start3A_85 : memref<48x128xf32, #tpu.memory_space<hbm>>) target_semaphore(%run_scoped3A : memref<!tpu.dma_semaphore, #tpu.memory_space<semaphore_mem>>)
      %dma_wait3A = arith.constant 0 : i32
      %dma_wait3A_86 = tpu.memref_slice %arg5[%arg0, %add3A_61, %dma_wait3A] : memref<2x10000x128xf32, #tpu.memory_space<hbm>> -> memref<1x48x128xf32, #tpu.memory_space<hbm>>
      %dma_wait3A_87 = tpu.memref_squeeze %dma_wait3A_86 : memref<1x48x128xf32, #tpu.memory_space<hbm>> -> memref<48x128xf32, #tpu.memory_space<hbm>>
      %dma_wait3A_88 = arith.constant 0 : i32
      %dma_wait3A_89 = tpu.memref_slice %arg5[%arg0, %add3A_61, %dma_wait3A_88] : memref<2x10000x128xf32, #tpu.memory_space<hbm>> -> memref<1x48x128xf32, #tpu.memory_space<hbm>>
      %dma_wait3A_90 = tpu.memref_squeeze %dma_wait3A_89 : memref<1x48x128xf32, #tpu.memory_space<hbm>> -> memref<48x128xf32, #tpu.memory_space<hbm>>
      tpu.wait_dma2 semaphore(%run_scoped3A : memref<!tpu.dma_semaphore, #tpu.memory_space<semaphore_mem>>) src(%arg11 : memref<48x128xf32, #tpu.memory_space<vmem>>) dst(%dma_wait3A_90 : memref<48x128xf32, #tpu.memory_space<hbm>>)
      tpu.yield
    }) : () -> ()
    %add3A_62 = arith.constant 288 : i32
    %add3A_63 = arith.addi %mul3A_2, %add3A_62 : i32
    "tpu.region"() ({
      %run_scoped3A = tpu.sem_alloc : memref<!tpu.dma_semaphore, #tpu.memory_space<semaphore_mem>>
      %dma_start3A = arith.constant 0 : i32
      %dma_start3A_81 = tpu.memref_slice %arg6[%add3A_63, %dma_start3A] : memref<10008x128xf32, #tpu.memory_space<vmem_shared>> -> memref<48x128xf32, #tpu.memory_space<vmem_shared>>
      %dma_start3A_82 = arith.constant 0 : i32
      %dma_start3A_83 = tpu.memref_slice %arg6[%add3A_63, %dma_start3A_82] : memref<10008x128xf32, #tpu.memory_space<vmem_shared>> -> memref<48x128xf32, #tpu.memory_space<vmem_shared>>
      tpu.enqueue_dma source(%dma_start3A_83 : memref<48x128xf32, #tpu.memory_space<vmem_shared>>) target(%arg11 : memref<48x128xf32, #tpu.memory_space<vmem>>) target_semaphore(%run_scoped3A : memref<!tpu.dma_semaphore, #tpu.memory_space<semaphore_mem>>)
      %dma_wait3A = arith.constant 0 : i32
      %dma_wait3A_84 = tpu.memref_slice %arg6[%add3A_63, %dma_wait3A] : memref<10008x128xf32, #tpu.memory_space<vmem_shared>> -> memref<48x128xf32, #tpu.memory_space<vmem_shared>>
      %dma_wait3A_85 = arith.constant 0 : i32
      %dma_wait3A_86 = tpu.memref_slice %arg6[%add3A_63, %dma_wait3A_85] : memref<10008x128xf32, #tpu.memory_space<vmem_shared>> -> memref<48x128xf32, #tpu.memory_space<vmem_shared>>
      tpu.wait_dma2 semaphore(%run_scoped3A : memref<!tpu.dma_semaphore, #tpu.memory_space<semaphore_mem>>) src(%dma_wait3A_86 : memref<48x128xf32, #tpu.memory_space<vmem_shared>>) dst(%arg11 : memref<48x128xf32, #tpu.memory_space<vmem>>)
      tpu.yield
    }) : () -> ()
    "tpu.region"() ({
      %run_scoped3A = tpu.sem_alloc : memref<!tpu.dma_semaphore, #tpu.memory_space<semaphore_mem>>
      %dma_start3A = arith.constant 0 : i32
      %dma_start3A_81 = tpu.memref_slice %arg5[%arg0, %add3A_63, %dma_start3A] : memref<2x10000x128xf32, #tpu.memory_space<hbm>> -> memref<1x48x128xf32, #tpu.memory_space<hbm>>
      %dma_start3A_82 = tpu.memref_squeeze %dma_start3A_81 : memref<1x48x128xf32, #tpu.memory_space<hbm>> -> memref<48x128xf32, #tpu.memory_space<hbm>>
      %dma_start3A_83 = arith.constant 0 : i32
      %dma_start3A_84 = tpu.memref_slice %arg5[%arg0, %add3A_63, %dma_start3A_83] : memref<2x10000x128xf32, #tpu.memory_space<hbm>> -> memref<1x48x128xf32, #tpu.memory_space<hbm>>
      %dma_start3A_85 = tpu.memref_squeeze %dma_start3A_84 : memref<1x48x128xf32, #tpu.memory_space<hbm>> -> memref<48x128xf32, #tpu.memory_space<hbm>>
      tpu.enqueue_dma source(%arg11 : memref<48x128xf32, #tpu.memory_space<vmem>>) target(%dma_start3A_85 : memref<48x128xf32, #tpu.memory_space<hbm>>) target_semaphore(%run_scoped3A : memref<!tpu.dma_semaphore, #tpu.memory_space<semaphore_mem>>)
      %dma_wait3A = arith.constant 0 : i32
      %dma_wait3A_86 = tpu.memref_slice %arg5[%arg0, %add3A_63, %dma_wait3A] : memref<2x10000x128xf32, #tpu.memory_space<hbm>> -> memref<1x48x128xf32, #tpu.memory_space<hbm>>
      %dma_wait3A_87 = tpu.memref_squeeze %dma_wait3A_86 : memref<1x48x128xf32, #tpu.memory_space<hbm>> -> memref<48x128xf32, #tpu.memory_space<hbm>>
      %dma_wait3A_88 = arith.constant 0 : i32
      %dma_wait3A_89 = tpu.memref_slice %arg5[%arg0, %add3A_63, %dma_wait3A_88] : memref<2x10000x128xf32, #tpu.memory_space<hbm>> -> memref<1x48x128xf32, #tpu.memory_space<hbm>>
      %dma_wait3A_90 = tpu.memref_squeeze %dma_wait3A_89 : memref<1x48x128xf32, #tpu.memory_space<hbm>> -> memref<48x128xf32, #tpu.memory_space<hbm>>
      tpu.wait_dma2 semaphore(%run_scoped3A : memref<!tpu.dma_semaphore, #tpu.memory_space<semaphore_mem>>) src(%arg11 : memref<48x128xf32, #tpu.memory_space<vmem>>) dst(%dma_wait3A_90 : memref<48x128xf32, #tpu.memory_space<hbm>>)
      tpu.yield
    }) : () -> ()
    %add3A_64 = arith.constant 336 : i32
    %add3A_65 = arith.addi %mul3A_2, %add3A_64 : i32
    "tpu.region"() ({
      %run_scoped3A = tpu.sem_alloc : memref<!tpu.dma_semaphore, #tpu.memory_space<semaphore_mem>>
      %dma_start3A = arith.constant 0 : i32
      %dma_start3A_81 = tpu.memref_slice %arg6[%add3A_65, %dma_start3A] : memref<10008x128xf32, #tpu.memory_space<vmem_shared>> -> memref<48x128xf32, #tpu.memory_space<vmem_shared>>
      %dma_start3A_82 = arith.constant 0 : i32
      %dma_start3A_83 = tpu.memref_slice %arg6[%add3A_65, %dma_start3A_82] : memref<10008x128xf32, #tpu.memory_space<vmem_shared>> -> memref<48x128xf32, #tpu.memory_space<vmem_shared>>
      tpu.enqueue_dma source(%dma_start3A_83 : memref<48x128xf32, #tpu.memory_space<vmem_shared>>) target(%arg11 : memref<48x128xf32, #tpu.memory_space<vmem>>) target_semaphore(%run_scoped3A : memref<!tpu.dma_semaphore, #tpu.memory_space<semaphore_mem>>)
      %dma_wait3A = arith.constant 0 : i32
      %dma_wait3A_84 = tpu.memref_slice %arg6[%add3A_65, %dma_wait3A] : memref<10008x128xf32, #tpu.memory_space<vmem_shared>> -> memref<48x128xf32, #tpu.memory_space<vmem_shared>>
      %dma_wait3A_85 = arith.constant 0 : i32
      %dma_wait3A_86 = tpu.memref_slice %arg6[%add3A_65, %dma_wait3A_85] : memref<10008x128xf32, #tpu.memory_space<vmem_shared>> -> memref<48x128xf32, #tpu.memory_space<vmem_shared>>
      tpu.wait_dma2 semaphore(%run_scoped3A : memref<!tpu.dma_semaphore, #tpu.memory_space<semaphore_mem>>) src(%dma_wait3A_86 : memref<48x128xf32, #tpu.memory_space<vmem_shared>>) dst(%arg11 : memref<48x128xf32, #tpu.memory_space<vmem>>)
      tpu.yield
    }) : () -> ()
    "tpu.region"() ({
      %run_scoped3A = tpu.sem_alloc : memref<!tpu.dma_semaphore, #tpu.memory_space<semaphore_mem>>
      %dma_start3A = arith.constant 0 : i32
      %dma_start3A_81 = tpu.memref_slice %arg5[%arg0, %add3A_65, %dma_start3A] : memref<2x10000x128xf32, #tpu.memory_space<hbm>> -> memref<1x48x128xf32, #tpu.memory_space<hbm>>
      %dma_start3A_82 = tpu.memref_squeeze %dma_start3A_81 : memref<1x48x128xf32, #tpu.memory_space<hbm>> -> memref<48x128xf32, #tpu.memory_space<hbm>>
      %dma_start3A_83 = arith.constant 0 : i32
      %dma_start3A_84 = tpu.memref_slice %arg5[%arg0, %add3A_65, %dma_start3A_83] : memref<2x10000x128xf32, #tpu.memory_space<hbm>> -> memref<1x48x128xf32, #tpu.memory_space<hbm>>
      %dma_start3A_85 = tpu.memref_squeeze %dma_start3A_84 : memref<1x48x128xf32, #tpu.memory_space<hbm>> -> memref<48x128xf32, #tpu.memory_space<hbm>>
      tpu.enqueue_dma source(%arg11 : memref<48x128xf32, #tpu.memory_space<vmem>>) target(%dma_start3A_85 : memref<48x128xf32, #tpu.memory_space<hbm>>) target_semaphore(%run_scoped3A : memref<!tpu.dma_semaphore, #tpu.memory_space<semaphore_mem>>)
      %dma_wait3A = arith.constant 0 : i32
      %dma_wait3A_86 = tpu.memref_slice %arg5[%arg0, %add3A_65, %dma_wait3A] : memref<2x10000x128xf32, #tpu.memory_space<hbm>> -> memref<1x48x128xf32, #tpu.memory_space<hbm>>
      %dma_wait3A_87 = tpu.memref_squeeze %dma_wait3A_86 : memref<1x48x128xf32, #tpu.memory_space<hbm>> -> memref<48x128xf32, #tpu.memory_space<hbm>>
      %dma_wait3A_88 = arith.constant 0 : i32
      %dma_wait3A_89 = tpu.memref_slice %arg5[%arg0, %add3A_65, %dma_wait3A_88] : memref<2x10000x128xf32, #tpu.memory_space<hbm>> -> memref<1x48x128xf32, #tpu.memory_space<hbm>>
      %dma_wait3A_90 = tpu.memref_squeeze %dma_wait3A_89 : memref<1x48x128xf32, #tpu.memory_space<hbm>> -> memref<48x128xf32, #tpu.memory_space<hbm>>
      tpu.wait_dma2 semaphore(%run_scoped3A : memref<!tpu.dma_semaphore, #tpu.memory_space<semaphore_mem>>) src(%arg11 : memref<48x128xf32, #tpu.memory_space<vmem>>) dst(%dma_wait3A_90 : memref<48x128xf32, #tpu.memory_space<hbm>>)
      tpu.yield
    }) : () -> ()
    %add3A_66 = arith.constant 384 : i32
    %add3A_67 = arith.addi %mul3A_2, %add3A_66 : i32
    "tpu.region"() ({
      %run_scoped3A = tpu.sem_alloc : memref<!tpu.dma_semaphore, #tpu.memory_space<semaphore_mem>>
      %dma_start3A = arith.constant 0 : i32
      %dma_start3A_81 = tpu.memref_slice %arg6[%add3A_67, %dma_start3A] : memref<10008x128xf32, #tpu.memory_space<vmem_shared>> -> memref<48x128xf32, #tpu.memory_space<vmem_shared>>
      %dma_start3A_82 = arith.constant 0 : i32
      %dma_start3A_83 = tpu.memref_slice %arg6[%add3A_67, %dma_start3A_82] : memref<10008x128xf32, #tpu.memory_space<vmem_shared>> -> memref<48x128xf32, #tpu.memory_space<vmem_shared>>
      tpu.enqueue_dma source(%dma_start3A_83 : memref<48x128xf32, #tpu.memory_space<vmem_shared>>) target(%arg11 : memref<48x128xf32, #tpu.memory_space<vmem>>) target_semaphore(%run_scoped3A : memref<!tpu.dma_semaphore, #tpu.memory_space<semaphore_mem>>)
      %dma_wait3A = arith.constant 0 : i32
      %dma_wait3A_84 = tpu.memref_slice %arg6[%add3A_67, %dma_wait3A] : memref<10008x128xf32, #tpu.memory_space<vmem_shared>> -> memref<48x128xf32, #tpu.memory_space<vmem_shared>>
      %dma_wait3A_85 = arith.constant 0 : i32
      %dma_wait3A_86 = tpu.memref_slice %arg6[%add3A_67, %dma_wait3A_85] : memref<10008x128xf32, #tpu.memory_space<vmem_shared>> -> memref<48x128xf32, #tpu.memory_space<vmem_shared>>
      tpu.wait_dma2 semaphore(%run_scoped3A : memref<!tpu.dma_semaphore, #tpu.memory_space<semaphore_mem>>) src(%dma_wait3A_86 : memref<48x128xf32, #tpu.memory_space<vmem_shared>>) dst(%arg11 : memref<48x128xf32, #tpu.memory_space<vmem>>)
      tpu.yield
    }) : () -> ()
    "tpu.region"() ({
      %run_scoped3A = tpu.sem_alloc : memref<!tpu.dma_semaphore, #tpu.memory_space<semaphore_mem>>
      %dma_start3A = arith.constant 0 : i32
      %dma_start3A_81 = tpu.memref_slice %arg5[%arg0, %add3A_67, %dma_start3A] : memref<2x10000x128xf32, #tpu.memory_space<hbm>> -> memref<1x48x128xf32, #tpu.memory_space<hbm>>
      %dma_start3A_82 = tpu.memref_squeeze %dma_start3A_81 : memref<1x48x128xf32, #tpu.memory_space<hbm>> -> memref<48x128xf32, #tpu.memory_space<hbm>>
      %dma_start3A_83 = arith.constant 0 : i32
      %dma_start3A_84 = tpu.memref_slice %arg5[%arg0, %add3A_67, %dma_start3A_83] : memref<2x10000x128xf32, #tpu.memory_space<hbm>> -> memref<1x48x128xf32, #tpu.memory_space<hbm>>
      %dma_start3A_85 = tpu.memref_squeeze %dma_start3A_84 : memref<1x48x128xf32, #tpu.memory_space<hbm>> -> memref<48x128xf32, #tpu.memory_space<hbm>>
      tpu.enqueue_dma source(%arg11 : memref<48x128xf32, #tpu.memory_space<vmem>>) target(%dma_start3A_85 : memref<48x128xf32, #tpu.memory_space<hbm>>) target_semaphore(%run_scoped3A : memref<!tpu.dma_semaphore, #tpu.memory_space<semaphore_mem>>)
      %dma_wait3A = arith.constant 0 : i32
      %dma_wait3A_86 = tpu.memref_slice %arg5[%arg0, %add3A_67, %dma_wait3A] : memref<2x10000x128xf32, #tpu.memory_space<hbm>> -> memref<1x48x128xf32, #tpu.memory_space<hbm>>
      %dma_wait3A_87 = tpu.memref_squeeze %dma_wait3A_86 : memref<1x48x128xf32, #tpu.memory_space<hbm>> -> memref<48x128xf32, #tpu.memory_space<hbm>>
      %dma_wait3A_88 = arith.constant 0 : i32
      %dma_wait3A_89 = tpu.memref_slice %arg5[%arg0, %add3A_67, %dma_wait3A_88] : memref<2x10000x128xf32, #tpu.memory_space<hbm>> -> memref<1x48x128xf32, #tpu.memory_space<hbm>>
      %dma_wait3A_90 = tpu.memref_squeeze %dma_wait3A_89 : memref<1x48x128xf32, #tpu.memory_space<hbm>> -> memref<48x128xf32, #tpu.memory_space<hbm>>
      tpu.wait_dma2 semaphore(%run_scoped3A : memref<!tpu.dma_semaphore, #tpu.memory_space<semaphore_mem>>) src(%arg11 : memref<48x128xf32, #tpu.memory_space<vmem>>) dst(%dma_wait3A_90 : memref<48x128xf32, #tpu.memory_space<hbm>>)
      tpu.yield
    }) : () -> ()
    %add3A_68 = arith.constant 432 : i32
    %add3A_69 = arith.addi %mul3A_2, %add3A_68 : i32
    "tpu.region"() ({
      %run_scoped3A = tpu.sem_alloc : memref<!tpu.dma_semaphore, #tpu.memory_space<semaphore_mem>>
      %dma_start3A = arith.constant 0 : i32
      %dma_start3A_81 = tpu.memref_slice %arg6[%add3A_69, %dma_start3A] : memref<10008x128xf32, #tpu.memory_space<vmem_shared>> -> memref<48x128xf32, #tpu.memory_space<vmem_shared>>
      %dma_start3A_82 = arith.constant 0 : i32
      %dma_start3A_83 = tpu.memref_slice %arg6[%add3A_69, %dma_start3A_82] : memref<10008x128xf32, #tpu.memory_space<vmem_shared>> -> memref<48x128xf32, #tpu.memory_space<vmem_shared>>
      tpu.enqueue_dma source(%dma_start3A_83 : memref<48x128xf32, #tpu.memory_space<vmem_shared>>) target(%arg11 : memref<48x128xf32, #tpu.memory_space<vmem>>) target_semaphore(%run_scoped3A : memref<!tpu.dma_semaphore, #tpu.memory_space<semaphore_mem>>)
      %dma_wait3A = arith.constant 0 : i32
      %dma_wait3A_84 = tpu.memref_slice %arg6[%add3A_69, %dma_wait3A] : memref<10008x128xf32, #tpu.memory_space<vmem_shared>> -> memref<48x128xf32, #tpu.memory_space<vmem_shared>>
      %dma_wait3A_85 = arith.constant 0 : i32
      %dma_wait3A_86 = tpu.memref_slice %arg6[%add3A_69, %dma_wait3A_85] : memref<10008x128xf32, #tpu.memory_space<vmem_shared>> -> memref<48x128xf32, #tpu.memory_space<vmem_shared>>
      tpu.wait_dma2 semaphore(%run_scoped3A : memref<!tpu.dma_semaphore, #tpu.memory_space<semaphore_mem>>) src(%dma_wait3A_86 : memref<48x128xf32, #tpu.memory_space<vmem_shared>>) dst(%arg11 : memref<48x128xf32, #tpu.memory_space<vmem>>)
      tpu.yield
    }) : () -> ()
    "tpu.region"() ({
      %run_scoped3A = tpu.sem_alloc : memref<!tpu.dma_semaphore, #tpu.memory_space<semaphore_mem>>
      %dma_start3A = arith.constant 0 : i32
      %dma_start3A_81 = tpu.memref_slice %arg5[%arg0, %add3A_69, %dma_start3A] : memref<2x10000x128xf32, #tpu.memory_space<hbm>> -> memref<1x48x128xf32, #tpu.memory_space<hbm>>
      %dma_start3A_82 = tpu.memref_squeeze %dma_start3A_81 : memref<1x48x128xf32, #tpu.memory_space<hbm>> -> memref<48x128xf32, #tpu.memory_space<hbm>>
      %dma_start3A_83 = arith.constant 0 : i32
      %dma_start3A_84 = tpu.memref_slice %arg5[%arg0, %add3A_69, %dma_start3A_83] : memref<2x10000x128xf32, #tpu.memory_space<hbm>> -> memref<1x48x128xf32, #tpu.memory_space<hbm>>
      %dma_start3A_85 = tpu.memref_squeeze %dma_start3A_84 : memref<1x48x128xf32, #tpu.memory_space<hbm>> -> memref<48x128xf32, #tpu.memory_space<hbm>>
      tpu.enqueue_dma source(%arg11 : memref<48x128xf32, #tpu.memory_space<vmem>>) target(%dma_start3A_85 : memref<48x128xf32, #tpu.memory_space<hbm>>) target_semaphore(%run_scoped3A : memref<!tpu.dma_semaphore, #tpu.memory_space<semaphore_mem>>)
      %dma_wait3A = arith.constant 0 : i32
      %dma_wait3A_86 = tpu.memref_slice %arg5[%arg0, %add3A_69, %dma_wait3A] : memref<2x10000x128xf32, #tpu.memory_space<hbm>> -> memref<1x48x128xf32, #tpu.memory_space<hbm>>
      %dma_wait3A_87 = tpu.memref_squeeze %dma_wait3A_86 : memref<1x48x128xf32, #tpu.memory_space<hbm>> -> memref<48x128xf32, #tpu.memory_space<hbm>>
      %dma_wait3A_88 = arith.constant 0 : i32
      %dma_wait3A_89 = tpu.memref_slice %arg5[%arg0, %add3A_69, %dma_wait3A_88] : memref<2x10000x128xf32, #tpu.memory_space<hbm>> -> memref<1x48x128xf32, #tpu.memory_space<hbm>>
      %dma_wait3A_90 = tpu.memref_squeeze %dma_wait3A_89 : memref<1x48x128xf32, #tpu.memory_space<hbm>> -> memref<48x128xf32, #tpu.memory_space<hbm>>
      tpu.wait_dma2 semaphore(%run_scoped3A : memref<!tpu.dma_semaphore, #tpu.memory_space<semaphore_mem>>) src(%arg11 : memref<48x128xf32, #tpu.memory_space<vmem>>) dst(%dma_wait3A_90 : memref<48x128xf32, #tpu.memory_space<hbm>>)
      tpu.yield
    }) : () -> ()
    %add3A_70 = arith.constant 480 : i32
    %add3A_71 = arith.addi %mul3A_2, %add3A_70 : i32
    "tpu.region"() ({
      %run_scoped3A = tpu.sem_alloc : memref<!tpu.dma_semaphore, #tpu.memory_space<semaphore_mem>>
      %dma_start3A = arith.constant 0 : i32
      %dma_start3A_81 = tpu.memref_slice %arg6[%add3A_71, %dma_start3A] : memref<10008x128xf32, #tpu.memory_space<vmem_shared>> -> memref<48x128xf32, #tpu.memory_space<vmem_shared>>
      %dma_start3A_82 = arith.constant 0 : i32
      %dma_start3A_83 = tpu.memref_slice %arg6[%add3A_71, %dma_start3A_82] : memref<10008x128xf32, #tpu.memory_space<vmem_shared>> -> memref<48x128xf32, #tpu.memory_space<vmem_shared>>
      tpu.enqueue_dma source(%dma_start3A_83 : memref<48x128xf32, #tpu.memory_space<vmem_shared>>) target(%arg11 : memref<48x128xf32, #tpu.memory_space<vmem>>) target_semaphore(%run_scoped3A : memref<!tpu.dma_semaphore, #tpu.memory_space<semaphore_mem>>)
      %dma_wait3A = arith.constant 0 : i32
      %dma_wait3A_84 = tpu.memref_slice %arg6[%add3A_71, %dma_wait3A] : memref<10008x128xf32, #tpu.memory_space<vmem_shared>> -> memref<48x128xf32, #tpu.memory_space<vmem_shared>>
      %dma_wait3A_85 = arith.constant 0 : i32
      %dma_wait3A_86 = tpu.memref_slice %arg6[%add3A_71, %dma_wait3A_85] : memref<10008x128xf32, #tpu.memory_space<vmem_shared>> -> memref<48x128xf32, #tpu.memory_space<vmem_shared>>
      tpu.wait_dma2 semaphore(%run_scoped3A : memref<!tpu.dma_semaphore, #tpu.memory_space<semaphore_mem>>) src(%dma_wait3A_86 : memref<48x128xf32, #tpu.memory_space<vmem_shared>>) dst(%arg11 : memref<48x128xf32, #tpu.memory_space<vmem>>)
      tpu.yield
    }) : () -> ()
    "tpu.region"() ({
      %run_scoped3A = tpu.sem_alloc : memref<!tpu.dma_semaphore, #tpu.memory_space<semaphore_mem>>
      %dma_start3A = arith.constant 0 : i32
      %dma_start3A_81 = tpu.memref_slice %arg5[%arg0, %add3A_71, %dma_start3A] : memref<2x10000x128xf32, #tpu.memory_space<hbm>> -> memref<1x48x128xf32, #tpu.memory_space<hbm>>
      %dma_start3A_82 = tpu.memref_squeeze %dma_start3A_81 : memref<1x48x128xf32, #tpu.memory_space<hbm>> -> memref<48x128xf32, #tpu.memory_space<hbm>>
      %dma_start3A_83 = arith.constant 0 : i32
      %dma_start3A_84 = tpu.memref_slice %arg5[%arg0, %add3A_71, %dma_start3A_83] : memref<2x10000x128xf32, #tpu.memory_space<hbm>> -> memref<1x48x128xf32, #tpu.memory_space<hbm>>
      %dma_start3A_85 = tpu.memref_squeeze %dma_start3A_84 : memref<1x48x128xf32, #tpu.memory_space<hbm>> -> memref<48x128xf32, #tpu.memory_space<hbm>>
      tpu.enqueue_dma source(%arg11 : memref<48x128xf32, #tpu.memory_space<vmem>>) target(%dma_start3A_85 : memref<48x128xf32, #tpu.memory_space<hbm>>) target_semaphore(%run_scoped3A : memref<!tpu.dma_semaphore, #tpu.memory_space<semaphore_mem>>)
      %dma_wait3A = arith.constant 0 : i32
      %dma_wait3A_86 = tpu.memref_slice %arg5[%arg0, %add3A_71, %dma_wait3A] : memref<2x10000x128xf32, #tpu.memory_space<hbm>> -> memref<1x48x128xf32, #tpu.memory_space<hbm>>
      %dma_wait3A_87 = tpu.memref_squeeze %dma_wait3A_86 : memref<1x48x128xf32, #tpu.memory_space<hbm>> -> memref<48x128xf32, #tpu.memory_space<hbm>>
      %dma_wait3A_88 = arith.constant 0 : i32
      %dma_wait3A_89 = tpu.memref_slice %arg5[%arg0, %add3A_71, %dma_wait3A_88] : memref<2x10000x128xf32, #tpu.memory_space<hbm>> -> memref<1x48x128xf32, #tpu.memory_space<hbm>>
      %dma_wait3A_90 = tpu.memref_squeeze %dma_wait3A_89 : memref<1x48x128xf32, #tpu.memory_space<hbm>> -> memref<48x128xf32, #tpu.memory_space<hbm>>
      tpu.wait_dma2 semaphore(%run_scoped3A : memref<!tpu.dma_semaphore, #tpu.memory_space<semaphore_mem>>) src(%arg11 : memref<48x128xf32, #tpu.memory_space<vmem>>) dst(%dma_wait3A_90 : memref<48x128xf32, #tpu.memory_space<hbm>>)
      tpu.yield
    }) : () -> ()
    %add3A_72 = arith.constant 528 : i32
    %add3A_73 = arith.addi %mul3A_2, %add3A_72 : i32
    "tpu.region"() ({
      %run_scoped3A = tpu.sem_alloc : memref<!tpu.dma_semaphore, #tpu.memory_space<semaphore_mem>>
      %dma_start3A = arith.constant 0 : i32
      %dma_start3A_81 = tpu.memref_slice %arg6[%add3A_73, %dma_start3A] : memref<10008x128xf32, #tpu.memory_space<vmem_shared>> -> memref<48x128xf32, #tpu.memory_space<vmem_shared>>
      %dma_start3A_82 = arith.constant 0 : i32
      %dma_start3A_83 = tpu.memref_slice %arg6[%add3A_73, %dma_start3A_82] : memref<10008x128xf32, #tpu.memory_space<vmem_shared>> -> memref<48x128xf32, #tpu.memory_space<vmem_shared>>
      tpu.enqueue_dma source(%dma_start3A_83 : memref<48x128xf32, #tpu.memory_space<vmem_shared>>) target(%arg11 : memref<48x128xf32, #tpu.memory_space<vmem>>) target_semaphore(%run_scoped3A : memref<!tpu.dma_semaphore, #tpu.memory_space<semaphore_mem>>)
      %dma_wait3A = arith.constant 0 : i32
      %dma_wait3A_84 = tpu.memref_slice %arg6[%add3A_73, %dma_wait3A] : memref<10008x128xf32, #tpu.memory_space<vmem_shared>> -> memref<48x128xf32, #tpu.memory_space<vmem_shared>>
      %dma_wait3A_85 = arith.constant 0 : i32
      %dma_wait3A_86 = tpu.memref_slice %arg6[%add3A_73, %dma_wait3A_85] : memref<10008x128xf32, #tpu.memory_space<vmem_shared>> -> memref<48x128xf32, #tpu.memory_space<vmem_shared>>
      tpu.wait_dma2 semaphore(%run_scoped3A : memref<!tpu.dma_semaphore, #tpu.memory_space<semaphore_mem>>) src(%dma_wait3A_86 : memref<48x128xf32, #tpu.memory_space<vmem_shared>>) dst(%arg11 : memref<48x128xf32, #tpu.memory_space<vmem>>)
      tpu.yield
    }) : () -> ()
    "tpu.region"() ({
      %run_scoped3A = tpu.sem_alloc : memref<!tpu.dma_semaphore, #tpu.memory_space<semaphore_mem>>
      %dma_start3A = arith.constant 0 : i32
      %dma_start3A_81 = tpu.memref_slice %arg5[%arg0, %add3A_73, %dma_start3A] : memref<2x10000x128xf32, #tpu.memory_space<hbm>> -> memref<1x48x128xf32, #tpu.memory_space<hbm>>
      %dma_start3A_82 = tpu.memref_squeeze %dma_start3A_81 : memref<1x48x128xf32, #tpu.memory_space<hbm>> -> memref<48x128xf32, #tpu.memory_space<hbm>>
      %dma_start3A_83 = arith.constant 0 : i32
      %dma_start3A_84 = tpu.memref_slice %arg5[%arg0, %add3A_73, %dma_start3A_83] : memref<2x10000x128xf32, #tpu.memory_space<hbm>> -> memref<1x48x128xf32, #tpu.memory_space<hbm>>
      %dma_start3A_85 = tpu.memref_squeeze %dma_start3A_84 : memref<1x48x128xf32, #tpu.memory_space<hbm>> -> memref<48x128xf32, #tpu.memory_space<hbm>>
      tpu.enqueue_dma source(%arg11 : memref<48x128xf32, #tpu.memory_space<vmem>>) target(%dma_start3A_85 : memref<48x128xf32, #tpu.memory_space<hbm>>) target_semaphore(%run_scoped3A : memref<!tpu.dma_semaphore, #tpu.memory_space<semaphore_mem>>)
      %dma_wait3A = arith.constant 0 : i32
      %dma_wait3A_86 = tpu.memref_slice %arg5[%arg0, %add3A_73, %dma_wait3A] : memref<2x10000x128xf32, #tpu.memory_space<hbm>> -> memref<1x48x128xf32, #tpu.memory_space<hbm>>
      %dma_wait3A_87 = tpu.memref_squeeze %dma_wait3A_86 : memref<1x48x128xf32, #tpu.memory_space<hbm>> -> memref<48x128xf32, #tpu.memory_space<hbm>>
      %dma_wait3A_88 = arith.constant 0 : i32
      %dma_wait3A_89 = tpu.memref_slice %arg5[%arg0, %add3A_73, %dma_wait3A_88] : memref<2x10000x128xf32, #tpu.memory_space<hbm>> -> memref<1x48x128xf32, #tpu.memory_space<hbm>>
      %dma_wait3A_90 = tpu.memref_squeeze %dma_wait3A_89 : memref<1x48x128xf32, #tpu.memory_space<hbm>> -> memref<48x128xf32, #tpu.memory_space<hbm>>
      tpu.wait_dma2 semaphore(%run_scoped3A : memref<!tpu.dma_semaphore, #tpu.memory_space<semaphore_mem>>) src(%arg11 : memref<48x128xf32, #tpu.memory_space<vmem>>) dst(%dma_wait3A_90 : memref<48x128xf32, #tpu.memory_space<hbm>>)
      tpu.yield
    }) : () -> ()
    %add3A_74 = arith.constant 576 : i32
    %add3A_75 = arith.addi %mul3A_2, %add3A_74 : i32
    "tpu.region"() ({
      %run_scoped3A = tpu.sem_alloc : memref<!tpu.dma_semaphore, #tpu.memory_space<semaphore_mem>>
      %dma_start3A = arith.constant 0 : i32
      %dma_start3A_81 = tpu.memref_slice %arg6[%add3A_75, %dma_start3A] : memref<10008x128xf32, #tpu.memory_space<vmem_shared>> -> memref<48x128xf32, #tpu.memory_space<vmem_shared>>
      %dma_start3A_82 = arith.constant 0 : i32
      %dma_start3A_83 = tpu.memref_slice %arg6[%add3A_75, %dma_start3A_82] : memref<10008x128xf32, #tpu.memory_space<vmem_shared>> -> memref<48x128xf32, #tpu.memory_space<vmem_shared>>
      tpu.enqueue_dma source(%dma_start3A_83 : memref<48x128xf32, #tpu.memory_space<vmem_shared>>) target(%arg11 : memref<48x128xf32, #tpu.memory_space<vmem>>) target_semaphore(%run_scoped3A : memref<!tpu.dma_semaphore, #tpu.memory_space<semaphore_mem>>)
      %dma_wait3A = arith.constant 0 : i32
      %dma_wait3A_84 = tpu.memref_slice %arg6[%add3A_75, %dma_wait3A] : memref<10008x128xf32, #tpu.memory_space<vmem_shared>> -> memref<48x128xf32, #tpu.memory_space<vmem_shared>>
      %dma_wait3A_85 = arith.constant 0 : i32
      %dma_wait3A_86 = tpu.memref_slice %arg6[%add3A_75, %dma_wait3A_85] : memref<10008x128xf32, #tpu.memory_space<vmem_shared>> -> memref<48x128xf32, #tpu.memory_space<vmem_shared>>
      tpu.wait_dma2 semaphore(%run_scoped3A : memref<!tpu.dma_semaphore, #tpu.memory_space<semaphore_mem>>) src(%dma_wait3A_86 : memref<48x128xf32, #tpu.memory_space<vmem_shared>>) dst(%arg11 : memref<48x128xf32, #tpu.memory_space<vmem>>)
      tpu.yield
    }) : () -> ()
    "tpu.region"() ({
      %run_scoped3A = tpu.sem_alloc : memref<!tpu.dma_semaphore, #tpu.memory_space<semaphore_mem>>
      %dma_start3A = arith.constant 0 : i32
      %dma_start3A_81 = tpu.memref_slice %arg5[%arg0, %add3A_75, %dma_start3A] : memref<2x10000x128xf32, #tpu.memory_space<hbm>> -> memref<1x48x128xf32, #tpu.memory_space<hbm>>
      %dma_start3A_82 = tpu.memref_squeeze %dma_start3A_81 : memref<1x48x128xf32, #tpu.memory_space<hbm>> -> memref<48x128xf32, #tpu.memory_space<hbm>>
      %dma_start3A_83 = arith.constant 0 : i32
      %dma_start3A_84 = tpu.memref_slice %arg5[%arg0, %add3A_75, %dma_start3A_83] : memref<2x10000x128xf32, #tpu.memory_space<hbm>> -> memref<1x48x128xf32, #tpu.memory_space<hbm>>
      %dma_start3A_85 = tpu.memref_squeeze %dma_start3A_84 : memref<1x48x128xf32, #tpu.memory_space<hbm>> -> memref<48x128xf32, #tpu.memory_space<hbm>>
      tpu.enqueue_dma source(%arg11 : memref<48x128xf32, #tpu.memory_space<vmem>>) target(%dma_start3A_85 : memref<48x128xf32, #tpu.memory_space<hbm>>) target_semaphore(%run_scoped3A : memref<!tpu.dma_semaphore, #tpu.memory_space<semaphore_mem>>)
      %dma_wait3A = arith.constant 0 : i32
      %dma_wait3A_86 = tpu.memref_slice %arg5[%arg0, %add3A_75, %dma_wait3A] : memref<2x10000x128xf32, #tpu.memory_space<hbm>> -> memref<1x48x128xf32, #tpu.memory_space<hbm>>
      %dma_wait3A_87 = tpu.memref_squeeze %dma_wait3A_86 : memref<1x48x128xf32, #tpu.memory_space<hbm>> -> memref<48x128xf32, #tpu.memory_space<hbm>>
      %dma_wait3A_88 = arith.constant 0 : i32
      %dma_wait3A_89 = tpu.memref_slice %arg5[%arg0, %add3A_75, %dma_wait3A_88] : memref<2x10000x128xf32, #tpu.memory_space<hbm>> -> memref<1x48x128xf32, #tpu.memory_space<hbm>>
      %dma_wait3A_90 = tpu.memref_squeeze %dma_wait3A_89 : memref<1x48x128xf32, #tpu.memory_space<hbm>> -> memref<48x128xf32, #tpu.memory_space<hbm>>
      tpu.wait_dma2 semaphore(%run_scoped3A : memref<!tpu.dma_semaphore, #tpu.memory_space<semaphore_mem>>) src(%arg11 : memref<48x128xf32, #tpu.memory_space<vmem>>) dst(%dma_wait3A_90 : memref<48x128xf32, #tpu.memory_space<hbm>>)
      tpu.yield
    }) : () -> ()
    %eq3A_76 = arith.constant 0 : i32
    %eq3A_77 = arith.cmpi eq, %arg1, %eq3A_76 : i32
    %convert_element_type3A_78 = arith.extui %eq3A_77 : i1 to i32
    %cond3A_79 = arith.constant 0 : i32
    %cond3A_80 = arith.cmpi ne, %convert_element_type3A_78, %cond3A_79 : i32
    scf.if %cond3A_80 {
      "tpu.region"() ({
        %run_scoped3A = tpu.sem_alloc : memref<!tpu.dma_semaphore, #tpu.memory_space<semaphore_mem>>
        %dma_start3A = arith.constant 0 : i32
        %dma_start3A_81 = arith.constant 0 : i32
        %dma_start3A_82 = tpu.memref_slice %arg11[%dma_start3A, %dma_start3A_81] : memref<48x128xf32, #tpu.memory_space<vmem>> -> memref<16x128xf32, #tpu.memory_space<vmem>>
        %dma_start3A_83 = arith.constant 9984 : i32
        %dma_start3A_84 = arith.constant 0 : i32
        %dma_start3A_85 = tpu.memref_slice %arg6[%dma_start3A_83, %dma_start3A_84] : memref<10008x128xf32, #tpu.memory_space<vmem_shared>> -> memref<16x128xf32, #tpu.memory_space<vmem_shared>>
        %dma_start3A_86 = arith.constant 0 : i32
        %dma_start3A_87 = arith.constant 0 : i32
        %dma_start3A_88 = tpu.memref_slice %arg11[%dma_start3A_86, %dma_start3A_87] : memref<48x128xf32, #tpu.memory_space<vmem>> -> memref<16x128xf32, #tpu.memory_space<vmem>>
        %dma_start3A_89 = arith.constant 9984 : i32
        %dma_start3A_90 = arith.constant 0 : i32
        %dma_start3A_91 = tpu.memref_slice %arg6[%dma_start3A_89, %dma_start3A_90] : memref<10008x128xf32, #tpu.memory_space<vmem_shared>> -> memref<16x128xf32, #tpu.memory_space<vmem_shared>>
        tpu.enqueue_dma source(%dma_start3A_91 : memref<16x128xf32, #tpu.memory_space<vmem_shared>>) target(%dma_start3A_88 : memref<16x128xf32, #tpu.memory_space<vmem>>) target_semaphore(%run_scoped3A : memref<!tpu.dma_semaphore, #tpu.memory_space<semaphore_mem>>)
        %dma_wait3A = arith.constant 0 : i32
        %dma_wait3A_92 = arith.constant 0 : i32
        %dma_wait3A_93 = tpu.memref_slice %arg11[%dma_wait3A, %dma_wait3A_92] : memref<48x128xf32, #tpu.memory_space<vmem>> -> memref<16x128xf32, #tpu.memory_space<vmem>>
        %dma_wait3A_94 = arith.constant 9984 : i32
        %dma_wait3A_95 = arith.constant 0 : i32
        %dma_wait3A_96 = tpu.memref_slice %arg6[%dma_wait3A_94, %dma_wait3A_95] : memref<10008x128xf32, #tpu.memory_space<vmem_shared>> -> memref<16x128xf32, #tpu.memory_space<vmem_shared>>
        %dma_wait3A_97 = arith.constant 0 : i32
        %dma_wait3A_98 = arith.constant 0 : i32
        %dma_wait3A_99 = tpu.memref_slice %arg11[%dma_wait3A_97, %dma_wait3A_98] : memref<48x128xf32, #tpu.memory_space<vmem>> -> memref<16x128xf32, #tpu.memory_space<vmem>>
        %dma_wait3A_100 = arith.constant 9984 : i32
        %dma_wait3A_101 = arith.constant 0 : i32
        %dma_wait3A_102 = tpu.memref_slice %arg6[%dma_wait3A_100, %dma_wait3A_101] : memref<10008x128xf32, #tpu.memory_space<vmem_shared>> -> memref<16x128xf32, #tpu.memory_space<vmem_shared>>
        tpu.wait_dma2 semaphore(%run_scoped3A : memref<!tpu.dma_semaphore, #tpu.memory_space<semaphore_mem>>) src(%dma_wait3A_102 : memref<16x128xf32, #tpu.memory_space<vmem_shared>>) dst(%dma_wait3A_99 : memref<16x128xf32, #tpu.memory_space<vmem>>)
        tpu.yield
      }) : () -> ()
      "tpu.region"() ({
        %run_scoped3A = tpu.sem_alloc : memref<!tpu.dma_semaphore, #tpu.memory_space<semaphore_mem>>
        %dma_start3A = arith.constant 0 : i32
        %dma_start3A_81 = arith.constant 0 : i32
        %dma_start3A_82 = tpu.memref_slice %arg11[%dma_start3A, %dma_start3A_81] : memref<48x128xf32, #tpu.memory_space<vmem>> -> memref<16x128xf32, #tpu.memory_space<vmem>>
        %dma_start3A_83 = arith.constant 9984 : i32
        %dma_start3A_84 = arith.constant 0 : i32
        %dma_start3A_85 = tpu.memref_slice %arg5[%arg0, %dma_start3A_83, %dma_start3A_84] : memref<2x10000x128xf32, #tpu.memory_space<hbm>> -> memref<1x16x128xf32, #tpu.memory_space<hbm>>
        %dma_start3A_86 = tpu.memref_squeeze %dma_start3A_85 : memref<1x16x128xf32, #tpu.memory_space<hbm>> -> memref<16x128xf32, #tpu.memory_space<hbm>>
        %dma_start3A_87 = arith.constant 9984 : i32
        %dma_start3A_88 = arith.constant 0 : i32
        %dma_start3A_89 = tpu.memref_slice %arg5[%arg0, %dma_start3A_87, %dma_start3A_88] : memref<2x10000x128xf32, #tpu.memory_space<hbm>> -> memref<1x16x128xf32, #tpu.memory_space<hbm>>
        %dma_start3A_90 = tpu.memref_squeeze %dma_start3A_89 : memref<1x16x128xf32, #tpu.memory_space<hbm>> -> memref<16x128xf32, #tpu.memory_space<hbm>>
        %dma_start3A_91 = arith.constant 0 : i32
        %dma_start3A_92 = arith.constant 0 : i32
        %dma_start3A_93 = tpu.memref_slice %arg11[%dma_start3A_91, %dma_start3A_92] : memref<48x128xf32, #tpu.memory_space<vmem>> -> memref<16x128xf32, #tpu.memory_space<vmem>>
        tpu.enqueue_dma source(%dma_start3A_93 : memref<16x128xf32, #tpu.memory_space<vmem>>) target(%dma_start3A_90 : memref<16x128xf32, #tpu.memory_space<hbm>>) target_semaphore(%run_scoped3A : memref<!tpu.dma_semaphore, #tpu.memory_space<semaphore_mem>>)
        %dma_wait3A = arith.constant 0 : i32
        %dma_wait3A_94 = arith.constant 0 : i32
        %dma_wait3A_95 = tpu.memref_slice %arg11[%dma_wait3A, %dma_wait3A_94] : memref<48x128xf32, #tpu.memory_space<vmem>> -> memref<16x128xf32, #tpu.memory_space<vmem>>
        %dma_wait3A_96 = arith.constant 9984 : i32
        %dma_wait3A_97 = arith.constant 0 : i32
        %dma_wait3A_98 = tpu.memref_slice %arg5[%arg0, %dma_wait3A_96, %dma_wait3A_97] : memref<2x10000x128xf32, #tpu.memory_space<hbm>> -> memref<1x16x128xf32, #tpu.memory_space<hbm>>
        %dma_wait3A_99 = tpu.memref_squeeze %dma_wait3A_98 : memref<1x16x128xf32, #tpu.memory_space<hbm>> -> memref<16x128xf32, #tpu.memory_space<hbm>>
        %dma_wait3A_100 = arith.constant 9984 : i32
        %dma_wait3A_101 = arith.constant 0 : i32
        %dma_wait3A_102 = tpu.memref_slice %arg5[%arg0, %dma_wait3A_100, %dma_wait3A_101] : memref<2x10000x128xf32, #tpu.memory_space<hbm>> -> memref<1x16x128xf32, #tpu.memory_space<hbm>>
        %dma_wait3A_103 = tpu.memref_squeeze %dma_wait3A_102 : memref<1x16x128xf32, #tpu.memory_space<hbm>> -> memref<16x128xf32, #tpu.memory_space<hbm>>
        %dma_wait3A_104 = arith.constant 0 : i32
        %dma_wait3A_105 = arith.constant 0 : i32
        %dma_wait3A_106 = tpu.memref_slice %arg11[%dma_wait3A_104, %dma_wait3A_105] : memref<48x128xf32, #tpu.memory_space<vmem>> -> memref<16x128xf32, #tpu.memory_space<vmem>>
        tpu.wait_dma2 semaphore(%run_scoped3A : memref<!tpu.dma_semaphore, #tpu.memory_space<semaphore_mem>>) src(%dma_wait3A_106 : memref<16x128xf32, #tpu.memory_space<vmem>>) dst(%dma_wait3A_103 : memref<16x128xf32, #tpu.memory_space<hbm>>)
        tpu.yield
      }) : () -> ()
    } else {
    }
    return
  }
}

#map = affine_map<(d0, d1) -> (0, 0, 0)>
module attributes {stable_mosaic.version = 14 : i64} {
  func.func @body(%arg0: i32, %arg1: i32, %arg2: memref<32x128x80xi32, #tpu.memory_space<hbm>>, %arg3: memref<2x10000x128xf32, #tpu.memory_space<hbm>>, %arg4: memref<10008x128xf32, #tpu.memory_space<vmem_shared>>, %arg5: memref<128x80xi32, #tpu.memory_space<vmem>>, %arg6: memref<80x128xf32, #tpu.memory_space<vmem>>, %arg7: memref<48x128xf32, #tpu.memory_space<vmem>>) attributes {dimension_semantics = [#tpu.dimension_semantics<core_parallel>, #tpu.dimension_semantics<subcore_parallel>], iteration_bounds = array<i64: 2, 16>, scalar_prefetch = 0 : i64, scratch_operands = 4 : i64, tpu.core_type = #tpu.core_type<sc_vector_subcore>, window_params = [{transform_indices = #map}, {transform_indices = #map}]} {
    %mul3A = arith.constant 2 : i32
    %mul3A_0 = arith.muli %arg1, %mul3A : i32
    %add3A = arith.addi %mul3A_0, %arg0 : i32
    %mul3A_1 = arith.constant 624 : i32
    %mul3A_2 = arith.muli %arg1, %mul3A_1 : i32
    "tpu.region"() ({
      %run_scoped3A = tpu.sem_alloc : memref<!tpu.dma_semaphore, #tpu.memory_space<semaphore_mem>>
      %dma_start3A = arith.constant 0 : i32
      %dma_start3A_83 = arith.constant 0 : i32
      %dma_start3A_84 = tpu.memref_slice %arg2[%add3A, %dma_start3A, %dma_start3A_83] : memref<32x128x80xi32, #tpu.memory_space<hbm>> -> memref<1x128x80xi32, #tpu.memory_space<hbm>>
      %dma_start3A_85 = tpu.memref_squeeze %dma_start3A_84 : memref<1x128x80xi32, #tpu.memory_space<hbm>> -> memref<128x80xi32, #tpu.memory_space<hbm>>
      %dma_start3A_86 = arith.constant 0 : i32
      %dma_start3A_87 = arith.constant 0 : i32
      %dma_start3A_88 = tpu.memref_slice %arg2[%add3A, %dma_start3A_86, %dma_start3A_87] : memref<32x128x80xi32, #tpu.memory_space<hbm>> -> memref<1x128x80xi32, #tpu.memory_space<hbm>>
      %dma_start3A_89 = tpu.memref_squeeze %dma_start3A_88 : memref<1x128x80xi32, #tpu.memory_space<hbm>> -> memref<128x80xi32, #tpu.memory_space<hbm>>
      tpu.enqueue_dma source(%dma_start3A_89 : memref<128x80xi32, #tpu.memory_space<hbm>>) target(%arg5 : memref<128x80xi32, #tpu.memory_space<vmem>>) target_semaphore(%run_scoped3A : memref<!tpu.dma_semaphore, #tpu.memory_space<semaphore_mem>>)
      %dma_wait3A = arith.constant 0 : i32
      %dma_wait3A_90 = arith.constant 0 : i32
      %dma_wait3A_91 = tpu.memref_slice %arg2[%add3A, %dma_wait3A, %dma_wait3A_90] : memref<32x128x80xi32, #tpu.memory_space<hbm>> -> memref<1x128x80xi32, #tpu.memory_space<hbm>>
      %dma_wait3A_92 = tpu.memref_squeeze %dma_wait3A_91 : memref<1x128x80xi32, #tpu.memory_space<hbm>> -> memref<128x80xi32, #tpu.memory_space<hbm>>
      %dma_wait3A_93 = arith.constant 0 : i32
      %dma_wait3A_94 = arith.constant 0 : i32
      %dma_wait3A_95 = tpu.memref_slice %arg2[%add3A, %dma_wait3A_93, %dma_wait3A_94] : memref<32x128x80xi32, #tpu.memory_space<hbm>> -> memref<1x128x80xi32, #tpu.memory_space<hbm>>
      %dma_wait3A_96 = tpu.memref_squeeze %dma_wait3A_95 : memref<1x128x80xi32, #tpu.memory_space<hbm>> -> memref<128x80xi32, #tpu.memory_space<hbm>>
      tpu.wait_dma2 semaphore(%run_scoped3A : memref<!tpu.dma_semaphore, #tpu.memory_space<semaphore_mem>>) src(%dma_wait3A_96 : memref<128x80xi32, #tpu.memory_space<hbm>>) dst(%arg5 : memref<128x80xi32, #tpu.memory_space<vmem>>)
      tpu.yield
    }) : () -> ()
    %broadcast_in_dim3A = arith.constant 0.000000e+00 : f32
    %broadcast_in_dim3A_3 = vector.broadcast %broadcast_in_dim3A : f32 to vector<16xf32>
    %broadcast_in_dim3A_4 = arith.constant 1.000000e+00 : f32
    %broadcast_in_dim3A_5 = vector.broadcast %broadcast_in_dim3A_4 : f32 to vector<16xf32>
    %scan3A = arith.constant 0 : i32
    %scan3A_6 = arith.constant 0 : i32
    %scan3A_7 = arith.constant 80 : i32
    %scan3A_8 = arith.addi %scan3A_6, %scan3A_7 : i32
    %scan3A_9 = arith.constant 1 : i32
    scf.for %scan3A_83 = %scan3A_6 to %scan3A_8 step %scan3A_9  : i32 {
      %swap3A = arith.index_cast %scan3A_83 : i32 to index
      %swap3A_84 = arith.constant 0 : index
      %swap3A_85 = tpu.vector_load %arg6[%swap3A, %swap3A_84] {strides = array<i32>} : memref<80x128xf32, #tpu.memory_space<vmem>>, vector<1x16xf32>,
      %swap3A_86 = vector.shape_cast %swap3A_85 : vector<1x16xf32> to vector<16xf32>
      %swap3A_87 = vector.shape_cast %broadcast_in_dim3A_5 : vector<16xf32> to vector<1x16xf32>
      tpu.vector_store %arg6[%swap3A, %swap3A_84], %swap3A_87 {strides = array<i32>} : memref<80x128xf32, #tpu.memory_space<vmem>>, vector<1x16xf32>,
      %swap3A_88 = arith.index_cast %scan3A_83 : i32 to index
      %swap3A_89 = arith.constant 16 : index
      %swap3A_90 = tpu.vector_load %arg6[%swap3A_88, %swap3A_89] {strides = array<i32>} : memref<80x128xf32, #tpu.memory_space<vmem>>, vector<1x16xf32>,
      %swap3A_91 = vector.shape_cast %swap3A_90 : vector<1x16xf32> to vector<16xf32>
      %swap3A_92 = vector.shape_cast %broadcast_in_dim3A_5 : vector<16xf32> to vector<1x16xf32>
      tpu.vector_store %arg6[%swap3A_88, %swap3A_89], %swap3A_92 {strides = array<i32>} : memref<80x128xf32, #tpu.memory_space<vmem>>, vector<1x16xf32>,
      %swap3A_93 = arith.index_cast %scan3A_83 : i32 to index
      %swap3A_94 = arith.constant 32 : index
      %swap3A_95 = tpu.vector_load %arg6[%swap3A_93, %swap3A_94] {strides = array<i32>} : memref<80x128xf32, #tpu.memory_space<vmem>>, vector<1x16xf32>,
      %swap3A_96 = vector.shape_cast %swap3A_95 : vector<1x16xf32> to vector<16xf32>
      %swap3A_97 = vector.shape_cast %broadcast_in_dim3A_5 : vector<16xf32> to vector<1x16xf32>
      tpu.vector_store %arg6[%swap3A_93, %swap3A_94], %swap3A_97 {strides = array<i32>} : memref<80x128xf32, #tpu.memory_space<vmem>>, vector<1x16xf32>,
      %swap3A_98 = arith.index_cast %scan3A_83 : i32 to index
      %swap3A_99 = arith.constant 48 : index
      %swap3A_100 = tpu.vector_load %arg6[%swap3A_98, %swap3A_99] {strides = array<i32>} : memref<80x128xf32, #tpu.memory_space<vmem>>, vector<1x16xf32>,
      %swap3A_101 = vector.shape_cast %swap3A_100 : vector<1x16xf32> to vector<16xf32>
      %swap3A_102 = vector.shape_cast %broadcast_in_dim3A_5 : vector<16xf32> to vector<1x16xf32>
      tpu.vector_store %arg6[%swap3A_98, %swap3A_99], %swap3A_102 {strides = array<i32>} : memref<80x128xf32, #tpu.memory_space<vmem>>, vector<1x16xf32>,
      %swap3A_103 = arith.index_cast %scan3A_83 : i32 to index
      %swap3A_104 = arith.constant 64 : index
      %swap3A_105 = tpu.vector_load %arg6[%swap3A_103, %swap3A_104] {strides = array<i32>} : memref<80x128xf32, #tpu.memory_space<vmem>>, vector<1x16xf32>,
      %swap3A_106 = vector.shape_cast %swap3A_105 : vector<1x16xf32> to vector<16xf32>
      %swap3A_107 = vector.shape_cast %broadcast_in_dim3A_5 : vector<16xf32> to vector<1x16xf32>
      tpu.vector_store %arg6[%swap3A_103, %swap3A_104], %swap3A_107 {strides = array<i32>} : memref<80x128xf32, #tpu.memory_space<vmem>>, vector<1x16xf32>,
      %swap3A_108 = arith.index_cast %scan3A_83 : i32 to index
      %swap3A_109 = arith.constant 80 : index
      %swap3A_110 = tpu.vector_load %arg6[%swap3A_108, %swap3A_109] {strides = array<i32>} : memref<80x128xf32, #tpu.memory_space<vmem>>, vector<1x16xf32>,
      %swap3A_111 = vector.shape_cast %swap3A_110 : vector<1x16xf32> to vector<16xf32>
      %swap3A_112 = vector.shape_cast %broadcast_in_dim3A_5 : vector<16xf32> to vector<1x16xf32>
      tpu.vector_store %arg6[%swap3A_108, %swap3A_109], %swap3A_112 {strides = array<i32>} : memref<80x128xf32, #tpu.memory_space<vmem>>, vector<1x16xf32>,
      %swap3A_113 = arith.index_cast %scan3A_83 : i32 to index
      %swap3A_114 = arith.constant 96 : index
      %swap3A_115 = tpu.vector_load %arg6[%swap3A_113, %swap3A_114] {strides = array<i32>} : memref<80x128xf32, #tpu.memory_space<vmem>>, vector<1x16xf32>,
      %swap3A_116 = vector.shape_cast %swap3A_115 : vector<1x16xf32> to vector<16xf32>
      %swap3A_117 = vector.shape_cast %broadcast_in_dim3A_5 : vector<16xf32> to vector<1x16xf32>
      tpu.vector_store %arg6[%swap3A_113, %swap3A_114], %swap3A_117 {strides = array<i32>} : memref<80x128xf32, #tpu.memory_space<vmem>>, vector<1x16xf32>,
      %swap3A_118 = arith.index_cast %scan3A_83 : i32 to index
      %swap3A_119 = arith.constant 112 : index
      %swap3A_120 = tpu.vector_load %arg6[%swap3A_118, %swap3A_119] {strides = array<i32>} : memref<80x128xf32, #tpu.memory_space<vmem>>, vector<1x16xf32>,
      %swap3A_121 = vector.shape_cast %swap3A_120 : vector<1x16xf32> to vector<16xf32>
      %swap3A_122 = vector.shape_cast %broadcast_in_dim3A_5 : vector<16xf32> to vector<1x16xf32>
      tpu.vector_store %arg6[%swap3A_118, %swap3A_119], %swap3A_122 {strides = array<i32>} : memref<80x128xf32, #tpu.memory_space<vmem>>, vector<1x16xf32>,
    }
    %scan3A_10 = arith.constant 80 : i32
    %scan3A_11 = arith.constant 0 : i32
    %scan3A_12 = arith.constant 0 : i32
    %scan3A_13 = arith.constant 48 : i32
    %scan3A_14 = arith.addi %scan3A_12, %scan3A_13 : i32
    %scan3A_15 = arith.constant 1 : i32
    scf.for %scan3A_83 = %scan3A_12 to %scan3A_14 step %scan3A_15  : i32 {
      %swap3A = arith.index_cast %scan3A_83 : i32 to index
      %swap3A_84 = arith.constant 0 : index
      %swap3A_85 = tpu.vector_load %arg7[%swap3A, %swap3A_84] {strides = array<i32>} : memref<48x128xf32, #tpu.memory_space<vmem>>, vector<1x16xf32>,
      %swap3A_86 = vector.shape_cast %swap3A_85 : vector<1x16xf32> to vector<16xf32>
      %swap3A_87 = vector.shape_cast %broadcast_in_dim3A_3 : vector<16xf32> to vector<1x16xf32>
      tpu.vector_store %arg7[%swap3A, %swap3A_84], %swap3A_87 {strides = array<i32>} : memref<48x128xf32, #tpu.memory_space<vmem>>, vector<1x16xf32>,
      %swap3A_88 = arith.index_cast %scan3A_83 : i32 to index
      %swap3A_89 = arith.constant 16 : index
      %swap3A_90 = tpu.vector_load %arg7[%swap3A_88, %swap3A_89] {strides = array<i32>} : memref<48x128xf32, #tpu.memory_space<vmem>>, vector<1x16xf32>,
      %swap3A_91 = vector.shape_cast %swap3A_90 : vector<1x16xf32> to vector<16xf32>
      %swap3A_92 = vector.shape_cast %broadcast_in_dim3A_3 : vector<16xf32> to vector<1x16xf32>
      tpu.vector_store %arg7[%swap3A_88, %swap3A_89], %swap3A_92 {strides = array<i32>} : memref<48x128xf32, #tpu.memory_space<vmem>>, vector<1x16xf32>,
      %swap3A_93 = arith.index_cast %scan3A_83 : i32 to index
      %swap3A_94 = arith.constant 32 : index
      %swap3A_95 = tpu.vector_load %arg7[%swap3A_93, %swap3A_94] {strides = array<i32>} : memref<48x128xf32, #tpu.memory_space<vmem>>, vector<1x16xf32>,
      %swap3A_96 = vector.shape_cast %swap3A_95 : vector<1x16xf32> to vector<16xf32>
      %swap3A_97 = vector.shape_cast %broadcast_in_dim3A_3 : vector<16xf32> to vector<1x16xf32>
      tpu.vector_store %arg7[%swap3A_93, %swap3A_94], %swap3A_97 {strides = array<i32>} : memref<48x128xf32, #tpu.memory_space<vmem>>, vector<1x16xf32>,
      %swap3A_98 = arith.index_cast %scan3A_83 : i32 to index
      %swap3A_99 = arith.constant 48 : index
      %swap3A_100 = tpu.vector_load %arg7[%swap3A_98, %swap3A_99] {strides = array<i32>} : memref<48x128xf32, #tpu.memory_space<vmem>>, vector<1x16xf32>,
      %swap3A_101 = vector.shape_cast %swap3A_100 : vector<1x16xf32> to vector<16xf32>
      %swap3A_102 = vector.shape_cast %broadcast_in_dim3A_3 : vector<16xf32> to vector<1x16xf32>
      tpu.vector_store %arg7[%swap3A_98, %swap3A_99], %swap3A_102 {strides = array<i32>} : memref<48x128xf32, #tpu.memory_space<vmem>>, vector<1x16xf32>,
      %swap3A_103 = arith.index_cast %scan3A_83 : i32 to index
      %swap3A_104 = arith.constant 64 : index
      %swap3A_105 = tpu.vector_load %arg7[%swap3A_103, %swap3A_104] {strides = array<i32>} : memref<48x128xf32, #tpu.memory_space<vmem>>, vector<1x16xf32>,
      %swap3A_106 = vector.shape_cast %swap3A_105 : vector<1x16xf32> to vector<16xf32>
      %swap3A_107 = vector.shape_cast %broadcast_in_dim3A_3 : vector<16xf32> to vector<1x16xf32>
      tpu.vector_store %arg7[%swap3A_103, %swap3A_104], %swap3A_107 {strides = array<i32>} : memref<48x128xf32, #tpu.memory_space<vmem>>, vector<1x16xf32>,
      %swap3A_108 = arith.index_cast %scan3A_83 : i32 to index
      %swap3A_109 = arith.constant 80 : index
      %swap3A_110 = tpu.vector_load %arg7[%swap3A_108, %swap3A_109] {strides = array<i32>} : memref<48x128xf32, #tpu.memory_space<vmem>>, vector<1x16xf32>,
      %swap3A_111 = vector.shape_cast %swap3A_110 : vector<1x16xf32> to vector<16xf32>
      %swap3A_112 = vector.shape_cast %broadcast_in_dim3A_3 : vector<16xf32> to vector<1x16xf32>
      tpu.vector_store %arg7[%swap3A_108, %swap3A_109], %swap3A_112 {strides = array<i32>} : memref<48x128xf32, #tpu.memory_space<vmem>>, vector<1x16xf32>,
      %swap3A_113 = arith.index_cast %scan3A_83 : i32 to index
      %swap3A_114 = arith.constant 96 : index
      %swap3A_115 = tpu.vector_load %arg7[%swap3A_113, %swap3A_114] {strides = array<i32>} : memref<48x128xf32, #tpu.memory_space<vmem>>, vector<1x16xf32>,
      %swap3A_116 = vector.shape_cast %swap3A_115 : vector<1x16xf32> to vector<16xf32>
      %swap3A_117 = vector.shape_cast %broadcast_in_dim3A_3 : vector<16xf32> to vector<1x16xf32>
      tpu.vector_store %arg7[%swap3A_113, %swap3A_114], %swap3A_117 {strides = array<i32>} : memref<48x128xf32, #tpu.memory_space<vmem>>, vector<1x16xf32>,
      %swap3A_118 = arith.index_cast %scan3A_83 : i32 to index
      %swap3A_119 = arith.constant 112 : index
      %swap3A_120 = tpu.vector_load %arg7[%swap3A_118, %swap3A_119] {strides = array<i32>} : memref<48x128xf32, #tpu.memory_space<vmem>>, vector<1x16xf32>,
      %swap3A_121 = vector.shape_cast %swap3A_120 : vector<1x16xf32> to vector<16xf32>
      %swap3A_122 = vector.shape_cast %broadcast_in_dim3A_3 : vector<16xf32> to vector<1x16xf32>
      tpu.vector_store %arg7[%swap3A_118, %swap3A_119], %swap3A_122 {strides = array<i32>} : memref<48x128xf32, #tpu.memory_space<vmem>>, vector<1x16xf32>,
    }
    %scan3A_16 = arith.constant 48 : i32
    %add3A_17 = arith.constant 0 : i32
    %add3A_18 = arith.addi %mul3A_2, %add3A_17 : i32
    "tpu.region"() ({
      %run_scoped3A = tpu.sem_alloc : memref<!tpu.dma_semaphore, #tpu.memory_space<semaphore_mem>>
      %dma_start3A = arith.constant 0 : i32
      %dma_start3A_83 = tpu.memref_slice %arg4[%add3A_18, %dma_start3A] : memref<10008x128xf32, #tpu.memory_space<vmem_shared>> -> memref<48x128xf32, #tpu.memory_space<vmem_shared>>
      %dma_start3A_84 = arith.constant 0 : i32
      %dma_start3A_85 = tpu.memref_slice %arg4[%add3A_18, %dma_start3A_84] : memref<10008x128xf32, #tpu.memory_space<vmem_shared>> -> memref<48x128xf32, #tpu.memory_space<vmem_shared>>
      tpu.enqueue_dma source(%arg7 : memref<48x128xf32, #tpu.memory_space<vmem>>) target(%dma_start3A_85 : memref<48x128xf32, #tpu.memory_space<vmem_shared>>) target_semaphore(%run_scoped3A : memref<!tpu.dma_semaphore, #tpu.memory_space<semaphore_mem>>)
      %dma_wait3A = arith.constant 0 : i32
      %dma_wait3A_86 = tpu.memref_slice %arg4[%add3A_18, %dma_wait3A] : memref<10008x128xf32, #tpu.memory_space<vmem_shared>> -> memref<48x128xf32, #tpu.memory_space<vmem_shared>>
      %dma_wait3A_87 = arith.constant 0 : i32
      %dma_wait3A_88 = tpu.memref_slice %arg4[%add3A_18, %dma_wait3A_87] : memref<10008x128xf32, #tpu.memory_space<vmem_shared>> -> memref<48x128xf32, #tpu.memory_space<vmem_shared>>
      tpu.wait_dma2 semaphore(%run_scoped3A : memref<!tpu.dma_semaphore, #tpu.memory_space<semaphore_mem>>) src(%arg7 : memref<48x128xf32, #tpu.memory_space<vmem>>) dst(%dma_wait3A_88 : memref<48x128xf32, #tpu.memory_space<vmem_shared>>)
      tpu.yield
    }) : () -> ()
    %add3A_19 = arith.constant 48 : i32
    %add3A_20 = arith.addi %mul3A_2, %add3A_19 : i32
    "tpu.region"() ({
      %run_scoped3A = tpu.sem_alloc : memref<!tpu.dma_semaphore, #tpu.memory_space<semaphore_mem>>
      %dma_start3A = arith.constant 0 : i32
      %dma_start3A_83 = tpu.memref_slice %arg4[%add3A_20, %dma_start3A] : memref<10008x128xf32, #tpu.memory_space<vmem_shared>> -> memref<48x128xf32, #tpu.memory_space<vmem_shared>>
      %dma_start3A_84 = arith.constant 0 : i32
      %dma_start3A_85 = tpu.memref_slice %arg4[%add3A_20, %dma_start3A_84] : memref<10008x128xf32, #tpu.memory_space<vmem_shared>> -> memref<48x128xf32, #tpu.memory_space<vmem_shared>>
      tpu.enqueue_dma source(%arg7 : memref<48x128xf32, #tpu.memory_space<vmem>>) target(%dma_start3A_85 : memref<48x128xf32, #tpu.memory_space<vmem_shared>>) target_semaphore(%run_scoped3A : memref<!tpu.dma_semaphore, #tpu.memory_space<semaphore_mem>>)
      %dma_wait3A = arith.constant 0 : i32
      %dma_wait3A_86 = tpu.memref_slice %arg4[%add3A_20, %dma_wait3A] : memref<10008x128xf32, #tpu.memory_space<vmem_shared>> -> memref<48x128xf32, #tpu.memory_space<vmem_shared>>
      %dma_wait3A_87 = arith.constant 0 : i32
      %dma_wait3A_88 = tpu.memref_slice %arg4[%add3A_20, %dma_wait3A_87] : memref<10008x128xf32, #tpu.memory_space<vmem_shared>> -> memref<48x128xf32, #tpu.memory_space<vmem_shared>>
      tpu.wait_dma2 semaphore(%run_scoped3A : memref<!tpu.dma_semaphore, #tpu.memory_space<semaphore_mem>>) src(%arg7 : memref<48x128xf32, #tpu.memory_space<vmem>>) dst(%dma_wait3A_88 : memref<48x128xf32, #tpu.memory_space<vmem_shared>>)
      tpu.yield
    }) : () -> ()
    %add3A_21 = arith.constant 96 : i32
    %add3A_22 = arith.addi %mul3A_2, %add3A_21 : i32
    "tpu.region"() ({
      %run_scoped3A = tpu.sem_alloc : memref<!tpu.dma_semaphore, #tpu.memory_space<semaphore_mem>>
      %dma_start3A = arith.constant 0 : i32
      %dma_start3A_83 = tpu.memref_slice %arg4[%add3A_22, %dma_start3A] : memref<10008x128xf32, #tpu.memory_space<vmem_shared>> -> memref<48x128xf32, #tpu.memory_space<vmem_shared>>
      %dma_start3A_84 = arith.constant 0 : i32
      %dma_start3A_85 = tpu.memref_slice %arg4[%add3A_22, %dma_start3A_84] : memref<10008x128xf32, #tpu.memory_space<vmem_shared>> -> memref<48x128xf32, #tpu.memory_space<vmem_shared>>
      tpu.enqueue_dma source(%arg7 : memref<48x128xf32, #tpu.memory_space<vmem>>) target(%dma_start3A_85 : memref<48x128xf32, #tpu.memory_space<vmem_shared>>) target_semaphore(%run_scoped3A : memref<!tpu.dma_semaphore, #tpu.memory_space<semaphore_mem>>)
      %dma_wait3A = arith.constant 0 : i32
      %dma_wait3A_86 = tpu.memref_slice %arg4[%add3A_22, %dma_wait3A] : memref<10008x128xf32, #tpu.memory_space<vmem_shared>> -> memref<48x128xf32, #tpu.memory_space<vmem_shared>>
      %dma_wait3A_87 = arith.constant 0 : i32
      %dma_wait3A_88 = tpu.memref_slice %arg4[%add3A_22, %dma_wait3A_87] : memref<10008x128xf32, #tpu.memory_space<vmem_shared>> -> memref<48x128xf32, #tpu.memory_space<vmem_shared>>
      tpu.wait_dma2 semaphore(%run_scoped3A : memref<!tpu.dma_semaphore, #tpu.memory_space<semaphore_mem>>) src(%arg7 : memref<48x128xf32, #tpu.memory_space<vmem>>) dst(%dma_wait3A_88 : memref<48x128xf32, #tpu.memory_space<vmem_shared>>)
      tpu.yield
    }) : () -> ()
    %add3A_23 = arith.constant 144 : i32
    %add3A_24 = arith.addi %mul3A_2, %add3A_23 : i32
    "tpu.region"() ({
      %run_scoped3A = tpu.sem_alloc : memref<!tpu.dma_semaphore, #tpu.memory_space<semaphore_mem>>
      %dma_start3A = arith.constant 0 : i32
      %dma_start3A_83 = tpu.memref_slice %arg4[%add3A_24, %dma_start3A] : memref<10008x128xf32, #tpu.memory_space<vmem_shared>> -> memref<48x128xf32, #tpu.memory_space<vmem_shared>>
      %dma_start3A_84 = arith.constant 0 : i32
      %dma_start3A_85 = tpu.memref_slice %arg4[%add3A_24, %dma_start3A_84] : memref<10008x128xf32, #tpu.memory_space<vmem_shared>> -> memref<48x128xf32, #tpu.memory_space<vmem_shared>>
      tpu.enqueue_dma source(%arg7 : memref<48x128xf32, #tpu.memory_space<vmem>>) target(%dma_start3A_85 : memref<48x128xf32, #tpu.memory_space<vmem_shared>>) target_semaphore(%run_scoped3A : memref<!tpu.dma_semaphore, #tpu.memory_space<semaphore_mem>>)
      %dma_wait3A = arith.constant 0 : i32
      %dma_wait3A_86 = tpu.memref_slice %arg4[%add3A_24, %dma_wait3A] : memref<10008x128xf32, #tpu.memory_space<vmem_shared>> -> memref<48x128xf32, #tpu.memory_space<vmem_shared>>
      %dma_wait3A_87 = arith.constant 0 : i32
      %dma_wait3A_88 = tpu.memref_slice %arg4[%add3A_24, %dma_wait3A_87] : memref<10008x128xf32, #tpu.memory_space<vmem_shared>> -> memref<48x128xf32, #tpu.memory_space<vmem_shared>>
      tpu.wait_dma2 semaphore(%run_scoped3A : memref<!tpu.dma_semaphore, #tpu.memory_space<semaphore_mem>>) src(%arg7 : memref<48x128xf32, #tpu.memory_space<vmem>>) dst(%dma_wait3A_88 : memref<48x128xf32, #tpu.memory_space<vmem_shared>>)
      tpu.yield
    }) : () -> ()
    %add3A_25 = arith.constant 192 : i32
    %add3A_26 = arith.addi %mul3A_2, %add3A_25 : i32
    "tpu.region"() ({
      %run_scoped3A = tpu.sem_alloc : memref<!tpu.dma_semaphore, #tpu.memory_space<semaphore_mem>>
      %dma_start3A = arith.constant 0 : i32
      %dma_start3A_83 = tpu.memref_slice %arg4[%add3A_26, %dma_start3A] : memref<10008x128xf32, #tpu.memory_space<vmem_shared>> -> memref<48x128xf32, #tpu.memory_space<vmem_shared>>
      %dma_start3A_84 = arith.constant 0 : i32
      %dma_start3A_85 = tpu.memref_slice %arg4[%add3A_26, %dma_start3A_84] : memref<10008x128xf32, #tpu.memory_space<vmem_shared>> -> memref<48x128xf32, #tpu.memory_space<vmem_shared>>
      tpu.enqueue_dma source(%arg7 : memref<48x128xf32, #tpu.memory_space<vmem>>) target(%dma_start3A_85 : memref<48x128xf32, #tpu.memory_space<vmem_shared>>) target_semaphore(%run_scoped3A : memref<!tpu.dma_semaphore, #tpu.memory_space<semaphore_mem>>)
      %dma_wait3A = arith.constant 0 : i32
      %dma_wait3A_86 = tpu.memref_slice %arg4[%add3A_26, %dma_wait3A] : memref<10008x128xf32, #tpu.memory_space<vmem_shared>> -> memref<48x128xf32, #tpu.memory_space<vmem_shared>>
      %dma_wait3A_87 = arith.constant 0 : i32
      %dma_wait3A_88 = tpu.memref_slice %arg4[%add3A_26, %dma_wait3A_87] : memref<10008x128xf32, #tpu.memory_space<vmem_shared>> -> memref<48x128xf32, #tpu.memory_space<vmem_shared>>
      tpu.wait_dma2 semaphore(%run_scoped3A : memref<!tpu.dma_semaphore, #tpu.memory_space<semaphore_mem>>) src(%arg7 : memref<48x128xf32, #tpu.memory_space<vmem>>) dst(%dma_wait3A_88 : memref<48x128xf32, #tpu.memory_space<vmem_shared>>)
      tpu.yield
    }) : () -> ()
    %add3A_27 = arith.constant 240 : i32
    %add3A_28 = arith.addi %mul3A_2, %add3A_27 : i32
    "tpu.region"() ({
      %run_scoped3A = tpu.sem_alloc : memref<!tpu.dma_semaphore, #tpu.memory_space<semaphore_mem>>
      %dma_start3A = arith.constant 0 : i32
      %dma_start3A_83 = tpu.memref_slice %arg4[%add3A_28, %dma_start3A] : memref<10008x128xf32, #tpu.memory_space<vmem_shared>> -> memref<48x128xf32, #tpu.memory_space<vmem_shared>>
      %dma_start3A_84 = arith.constant 0 : i32
      %dma_start3A_85 = tpu.memref_slice %arg4[%add3A_28, %dma_start3A_84] : memref<10008x128xf32, #tpu.memory_space<vmem_shared>> -> memref<48x128xf32, #tpu.memory_space<vmem_shared>>
      tpu.enqueue_dma source(%arg7 : memref<48x128xf32, #tpu.memory_space<vmem>>) target(%dma_start3A_85 : memref<48x128xf32, #tpu.memory_space<vmem_shared>>) target_semaphore(%run_scoped3A : memref<!tpu.dma_semaphore, #tpu.memory_space<semaphore_mem>>)
      %dma_wait3A = arith.constant 0 : i32
      %dma_wait3A_86 = tpu.memref_slice %arg4[%add3A_28, %dma_wait3A] : memref<10008x128xf32, #tpu.memory_space<vmem_shared>> -> memref<48x128xf32, #tpu.memory_space<vmem_shared>>
      %dma_wait3A_87 = arith.constant 0 : i32
      %dma_wait3A_88 = tpu.memref_slice %arg4[%add3A_28, %dma_wait3A_87] : memref<10008x128xf32, #tpu.memory_space<vmem_shared>> -> memref<48x128xf32, #tpu.memory_space<vmem_shared>>
      tpu.wait_dma2 semaphore(%run_scoped3A : memref<!tpu.dma_semaphore, #tpu.memory_space<semaphore_mem>>) src(%arg7 : memref<48x128xf32, #tpu.memory_space<vmem>>) dst(%dma_wait3A_88 : memref<48x128xf32, #tpu.memory_space<vmem_shared>>)
      tpu.yield
    }) : () -> ()
    %add3A_29 = arith.constant 288 : i32
    %add3A_30 = arith.addi %mul3A_2, %add3A_29 : i32
    "tpu.region"() ({
      %run_scoped3A = tpu.sem_alloc : memref<!tpu.dma_semaphore, #tpu.memory_space<semaphore_mem>>
      %dma_start3A = arith.constant 0 : i32
      %dma_start3A_83 = tpu.memref_slice %arg4[%add3A_30, %dma_start3A] : memref<10008x128xf32, #tpu.memory_space<vmem_shared>> -> memref<48x128xf32, #tpu.memory_space<vmem_shared>>
      %dma_start3A_84 = arith.constant 0 : i32
      %dma_start3A_85 = tpu.memref_slice %arg4[%add3A_30, %dma_start3A_84] : memref<10008x128xf32, #tpu.memory_space<vmem_shared>> -> memref<48x128xf32, #tpu.memory_space<vmem_shared>>
      tpu.enqueue_dma source(%arg7 : memref<48x128xf32, #tpu.memory_space<vmem>>) target(%dma_start3A_85 : memref<48x128xf32, #tpu.memory_space<vmem_shared>>) target_semaphore(%run_scoped3A : memref<!tpu.dma_semaphore, #tpu.memory_space<semaphore_mem>>)
      %dma_wait3A = arith.constant 0 : i32
      %dma_wait3A_86 = tpu.memref_slice %arg4[%add3A_30, %dma_wait3A] : memref<10008x128xf32, #tpu.memory_space<vmem_shared>> -> memref<48x128xf32, #tpu.memory_space<vmem_shared>>
      %dma_wait3A_87 = arith.constant 0 : i32
      %dma_wait3A_88 = tpu.memref_slice %arg4[%add3A_30, %dma_wait3A_87] : memref<10008x128xf32, #tpu.memory_space<vmem_shared>> -> memref<48x128xf32, #tpu.memory_space<vmem_shared>>
      tpu.wait_dma2 semaphore(%run_scoped3A : memref<!tpu.dma_semaphore, #tpu.memory_space<semaphore_mem>>) src(%arg7 : memref<48x128xf32, #tpu.memory_space<vmem>>) dst(%dma_wait3A_88 : memref<48x128xf32, #tpu.memory_space<vmem_shared>>)
      tpu.yield
    }) : () -> ()
    %add3A_31 = arith.constant 336 : i32
    %add3A_32 = arith.addi %mul3A_2, %add3A_31 : i32
    "tpu.region"() ({
      %run_scoped3A = tpu.sem_alloc : memref<!tpu.dma_semaphore, #tpu.memory_space<semaphore_mem>>
      %dma_start3A = arith.constant 0 : i32
      %dma_start3A_83 = tpu.memref_slice %arg4[%add3A_32, %dma_start3A] : memref<10008x128xf32, #tpu.memory_space<vmem_shared>> -> memref<48x128xf32, #tpu.memory_space<vmem_shared>>
      %dma_start3A_84 = arith.constant 0 : i32
      %dma_start3A_85 = tpu.memref_slice %arg4[%add3A_32, %dma_start3A_84] : memref<10008x128xf32, #tpu.memory_space<vmem_shared>> -> memref<48x128xf32, #tpu.memory_space<vmem_shared>>
      tpu.enqueue_dma source(%arg7 : memref<48x128xf32, #tpu.memory_space<vmem>>) target(%dma_start3A_85 : memref<48x128xf32, #tpu.memory_space<vmem_shared>>) target_semaphore(%run_scoped3A : memref<!tpu.dma_semaphore, #tpu.memory_space<semaphore_mem>>)
      %dma_wait3A = arith.constant 0 : i32
      %dma_wait3A_86 = tpu.memref_slice %arg4[%add3A_32, %dma_wait3A] : memref<10008x128xf32, #tpu.memory_space<vmem_shared>> -> memref<48x128xf32, #tpu.memory_space<vmem_shared>>
      %dma_wait3A_87 = arith.constant 0 : i32
      %dma_wait3A_88 = tpu.memref_slice %arg4[%add3A_32, %dma_wait3A_87] : memref<10008x128xf32, #tpu.memory_space<vmem_shared>> -> memref<48x128xf32, #tpu.memory_space<vmem_shared>>
      tpu.wait_dma2 semaphore(%run_scoped3A : memref<!tpu.dma_semaphore, #tpu.memory_space<semaphore_mem>>) src(%arg7 : memref<48x128xf32, #tpu.memory_space<vmem>>) dst(%dma_wait3A_88 : memref<48x128xf32, #tpu.memory_space<vmem_shared>>)
      tpu.yield
    }) : () -> ()
    %add3A_33 = arith.constant 384 : i32
    %add3A_34 = arith.addi %mul3A_2, %add3A_33 : i32
    "tpu.region"() ({
      %run_scoped3A = tpu.sem_alloc : memref<!tpu.dma_semaphore, #tpu.memory_space<semaphore_mem>>
      %dma_start3A = arith.constant 0 : i32
      %dma_start3A_83 = tpu.memref_slice %arg4[%add3A_34, %dma_start3A] : memref<10008x128xf32, #tpu.memory_space<vmem_shared>> -> memref<48x128xf32, #tpu.memory_space<vmem_shared>>
      %dma_start3A_84 = arith.constant 0 : i32
      %dma_start3A_85 = tpu.memref_slice %arg4[%add3A_34, %dma_start3A_84] : memref<10008x128xf32, #tpu.memory_space<vmem_shared>> -> memref<48x128xf32, #tpu.memory_space<vmem_shared>>
      tpu.enqueue_dma source(%arg7 : memref<48x128xf32, #tpu.memory_space<vmem>>) target(%dma_start3A_85 : memref<48x128xf32, #tpu.memory_space<vmem_shared>>) target_semaphore(%run_scoped3A : memref<!tpu.dma_semaphore, #tpu.memory_space<semaphore_mem>>)
      %dma_wait3A = arith.constant 0 : i32
      %dma_wait3A_86 = tpu.memref_slice %arg4[%add3A_34, %dma_wait3A] : memref<10008x128xf32, #tpu.memory_space<vmem_shared>> -> memref<48x128xf32, #tpu.memory_space<vmem_shared>>
      %dma_wait3A_87 = arith.constant 0 : i32
      %dma_wait3A_88 = tpu.memref_slice %arg4[%add3A_34, %dma_wait3A_87] : memref<10008x128xf32, #tpu.memory_space<vmem_shared>> -> memref<48x128xf32, #tpu.memory_space<vmem_shared>>
      tpu.wait_dma2 semaphore(%run_scoped3A : memref<!tpu.dma_semaphore, #tpu.memory_space<semaphore_mem>>) src(%arg7 : memref<48x128xf32, #tpu.memory_space<vmem>>) dst(%dma_wait3A_88 : memref<48x128xf32, #tpu.memory_space<vmem_shared>>)
      tpu.yield
    }) : () -> ()
    %add3A_35 = arith.constant 432 : i32
    %add3A_36 = arith.addi %mul3A_2, %add3A_35 : i32
    "tpu.region"() ({
      %run_scoped3A = tpu.sem_alloc : memref<!tpu.dma_semaphore, #tpu.memory_space<semaphore_mem>>
      %dma_start3A = arith.constant 0 : i32
      %dma_start3A_83 = tpu.memref_slice %arg4[%add3A_36, %dma_start3A] : memref<10008x128xf32, #tpu.memory_space<vmem_shared>> -> memref<48x128xf32, #tpu.memory_space<vmem_shared>>
      %dma_start3A_84 = arith.constant 0 : i32
      %dma_start3A_85 = tpu.memref_slice %arg4[%add3A_36, %dma_start3A_84] : memref<10008x128xf32, #tpu.memory_space<vmem_shared>> -> memref<48x128xf32, #tpu.memory_space<vmem_shared>>
      tpu.enqueue_dma source(%arg7 : memref<48x128xf32, #tpu.memory_space<vmem>>) target(%dma_start3A_85 : memref<48x128xf32, #tpu.memory_space<vmem_shared>>) target_semaphore(%run_scoped3A : memref<!tpu.dma_semaphore, #tpu.memory_space<semaphore_mem>>)
      %dma_wait3A = arith.constant 0 : i32
      %dma_wait3A_86 = tpu.memref_slice %arg4[%add3A_36, %dma_wait3A] : memref<10008x128xf32, #tpu.memory_space<vmem_shared>> -> memref<48x128xf32, #tpu.memory_space<vmem_shared>>
      %dma_wait3A_87 = arith.constant 0 : i32
      %dma_wait3A_88 = tpu.memref_slice %arg4[%add3A_36, %dma_wait3A_87] : memref<10008x128xf32, #tpu.memory_space<vmem_shared>> -> memref<48x128xf32, #tpu.memory_space<vmem_shared>>
      tpu.wait_dma2 semaphore(%run_scoped3A : memref<!tpu.dma_semaphore, #tpu.memory_space<semaphore_mem>>) src(%arg7 : memref<48x128xf32, #tpu.memory_space<vmem>>) dst(%dma_wait3A_88 : memref<48x128xf32, #tpu.memory_space<vmem_shared>>)
      tpu.yield
    }) : () -> ()
    %add3A_37 = arith.constant 480 : i32
    %add3A_38 = arith.addi %mul3A_2, %add3A_37 : i32
    "tpu.region"() ({
      %run_scoped3A = tpu.sem_alloc : memref<!tpu.dma_semaphore, #tpu.memory_space<semaphore_mem>>
      %dma_start3A = arith.constant 0 : i32
      %dma_start3A_83 = tpu.memref_slice %arg4[%add3A_38, %dma_start3A] : memref<10008x128xf32, #tpu.memory_space<vmem_shared>> -> memref<48x128xf32, #tpu.memory_space<vmem_shared>>
      %dma_start3A_84 = arith.constant 0 : i32
      %dma_start3A_85 = tpu.memref_slice %arg4[%add3A_38, %dma_start3A_84] : memref<10008x128xf32, #tpu.memory_space<vmem_shared>> -> memref<48x128xf32, #tpu.memory_space<vmem_shared>>
      tpu.enqueue_dma source(%arg7 : memref<48x128xf32, #tpu.memory_space<vmem>>) target(%dma_start3A_85 : memref<48x128xf32, #tpu.memory_space<vmem_shared>>) target_semaphore(%run_scoped3A : memref<!tpu.dma_semaphore, #tpu.memory_space<semaphore_mem>>)
      %dma_wait3A = arith.constant 0 : i32
      %dma_wait3A_86 = tpu.memref_slice %arg4[%add3A_38, %dma_wait3A] : memref<10008x128xf32, #tpu.memory_space<vmem_shared>> -> memref<48x128xf32, #tpu.memory_space<vmem_shared>>
      %dma_wait3A_87 = arith.constant 0 : i32
      %dma_wait3A_88 = tpu.memref_slice %arg4[%add3A_38, %dma_wait3A_87] : memref<10008x128xf32, #tpu.memory_space<vmem_shared>> -> memref<48x128xf32, #tpu.memory_space<vmem_shared>>
      tpu.wait_dma2 semaphore(%run_scoped3A : memref<!tpu.dma_semaphore, #tpu.memory_space<semaphore_mem>>) src(%arg7 : memref<48x128xf32, #tpu.memory_space<vmem>>) dst(%dma_wait3A_88 : memref<48x128xf32, #tpu.memory_space<vmem_shared>>)
      tpu.yield
    }) : () -> ()
    %add3A_39 = arith.constant 528 : i32
    %add3A_40 = arith.addi %mul3A_2, %add3A_39 : i32
    "tpu.region"() ({
      %run_scoped3A = tpu.sem_alloc : memref<!tpu.dma_semaphore, #tpu.memory_space<semaphore_mem>>
      %dma_start3A = arith.constant 0 : i32
      %dma_start3A_83 = tpu.memref_slice %arg4[%add3A_40, %dma_start3A] : memref<10008x128xf32, #tpu.memory_space<vmem_shared>> -> memref<48x128xf32, #tpu.memory_space<vmem_shared>>
      %dma_start3A_84 = arith.constant 0 : i32
      %dma_start3A_85 = tpu.memref_slice %arg4[%add3A_40, %dma_start3A_84] : memref<10008x128xf32, #tpu.memory_space<vmem_shared>> -> memref<48x128xf32, #tpu.memory_space<vmem_shared>>
      tpu.enqueue_dma source(%arg7 : memref<48x128xf32, #tpu.memory_space<vmem>>) target(%dma_start3A_85 : memref<48x128xf32, #tpu.memory_space<vmem_shared>>) target_semaphore(%run_scoped3A : memref<!tpu.dma_semaphore, #tpu.memory_space<semaphore_mem>>)
      %dma_wait3A = arith.constant 0 : i32
      %dma_wait3A_86 = tpu.memref_slice %arg4[%add3A_40, %dma_wait3A] : memref<10008x128xf32, #tpu.memory_space<vmem_shared>> -> memref<48x128xf32, #tpu.memory_space<vmem_shared>>
      %dma_wait3A_87 = arith.constant 0 : i32
      %dma_wait3A_88 = tpu.memref_slice %arg4[%add3A_40, %dma_wait3A_87] : memref<10008x128xf32, #tpu.memory_space<vmem_shared>> -> memref<48x128xf32, #tpu.memory_space<vmem_shared>>
      tpu.wait_dma2 semaphore(%run_scoped3A : memref<!tpu.dma_semaphore, #tpu.memory_space<semaphore_mem>>) src(%arg7 : memref<48x128xf32, #tpu.memory_space<vmem>>) dst(%dma_wait3A_88 : memref<48x128xf32, #tpu.memory_space<vmem_shared>>)
      tpu.yield
    }) : () -> ()
    %add3A_41 = arith.constant 576 : i32
    %add3A_42 = arith.addi %mul3A_2, %add3A_41 : i32
    "tpu.region"() ({
      %run_scoped3A = tpu.sem_alloc : memref<!tpu.dma_semaphore, #tpu.memory_space<semaphore_mem>>
      %dma_start3A = arith.constant 0 : i32
      %dma_start3A_83 = tpu.memref_slice %arg4[%add3A_42, %dma_start3A] : memref<10008x128xf32, #tpu.memory_space<vmem_shared>> -> memref<48x128xf32, #tpu.memory_space<vmem_shared>>
      %dma_start3A_84 = arith.constant 0 : i32
      %dma_start3A_85 = tpu.memref_slice %arg4[%add3A_42, %dma_start3A_84] : memref<10008x128xf32, #tpu.memory_space<vmem_shared>> -> memref<48x128xf32, #tpu.memory_space<vmem_shared>>
      tpu.enqueue_dma source(%arg7 : memref<48x128xf32, #tpu.memory_space<vmem>>) target(%dma_start3A_85 : memref<48x128xf32, #tpu.memory_space<vmem_shared>>) target_semaphore(%run_scoped3A : memref<!tpu.dma_semaphore, #tpu.memory_space<semaphore_mem>>)
      %dma_wait3A = arith.constant 0 : i32
      %dma_wait3A_86 = tpu.memref_slice %arg4[%add3A_42, %dma_wait3A] : memref<10008x128xf32, #tpu.memory_space<vmem_shared>> -> memref<48x128xf32, #tpu.memory_space<vmem_shared>>
      %dma_wait3A_87 = arith.constant 0 : i32
      %dma_wait3A_88 = tpu.memref_slice %arg4[%add3A_42, %dma_wait3A_87] : memref<10008x128xf32, #tpu.memory_space<vmem_shared>> -> memref<48x128xf32, #tpu.memory_space<vmem_shared>>
      tpu.wait_dma2 semaphore(%run_scoped3A : memref<!tpu.dma_semaphore, #tpu.memory_space<semaphore_mem>>) src(%arg7 : memref<48x128xf32, #tpu.memory_space<vmem>>) dst(%dma_wait3A_88 : memref<48x128xf32, #tpu.memory_space<vmem_shared>>)
      tpu.yield
    }) : () -> ()
    %eq3A = arith.constant 0 : i32
    %eq3A_43 = arith.cmpi eq, %arg1, %eq3A : i32
    %convert_element_type3A = arith.extui %eq3A_43 : i1 to i32
    %cond3A = arith.constant 0 : i32
    %cond3A_44 = arith.cmpi ne, %convert_element_type3A, %cond3A : i32
    scf.if %cond3A_44 {
      "tpu.region"() ({
        %run_scoped3A = tpu.sem_alloc : memref<!tpu.dma_semaphore, #tpu.memory_space<semaphore_mem>>
        %dma_start3A = arith.constant 0 : i32
        %dma_start3A_83 = arith.constant 0 : i32
        %dma_start3A_84 = tpu.memref_slice %arg7[%dma_start3A, %dma_start3A_83] : memref<48x128xf32, #tpu.memory_space<vmem>> -> memref<16x128xf32, #tpu.memory_space<vmem>>
        %dma_start3A_85 = arith.constant 9984 : i32
        %dma_start3A_86 = arith.constant 0 : i32
        %dma_start3A_87 = tpu.memref_slice %arg4[%dma_start3A_85, %dma_start3A_86] : memref<10008x128xf32, #tpu.memory_space<vmem_shared>> -> memref<16x128xf32, #tpu.memory_space<vmem_shared>>
        %dma_start3A_88 = arith.constant 9984 : i32
        %dma_start3A_89 = arith.constant 0 : i32
        %dma_start3A_90 = tpu.memref_slice %arg4[%dma_start3A_88, %dma_start3A_89] : memref<10008x128xf32, #tpu.memory_space<vmem_shared>> -> memref<16x128xf32, #tpu.memory_space<vmem_shared>>
        %dma_start3A_91 = arith.constant 0 : i32
        %dma_start3A_92 = arith.constant 0 : i32
        %dma_start3A_93 = tpu.memref_slice %arg7[%dma_start3A_91, %dma_start3A_92] : memref<48x128xf32, #tpu.memory_space<vmem>> -> memref<16x128xf32, #tpu.memory_space<vmem>>
        tpu.enqueue_dma source(%dma_start3A_93 : memref<16x128xf32, #tpu.memory_space<vmem>>) target(%dma_start3A_90 : memref<16x128xf32, #tpu.memory_space<vmem_shared>>) target_semaphore(%run_scoped3A : memref<!tpu.dma_semaphore, #tpu.memory_space<semaphore_mem>>)
        %dma_wait3A = arith.constant 0 : i32
        %dma_wait3A_94 = arith.constant 0 : i32
        %dma_wait3A_95 = tpu.memref_slice %arg7[%dma_wait3A, %dma_wait3A_94] : memref<48x128xf32, #tpu.memory_space<vmem>> -> memref<16x128xf32, #tpu.memory_space<vmem>>
        %dma_wait3A_96 = arith.constant 9984 : i32
        %dma_wait3A_97 = arith.constant 0 : i32
        %dma_wait3A_98 = tpu.memref_slice %arg4[%dma_wait3A_96, %dma_wait3A_97] : memref<10008x128xf32, #tpu.memory_space<vmem_shared>> -> memref<16x128xf32, #tpu.memory_space<vmem_shared>>
        %dma_wait3A_99 = arith.constant 9984 : i32
        %dma_wait3A_100 = arith.constant 0 : i32
        %dma_wait3A_101 = tpu.memref_slice %arg4[%dma_wait3A_99, %dma_wait3A_100] : memref<10008x128xf32, #tpu.memory_space<vmem_shared>> -> memref<16x128xf32, #tpu.memory_space<vmem_shared>>
        %dma_wait3A_102 = arith.constant 0 : i32
        %dma_wait3A_103 = arith.constant 0 : i32
        %dma_wait3A_104 = tpu.memref_slice %arg7[%dma_wait3A_102, %dma_wait3A_103] : memref<48x128xf32, #tpu.memory_space<vmem>> -> memref<16x128xf32, #tpu.memory_space<vmem>>
        tpu.wait_dma2 semaphore(%run_scoped3A : memref<!tpu.dma_semaphore, #tpu.memory_space<semaphore_mem>>) src(%dma_wait3A_104 : memref<16x128xf32, #tpu.memory_space<vmem>>) dst(%dma_wait3A_101 : memref<16x128xf32, #tpu.memory_space<vmem_shared>>)
        tpu.yield
      }) : () -> ()
    } else {
    }
    %barrier3A = arith.constant 0 : index
    tpu.barrier barrier_id(%barrier3A)
    %scan3A_45 = arith.constant 0 : i32
    %scan3A_46 = arith.constant 0 : i32
    %scan3A_47 = arith.constant 128 : i32
    %scan3A_48 = arith.addi %scan3A_46, %scan3A_47 : i32
    %scan3A_49 = arith.constant 1 : i32
    scf.for %scan3A_83 = %scan3A_46 to %scan3A_48 step %scan3A_49  : i32 {
      "tpu.region"() ({
        %run_scoped3A = tpu.sem_alloc : memref<!tpu.dma_semaphore, #tpu.memory_space<semaphore_mem>>
        %dma_start3A = arith.constant 0 : i32
        %dma_start3A_84 = tpu.memref_slice %arg5[%scan3A_83, %dma_start3A] : memref<128x80xi32, #tpu.memory_space<vmem>> -> memref<1x80xi32, #tpu.memory_space<vmem>>
        %dma_start3A_85 = tpu.memref_squeeze %dma_start3A_84 : memref<1x80xi32, #tpu.memory_space<vmem>> -> memref<80xi32, #tpu.memory_space<vmem>>
        %dma_start3A_86 = arith.constant 0 : i32
        %dma_start3A_87 = arith.constant 0 : i32
        %dma_start3A_88 = tpu.memref_slice %arg4[%dma_start3A_86, %dma_start3A_87] : memref<10008x128xf32, #tpu.memory_space<vmem_shared>> -> memref<10008x128xf32, #tpu.memory_space<vmem_shared>>
        tpu.enqueue_indirect_dma source(%arg6 : memref<80x128xf32, #tpu.memory_space<vmem>>) target(%dma_start3A_88 : memref<10008x128xf32, #tpu.memory_space<vmem_shared>>) offsets(%dma_start3A_85 : memref<80xi32, #tpu.memory_space<vmem>>) semaphore(%run_scoped3A : memref<!tpu.dma_semaphore, #tpu.memory_space<semaphore_mem>>) {add = true}
        %dma_wait3A = arith.constant 0 : i32
        %dma_wait3A_89 = tpu.memref_slice %arg5[%scan3A_83, %dma_wait3A] : memref<128x80xi32, #tpu.memory_space<vmem>> -> memref<1x80xi32, #tpu.memory_space<vmem>>
        %dma_wait3A_90 = tpu.memref_squeeze %dma_wait3A_89 : memref<1x80xi32, #tpu.memory_space<vmem>> -> memref<80xi32, #tpu.memory_space<vmem>>
        %dma_wait3A_91 = arith.constant 0 : i32
        %dma_wait3A_92 = arith.constant 0 : i32
        %dma_wait3A_93 = tpu.memref_slice %arg4[%dma_wait3A_91, %dma_wait3A_92] : memref<10008x128xf32, #tpu.memory_space<vmem_shared>> -> memref<10008x128xf32, #tpu.memory_space<vmem_shared>>
        tpu.wait_indirect_dma semaphore(%run_scoped3A : memref<!tpu.dma_semaphore, #tpu.memory_space<semaphore_mem>>) src(%arg6 : memref<80x128xf32, #tpu.memory_space<vmem>>) dst(%dma_wait3A_93 : memref<10008x128xf32, #tpu.memory_space<vmem_shared>>)
        tpu.yield
      }) : () -> ()
    }
    %scan3A_50 = arith.constant 128 : i32
    %barrier3A_51 = arith.constant 0 : index
    tpu.barrier barrier_id(%barrier3A_51)
    %add3A_52 = arith.constant 0 : i32
    %add3A_53 = arith.addi %mul3A_2, %add3A_52 : i32
    "tpu.region"() ({
      %run_scoped3A = tpu.sem_alloc : memref<!tpu.dma_semaphore, #tpu.memory_space<semaphore_mem>>
      %dma_start3A = arith.constant 0 : i32
      %dma_start3A_83 = tpu.memref_slice %arg4[%add3A_53, %dma_start3A] : memref<10008x128xf32, #tpu.memory_space<vmem_shared>> -> memref<48x128xf32, #tpu.memory_space<vmem_shared>>
      %dma_start3A_84 = arith.constant 0 : i32
      %dma_start3A_85 = tpu.memref_slice %arg4[%add3A_53, %dma_start3A_84] : memref<10008x128xf32, #tpu.memory_space<vmem_shared>> -> memref<48x128xf32, #tpu.memory_space<vmem_shared>>
      tpu.enqueue_dma source(%dma_start3A_85 : memref<48x128xf32, #tpu.memory_space<vmem_shared>>) target(%arg7 : memref<48x128xf32, #tpu.memory_space<vmem>>) target_semaphore(%run_scoped3A : memref<!tpu.dma_semaphore, #tpu.memory_space<semaphore_mem>>)
      %dma_wait3A = arith.constant 0 : i32
      %dma_wait3A_86 = tpu.memref_slice %arg4[%add3A_53, %dma_wait3A] : memref<10008x128xf32, #tpu.memory_space<vmem_shared>> -> memref<48x128xf32, #tpu.memory_space<vmem_shared>>
      %dma_wait3A_87 = arith.constant 0 : i32
      %dma_wait3A_88 = tpu.memref_slice %arg4[%add3A_53, %dma_wait3A_87] : memref<10008x128xf32, #tpu.memory_space<vmem_shared>> -> memref<48x128xf32, #tpu.memory_space<vmem_shared>>
      tpu.wait_dma2 semaphore(%run_scoped3A : memref<!tpu.dma_semaphore, #tpu.memory_space<semaphore_mem>>) src(%dma_wait3A_88 : memref<48x128xf32, #tpu.memory_space<vmem_shared>>) dst(%arg7 : memref<48x128xf32, #tpu.memory_space<vmem>>)
      tpu.yield
    }) : () -> ()
    "tpu.region"() ({
      %run_scoped3A = tpu.sem_alloc : memref<!tpu.dma_semaphore, #tpu.memory_space<semaphore_mem>>
      %dma_start3A = arith.constant 0 : i32
      %dma_start3A_83 = tpu.memref_slice %arg3[%arg0, %add3A_53, %dma_start3A] : memref<2x10000x128xf32, #tpu.memory_space<hbm>> -> memref<1x48x128xf32, #tpu.memory_space<hbm>>
      %dma_start3A_84 = tpu.memref_squeeze %dma_start3A_83 : memref<1x48x128xf32, #tpu.memory_space<hbm>> -> memref<48x128xf32, #tpu.memory_space<hbm>>
      %dma_start3A_85 = arith.constant 0 : i32
      %dma_start3A_86 = tpu.memref_slice %arg3[%arg0, %add3A_53, %dma_start3A_85] : memref<2x10000x128xf32, #tpu.memory_space<hbm>> -> memref<1x48x128xf32, #tpu.memory_space<hbm>>
      %dma_start3A_87 = tpu.memref_squeeze %dma_start3A_86 : memref<1x48x128xf32, #tpu.memory_space<hbm>> -> memref<48x128xf32, #tpu.memory_space<hbm>>
      tpu.enqueue_dma source(%arg7 : memref<48x128xf32, #tpu.memory_space<vmem>>) target(%dma_start3A_87 : memref<48x128xf32, #tpu.memory_space<hbm>>) target_semaphore(%run_scoped3A : memref<!tpu.dma_semaphore, #tpu.memory_space<semaphore_mem>>)
      %dma_wait3A = arith.constant 0 : i32
      %dma_wait3A_88 = tpu.memref_slice %arg3[%arg0, %add3A_53, %dma_wait3A] : memref<2x10000x128xf32, #tpu.memory_space<hbm>> -> memref<1x48x128xf32, #tpu.memory_space<hbm>>
      %dma_wait3A_89 = tpu.memref_squeeze %dma_wait3A_88 : memref<1x48x128xf32, #tpu.memory_space<hbm>> -> memref<48x128xf32, #tpu.memory_space<hbm>>
      %dma_wait3A_90 = arith.constant 0 : i32
      %dma_wait3A_91 = tpu.memref_slice %arg3[%arg0, %add3A_53, %dma_wait3A_90] : memref<2x10000x128xf32, #tpu.memory_space<hbm>> -> memref<1x48x128xf32, #tpu.memory_space<hbm>>
      %dma_wait3A_92 = tpu.memref_squeeze %dma_wait3A_91 : memref<1x48x128xf32, #tpu.memory_space<hbm>> -> memref<48x128xf32, #tpu.memory_space<hbm>>
      tpu.wait_dma2 semaphore(%run_scoped3A : memref<!tpu.dma_semaphore, #tpu.memory_space<semaphore_mem>>) src(%arg7 : memref<48x128xf32, #tpu.memory_space<vmem>>) dst(%dma_wait3A_92 : memref<48x128xf32, #tpu.memory_space<hbm>>)
      tpu.yield
    }) : () -> ()
    %add3A_54 = arith.constant 48 : i32
    %add3A_55 = arith.addi %mul3A_2, %add3A_54 : i32
    "tpu.region"() ({
      %run_scoped3A = tpu.sem_alloc : memref<!tpu.dma_semaphore, #tpu.memory_space<semaphore_mem>>
      %dma_start3A = arith.constant 0 : i32
      %dma_start3A_83 = tpu.memref_slice %arg4[%add3A_55, %dma_start3A] : memref<10008x128xf32, #tpu.memory_space<vmem_shared>> -> memref<48x128xf32, #tpu.memory_space<vmem_shared>>
      %dma_start3A_84 = arith.constant 0 : i32
      %dma_start3A_85 = tpu.memref_slice %arg4[%add3A_55, %dma_start3A_84] : memref<10008x128xf32, #tpu.memory_space<vmem_shared>> -> memref<48x128xf32, #tpu.memory_space<vmem_shared>>
      tpu.enqueue_dma source(%dma_start3A_85 : memref<48x128xf32, #tpu.memory_space<vmem_shared>>) target(%arg7 : memref<48x128xf32, #tpu.memory_space<vmem>>) target_semaphore(%run_scoped3A : memref<!tpu.dma_semaphore, #tpu.memory_space<semaphore_mem>>)
      %dma_wait3A = arith.constant 0 : i32
      %dma_wait3A_86 = tpu.memref_slice %arg4[%add3A_55, %dma_wait3A] : memref<10008x128xf32, #tpu.memory_space<vmem_shared>> -> memref<48x128xf32, #tpu.memory_space<vmem_shared>>
      %dma_wait3A_87 = arith.constant 0 : i32
      %dma_wait3A_88 = tpu.memref_slice %arg4[%add3A_55, %dma_wait3A_87] : memref<10008x128xf32, #tpu.memory_space<vmem_shared>> -> memref<48x128xf32, #tpu.memory_space<vmem_shared>>
      tpu.wait_dma2 semaphore(%run_scoped3A : memref<!tpu.dma_semaphore, #tpu.memory_space<semaphore_mem>>) src(%dma_wait3A_88 : memref<48x128xf32, #tpu.memory_space<vmem_shared>>) dst(%arg7 : memref<48x128xf32, #tpu.memory_space<vmem>>)
      tpu.yield
    }) : () -> ()
    "tpu.region"() ({
      %run_scoped3A = tpu.sem_alloc : memref<!tpu.dma_semaphore, #tpu.memory_space<semaphore_mem>>
      %dma_start3A = arith.constant 0 : i32
      %dma_start3A_83 = tpu.memref_slice %arg3[%arg0, %add3A_55, %dma_start3A] : memref<2x10000x128xf32, #tpu.memory_space<hbm>> -> memref<1x48x128xf32, #tpu.memory_space<hbm>>
      %dma_start3A_84 = tpu.memref_squeeze %dma_start3A_83 : memref<1x48x128xf32, #tpu.memory_space<hbm>> -> memref<48x128xf32, #tpu.memory_space<hbm>>
      %dma_start3A_85 = arith.constant 0 : i32
      %dma_start3A_86 = tpu.memref_slice %arg3[%arg0, %add3A_55, %dma_start3A_85] : memref<2x10000x128xf32, #tpu.memory_space<hbm>> -> memref<1x48x128xf32, #tpu.memory_space<hbm>>
      %dma_start3A_87 = tpu.memref_squeeze %dma_start3A_86 : memref<1x48x128xf32, #tpu.memory_space<hbm>> -> memref<48x128xf32, #tpu.memory_space<hbm>>
      tpu.enqueue_dma source(%arg7 : memref<48x128xf32, #tpu.memory_space<vmem>>) target(%dma_start3A_87 : memref<48x128xf32, #tpu.memory_space<hbm>>) target_semaphore(%run_scoped3A : memref<!tpu.dma_semaphore, #tpu.memory_space<semaphore_mem>>)
      %dma_wait3A = arith.constant 0 : i32
      %dma_wait3A_88 = tpu.memref_slice %arg3[%arg0, %add3A_55, %dma_wait3A] : memref<2x10000x128xf32, #tpu.memory_space<hbm>> -> memref<1x48x128xf32, #tpu.memory_space<hbm>>
      %dma_wait3A_89 = tpu.memref_squeeze %dma_wait3A_88 : memref<1x48x128xf32, #tpu.memory_space<hbm>> -> memref<48x128xf32, #tpu.memory_space<hbm>>
      %dma_wait3A_90 = arith.constant 0 : i32
      %dma_wait3A_91 = tpu.memref_slice %arg3[%arg0, %add3A_55, %dma_wait3A_90] : memref<2x10000x128xf32, #tpu.memory_space<hbm>> -> memref<1x48x128xf32, #tpu.memory_space<hbm>>
      %dma_wait3A_92 = tpu.memref_squeeze %dma_wait3A_91 : memref<1x48x128xf32, #tpu.memory_space<hbm>> -> memref<48x128xf32, #tpu.memory_space<hbm>>
      tpu.wait_dma2 semaphore(%run_scoped3A : memref<!tpu.dma_semaphore, #tpu.memory_space<semaphore_mem>>) src(%arg7 : memref<48x128xf32, #tpu.memory_space<vmem>>) dst(%dma_wait3A_92 : memref<48x128xf32, #tpu.memory_space<hbm>>)
      tpu.yield
    }) : () -> ()
    %add3A_56 = arith.constant 96 : i32
    %add3A_57 = arith.addi %mul3A_2, %add3A_56 : i32
    "tpu.region"() ({
      %run_scoped3A = tpu.sem_alloc : memref<!tpu.dma_semaphore, #tpu.memory_space<semaphore_mem>>
      %dma_start3A = arith.constant 0 : i32
      %dma_start3A_83 = tpu.memref_slice %arg4[%add3A_57, %dma_start3A] : memref<10008x128xf32, #tpu.memory_space<vmem_shared>> -> memref<48x128xf32, #tpu.memory_space<vmem_shared>>
      %dma_start3A_84 = arith.constant 0 : i32
      %dma_start3A_85 = tpu.memref_slice %arg4[%add3A_57, %dma_start3A_84] : memref<10008x128xf32, #tpu.memory_space<vmem_shared>> -> memref<48x128xf32, #tpu.memory_space<vmem_shared>>
      tpu.enqueue_dma source(%dma_start3A_85 : memref<48x128xf32, #tpu.memory_space<vmem_shared>>) target(%arg7 : memref<48x128xf32, #tpu.memory_space<vmem>>) target_semaphore(%run_scoped3A : memref<!tpu.dma_semaphore, #tpu.memory_space<semaphore_mem>>)
      %dma_wait3A = arith.constant 0 : i32
      %dma_wait3A_86 = tpu.memref_slice %arg4[%add3A_57, %dma_wait3A] : memref<10008x128xf32, #tpu.memory_space<vmem_shared>> -> memref<48x128xf32, #tpu.memory_space<vmem_shared>>
      %dma_wait3A_87 = arith.constant 0 : i32
      %dma_wait3A_88 = tpu.memref_slice %arg4[%add3A_57, %dma_wait3A_87] : memref<10008x128xf32, #tpu.memory_space<vmem_shared>> -> memref<48x128xf32, #tpu.memory_space<vmem_shared>>
      tpu.wait_dma2 semaphore(%run_scoped3A : memref<!tpu.dma_semaphore, #tpu.memory_space<semaphore_mem>>) src(%dma_wait3A_88 : memref<48x128xf32, #tpu.memory_space<vmem_shared>>) dst(%arg7 : memref<48x128xf32, #tpu.memory_space<vmem>>)
      tpu.yield
    }) : () -> ()
    "tpu.region"() ({
      %run_scoped3A = tpu.sem_alloc : memref<!tpu.dma_semaphore, #tpu.memory_space<semaphore_mem>>
      %dma_start3A = arith.constant 0 : i32
      %dma_start3A_83 = tpu.memref_slice %arg3[%arg0, %add3A_57, %dma_start3A] : memref<2x10000x128xf32, #tpu.memory_space<hbm>> -> memref<1x48x128xf32, #tpu.memory_space<hbm>>
      %dma_start3A_84 = tpu.memref_squeeze %dma_start3A_83 : memref<1x48x128xf32, #tpu.memory_space<hbm>> -> memref<48x128xf32, #tpu.memory_space<hbm>>
      %dma_start3A_85 = arith.constant 0 : i32
      %dma_start3A_86 = tpu.memref_slice %arg3[%arg0, %add3A_57, %dma_start3A_85] : memref<2x10000x128xf32, #tpu.memory_space<hbm>> -> memref<1x48x128xf32, #tpu.memory_space<hbm>>
      %dma_start3A_87 = tpu.memref_squeeze %dma_start3A_86 : memref<1x48x128xf32, #tpu.memory_space<hbm>> -> memref<48x128xf32, #tpu.memory_space<hbm>>
      tpu.enqueue_dma source(%arg7 : memref<48x128xf32, #tpu.memory_space<vmem>>) target(%dma_start3A_87 : memref<48x128xf32, #tpu.memory_space<hbm>>) target_semaphore(%run_scoped3A : memref<!tpu.dma_semaphore, #tpu.memory_space<semaphore_mem>>)
      %dma_wait3A = arith.constant 0 : i32
      %dma_wait3A_88 = tpu.memref_slice %arg3[%arg0, %add3A_57, %dma_wait3A] : memref<2x10000x128xf32, #tpu.memory_space<hbm>> -> memref<1x48x128xf32, #tpu.memory_space<hbm>>
      %dma_wait3A_89 = tpu.memref_squeeze %dma_wait3A_88 : memref<1x48x128xf32, #tpu.memory_space<hbm>> -> memref<48x128xf32, #tpu.memory_space<hbm>>
      %dma_wait3A_90 = arith.constant 0 : i32
      %dma_wait3A_91 = tpu.memref_slice %arg3[%arg0, %add3A_57, %dma_wait3A_90] : memref<2x10000x128xf32, #tpu.memory_space<hbm>> -> memref<1x48x128xf32, #tpu.memory_space<hbm>>
      %dma_wait3A_92 = tpu.memref_squeeze %dma_wait3A_91 : memref<1x48x128xf32, #tpu.memory_space<hbm>> -> memref<48x128xf32, #tpu.memory_space<hbm>>
      tpu.wait_dma2 semaphore(%run_scoped3A : memref<!tpu.dma_semaphore, #tpu.memory_space<semaphore_mem>>) src(%arg7 : memref<48x128xf32, #tpu.memory_space<vmem>>) dst(%dma_wait3A_92 : memref<48x128xf32, #tpu.memory_space<hbm>>)
      tpu.yield
    }) : () -> ()
    %add3A_58 = arith.constant 144 : i32
    %add3A_59 = arith.addi %mul3A_2, %add3A_58 : i32
    "tpu.region"() ({
      %run_scoped3A = tpu.sem_alloc : memref<!tpu.dma_semaphore, #tpu.memory_space<semaphore_mem>>
      %dma_start3A = arith.constant 0 : i32
      %dma_start3A_83 = tpu.memref_slice %arg4[%add3A_59, %dma_start3A] : memref<10008x128xf32, #tpu.memory_space<vmem_shared>> -> memref<48x128xf32, #tpu.memory_space<vmem_shared>>
      %dma_start3A_84 = arith.constant 0 : i32
      %dma_start3A_85 = tpu.memref_slice %arg4[%add3A_59, %dma_start3A_84] : memref<10008x128xf32, #tpu.memory_space<vmem_shared>> -> memref<48x128xf32, #tpu.memory_space<vmem_shared>>
      tpu.enqueue_dma source(%dma_start3A_85 : memref<48x128xf32, #tpu.memory_space<vmem_shared>>) target(%arg7 : memref<48x128xf32, #tpu.memory_space<vmem>>) target_semaphore(%run_scoped3A : memref<!tpu.dma_semaphore, #tpu.memory_space<semaphore_mem>>)
      %dma_wait3A = arith.constant 0 : i32
      %dma_wait3A_86 = tpu.memref_slice %arg4[%add3A_59, %dma_wait3A] : memref<10008x128xf32, #tpu.memory_space<vmem_shared>> -> memref<48x128xf32, #tpu.memory_space<vmem_shared>>
      %dma_wait3A_87 = arith.constant 0 : i32
      %dma_wait3A_88 = tpu.memref_slice %arg4[%add3A_59, %dma_wait3A_87] : memref<10008x128xf32, #tpu.memory_space<vmem_shared>> -> memref<48x128xf32, #tpu.memory_space<vmem_shared>>
      tpu.wait_dma2 semaphore(%run_scoped3A : memref<!tpu.dma_semaphore, #tpu.memory_space<semaphore_mem>>) src(%dma_wait3A_88 : memref<48x128xf32, #tpu.memory_space<vmem_shared>>) dst(%arg7 : memref<48x128xf32, #tpu.memory_space<vmem>>)
      tpu.yield
    }) : () -> ()
    "tpu.region"() ({
      %run_scoped3A = tpu.sem_alloc : memref<!tpu.dma_semaphore, #tpu.memory_space<semaphore_mem>>
      %dma_start3A = arith.constant 0 : i32
      %dma_start3A_83 = tpu.memref_slice %arg3[%arg0, %add3A_59, %dma_start3A] : memref<2x10000x128xf32, #tpu.memory_space<hbm>> -> memref<1x48x128xf32, #tpu.memory_space<hbm>>
      %dma_start3A_84 = tpu.memref_squeeze %dma_start3A_83 : memref<1x48x128xf32, #tpu.memory_space<hbm>> -> memref<48x128xf32, #tpu.memory_space<hbm>>
      %dma_start3A_85 = arith.constant 0 : i32
      %dma_start3A_86 = tpu.memref_slice %arg3[%arg0, %add3A_59, %dma_start3A_85] : memref<2x10000x128xf32, #tpu.memory_space<hbm>> -> memref<1x48x128xf32, #tpu.memory_space<hbm>>
      %dma_start3A_87 = tpu.memref_squeeze %dma_start3A_86 : memref<1x48x128xf32, #tpu.memory_space<hbm>> -> memref<48x128xf32, #tpu.memory_space<hbm>>
      tpu.enqueue_dma source(%arg7 : memref<48x128xf32, #tpu.memory_space<vmem>>) target(%dma_start3A_87 : memref<48x128xf32, #tpu.memory_space<hbm>>) target_semaphore(%run_scoped3A : memref<!tpu.dma_semaphore, #tpu.memory_space<semaphore_mem>>)
      %dma_wait3A = arith.constant 0 : i32
      %dma_wait3A_88 = tpu.memref_slice %arg3[%arg0, %add3A_59, %dma_wait3A] : memref<2x10000x128xf32, #tpu.memory_space<hbm>> -> memref<1x48x128xf32, #tpu.memory_space<hbm>>
      %dma_wait3A_89 = tpu.memref_squeeze %dma_wait3A_88 : memref<1x48x128xf32, #tpu.memory_space<hbm>> -> memref<48x128xf32, #tpu.memory_space<hbm>>
      %dma_wait3A_90 = arith.constant 0 : i32
      %dma_wait3A_91 = tpu.memref_slice %arg3[%arg0, %add3A_59, %dma_wait3A_90] : memref<2x10000x128xf32, #tpu.memory_space<hbm>> -> memref<1x48x128xf32, #tpu.memory_space<hbm>>
      %dma_wait3A_92 = tpu.memref_squeeze %dma_wait3A_91 : memref<1x48x128xf32, #tpu.memory_space<hbm>> -> memref<48x128xf32, #tpu.memory_space<hbm>>
      tpu.wait_dma2 semaphore(%run_scoped3A : memref<!tpu.dma_semaphore, #tpu.memory_space<semaphore_mem>>) src(%arg7 : memref<48x128xf32, #tpu.memory_space<vmem>>) dst(%dma_wait3A_92 : memref<48x128xf32, #tpu.memory_space<hbm>>)
      tpu.yield
    }) : () -> ()
    %add3A_60 = arith.constant 192 : i32
    %add3A_61 = arith.addi %mul3A_2, %add3A_60 : i32
    "tpu.region"() ({
      %run_scoped3A = tpu.sem_alloc : memref<!tpu.dma_semaphore, #tpu.memory_space<semaphore_mem>>
      %dma_start3A = arith.constant 0 : i32
      %dma_start3A_83 = tpu.memref_slice %arg4[%add3A_61, %dma_start3A] : memref<10008x128xf32, #tpu.memory_space<vmem_shared>> -> memref<48x128xf32, #tpu.memory_space<vmem_shared>>
      %dma_start3A_84 = arith.constant 0 : i32
      %dma_start3A_85 = tpu.memref_slice %arg4[%add3A_61, %dma_start3A_84] : memref<10008x128xf32, #tpu.memory_space<vmem_shared>> -> memref<48x128xf32, #tpu.memory_space<vmem_shared>>
      tpu.enqueue_dma source(%dma_start3A_85 : memref<48x128xf32, #tpu.memory_space<vmem_shared>>) target(%arg7 : memref<48x128xf32, #tpu.memory_space<vmem>>) target_semaphore(%run_scoped3A : memref<!tpu.dma_semaphore, #tpu.memory_space<semaphore_mem>>)
      %dma_wait3A = arith.constant 0 : i32
      %dma_wait3A_86 = tpu.memref_slice %arg4[%add3A_61, %dma_wait3A] : memref<10008x128xf32, #tpu.memory_space<vmem_shared>> -> memref<48x128xf32, #tpu.memory_space<vmem_shared>>
      %dma_wait3A_87 = arith.constant 0 : i32
      %dma_wait3A_88 = tpu.memref_slice %arg4[%add3A_61, %dma_wait3A_87] : memref<10008x128xf32, #tpu.memory_space<vmem_shared>> -> memref<48x128xf32, #tpu.memory_space<vmem_shared>>
      tpu.wait_dma2 semaphore(%run_scoped3A : memref<!tpu.dma_semaphore, #tpu.memory_space<semaphore_mem>>) src(%dma_wait3A_88 : memref<48x128xf32, #tpu.memory_space<vmem_shared>>) dst(%arg7 : memref<48x128xf32, #tpu.memory_space<vmem>>)
      tpu.yield
    }) : () -> ()
    "tpu.region"() ({
      %run_scoped3A = tpu.sem_alloc : memref<!tpu.dma_semaphore, #tpu.memory_space<semaphore_mem>>
      %dma_start3A = arith.constant 0 : i32
      %dma_start3A_83 = tpu.memref_slice %arg3[%arg0, %add3A_61, %dma_start3A] : memref<2x10000x128xf32, #tpu.memory_space<hbm>> -> memref<1x48x128xf32, #tpu.memory_space<hbm>>
      %dma_start3A_84 = tpu.memref_squeeze %dma_start3A_83 : memref<1x48x128xf32, #tpu.memory_space<hbm>> -> memref<48x128xf32, #tpu.memory_space<hbm>>
      %dma_start3A_85 = arith.constant 0 : i32
      %dma_start3A_86 = tpu.memref_slice %arg3[%arg0, %add3A_61, %dma_start3A_85] : memref<2x10000x128xf32, #tpu.memory_space<hbm>> -> memref<1x48x128xf32, #tpu.memory_space<hbm>>
      %dma_start3A_87 = tpu.memref_squeeze %dma_start3A_86 : memref<1x48x128xf32, #tpu.memory_space<hbm>> -> memref<48x128xf32, #tpu.memory_space<hbm>>
      tpu.enqueue_dma source(%arg7 : memref<48x128xf32, #tpu.memory_space<vmem>>) target(%dma_start3A_87 : memref<48x128xf32, #tpu.memory_space<hbm>>) target_semaphore(%run_scoped3A : memref<!tpu.dma_semaphore, #tpu.memory_space<semaphore_mem>>)
      %dma_wait3A = arith.constant 0 : i32
      %dma_wait3A_88 = tpu.memref_slice %arg3[%arg0, %add3A_61, %dma_wait3A] : memref<2x10000x128xf32, #tpu.memory_space<hbm>> -> memref<1x48x128xf32, #tpu.memory_space<hbm>>
      %dma_wait3A_89 = tpu.memref_squeeze %dma_wait3A_88 : memref<1x48x128xf32, #tpu.memory_space<hbm>> -> memref<48x128xf32, #tpu.memory_space<hbm>>
      %dma_wait3A_90 = arith.constant 0 : i32
      %dma_wait3A_91 = tpu.memref_slice %arg3[%arg0, %add3A_61, %dma_wait3A_90] : memref<2x10000x128xf32, #tpu.memory_space<hbm>> -> memref<1x48x128xf32, #tpu.memory_space<hbm>>
      %dma_wait3A_92 = tpu.memref_squeeze %dma_wait3A_91 : memref<1x48x128xf32, #tpu.memory_space<hbm>> -> memref<48x128xf32, #tpu.memory_space<hbm>>
      tpu.wait_dma2 semaphore(%run_scoped3A : memref<!tpu.dma_semaphore, #tpu.memory_space<semaphore_mem>>) src(%arg7 : memref<48x128xf32, #tpu.memory_space<vmem>>) dst(%dma_wait3A_92 : memref<48x128xf32, #tpu.memory_space<hbm>>)
      tpu.yield
    }) : () -> ()
    %add3A_62 = arith.constant 240 : i32
    %add3A_63 = arith.addi %mul3A_2, %add3A_62 : i32
    "tpu.region"() ({
      %run_scoped3A = tpu.sem_alloc : memref<!tpu.dma_semaphore, #tpu.memory_space<semaphore_mem>>
      %dma_start3A = arith.constant 0 : i32
      %dma_start3A_83 = tpu.memref_slice %arg4[%add3A_63, %dma_start3A] : memref<10008x128xf32, #tpu.memory_space<vmem_shared>> -> memref<48x128xf32, #tpu.memory_space<vmem_shared>>
      %dma_start3A_84 = arith.constant 0 : i32
      %dma_start3A_85 = tpu.memref_slice %arg4[%add3A_63, %dma_start3A_84] : memref<10008x128xf32, #tpu.memory_space<vmem_shared>> -> memref<48x128xf32, #tpu.memory_space<vmem_shared>>
      tpu.enqueue_dma source(%dma_start3A_85 : memref<48x128xf32, #tpu.memory_space<vmem_shared>>) target(%arg7 : memref<48x128xf32, #tpu.memory_space<vmem>>) target_semaphore(%run_scoped3A : memref<!tpu.dma_semaphore, #tpu.memory_space<semaphore_mem>>)
      %dma_wait3A = arith.constant 0 : i32
      %dma_wait3A_86 = tpu.memref_slice %arg4[%add3A_63, %dma_wait3A] : memref<10008x128xf32, #tpu.memory_space<vmem_shared>> -> memref<48x128xf32, #tpu.memory_space<vmem_shared>>
      %dma_wait3A_87 = arith.constant 0 : i32
      %dma_wait3A_88 = tpu.memref_slice %arg4[%add3A_63, %dma_wait3A_87] : memref<10008x128xf32, #tpu.memory_space<vmem_shared>> -> memref<48x128xf32, #tpu.memory_space<vmem_shared>>
      tpu.wait_dma2 semaphore(%run_scoped3A : memref<!tpu.dma_semaphore, #tpu.memory_space<semaphore_mem>>) src(%dma_wait3A_88 : memref<48x128xf32, #tpu.memory_space<vmem_shared>>) dst(%arg7 : memref<48x128xf32, #tpu.memory_space<vmem>>)
      tpu.yield
    }) : () -> ()
    "tpu.region"() ({
      %run_scoped3A = tpu.sem_alloc : memref<!tpu.dma_semaphore, #tpu.memory_space<semaphore_mem>>
      %dma_start3A = arith.constant 0 : i32
      %dma_start3A_83 = tpu.memref_slice %arg3[%arg0, %add3A_63, %dma_start3A] : memref<2x10000x128xf32, #tpu.memory_space<hbm>> -> memref<1x48x128xf32, #tpu.memory_space<hbm>>
      %dma_start3A_84 = tpu.memref_squeeze %dma_start3A_83 : memref<1x48x128xf32, #tpu.memory_space<hbm>> -> memref<48x128xf32, #tpu.memory_space<hbm>>
      %dma_start3A_85 = arith.constant 0 : i32
      %dma_start3A_86 = tpu.memref_slice %arg3[%arg0, %add3A_63, %dma_start3A_85] : memref<2x10000x128xf32, #tpu.memory_space<hbm>> -> memref<1x48x128xf32, #tpu.memory_space<hbm>>
      %dma_start3A_87 = tpu.memref_squeeze %dma_start3A_86 : memref<1x48x128xf32, #tpu.memory_space<hbm>> -> memref<48x128xf32, #tpu.memory_space<hbm>>
      tpu.enqueue_dma source(%arg7 : memref<48x128xf32, #tpu.memory_space<vmem>>) target(%dma_start3A_87 : memref<48x128xf32, #tpu.memory_space<hbm>>) target_semaphore(%run_scoped3A : memref<!tpu.dma_semaphore, #tpu.memory_space<semaphore_mem>>)
      %dma_wait3A = arith.constant 0 : i32
      %dma_wait3A_88 = tpu.memref_slice %arg3[%arg0, %add3A_63, %dma_wait3A] : memref<2x10000x128xf32, #tpu.memory_space<hbm>> -> memref<1x48x128xf32, #tpu.memory_space<hbm>>
      %dma_wait3A_89 = tpu.memref_squeeze %dma_wait3A_88 : memref<1x48x128xf32, #tpu.memory_space<hbm>> -> memref<48x128xf32, #tpu.memory_space<hbm>>
      %dma_wait3A_90 = arith.constant 0 : i32
      %dma_wait3A_91 = tpu.memref_slice %arg3[%arg0, %add3A_63, %dma_wait3A_90] : memref<2x10000x128xf32, #tpu.memory_space<hbm>> -> memref<1x48x128xf32, #tpu.memory_space<hbm>>
      %dma_wait3A_92 = tpu.memref_squeeze %dma_wait3A_91 : memref<1x48x128xf32, #tpu.memory_space<hbm>> -> memref<48x128xf32, #tpu.memory_space<hbm>>
      tpu.wait_dma2 semaphore(%run_scoped3A : memref<!tpu.dma_semaphore, #tpu.memory_space<semaphore_mem>>) src(%arg7 : memref<48x128xf32, #tpu.memory_space<vmem>>) dst(%dma_wait3A_92 : memref<48x128xf32, #tpu.memory_space<hbm>>)
      tpu.yield
    }) : () -> ()
    %add3A_64 = arith.constant 288 : i32
    %add3A_65 = arith.addi %mul3A_2, %add3A_64 : i32
    "tpu.region"() ({
      %run_scoped3A = tpu.sem_alloc : memref<!tpu.dma_semaphore, #tpu.memory_space<semaphore_mem>>
      %dma_start3A = arith.constant 0 : i32
      %dma_start3A_83 = tpu.memref_slice %arg4[%add3A_65, %dma_start3A] : memref<10008x128xf32, #tpu.memory_space<vmem_shared>> -> memref<48x128xf32, #tpu.memory_space<vmem_shared>>
      %dma_start3A_84 = arith.constant 0 : i32
      %dma_start3A_85 = tpu.memref_slice %arg4[%add3A_65, %dma_start3A_84] : memref<10008x128xf32, #tpu.memory_space<vmem_shared>> -> memref<48x128xf32, #tpu.memory_space<vmem_shared>>
      tpu.enqueue_dma source(%dma_start3A_85 : memref<48x128xf32, #tpu.memory_space<vmem_shared>>) target(%arg7 : memref<48x128xf32, #tpu.memory_space<vmem>>) target_semaphore(%run_scoped3A : memref<!tpu.dma_semaphore, #tpu.memory_space<semaphore_mem>>)
      %dma_wait3A = arith.constant 0 : i32
      %dma_wait3A_86 = tpu.memref_slice %arg4[%add3A_65, %dma_wait3A] : memref<10008x128xf32, #tpu.memory_space<vmem_shared>> -> memref<48x128xf32, #tpu.memory_space<vmem_shared>>
      %dma_wait3A_87 = arith.constant 0 : i32
      %dma_wait3A_88 = tpu.memref_slice %arg4[%add3A_65, %dma_wait3A_87] : memref<10008x128xf32, #tpu.memory_space<vmem_shared>> -> memref<48x128xf32, #tpu.memory_space<vmem_shared>>
      tpu.wait_dma2 semaphore(%run_scoped3A : memref<!tpu.dma_semaphore, #tpu.memory_space<semaphore_mem>>) src(%dma_wait3A_88 : memref<48x128xf32, #tpu.memory_space<vmem_shared>>) dst(%arg7 : memref<48x128xf32, #tpu.memory_space<vmem>>)
      tpu.yield
    }) : () -> ()
    "tpu.region"() ({
      %run_scoped3A = tpu.sem_alloc : memref<!tpu.dma_semaphore, #tpu.memory_space<semaphore_mem>>
      %dma_start3A = arith.constant 0 : i32
      %dma_start3A_83 = tpu.memref_slice %arg3[%arg0, %add3A_65, %dma_start3A] : memref<2x10000x128xf32, #tpu.memory_space<hbm>> -> memref<1x48x128xf32, #tpu.memory_space<hbm>>
      %dma_start3A_84 = tpu.memref_squeeze %dma_start3A_83 : memref<1x48x128xf32, #tpu.memory_space<hbm>> -> memref<48x128xf32, #tpu.memory_space<hbm>>
      %dma_start3A_85 = arith.constant 0 : i32
      %dma_start3A_86 = tpu.memref_slice %arg3[%arg0, %add3A_65, %dma_start3A_85] : memref<2x10000x128xf32, #tpu.memory_space<hbm>> -> memref<1x48x128xf32, #tpu.memory_space<hbm>>
      %dma_start3A_87 = tpu.memref_squeeze %dma_start3A_86 : memref<1x48x128xf32, #tpu.memory_space<hbm>> -> memref<48x128xf32, #tpu.memory_space<hbm>>
      tpu.enqueue_dma source(%arg7 : memref<48x128xf32, #tpu.memory_space<vmem>>) target(%dma_start3A_87 : memref<48x128xf32, #tpu.memory_space<hbm>>) target_semaphore(%run_scoped3A : memref<!tpu.dma_semaphore, #tpu.memory_space<semaphore_mem>>)
      %dma_wait3A = arith.constant 0 : i32
      %dma_wait3A_88 = tpu.memref_slice %arg3[%arg0, %add3A_65, %dma_wait3A] : memref<2x10000x128xf32, #tpu.memory_space<hbm>> -> memref<1x48x128xf32, #tpu.memory_space<hbm>>
      %dma_wait3A_89 = tpu.memref_squeeze %dma_wait3A_88 : memref<1x48x128xf32, #tpu.memory_space<hbm>> -> memref<48x128xf32, #tpu.memory_space<hbm>>
      %dma_wait3A_90 = arith.constant 0 : i32
      %dma_wait3A_91 = tpu.memref_slice %arg3[%arg0, %add3A_65, %dma_wait3A_90] : memref<2x10000x128xf32, #tpu.memory_space<hbm>> -> memref<1x48x128xf32, #tpu.memory_space<hbm>>
      %dma_wait3A_92 = tpu.memref_squeeze %dma_wait3A_91 : memref<1x48x128xf32, #tpu.memory_space<hbm>> -> memref<48x128xf32, #tpu.memory_space<hbm>>
      tpu.wait_dma2 semaphore(%run_scoped3A : memref<!tpu.dma_semaphore, #tpu.memory_space<semaphore_mem>>) src(%arg7 : memref<48x128xf32, #tpu.memory_space<vmem>>) dst(%dma_wait3A_92 : memref<48x128xf32, #tpu.memory_space<hbm>>)
      tpu.yield
    }) : () -> ()
    %add3A_66 = arith.constant 336 : i32
    %add3A_67 = arith.addi %mul3A_2, %add3A_66 : i32
    "tpu.region"() ({
      %run_scoped3A = tpu.sem_alloc : memref<!tpu.dma_semaphore, #tpu.memory_space<semaphore_mem>>
      %dma_start3A = arith.constant 0 : i32
      %dma_start3A_83 = tpu.memref_slice %arg4[%add3A_67, %dma_start3A] : memref<10008x128xf32, #tpu.memory_space<vmem_shared>> -> memref<48x128xf32, #tpu.memory_space<vmem_shared>>
      %dma_start3A_84 = arith.constant 0 : i32
      %dma_start3A_85 = tpu.memref_slice %arg4[%add3A_67, %dma_start3A_84] : memref<10008x128xf32, #tpu.memory_space<vmem_shared>> -> memref<48x128xf32, #tpu.memory_space<vmem_shared>>
      tpu.enqueue_dma source(%dma_start3A_85 : memref<48x128xf32, #tpu.memory_space<vmem_shared>>) target(%arg7 : memref<48x128xf32, #tpu.memory_space<vmem>>) target_semaphore(%run_scoped3A : memref<!tpu.dma_semaphore, #tpu.memory_space<semaphore_mem>>)
      %dma_wait3A = arith.constant 0 : i32
      %dma_wait3A_86 = tpu.memref_slice %arg4[%add3A_67, %dma_wait3A] : memref<10008x128xf32, #tpu.memory_space<vmem_shared>> -> memref<48x128xf32, #tpu.memory_space<vmem_shared>>
      %dma_wait3A_87 = arith.constant 0 : i32
      %dma_wait3A_88 = tpu.memref_slice %arg4[%add3A_67, %dma_wait3A_87] : memref<10008x128xf32, #tpu.memory_space<vmem_shared>> -> memref<48x128xf32, #tpu.memory_space<vmem_shared>>
      tpu.wait_dma2 semaphore(%run_scoped3A : memref<!tpu.dma_semaphore, #tpu.memory_space<semaphore_mem>>) src(%dma_wait3A_88 : memref<48x128xf32, #tpu.memory_space<vmem_shared>>) dst(%arg7 : memref<48x128xf32, #tpu.memory_space<vmem>>)
      tpu.yield
    }) : () -> ()
    "tpu.region"() ({
      %run_scoped3A = tpu.sem_alloc : memref<!tpu.dma_semaphore, #tpu.memory_space<semaphore_mem>>
      %dma_start3A = arith.constant 0 : i32
      %dma_start3A_83 = tpu.memref_slice %arg3[%arg0, %add3A_67, %dma_start3A] : memref<2x10000x128xf32, #tpu.memory_space<hbm>> -> memref<1x48x128xf32, #tpu.memory_space<hbm>>
      %dma_start3A_84 = tpu.memref_squeeze %dma_start3A_83 : memref<1x48x128xf32, #tpu.memory_space<hbm>> -> memref<48x128xf32, #tpu.memory_space<hbm>>
      %dma_start3A_85 = arith.constant 0 : i32
      %dma_start3A_86 = tpu.memref_slice %arg3[%arg0, %add3A_67, %dma_start3A_85] : memref<2x10000x128xf32, #tpu.memory_space<hbm>> -> memref<1x48x128xf32, #tpu.memory_space<hbm>>
      %dma_start3A_87 = tpu.memref_squeeze %dma_start3A_86 : memref<1x48x128xf32, #tpu.memory_space<hbm>> -> memref<48x128xf32, #tpu.memory_space<hbm>>
      tpu.enqueue_dma source(%arg7 : memref<48x128xf32, #tpu.memory_space<vmem>>) target(%dma_start3A_87 : memref<48x128xf32, #tpu.memory_space<hbm>>) target_semaphore(%run_scoped3A : memref<!tpu.dma_semaphore, #tpu.memory_space<semaphore_mem>>)
      %dma_wait3A = arith.constant 0 : i32
      %dma_wait3A_88 = tpu.memref_slice %arg3[%arg0, %add3A_67, %dma_wait3A] : memref<2x10000x128xf32, #tpu.memory_space<hbm>> -> memref<1x48x128xf32, #tpu.memory_space<hbm>>
      %dma_wait3A_89 = tpu.memref_squeeze %dma_wait3A_88 : memref<1x48x128xf32, #tpu.memory_space<hbm>> -> memref<48x128xf32, #tpu.memory_space<hbm>>
      %dma_wait3A_90 = arith.constant 0 : i32
      %dma_wait3A_91 = tpu.memref_slice %arg3[%arg0, %add3A_67, %dma_wait3A_90] : memref<2x10000x128xf32, #tpu.memory_space<hbm>> -> memref<1x48x128xf32, #tpu.memory_space<hbm>>
      %dma_wait3A_92 = tpu.memref_squeeze %dma_wait3A_91 : memref<1x48x128xf32, #tpu.memory_space<hbm>> -> memref<48x128xf32, #tpu.memory_space<hbm>>
      tpu.wait_dma2 semaphore(%run_scoped3A : memref<!tpu.dma_semaphore, #tpu.memory_space<semaphore_mem>>) src(%arg7 : memref<48x128xf32, #tpu.memory_space<vmem>>) dst(%dma_wait3A_92 : memref<48x128xf32, #tpu.memory_space<hbm>>)
      tpu.yield
    }) : () -> ()
    %add3A_68 = arith.constant 384 : i32
    %add3A_69 = arith.addi %mul3A_2, %add3A_68 : i32
    "tpu.region"() ({
      %run_scoped3A = tpu.sem_alloc : memref<!tpu.dma_semaphore, #tpu.memory_space<semaphore_mem>>
      %dma_start3A = arith.constant 0 : i32
      %dma_start3A_83 = tpu.memref_slice %arg4[%add3A_69, %dma_start3A] : memref<10008x128xf32, #tpu.memory_space<vmem_shared>> -> memref<48x128xf32, #tpu.memory_space<vmem_shared>>
      %dma_start3A_84 = arith.constant 0 : i32
      %dma_start3A_85 = tpu.memref_slice %arg4[%add3A_69, %dma_start3A_84] : memref<10008x128xf32, #tpu.memory_space<vmem_shared>> -> memref<48x128xf32, #tpu.memory_space<vmem_shared>>
      tpu.enqueue_dma source(%dma_start3A_85 : memref<48x128xf32, #tpu.memory_space<vmem_shared>>) target(%arg7 : memref<48x128xf32, #tpu.memory_space<vmem>>) target_semaphore(%run_scoped3A : memref<!tpu.dma_semaphore, #tpu.memory_space<semaphore_mem>>)
      %dma_wait3A = arith.constant 0 : i32
      %dma_wait3A_86 = tpu.memref_slice %arg4[%add3A_69, %dma_wait3A] : memref<10008x128xf32, #tpu.memory_space<vmem_shared>> -> memref<48x128xf32, #tpu.memory_space<vmem_shared>>
      %dma_wait3A_87 = arith.constant 0 : i32
      %dma_wait3A_88 = tpu.memref_slice %arg4[%add3A_69, %dma_wait3A_87] : memref<10008x128xf32, #tpu.memory_space<vmem_shared>> -> memref<48x128xf32, #tpu.memory_space<vmem_shared>>
      tpu.wait_dma2 semaphore(%run_scoped3A : memref<!tpu.dma_semaphore, #tpu.memory_space<semaphore_mem>>) src(%dma_wait3A_88 : memref<48x128xf32, #tpu.memory_space<vmem_shared>>) dst(%arg7 : memref<48x128xf32, #tpu.memory_space<vmem>>)
      tpu.yield
    }) : () -> ()
    "tpu.region"() ({
      %run_scoped3A = tpu.sem_alloc : memref<!tpu.dma_semaphore, #tpu.memory_space<semaphore_mem>>
      %dma_start3A = arith.constant 0 : i32
      %dma_start3A_83 = tpu.memref_slice %arg3[%arg0, %add3A_69, %dma_start3A] : memref<2x10000x128xf32, #tpu.memory_space<hbm>> -> memref<1x48x128xf32, #tpu.memory_space<hbm>>
      %dma_start3A_84 = tpu.memref_squeeze %dma_start3A_83 : memref<1x48x128xf32, #tpu.memory_space<hbm>> -> memref<48x128xf32, #tpu.memory_space<hbm>>
      %dma_start3A_85 = arith.constant 0 : i32
      %dma_start3A_86 = tpu.memref_slice %arg3[%arg0, %add3A_69, %dma_start3A_85] : memref<2x10000x128xf32, #tpu.memory_space<hbm>> -> memref<1x48x128xf32, #tpu.memory_space<hbm>>
      %dma_start3A_87 = tpu.memref_squeeze %dma_start3A_86 : memref<1x48x128xf32, #tpu.memory_space<hbm>> -> memref<48x128xf32, #tpu.memory_space<hbm>>
      tpu.enqueue_dma source(%arg7 : memref<48x128xf32, #tpu.memory_space<vmem>>) target(%dma_start3A_87 : memref<48x128xf32, #tpu.memory_space<hbm>>) target_semaphore(%run_scoped3A : memref<!tpu.dma_semaphore, #tpu.memory_space<semaphore_mem>>)
      %dma_wait3A = arith.constant 0 : i32
      %dma_wait3A_88 = tpu.memref_slice %arg3[%arg0, %add3A_69, %dma_wait3A] : memref<2x10000x128xf32, #tpu.memory_space<hbm>> -> memref<1x48x128xf32, #tpu.memory_space<hbm>>
      %dma_wait3A_89 = tpu.memref_squeeze %dma_wait3A_88 : memref<1x48x128xf32, #tpu.memory_space<hbm>> -> memref<48x128xf32, #tpu.memory_space<hbm>>
      %dma_wait3A_90 = arith.constant 0 : i32
      %dma_wait3A_91 = tpu.memref_slice %arg3[%arg0, %add3A_69, %dma_wait3A_90] : memref<2x10000x128xf32, #tpu.memory_space<hbm>> -> memref<1x48x128xf32, #tpu.memory_space<hbm>>
      %dma_wait3A_92 = tpu.memref_squeeze %dma_wait3A_91 : memref<1x48x128xf32, #tpu.memory_space<hbm>> -> memref<48x128xf32, #tpu.memory_space<hbm>>
      tpu.wait_dma2 semaphore(%run_scoped3A : memref<!tpu.dma_semaphore, #tpu.memory_space<semaphore_mem>>) src(%arg7 : memref<48x128xf32, #tpu.memory_space<vmem>>) dst(%dma_wait3A_92 : memref<48x128xf32, #tpu.memory_space<hbm>>)
      tpu.yield
    }) : () -> ()
    %add3A_70 = arith.constant 432 : i32
    %add3A_71 = arith.addi %mul3A_2, %add3A_70 : i32
    "tpu.region"() ({
      %run_scoped3A = tpu.sem_alloc : memref<!tpu.dma_semaphore, #tpu.memory_space<semaphore_mem>>
      %dma_start3A = arith.constant 0 : i32
      %dma_start3A_83 = tpu.memref_slice %arg4[%add3A_71, %dma_start3A] : memref<10008x128xf32, #tpu.memory_space<vmem_shared>> -> memref<48x128xf32, #tpu.memory_space<vmem_shared>>
      %dma_start3A_84 = arith.constant 0 : i32
      %dma_start3A_85 = tpu.memref_slice %arg4[%add3A_71, %dma_start3A_84] : memref<10008x128xf32, #tpu.memory_space<vmem_shared>> -> memref<48x128xf32, #tpu.memory_space<vmem_shared>>
      tpu.enqueue_dma source(%dma_start3A_85 : memref<48x128xf32, #tpu.memory_space<vmem_shared>>) target(%arg7 : memref<48x128xf32, #tpu.memory_space<vmem>>) target_semaphore(%run_scoped3A : memref<!tpu.dma_semaphore, #tpu.memory_space<semaphore_mem>>)
      %dma_wait3A = arith.constant 0 : i32
      %dma_wait3A_86 = tpu.memref_slice %arg4[%add3A_71, %dma_wait3A] : memref<10008x128xf32, #tpu.memory_space<vmem_shared>> -> memref<48x128xf32, #tpu.memory_space<vmem_shared>>
      %dma_wait3A_87 = arith.constant 0 : i32
      %dma_wait3A_88 = tpu.memref_slice %arg4[%add3A_71, %dma_wait3A_87] : memref<10008x128xf32, #tpu.memory_space<vmem_shared>> -> memref<48x128xf32, #tpu.memory_space<vmem_shared>>
      tpu.wait_dma2 semaphore(%run_scoped3A : memref<!tpu.dma_semaphore, #tpu.memory_space<semaphore_mem>>) src(%dma_wait3A_88 : memref<48x128xf32, #tpu.memory_space<vmem_shared>>) dst(%arg7 : memref<48x128xf32, #tpu.memory_space<vmem>>)
      tpu.yield
    }) : () -> ()
    "tpu.region"() ({
      %run_scoped3A = tpu.sem_alloc : memref<!tpu.dma_semaphore, #tpu.memory_space<semaphore_mem>>
      %dma_start3A = arith.constant 0 : i32
      %dma_start3A_83 = tpu.memref_slice %arg3[%arg0, %add3A_71, %dma_start3A] : memref<2x10000x128xf32, #tpu.memory_space<hbm>> -> memref<1x48x128xf32, #tpu.memory_space<hbm>>
      %dma_start3A_84 = tpu.memref_squeeze %dma_start3A_83 : memref<1x48x128xf32, #tpu.memory_space<hbm>> -> memref<48x128xf32, #tpu.memory_space<hbm>>
      %dma_start3A_85 = arith.constant 0 : i32
      %dma_start3A_86 = tpu.memref_slice %arg3[%arg0, %add3A_71, %dma_start3A_85] : memref<2x10000x128xf32, #tpu.memory_space<hbm>> -> memref<1x48x128xf32, #tpu.memory_space<hbm>>
      %dma_start3A_87 = tpu.memref_squeeze %dma_start3A_86 : memref<1x48x128xf32, #tpu.memory_space<hbm>> -> memref<48x128xf32, #tpu.memory_space<hbm>>
      tpu.enqueue_dma source(%arg7 : memref<48x128xf32, #tpu.memory_space<vmem>>) target(%dma_start3A_87 : memref<48x128xf32, #tpu.memory_space<hbm>>) target_semaphore(%run_scoped3A : memref<!tpu.dma_semaphore, #tpu.memory_space<semaphore_mem>>)
      %dma_wait3A = arith.constant 0 : i32
      %dma_wait3A_88 = tpu.memref_slice %arg3[%arg0, %add3A_71, %dma_wait3A] : memref<2x10000x128xf32, #tpu.memory_space<hbm>> -> memref<1x48x128xf32, #tpu.memory_space<hbm>>
      %dma_wait3A_89 = tpu.memref_squeeze %dma_wait3A_88 : memref<1x48x128xf32, #tpu.memory_space<hbm>> -> memref<48x128xf32, #tpu.memory_space<hbm>>
      %dma_wait3A_90 = arith.constant 0 : i32
      %dma_wait3A_91 = tpu.memref_slice %arg3[%arg0, %add3A_71, %dma_wait3A_90] : memref<2x10000x128xf32, #tpu.memory_space<hbm>> -> memref<1x48x128xf32, #tpu.memory_space<hbm>>
      %dma_wait3A_92 = tpu.memref_squeeze %dma_wait3A_91 : memref<1x48x128xf32, #tpu.memory_space<hbm>> -> memref<48x128xf32, #tpu.memory_space<hbm>>
      tpu.wait_dma2 semaphore(%run_scoped3A : memref<!tpu.dma_semaphore, #tpu.memory_space<semaphore_mem>>) src(%arg7 : memref<48x128xf32, #tpu.memory_space<vmem>>) dst(%dma_wait3A_92 : memref<48x128xf32, #tpu.memory_space<hbm>>)
      tpu.yield
    }) : () -> ()
    %add3A_72 = arith.constant 480 : i32
    %add3A_73 = arith.addi %mul3A_2, %add3A_72 : i32
    "tpu.region"() ({
      %run_scoped3A = tpu.sem_alloc : memref<!tpu.dma_semaphore, #tpu.memory_space<semaphore_mem>>
      %dma_start3A = arith.constant 0 : i32
      %dma_start3A_83 = tpu.memref_slice %arg4[%add3A_73, %dma_start3A] : memref<10008x128xf32, #tpu.memory_space<vmem_shared>> -> memref<48x128xf32, #tpu.memory_space<vmem_shared>>
      %dma_start3A_84 = arith.constant 0 : i32
      %dma_start3A_85 = tpu.memref_slice %arg4[%add3A_73, %dma_start3A_84] : memref<10008x128xf32, #tpu.memory_space<vmem_shared>> -> memref<48x128xf32, #tpu.memory_space<vmem_shared>>
      tpu.enqueue_dma source(%dma_start3A_85 : memref<48x128xf32, #tpu.memory_space<vmem_shared>>) target(%arg7 : memref<48x128xf32, #tpu.memory_space<vmem>>) target_semaphore(%run_scoped3A : memref<!tpu.dma_semaphore, #tpu.memory_space<semaphore_mem>>)
      %dma_wait3A = arith.constant 0 : i32
      %dma_wait3A_86 = tpu.memref_slice %arg4[%add3A_73, %dma_wait3A] : memref<10008x128xf32, #tpu.memory_space<vmem_shared>> -> memref<48x128xf32, #tpu.memory_space<vmem_shared>>
      %dma_wait3A_87 = arith.constant 0 : i32
      %dma_wait3A_88 = tpu.memref_slice %arg4[%add3A_73, %dma_wait3A_87] : memref<10008x128xf32, #tpu.memory_space<vmem_shared>> -> memref<48x128xf32, #tpu.memory_space<vmem_shared>>
      tpu.wait_dma2 semaphore(%run_scoped3A : memref<!tpu.dma_semaphore, #tpu.memory_space<semaphore_mem>>) src(%dma_wait3A_88 : memref<48x128xf32, #tpu.memory_space<vmem_shared>>) dst(%arg7 : memref<48x128xf32, #tpu.memory_space<vmem>>)
      tpu.yield
    }) : () -> ()
    "tpu.region"() ({
      %run_scoped3A = tpu.sem_alloc : memref<!tpu.dma_semaphore, #tpu.memory_space<semaphore_mem>>
      %dma_start3A = arith.constant 0 : i32
      %dma_start3A_83 = tpu.memref_slice %arg3[%arg0, %add3A_73, %dma_start3A] : memref<2x10000x128xf32, #tpu.memory_space<hbm>> -> memref<1x48x128xf32, #tpu.memory_space<hbm>>
      %dma_start3A_84 = tpu.memref_squeeze %dma_start3A_83 : memref<1x48x128xf32, #tpu.memory_space<hbm>> -> memref<48x128xf32, #tpu.memory_space<hbm>>
      %dma_start3A_85 = arith.constant 0 : i32
      %dma_start3A_86 = tpu.memref_slice %arg3[%arg0, %add3A_73, %dma_start3A_85] : memref<2x10000x128xf32, #tpu.memory_space<hbm>> -> memref<1x48x128xf32, #tpu.memory_space<hbm>>
      %dma_start3A_87 = tpu.memref_squeeze %dma_start3A_86 : memref<1x48x128xf32, #tpu.memory_space<hbm>> -> memref<48x128xf32, #tpu.memory_space<hbm>>
      tpu.enqueue_dma source(%arg7 : memref<48x128xf32, #tpu.memory_space<vmem>>) target(%dma_start3A_87 : memref<48x128xf32, #tpu.memory_space<hbm>>) target_semaphore(%run_scoped3A : memref<!tpu.dma_semaphore, #tpu.memory_space<semaphore_mem>>)
      %dma_wait3A = arith.constant 0 : i32
      %dma_wait3A_88 = tpu.memref_slice %arg3[%arg0, %add3A_73, %dma_wait3A] : memref<2x10000x128xf32, #tpu.memory_space<hbm>> -> memref<1x48x128xf32, #tpu.memory_space<hbm>>
      %dma_wait3A_89 = tpu.memref_squeeze %dma_wait3A_88 : memref<1x48x128xf32, #tpu.memory_space<hbm>> -> memref<48x128xf32, #tpu.memory_space<hbm>>
      %dma_wait3A_90 = arith.constant 0 : i32
      %dma_wait3A_91 = tpu.memref_slice %arg3[%arg0, %add3A_73, %dma_wait3A_90] : memref<2x10000x128xf32, #tpu.memory_space<hbm>> -> memref<1x48x128xf32, #tpu.memory_space<hbm>>
      %dma_wait3A_92 = tpu.memref_squeeze %dma_wait3A_91 : memref<1x48x128xf32, #tpu.memory_space<hbm>> -> memref<48x128xf32, #tpu.memory_space<hbm>>
      tpu.wait_dma2 semaphore(%run_scoped3A : memref<!tpu.dma_semaphore, #tpu.memory_space<semaphore_mem>>) src(%arg7 : memref<48x128xf32, #tpu.memory_space<vmem>>) dst(%dma_wait3A_92 : memref<48x128xf32, #tpu.memory_space<hbm>>)
      tpu.yield
    }) : () -> ()
    %add3A_74 = arith.constant 528 : i32
    %add3A_75 = arith.addi %mul3A_2, %add3A_74 : i32
    "tpu.region"() ({
      %run_scoped3A = tpu.sem_alloc : memref<!tpu.dma_semaphore, #tpu.memory_space<semaphore_mem>>
      %dma_start3A = arith.constant 0 : i32
      %dma_start3A_83 = tpu.memref_slice %arg4[%add3A_75, %dma_start3A] : memref<10008x128xf32, #tpu.memory_space<vmem_shared>> -> memref<48x128xf32, #tpu.memory_space<vmem_shared>>
      %dma_start3A_84 = arith.constant 0 : i32
      %dma_start3A_85 = tpu.memref_slice %arg4[%add3A_75, %dma_start3A_84] : memref<10008x128xf32, #tpu.memory_space<vmem_shared>> -> memref<48x128xf32, #tpu.memory_space<vmem_shared>>
      tpu.enqueue_dma source(%dma_start3A_85 : memref<48x128xf32, #tpu.memory_space<vmem_shared>>) target(%arg7 : memref<48x128xf32, #tpu.memory_space<vmem>>) target_semaphore(%run_scoped3A : memref<!tpu.dma_semaphore, #tpu.memory_space<semaphore_mem>>)
      %dma_wait3A = arith.constant 0 : i32
      %dma_wait3A_86 = tpu.memref_slice %arg4[%add3A_75, %dma_wait3A] : memref<10008x128xf32, #tpu.memory_space<vmem_shared>> -> memref<48x128xf32, #tpu.memory_space<vmem_shared>>
      %dma_wait3A_87 = arith.constant 0 : i32
      %dma_wait3A_88 = tpu.memref_slice %arg4[%add3A_75, %dma_wait3A_87] : memref<10008x128xf32, #tpu.memory_space<vmem_shared>> -> memref<48x128xf32, #tpu.memory_space<vmem_shared>>
      tpu.wait_dma2 semaphore(%run_scoped3A : memref<!tpu.dma_semaphore, #tpu.memory_space<semaphore_mem>>) src(%dma_wait3A_88 : memref<48x128xf32, #tpu.memory_space<vmem_shared>>) dst(%arg7 : memref<48x128xf32, #tpu.memory_space<vmem>>)
      tpu.yield
    }) : () -> ()
    "tpu.region"() ({
      %run_scoped3A = tpu.sem_alloc : memref<!tpu.dma_semaphore, #tpu.memory_space<semaphore_mem>>
      %dma_start3A = arith.constant 0 : i32
      %dma_start3A_83 = tpu.memref_slice %arg3[%arg0, %add3A_75, %dma_start3A] : memref<2x10000x128xf32, #tpu.memory_space<hbm>> -> memref<1x48x128xf32, #tpu.memory_space<hbm>>
      %dma_start3A_84 = tpu.memref_squeeze %dma_start3A_83 : memref<1x48x128xf32, #tpu.memory_space<hbm>> -> memref<48x128xf32, #tpu.memory_space<hbm>>
      %dma_start3A_85 = arith.constant 0 : i32
      %dma_start3A_86 = tpu.memref_slice %arg3[%arg0, %add3A_75, %dma_start3A_85] : memref<2x10000x128xf32, #tpu.memory_space<hbm>> -> memref<1x48x128xf32, #tpu.memory_space<hbm>>
      %dma_start3A_87 = tpu.memref_squeeze %dma_start3A_86 : memref<1x48x128xf32, #tpu.memory_space<hbm>> -> memref<48x128xf32, #tpu.memory_space<hbm>>
      tpu.enqueue_dma source(%arg7 : memref<48x128xf32, #tpu.memory_space<vmem>>) target(%dma_start3A_87 : memref<48x128xf32, #tpu.memory_space<hbm>>) target_semaphore(%run_scoped3A : memref<!tpu.dma_semaphore, #tpu.memory_space<semaphore_mem>>)
      %dma_wait3A = arith.constant 0 : i32
      %dma_wait3A_88 = tpu.memref_slice %arg3[%arg0, %add3A_75, %dma_wait3A] : memref<2x10000x128xf32, #tpu.memory_space<hbm>> -> memref<1x48x128xf32, #tpu.memory_space<hbm>>
      %dma_wait3A_89 = tpu.memref_squeeze %dma_wait3A_88 : memref<1x48x128xf32, #tpu.memory_space<hbm>> -> memref<48x128xf32, #tpu.memory_space<hbm>>
      %dma_wait3A_90 = arith.constant 0 : i32
      %dma_wait3A_91 = tpu.memref_slice %arg3[%arg0, %add3A_75, %dma_wait3A_90] : memref<2x10000x128xf32, #tpu.memory_space<hbm>> -> memref<1x48x128xf32, #tpu.memory_space<hbm>>
      %dma_wait3A_92 = tpu.memref_squeeze %dma_wait3A_91 : memref<1x48x128xf32, #tpu.memory_space<hbm>> -> memref<48x128xf32, #tpu.memory_space<hbm>>
      tpu.wait_dma2 semaphore(%run_scoped3A : memref<!tpu.dma_semaphore, #tpu.memory_space<semaphore_mem>>) src(%arg7 : memref<48x128xf32, #tpu.memory_space<vmem>>) dst(%dma_wait3A_92 : memref<48x128xf32, #tpu.memory_space<hbm>>)
      tpu.yield
    }) : () -> ()
    %add3A_76 = arith.constant 576 : i32
    %add3A_77 = arith.addi %mul3A_2, %add3A_76 : i32
    "tpu.region"() ({
      %run_scoped3A = tpu.sem_alloc : memref<!tpu.dma_semaphore, #tpu.memory_space<semaphore_mem>>
      %dma_start3A = arith.constant 0 : i32
      %dma_start3A_83 = tpu.memref_slice %arg4[%add3A_77, %dma_start3A] : memref<10008x128xf32, #tpu.memory_space<vmem_shared>> -> memref<48x128xf32, #tpu.memory_space<vmem_shared>>
      %dma_start3A_84 = arith.constant 0 : i32
      %dma_start3A_85 = tpu.memref_slice %arg4[%add3A_77, %dma_start3A_84] : memref<10008x128xf32, #tpu.memory_space<vmem_shared>> -> memref<48x128xf32, #tpu.memory_space<vmem_shared>>
      tpu.enqueue_dma source(%dma_start3A_85 : memref<48x128xf32, #tpu.memory_space<vmem_shared>>) target(%arg7 : memref<48x128xf32, #tpu.memory_space<vmem>>) target_semaphore(%run_scoped3A : memref<!tpu.dma_semaphore, #tpu.memory_space<semaphore_mem>>)
      %dma_wait3A = arith.constant 0 : i32
      %dma_wait3A_86 = tpu.memref_slice %arg4[%add3A_77, %dma_wait3A] : memref<10008x128xf32, #tpu.memory_space<vmem_shared>> -> memref<48x128xf32, #tpu.memory_space<vmem_shared>>
      %dma_wait3A_87 = arith.constant 0 : i32
      %dma_wait3A_88 = tpu.memref_slice %arg4[%add3A_77, %dma_wait3A_87] : memref<10008x128xf32, #tpu.memory_space<vmem_shared>> -> memref<48x128xf32, #tpu.memory_space<vmem_shared>>
      tpu.wait_dma2 semaphore(%run_scoped3A : memref<!tpu.dma_semaphore, #tpu.memory_space<semaphore_mem>>) src(%dma_wait3A_88 : memref<48x128xf32, #tpu.memory_space<vmem_shared>>) dst(%arg7 : memref<48x128xf32, #tpu.memory_space<vmem>>)
      tpu.yield
    }) : () -> ()
    "tpu.region"() ({
      %run_scoped3A = tpu.sem_alloc : memref<!tpu.dma_semaphore, #tpu.memory_space<semaphore_mem>>
      %dma_start3A = arith.constant 0 : i32
      %dma_start3A_83 = tpu.memref_slice %arg3[%arg0, %add3A_77, %dma_start3A] : memref<2x10000x128xf32, #tpu.memory_space<hbm>> -> memref<1x48x128xf32, #tpu.memory_space<hbm>>
      %dma_start3A_84 = tpu.memref_squeeze %dma_start3A_83 : memref<1x48x128xf32, #tpu.memory_space<hbm>> -> memref<48x128xf32, #tpu.memory_space<hbm>>
      %dma_start3A_85 = arith.constant 0 : i32
      %dma_start3A_86 = tpu.memref_slice %arg3[%arg0, %add3A_77, %dma_start3A_85] : memref<2x10000x128xf32, #tpu.memory_space<hbm>> -> memref<1x48x128xf32, #tpu.memory_space<hbm>>
      %dma_start3A_87 = tpu.memref_squeeze %dma_start3A_86 : memref<1x48x128xf32, #tpu.memory_space<hbm>> -> memref<48x128xf32, #tpu.memory_space<hbm>>
      tpu.enqueue_dma source(%arg7 : memref<48x128xf32, #tpu.memory_space<vmem>>) target(%dma_start3A_87 : memref<48x128xf32, #tpu.memory_space<hbm>>) target_semaphore(%run_scoped3A : memref<!tpu.dma_semaphore, #tpu.memory_space<semaphore_mem>>)
      %dma_wait3A = arith.constant 0 : i32
      %dma_wait3A_88 = tpu.memref_slice %arg3[%arg0, %add3A_77, %dma_wait3A] : memref<2x10000x128xf32, #tpu.memory_space<hbm>> -> memref<1x48x128xf32, #tpu.memory_space<hbm>>
      %dma_wait3A_89 = tpu.memref_squeeze %dma_wait3A_88 : memref<1x48x128xf32, #tpu.memory_space<hbm>> -> memref<48x128xf32, #tpu.memory_space<hbm>>
      %dma_wait3A_90 = arith.constant 0 : i32
      %dma_wait3A_91 = tpu.memref_slice %arg3[%arg0, %add3A_77, %dma_wait3A_90] : memref<2x10000x128xf32, #tpu.memory_space<hbm>> -> memref<1x48x128xf32, #tpu.memory_space<hbm>>
      %dma_wait3A_92 = tpu.memref_squeeze %dma_wait3A_91 : memref<1x48x128xf32, #tpu.memory_space<hbm>> -> memref<48x128xf32, #tpu.memory_space<hbm>>
      tpu.wait_dma2 semaphore(%run_scoped3A : memref<!tpu.dma_semaphore, #tpu.memory_space<semaphore_mem>>) src(%arg7 : memref<48x128xf32, #tpu.memory_space<vmem>>) dst(%dma_wait3A_92 : memref<48x128xf32, #tpu.memory_space<hbm>>)
      tpu.yield
    }) : () -> ()
    %eq3A_78 = arith.constant 0 : i32
    %eq3A_79 = arith.cmpi eq, %arg1, %eq3A_78 : i32
    %convert_element_type3A_80 = arith.extui %eq3A_79 : i1 to i32
    %cond3A_81 = arith.constant 0 : i32
    %cond3A_82 = arith.cmpi ne, %convert_element_type3A_80, %cond3A_81 : i32
    scf.if %cond3A_82 {
      "tpu.region"() ({
        %run_scoped3A = tpu.sem_alloc : memref<!tpu.dma_semaphore, #tpu.memory_space<semaphore_mem>>
        %dma_start3A = arith.constant 0 : i32
        %dma_start3A_83 = arith.constant 0 : i32
        %dma_start3A_84 = tpu.memref_slice %arg7[%dma_start3A, %dma_start3A_83] : memref<48x128xf32, #tpu.memory_space<vmem>> -> memref<16x128xf32, #tpu.memory_space<vmem>>
        %dma_start3A_85 = arith.constant 9984 : i32
        %dma_start3A_86 = arith.constant 0 : i32
        %dma_start3A_87 = tpu.memref_slice %arg4[%dma_start3A_85, %dma_start3A_86] : memref<10008x128xf32, #tpu.memory_space<vmem_shared>> -> memref<16x128xf32, #tpu.memory_space<vmem_shared>>
        %dma_start3A_88 = arith.constant 0 : i32
        %dma_start3A_89 = arith.constant 0 : i32
        %dma_start3A_90 = tpu.memref_slice %arg7[%dma_start3A_88, %dma_start3A_89] : memref<48x128xf32, #tpu.memory_space<vmem>> -> memref<16x128xf32, #tpu.memory_space<vmem>>
        %dma_start3A_91 = arith.constant 9984 : i32
        %dma_start3A_92 = arith.constant 0 : i32
        %dma_start3A_93 = tpu.memref_slice %arg4[%dma_start3A_91, %dma_start3A_92] : memref<10008x128xf32, #tpu.memory_space<vmem_shared>> -> memref<16x128xf32, #tpu.memory_space<vmem_shared>>
        tpu.enqueue_dma source(%dma_start3A_93 : memref<16x128xf32, #tpu.memory_space<vmem_shared>>) target(%dma_start3A_90 : memref<16x128xf32, #tpu.memory_space<vmem>>) target_semaphore(%run_scoped3A : memref<!tpu.dma_semaphore, #tpu.memory_space<semaphore_mem>>)
        %dma_wait3A = arith.constant 0 : i32
        %dma_wait3A_94 = arith.constant 0 : i32
        %dma_wait3A_95 = tpu.memref_slice %arg7[%dma_wait3A, %dma_wait3A_94] : memref<48x128xf32, #tpu.memory_space<vmem>> -> memref<16x128xf32, #tpu.memory_space<vmem>>
        %dma_wait3A_96 = arith.constant 9984 : i32
        %dma_wait3A_97 = arith.constant 0 : i32
        %dma_wait3A_98 = tpu.memref_slice %arg4[%dma_wait3A_96, %dma_wait3A_97] : memref<10008x128xf32, #tpu.memory_space<vmem_shared>> -> memref<16x128xf32, #tpu.memory_space<vmem_shared>>
        %dma_wait3A_99 = arith.constant 0 : i32
        %dma_wait3A_100 = arith.constant 0 : i32
        %dma_wait3A_101 = tpu.memref_slice %arg7[%dma_wait3A_99, %dma_wait3A_100] : memref<48x128xf32, #tpu.memory_space<vmem>> -> memref<16x128xf32, #tpu.memory_space<vmem>>
        %dma_wait3A_102 = arith.constant 9984 : i32
        %dma_wait3A_103 = arith.constant 0 : i32
        %dma_wait3A_104 = tpu.memref_slice %arg4[%dma_wait3A_102, %dma_wait3A_103] : memref<10008x128xf32, #tpu.memory_space<vmem_shared>> -> memref<16x128xf32, #tpu.memory_space<vmem_shared>>
        tpu.wait_dma2 semaphore(%run_scoped3A : memref<!tpu.dma_semaphore, #tpu.memory_space<semaphore_mem>>) src(%dma_wait3A_104 : memref<16x128xf32, #tpu.memory_space<vmem_shared>>) dst(%dma_wait3A_101 : memref<16x128xf32, #tpu.memory_space<vmem>>)
        tpu.yield
      }) : () -> ()
      "tpu.region"() ({
        %run_scoped3A = tpu.sem_alloc : memref<!tpu.dma_semaphore, #tpu.memory_space<semaphore_mem>>
        %dma_start3A = arith.constant 0 : i32
        %dma_start3A_83 = arith.constant 0 : i32
        %dma_start3A_84 = tpu.memref_slice %arg7[%dma_start3A, %dma_start3A_83] : memref<48x128xf32, #tpu.memory_space<vmem>> -> memref<16x128xf32, #tpu.memory_space<vmem>>
        %dma_start3A_85 = arith.constant 9984 : i32
        %dma_start3A_86 = arith.constant 0 : i32
        %dma_start3A_87 = tpu.memref_slice %arg3[%arg0, %dma_start3A_85, %dma_start3A_86] : memref<2x10000x128xf32, #tpu.memory_space<hbm>> -> memref<1x16x128xf32, #tpu.memory_space<hbm>>
        %dma_start3A_88 = tpu.memref_squeeze %dma_start3A_87 : memref<1x16x128xf32, #tpu.memory_space<hbm>> -> memref<16x128xf32, #tpu.memory_space<hbm>>
        %dma_start3A_89 = arith.constant 9984 : i32
        %dma_start3A_90 = arith.constant 0 : i32
        %dma_start3A_91 = tpu.memref_slice %arg3[%arg0, %dma_start3A_89, %dma_start3A_90] : memref<2x10000x128xf32, #tpu.memory_space<hbm>> -> memref<1x16x128xf32, #tpu.memory_space<hbm>>
        %dma_start3A_92 = tpu.memref_squeeze %dma_start3A_91 : memref<1x16x128xf32, #tpu.memory_space<hbm>> -> memref<16x128xf32, #tpu.memory_space<hbm>>
        %dma_start3A_93 = arith.constant 0 : i32
        %dma_start3A_94 = arith.constant 0 : i32
        %dma_start3A_95 = tpu.memref_slice %arg7[%dma_start3A_93, %dma_start3A_94] : memref<48x128xf32, #tpu.memory_space<vmem>> -> memref<16x128xf32, #tpu.memory_space<vmem>>
        tpu.enqueue_dma source(%dma_start3A_95 : memref<16x128xf32, #tpu.memory_space<vmem>>) target(%dma_start3A_92 : memref<16x128xf32, #tpu.memory_space<hbm>>) target_semaphore(%run_scoped3A : memref<!tpu.dma_semaphore, #tpu.memory_space<semaphore_mem>>)
        %dma_wait3A = arith.constant 0 : i32
        %dma_wait3A_96 = arith.constant 0 : i32
        %dma_wait3A_97 = tpu.memref_slice %arg7[%dma_wait3A, %dma_wait3A_96] : memref<48x128xf32, #tpu.memory_space<vmem>> -> memref<16x128xf32, #tpu.memory_space<vmem>>
        %dma_wait3A_98 = arith.constant 9984 : i32
        %dma_wait3A_99 = arith.constant 0 : i32
        %dma_wait3A_100 = tpu.memref_slice %arg3[%arg0, %dma_wait3A_98, %dma_wait3A_99] : memref<2x10000x128xf32, #tpu.memory_space<hbm>> -> memref<1x16x128xf32, #tpu.memory_space<hbm>>
        %dma_wait3A_101 = tpu.memref_squeeze %dma_wait3A_100 : memref<1x16x128xf32, #tpu.memory_space<hbm>> -> memref<16x128xf32, #tpu.memory_space<hbm>>
        %dma_wait3A_102 = arith.constant 9984 : i32
        %dma_wait3A_103 = arith.constant 0 : i32
        %dma_wait3A_104 = tpu.memref_slice %arg3[%arg0, %dma_wait3A_102, %dma_wait3A_103] : memref<2x10000x128xf32, #tpu.memory_space<hbm>> -> memref<1x16x128xf32, #tpu.memory_space<hbm>>
        %dma_wait3A_105 = tpu.memref_squeeze %dma_wait3A_104 : memref<1x16x128xf32, #tpu.memory_space<hbm>> -> memref<16x128xf32, #tpu.memory_space<hbm>>
        %dma_wait3A_106 = arith.constant 0 : i32
        %dma_wait3A_107 = arith.constant 0 : i32
        %dma_wait3A_108 = tpu.memref_slice %arg7[%dma_wait3A_106, %dma_wait3A_107] : memref<48x128xf32, #tpu.memory_space<vmem>> -> memref<16x128xf32, #tpu.memory_space<vmem>>
        tpu.wait_dma2 semaphore(%run_scoped3A : memref<!tpu.dma_semaphore, #tpu.memory_space<semaphore_mem>>) src(%dma_wait3A_108 : memref<16x128xf32, #tpu.memory_space<vmem>>) dst(%dma_wait3A_105 : memref<16x128xf32, #tpu.memory_space<hbm>>)
        tpu.yield
      }) : () -> ()
    } else {
    }
    return
  }
}

#map = affine_map<(d0, d1) -> (0, 0)>
#map1 = affine_map<(d0, d1) -> (0, 0, 0)>
module attributes {stable_mosaic.version = 14 : i64} {
  func.func @body(%arg0: i32, %arg1: i32, %arg2: memref<10000x128xf32, #tpu.memory_space<hbm>>, %arg3: memref<32x128x80xi32, #tpu.memory_space<hbm>>, %arg4: memref<32x128x80xi32, #tpu.memory_space<hbm>>, %arg5: memref<2x10000x128xf32, #tpu.memory_space<hbm>>, %arg6: memref<10008x128xf32, #tpu.memory_space<vmem_shared>>, %arg7: memref<64x80xi32, #tpu.memory_space<vmem>>, %arg8: memref<64x80xi32, #tpu.memory_space<vmem>>, %arg9: memref<80x128xf32, #tpu.memory_space<vmem>>, %arg10: memref<80x128xf32, #tpu.memory_space<vmem>>, %arg11: memref<48x128xf32, #tpu.memory_space<vmem>>, %arg12: memref<!tpu.dma_semaphore, #tpu.memory_space<semaphore_mem>>, %arg13: memref<!tpu.dma_semaphore, #tpu.memory_space<semaphore_mem>>) attributes {dimension_semantics = [#tpu.dimension_semantics<core_parallel>, #tpu.dimension_semantics<subcore_parallel>], iteration_bounds = array<i64: 2, 16>, scalar_prefetch = 0 : i64, scratch_operands = 8 : i64, tpu.core_type = #tpu.core_type<sc_vector_subcore>, window_params = [{transform_indices = #map}, {transform_indices = #map1}, {transform_indices = #map1}, {transform_indices = #map1}]} {
    %mul3A = arith.constant 2 : i32
    %mul3A_0 = arith.muli %arg1, %mul3A : i32
    %add3A = arith.addi %mul3A_0, %arg0 : i32
    %mul3A_1 = arith.constant 624 : i32
    %mul3A_2 = arith.muli %arg1, %mul3A_1 : i32
    %broadcast_in_dim3A = arith.constant 0.000000e+00 : f32
    %broadcast_in_dim3A_3 = vector.broadcast %broadcast_in_dim3A : f32 to vector<16xf32>
    %scan3A = arith.constant 0 : i32
    %scan3A_4 = arith.constant 0 : i32
    %scan3A_5 = arith.constant 48 : i32
    %scan3A_6 = arith.addi %scan3A_4, %scan3A_5 : i32
    %scan3A_7 = arith.constant 1 : i32
    scf.for %scan3A_81 = %scan3A_4 to %scan3A_6 step %scan3A_7  : i32 {
      %swap3A = arith.index_cast %scan3A_81 : i32 to index
      %swap3A_82 = arith.constant 0 : index
      %swap3A_83 = tpu.vector_load %arg11[%swap3A, %swap3A_82] {strides = array<i32>} : memref<48x128xf32, #tpu.memory_space<vmem>>, vector<1x16xf32>,
      %swap3A_84 = vector.shape_cast %swap3A_83 : vector<1x16xf32> to vector<16xf32>
      %swap3A_85 = vector.shape_cast %broadcast_in_dim3A_3 : vector<16xf32> to vector<1x16xf32>
      tpu.vector_store %arg11[%swap3A, %swap3A_82], %swap3A_85 {strides = array<i32>} : memref<48x128xf32, #tpu.memory_space<vmem>>, vector<1x16xf32>,
      %swap3A_86 = arith.index_cast %scan3A_81 : i32 to index
      %swap3A_87 = arith.constant 16 : index
      %swap3A_88 = tpu.vector_load %arg11[%swap3A_86, %swap3A_87] {strides = array<i32>} : memref<48x128xf32, #tpu.memory_space<vmem>>, vector<1x16xf32>,
      %swap3A_89 = vector.shape_cast %swap3A_88 : vector<1x16xf32> to vector<16xf32>
      %swap3A_90 = vector.shape_cast %broadcast_in_dim3A_3 : vector<16xf32> to vector<1x16xf32>
      tpu.vector_store %arg11[%swap3A_86, %swap3A_87], %swap3A_90 {strides = array<i32>} : memref<48x128xf32, #tpu.memory_space<vmem>>, vector<1x16xf32>,
      %swap3A_91 = arith.index_cast %scan3A_81 : i32 to index
      %swap3A_92 = arith.constant 32 : index
      %swap3A_93 = tpu.vector_load %arg11[%swap3A_91, %swap3A_92] {strides = array<i32>} : memref<48x128xf32, #tpu.memory_space<vmem>>, vector<1x16xf32>,
      %swap3A_94 = vector.shape_cast %swap3A_93 : vector<1x16xf32> to vector<16xf32>
      %swap3A_95 = vector.shape_cast %broadcast_in_dim3A_3 : vector<16xf32> to vector<1x16xf32>
      tpu.vector_store %arg11[%swap3A_91, %swap3A_92], %swap3A_95 {strides = array<i32>} : memref<48x128xf32, #tpu.memory_space<vmem>>, vector<1x16xf32>,
      %swap3A_96 = arith.index_cast %scan3A_81 : i32 to index
      %swap3A_97 = arith.constant 48 : index
      %swap3A_98 = tpu.vector_load %arg11[%swap3A_96, %swap3A_97] {strides = array<i32>} : memref<48x128xf32, #tpu.memory_space<vmem>>, vector<1x16xf32>,
      %swap3A_99 = vector.shape_cast %swap3A_98 : vector<1x16xf32> to vector<16xf32>
      %swap3A_100 = vector.shape_cast %broadcast_in_dim3A_3 : vector<16xf32> to vector<1x16xf32>
      tpu.vector_store %arg11[%swap3A_96, %swap3A_97], %swap3A_100 {strides = array<i32>} : memref<48x128xf32, #tpu.memory_space<vmem>>, vector<1x16xf32>,
      %swap3A_101 = arith.index_cast %scan3A_81 : i32 to index
      %swap3A_102 = arith.constant 64 : index
      %swap3A_103 = tpu.vector_load %arg11[%swap3A_101, %swap3A_102] {strides = array<i32>} : memref<48x128xf32, #tpu.memory_space<vmem>>, vector<1x16xf32>,
      %swap3A_104 = vector.shape_cast %swap3A_103 : vector<1x16xf32> to vector<16xf32>
      %swap3A_105 = vector.shape_cast %broadcast_in_dim3A_3 : vector<16xf32> to vector<1x16xf32>
      tpu.vector_store %arg11[%swap3A_101, %swap3A_102], %swap3A_105 {strides = array<i32>} : memref<48x128xf32, #tpu.memory_space<vmem>>, vector<1x16xf32>,
      %swap3A_106 = arith.index_cast %scan3A_81 : i32 to index
      %swap3A_107 = arith.constant 80 : index
      %swap3A_108 = tpu.vector_load %arg11[%swap3A_106, %swap3A_107] {strides = array<i32>} : memref<48x128xf32, #tpu.memory_space<vmem>>, vector<1x16xf32>,
      %swap3A_109 = vector.shape_cast %swap3A_108 : vector<1x16xf32> to vector<16xf32>
      %swap3A_110 = vector.shape_cast %broadcast_in_dim3A_3 : vector<16xf32> to vector<1x16xf32>
      tpu.vector_store %arg11[%swap3A_106, %swap3A_107], %swap3A_110 {strides = array<i32>} : memref<48x128xf32, #tpu.memory_space<vmem>>, vector<1x16xf32>,
      %swap3A_111 = arith.index_cast %scan3A_81 : i32 to index
      %swap3A_112 = arith.constant 96 : index
      %swap3A_113 = tpu.vector_load %arg11[%swap3A_111, %swap3A_112] {strides = array<i32>} : memref<48x128xf32, #tpu.memory_space<vmem>>, vector<1x16xf32>,
      %swap3A_114 = vector.shape_cast %swap3A_113 : vector<1x16xf32> to vector<16xf32>
      %swap3A_115 = vector.shape_cast %broadcast_in_dim3A_3 : vector<16xf32> to vector<1x16xf32>
      tpu.vector_store %arg11[%swap3A_111, %swap3A_112], %swap3A_115 {strides = array<i32>} : memref<48x128xf32, #tpu.memory_space<vmem>>, vector<1x16xf32>,
      %swap3A_116 = arith.index_cast %scan3A_81 : i32 to index
      %swap3A_117 = arith.constant 112 : index
      %swap3A_118 = tpu.vector_load %arg11[%swap3A_116, %swap3A_117] {strides = array<i32>} : memref<48x128xf32, #tpu.memory_space<vmem>>, vector<1x16xf32>,
      %swap3A_119 = vector.shape_cast %swap3A_118 : vector<1x16xf32> to vector<16xf32>
      %swap3A_120 = vector.shape_cast %broadcast_in_dim3A_3 : vector<16xf32> to vector<1x16xf32>
      tpu.vector_store %arg11[%swap3A_116, %swap3A_117], %swap3A_120 {strides = array<i32>} : memref<48x128xf32, #tpu.memory_space<vmem>>, vector<1x16xf32>,
    }
    %scan3A_8 = arith.constant 48 : i32
    %add3A_9 = arith.constant 0 : i32
    %add3A_10 = arith.addi %mul3A_2, %add3A_9 : i32
    "tpu.region"() ({
      %run_scoped3A = tpu.sem_alloc : memref<!tpu.dma_semaphore, #tpu.memory_space<semaphore_mem>>
      %dma_start3A = arith.constant 0 : i32
      %dma_start3A_81 = tpu.memref_slice %arg6[%add3A_10, %dma_start3A] : memref<10008x128xf32, #tpu.memory_space<vmem_shared>> -> memref<48x128xf32, #tpu.memory_space<vmem_shared>>
      %dma_start3A_82 = arith.constant 0 : i32
      %dma_start3A_83 = tpu.memref_slice %arg6[%add3A_10, %dma_start3A_82] : memref<10008x128xf32, #tpu.memory_space<vmem_shared>> -> memref<48x128xf32, #tpu.memory_space<vmem_shared>>
      tpu.enqueue_dma source(%arg11 : memref<48x128xf32, #tpu.memory_space<vmem>>) target(%dma_start3A_83 : memref<48x128xf32, #tpu.memory_space<vmem_shared>>) target_semaphore(%run_scoped3A : memref<!tpu.dma_semaphore, #tpu.memory_space<semaphore_mem>>)
      %dma_wait3A = arith.constant 0 : i32
      %dma_wait3A_84 = tpu.memref_slice %arg6[%add3A_10, %dma_wait3A] : memref<10008x128xf32, #tpu.memory_space<vmem_shared>> -> memref<48x128xf32, #tpu.memory_space<vmem_shared>>
      %dma_wait3A_85 = arith.constant 0 : i32
      %dma_wait3A_86 = tpu.memref_slice %arg6[%add3A_10, %dma_wait3A_85] : memref<10008x128xf32, #tpu.memory_space<vmem_shared>> -> memref<48x128xf32, #tpu.memory_space<vmem_shared>>
      tpu.wait_dma2 semaphore(%run_scoped3A : memref<!tpu.dma_semaphore, #tpu.memory_space<semaphore_mem>>) src(%arg11 : memref<48x128xf32, #tpu.memory_space<vmem>>) dst(%dma_wait3A_86 : memref<48x128xf32, #tpu.memory_space<vmem_shared>>)
      tpu.yield
    }) : () -> ()
    %add3A_11 = arith.constant 48 : i32
    %add3A_12 = arith.addi %mul3A_2, %add3A_11 : i32
    "tpu.region"() ({
      %run_scoped3A = tpu.sem_alloc : memref<!tpu.dma_semaphore, #tpu.memory_space<semaphore_mem>>
      %dma_start3A = arith.constant 0 : i32
      %dma_start3A_81 = tpu.memref_slice %arg6[%add3A_12, %dma_start3A] : memref<10008x128xf32, #tpu.memory_space<vmem_shared>> -> memref<48x128xf32, #tpu.memory_space<vmem_shared>>
      %dma_start3A_82 = arith.constant 0 : i32
      %dma_start3A_83 = tpu.memref_slice %arg6[%add3A_12, %dma_start3A_82] : memref<10008x128xf32, #tpu.memory_space<vmem_shared>> -> memref<48x128xf32, #tpu.memory_space<vmem_shared>>
      tpu.enqueue_dma source(%arg11 : memref<48x128xf32, #tpu.memory_space<vmem>>) target(%dma_start3A_83 : memref<48x128xf32, #tpu.memory_space<vmem_shared>>) target_semaphore(%run_scoped3A : memref<!tpu.dma_semaphore, #tpu.memory_space<semaphore_mem>>)
      %dma_wait3A = arith.constant 0 : i32
      %dma_wait3A_84 = tpu.memref_slice %arg6[%add3A_12, %dma_wait3A] : memref<10008x128xf32, #tpu.memory_space<vmem_shared>> -> memref<48x128xf32, #tpu.memory_space<vmem_shared>>
      %dma_wait3A_85 = arith.constant 0 : i32
      %dma_wait3A_86 = tpu.memref_slice %arg6[%add3A_12, %dma_wait3A_85] : memref<10008x128xf32, #tpu.memory_space<vmem_shared>> -> memref<48x128xf32, #tpu.memory_space<vmem_shared>>
      tpu.wait_dma2 semaphore(%run_scoped3A : memref<!tpu.dma_semaphore, #tpu.memory_space<semaphore_mem>>) src(%arg11 : memref<48x128xf32, #tpu.memory_space<vmem>>) dst(%dma_wait3A_86 : memref<48x128xf32, #tpu.memory_space<vmem_shared>>)
      tpu.yield
    }) : () -> ()
    %add3A_13 = arith.constant 96 : i32
    %add3A_14 = arith.addi %mul3A_2, %add3A_13 : i32
    "tpu.region"() ({
      %run_scoped3A = tpu.sem_alloc : memref<!tpu.dma_semaphore, #tpu.memory_space<semaphore_mem>>
      %dma_start3A = arith.constant 0 : i32
      %dma_start3A_81 = tpu.memref_slice %arg6[%add3A_14, %dma_start3A] : memref<10008x128xf32, #tpu.memory_space<vmem_shared>> -> memref<48x128xf32, #tpu.memory_space<vmem_shared>>
      %dma_start3A_82 = arith.constant 0 : i32
      %dma_start3A_83 = tpu.memref_slice %arg6[%add3A_14, %dma_start3A_82] : memref<10008x128xf32, #tpu.memory_space<vmem_shared>> -> memref<48x128xf32, #tpu.memory_space<vmem_shared>>
      tpu.enqueue_dma source(%arg11 : memref<48x128xf32, #tpu.memory_space<vmem>>) target(%dma_start3A_83 : memref<48x128xf32, #tpu.memory_space<vmem_shared>>) target_semaphore(%run_scoped3A : memref<!tpu.dma_semaphore, #tpu.memory_space<semaphore_mem>>)
      %dma_wait3A = arith.constant 0 : i32
      %dma_wait3A_84 = tpu.memref_slice %arg6[%add3A_14, %dma_wait3A] : memref<10008x128xf32, #tpu.memory_space<vmem_shared>> -> memref<48x128xf32, #tpu.memory_space<vmem_shared>>
      %dma_wait3A_85 = arith.constant 0 : i32
      %dma_wait3A_86 = tpu.memref_slice %arg6[%add3A_14, %dma_wait3A_85] : memref<10008x128xf32, #tpu.memory_space<vmem_shared>> -> memref<48x128xf32, #tpu.memory_space<vmem_shared>>
      tpu.wait_dma2 semaphore(%run_scoped3A : memref<!tpu.dma_semaphore, #tpu.memory_space<semaphore_mem>>) src(%arg11 : memref<48x128xf32, #tpu.memory_space<vmem>>) dst(%dma_wait3A_86 : memref<48x128xf32, #tpu.memory_space<vmem_shared>>)
      tpu.yield
    }) : () -> ()
    %add3A_15 = arith.constant 144 : i32
    %add3A_16 = arith.addi %mul3A_2, %add3A_15 : i32
    "tpu.region"() ({
      %run_scoped3A = tpu.sem_alloc : memref<!tpu.dma_semaphore, #tpu.memory_space<semaphore_mem>>
      %dma_start3A = arith.constant 0 : i32
      %dma_start3A_81 = tpu.memref_slice %arg6[%add3A_16, %dma_start3A] : memref<10008x128xf32, #tpu.memory_space<vmem_shared>> -> memref<48x128xf32, #tpu.memory_space<vmem_shared>>
      %dma_start3A_82 = arith.constant 0 : i32
      %dma_start3A_83 = tpu.memref_slice %arg6[%add3A_16, %dma_start3A_82] : memref<10008x128xf32, #tpu.memory_space<vmem_shared>> -> memref<48x128xf32, #tpu.memory_space<vmem_shared>>
      tpu.enqueue_dma source(%arg11 : memref<48x128xf32, #tpu.memory_space<vmem>>) target(%dma_start3A_83 : memref<48x128xf32, #tpu.memory_space<vmem_shared>>) target_semaphore(%run_scoped3A : memref<!tpu.dma_semaphore, #tpu.memory_space<semaphore_mem>>)
      %dma_wait3A = arith.constant 0 : i32
      %dma_wait3A_84 = tpu.memref_slice %arg6[%add3A_16, %dma_wait3A] : memref<10008x128xf32, #tpu.memory_space<vmem_shared>> -> memref<48x128xf32, #tpu.memory_space<vmem_shared>>
      %dma_wait3A_85 = arith.constant 0 : i32
      %dma_wait3A_86 = tpu.memref_slice %arg6[%add3A_16, %dma_wait3A_85] : memref<10008x128xf32, #tpu.memory_space<vmem_shared>> -> memref<48x128xf32, #tpu.memory_space<vmem_shared>>
      tpu.wait_dma2 semaphore(%run_scoped3A : memref<!tpu.dma_semaphore, #tpu.memory_space<semaphore_mem>>) src(%arg11 : memref<48x128xf32, #tpu.memory_space<vmem>>) dst(%dma_wait3A_86 : memref<48x128xf32, #tpu.memory_space<vmem_shared>>)
      tpu.yield
    }) : () -> ()
    %add3A_17 = arith.constant 192 : i32
    %add3A_18 = arith.addi %mul3A_2, %add3A_17 : i32
    "tpu.region"() ({
      %run_scoped3A = tpu.sem_alloc : memref<!tpu.dma_semaphore, #tpu.memory_space<semaphore_mem>>
      %dma_start3A = arith.constant 0 : i32
      %dma_start3A_81 = tpu.memref_slice %arg6[%add3A_18, %dma_start3A] : memref<10008x128xf32, #tpu.memory_space<vmem_shared>> -> memref<48x128xf32, #tpu.memory_space<vmem_shared>>
      %dma_start3A_82 = arith.constant 0 : i32
      %dma_start3A_83 = tpu.memref_slice %arg6[%add3A_18, %dma_start3A_82] : memref<10008x128xf32, #tpu.memory_space<vmem_shared>> -> memref<48x128xf32, #tpu.memory_space<vmem_shared>>
      tpu.enqueue_dma source(%arg11 : memref<48x128xf32, #tpu.memory_space<vmem>>) target(%dma_start3A_83 : memref<48x128xf32, #tpu.memory_space<vmem_shared>>) target_semaphore(%run_scoped3A : memref<!tpu.dma_semaphore, #tpu.memory_space<semaphore_mem>>)
      %dma_wait3A = arith.constant 0 : i32
      %dma_wait3A_84 = tpu.memref_slice %arg6[%add3A_18, %dma_wait3A] : memref<10008x128xf32, #tpu.memory_space<vmem_shared>> -> memref<48x128xf32, #tpu.memory_space<vmem_shared>>
      %dma_wait3A_85 = arith.constant 0 : i32
      %dma_wait3A_86 = tpu.memref_slice %arg6[%add3A_18, %dma_wait3A_85] : memref<10008x128xf32, #tpu.memory_space<vmem_shared>> -> memref<48x128xf32, #tpu.memory_space<vmem_shared>>
      tpu.wait_dma2 semaphore(%run_scoped3A : memref<!tpu.dma_semaphore, #tpu.memory_space<semaphore_mem>>) src(%arg11 : memref<48x128xf32, #tpu.memory_space<vmem>>) dst(%dma_wait3A_86 : memref<48x128xf32, #tpu.memory_space<vmem_shared>>)
      tpu.yield
    }) : () -> ()
    %add3A_19 = arith.constant 240 : i32
    %add3A_20 = arith.addi %mul3A_2, %add3A_19 : i32
    "tpu.region"() ({
      %run_scoped3A = tpu.sem_alloc : memref<!tpu.dma_semaphore, #tpu.memory_space<semaphore_mem>>
      %dma_start3A = arith.constant 0 : i32
      %dma_start3A_81 = tpu.memref_slice %arg6[%add3A_20, %dma_start3A] : memref<10008x128xf32, #tpu.memory_space<vmem_shared>> -> memref<48x128xf32, #tpu.memory_space<vmem_shared>>
      %dma_start3A_82 = arith.constant 0 : i32
      %dma_start3A_83 = tpu.memref_slice %arg6[%add3A_20, %dma_start3A_82] : memref<10008x128xf32, #tpu.memory_space<vmem_shared>> -> memref<48x128xf32, #tpu.memory_space<vmem_shared>>
      tpu.enqueue_dma source(%arg11 : memref<48x128xf32, #tpu.memory_space<vmem>>) target(%dma_start3A_83 : memref<48x128xf32, #tpu.memory_space<vmem_shared>>) target_semaphore(%run_scoped3A : memref<!tpu.dma_semaphore, #tpu.memory_space<semaphore_mem>>)
      %dma_wait3A = arith.constant 0 : i32
      %dma_wait3A_84 = tpu.memref_slice %arg6[%add3A_20, %dma_wait3A] : memref<10008x128xf32, #tpu.memory_space<vmem_shared>> -> memref<48x128xf32, #tpu.memory_space<vmem_shared>>
      %dma_wait3A_85 = arith.constant 0 : i32
      %dma_wait3A_86 = tpu.memref_slice %arg6[%add3A_20, %dma_wait3A_85] : memref<10008x128xf32, #tpu.memory_space<vmem_shared>> -> memref<48x128xf32, #tpu.memory_space<vmem_shared>>
      tpu.wait_dma2 semaphore(%run_scoped3A : memref<!tpu.dma_semaphore, #tpu.memory_space<semaphore_mem>>) src(%arg11 : memref<48x128xf32, #tpu.memory_space<vmem>>) dst(%dma_wait3A_86 : memref<48x128xf32, #tpu.memory_space<vmem_shared>>)
      tpu.yield
    }) : () -> ()
    %add3A_21 = arith.constant 288 : i32
    %add3A_22 = arith.addi %mul3A_2, %add3A_21 : i32
    "tpu.region"() ({
      %run_scoped3A = tpu.sem_alloc : memref<!tpu.dma_semaphore, #tpu.memory_space<semaphore_mem>>
      %dma_start3A = arith.constant 0 : i32
      %dma_start3A_81 = tpu.memref_slice %arg6[%add3A_22, %dma_start3A] : memref<10008x128xf32, #tpu.memory_space<vmem_shared>> -> memref<48x128xf32, #tpu.memory_space<vmem_shared>>
      %dma_start3A_82 = arith.constant 0 : i32
      %dma_start3A_83 = tpu.memref_slice %arg6[%add3A_22, %dma_start3A_82] : memref<10008x128xf32, #tpu.memory_space<vmem_shared>> -> memref<48x128xf32, #tpu.memory_space<vmem_shared>>
      tpu.enqueue_dma source(%arg11 : memref<48x128xf32, #tpu.memory_space<vmem>>) target(%dma_start3A_83 : memref<48x128xf32, #tpu.memory_space<vmem_shared>>) target_semaphore(%run_scoped3A : memref<!tpu.dma_semaphore, #tpu.memory_space<semaphore_mem>>)
      %dma_wait3A = arith.constant 0 : i32
      %dma_wait3A_84 = tpu.memref_slice %arg6[%add3A_22, %dma_wait3A] : memref<10008x128xf32, #tpu.memory_space<vmem_shared>> -> memref<48x128xf32, #tpu.memory_space<vmem_shared>>
      %dma_wait3A_85 = arith.constant 0 : i32
      %dma_wait3A_86 = tpu.memref_slice %arg6[%add3A_22, %dma_wait3A_85] : memref<10008x128xf32, #tpu.memory_space<vmem_shared>> -> memref<48x128xf32, #tpu.memory_space<vmem_shared>>
      tpu.wait_dma2 semaphore(%run_scoped3A : memref<!tpu.dma_semaphore, #tpu.memory_space<semaphore_mem>>) src(%arg11 : memref<48x128xf32, #tpu.memory_space<vmem>>) dst(%dma_wait3A_86 : memref<48x128xf32, #tpu.memory_space<vmem_shared>>)
      tpu.yield
    }) : () -> ()
    %add3A_23 = arith.constant 336 : i32
    %add3A_24 = arith.addi %mul3A_2, %add3A_23 : i32
    "tpu.region"() ({
      %run_scoped3A = tpu.sem_alloc : memref<!tpu.dma_semaphore, #tpu.memory_space<semaphore_mem>>
      %dma_start3A = arith.constant 0 : i32
      %dma_start3A_81 = tpu.memref_slice %arg6[%add3A_24, %dma_start3A] : memref<10008x128xf32, #tpu.memory_space<vmem_shared>> -> memref<48x128xf32, #tpu.memory_space<vmem_shared>>
      %dma_start3A_82 = arith.constant 0 : i32
      %dma_start3A_83 = tpu.memref_slice %arg6[%add3A_24, %dma_start3A_82] : memref<10008x128xf32, #tpu.memory_space<vmem_shared>> -> memref<48x128xf32, #tpu.memory_space<vmem_shared>>
      tpu.enqueue_dma source(%arg11 : memref<48x128xf32, #tpu.memory_space<vmem>>) target(%dma_start3A_83 : memref<48x128xf32, #tpu.memory_space<vmem_shared>>) target_semaphore(%run_scoped3A : memref<!tpu.dma_semaphore, #tpu.memory_space<semaphore_mem>>)
      %dma_wait3A = arith.constant 0 : i32
      %dma_wait3A_84 = tpu.memref_slice %arg6[%add3A_24, %dma_wait3A] : memref<10008x128xf32, #tpu.memory_space<vmem_shared>> -> memref<48x128xf32, #tpu.memory_space<vmem_shared>>
      %dma_wait3A_85 = arith.constant 0 : i32
      %dma_wait3A_86 = tpu.memref_slice %arg6[%add3A_24, %dma_wait3A_85] : memref<10008x128xf32, #tpu.memory_space<vmem_shared>> -> memref<48x128xf32, #tpu.memory_space<vmem_shared>>
      tpu.wait_dma2 semaphore(%run_scoped3A : memref<!tpu.dma_semaphore, #tpu.memory_space<semaphore_mem>>) src(%arg11 : memref<48x128xf32, #tpu.memory_space<vmem>>) dst(%dma_wait3A_86 : memref<48x128xf32, #tpu.memory_space<vmem_shared>>)
      tpu.yield
    }) : () -> ()
    %add3A_25 = arith.constant 384 : i32
    %add3A_26 = arith.addi %mul3A_2, %add3A_25 : i32
    "tpu.region"() ({
      %run_scoped3A = tpu.sem_alloc : memref<!tpu.dma_semaphore, #tpu.memory_space<semaphore_mem>>
      %dma_start3A = arith.constant 0 : i32
      %dma_start3A_81 = tpu.memref_slice %arg6[%add3A_26, %dma_start3A] : memref<10008x128xf32, #tpu.memory_space<vmem_shared>> -> memref<48x128xf32, #tpu.memory_space<vmem_shared>>
      %dma_start3A_82 = arith.constant 0 : i32
      %dma_start3A_83 = tpu.memref_slice %arg6[%add3A_26, %dma_start3A_82] : memref<10008x128xf32, #tpu.memory_space<vmem_shared>> -> memref<48x128xf32, #tpu.memory_space<vmem_shared>>
      tpu.enqueue_dma source(%arg11 : memref<48x128xf32, #tpu.memory_space<vmem>>) target(%dma_start3A_83 : memref<48x128xf32, #tpu.memory_space<vmem_shared>>) target_semaphore(%run_scoped3A : memref<!tpu.dma_semaphore, #tpu.memory_space<semaphore_mem>>)
      %dma_wait3A = arith.constant 0 : i32
      %dma_wait3A_84 = tpu.memref_slice %arg6[%add3A_26, %dma_wait3A] : memref<10008x128xf32, #tpu.memory_space<vmem_shared>> -> memref<48x128xf32, #tpu.memory_space<vmem_shared>>
      %dma_wait3A_85 = arith.constant 0 : i32
      %dma_wait3A_86 = tpu.memref_slice %arg6[%add3A_26, %dma_wait3A_85] : memref<10008x128xf32, #tpu.memory_space<vmem_shared>> -> memref<48x128xf32, #tpu.memory_space<vmem_shared>>
      tpu.wait_dma2 semaphore(%run_scoped3A : memref<!tpu.dma_semaphore, #tpu.memory_space<semaphore_mem>>) src(%arg11 : memref<48x128xf32, #tpu.memory_space<vmem>>) dst(%dma_wait3A_86 : memref<48x128xf32, #tpu.memory_space<vmem_shared>>)
      tpu.yield
    }) : () -> ()
    %add3A_27 = arith.constant 432 : i32
    %add3A_28 = arith.addi %mul3A_2, %add3A_27 : i32
    "tpu.region"() ({
      %run_scoped3A = tpu.sem_alloc : memref<!tpu.dma_semaphore, #tpu.memory_space<semaphore_mem>>
      %dma_start3A = arith.constant 0 : i32
      %dma_start3A_81 = tpu.memref_slice %arg6[%add3A_28, %dma_start3A] : memref<10008x128xf32, #tpu.memory_space<vmem_shared>> -> memref<48x128xf32, #tpu.memory_space<vmem_shared>>
      %dma_start3A_82 = arith.constant 0 : i32
      %dma_start3A_83 = tpu.memref_slice %arg6[%add3A_28, %dma_start3A_82] : memref<10008x128xf32, #tpu.memory_space<vmem_shared>> -> memref<48x128xf32, #tpu.memory_space<vmem_shared>>
      tpu.enqueue_dma source(%arg11 : memref<48x128xf32, #tpu.memory_space<vmem>>) target(%dma_start3A_83 : memref<48x128xf32, #tpu.memory_space<vmem_shared>>) target_semaphore(%run_scoped3A : memref<!tpu.dma_semaphore, #tpu.memory_space<semaphore_mem>>)
      %dma_wait3A = arith.constant 0 : i32
      %dma_wait3A_84 = tpu.memref_slice %arg6[%add3A_28, %dma_wait3A] : memref<10008x128xf32, #tpu.memory_space<vmem_shared>> -> memref<48x128xf32, #tpu.memory_space<vmem_shared>>
      %dma_wait3A_85 = arith.constant 0 : i32
      %dma_wait3A_86 = tpu.memref_slice %arg6[%add3A_28, %dma_wait3A_85] : memref<10008x128xf32, #tpu.memory_space<vmem_shared>> -> memref<48x128xf32, #tpu.memory_space<vmem_shared>>
      tpu.wait_dma2 semaphore(%run_scoped3A : memref<!tpu.dma_semaphore, #tpu.memory_space<semaphore_mem>>) src(%arg11 : memref<48x128xf32, #tpu.memory_space<vmem>>) dst(%dma_wait3A_86 : memref<48x128xf32, #tpu.memory_space<vmem_shared>>)
      tpu.yield
    }) : () -> ()
    %add3A_29 = arith.constant 480 : i32
    %add3A_30 = arith.addi %mul3A_2, %add3A_29 : i32
    "tpu.region"() ({
      %run_scoped3A = tpu.sem_alloc : memref<!tpu.dma_semaphore, #tpu.memory_space<semaphore_mem>>
      %dma_start3A = arith.constant 0 : i32
      %dma_start3A_81 = tpu.memref_slice %arg6[%add3A_30, %dma_start3A] : memref<10008x128xf32, #tpu.memory_space<vmem_shared>> -> memref<48x128xf32, #tpu.memory_space<vmem_shared>>
      %dma_start3A_82 = arith.constant 0 : i32
      %dma_start3A_83 = tpu.memref_slice %arg6[%add3A_30, %dma_start3A_82] : memref<10008x128xf32, #tpu.memory_space<vmem_shared>> -> memref<48x128xf32, #tpu.memory_space<vmem_shared>>
      tpu.enqueue_dma source(%arg11 : memref<48x128xf32, #tpu.memory_space<vmem>>) target(%dma_start3A_83 : memref<48x128xf32, #tpu.memory_space<vmem_shared>>) target_semaphore(%run_scoped3A : memref<!tpu.dma_semaphore, #tpu.memory_space<semaphore_mem>>)
      %dma_wait3A = arith.constant 0 : i32
      %dma_wait3A_84 = tpu.memref_slice %arg6[%add3A_30, %dma_wait3A] : memref<10008x128xf32, #tpu.memory_space<vmem_shared>> -> memref<48x128xf32, #tpu.memory_space<vmem_shared>>
      %dma_wait3A_85 = arith.constant 0 : i32
      %dma_wait3A_86 = tpu.memref_slice %arg6[%add3A_30, %dma_wait3A_85] : memref<10008x128xf32, #tpu.memory_space<vmem_shared>> -> memref<48x128xf32, #tpu.memory_space<vmem_shared>>
      tpu.wait_dma2 semaphore(%run_scoped3A : memref<!tpu.dma_semaphore, #tpu.memory_space<semaphore_mem>>) src(%arg11 : memref<48x128xf32, #tpu.memory_space<vmem>>) dst(%dma_wait3A_86 : memref<48x128xf32, #tpu.memory_space<vmem_shared>>)
      tpu.yield
    }) : () -> ()
    %add3A_31 = arith.constant 528 : i32
    %add3A_32 = arith.addi %mul3A_2, %add3A_31 : i32
    "tpu.region"() ({
      %run_scoped3A = tpu.sem_alloc : memref<!tpu.dma_semaphore, #tpu.memory_space<semaphore_mem>>
      %dma_start3A = arith.constant 0 : i32
      %dma_start3A_81 = tpu.memref_slice %arg6[%add3A_32, %dma_start3A] : memref<10008x128xf32, #tpu.memory_space<vmem_shared>> -> memref<48x128xf32, #tpu.memory_space<vmem_shared>>
      %dma_start3A_82 = arith.constant 0 : i32
      %dma_start3A_83 = tpu.memref_slice %arg6[%add3A_32, %dma_start3A_82] : memref<10008x128xf32, #tpu.memory_space<vmem_shared>> -> memref<48x128xf32, #tpu.memory_space<vmem_shared>>
      tpu.enqueue_dma source(%arg11 : memref<48x128xf32, #tpu.memory_space<vmem>>) target(%dma_start3A_83 : memref<48x128xf32, #tpu.memory_space<vmem_shared>>) target_semaphore(%run_scoped3A : memref<!tpu.dma_semaphore, #tpu.memory_space<semaphore_mem>>)
      %dma_wait3A = arith.constant 0 : i32
      %dma_wait3A_84 = tpu.memref_slice %arg6[%add3A_32, %dma_wait3A] : memref<10008x128xf32, #tpu.memory_space<vmem_shared>> -> memref<48x128xf32, #tpu.memory_space<vmem_shared>>
      %dma_wait3A_85 = arith.constant 0 : i32
      %dma_wait3A_86 = tpu.memref_slice %arg6[%add3A_32, %dma_wait3A_85] : memref<10008x128xf32, #tpu.memory_space<vmem_shared>> -> memref<48x128xf32, #tpu.memory_space<vmem_shared>>
      tpu.wait_dma2 semaphore(%run_scoped3A : memref<!tpu.dma_semaphore, #tpu.memory_space<semaphore_mem>>) src(%arg11 : memref<48x128xf32, #tpu.memory_space<vmem>>) dst(%dma_wait3A_86 : memref<48x128xf32, #tpu.memory_space<vmem_shared>>)
      tpu.yield
    }) : () -> ()
    %add3A_33 = arith.constant 576 : i32
    %add3A_34 = arith.addi %mul3A_2, %add3A_33 : i32
    "tpu.region"() ({
      %run_scoped3A = tpu.sem_alloc : memref<!tpu.dma_semaphore, #tpu.memory_space<semaphore_mem>>
      %dma_start3A = arith.constant 0 : i32
      %dma_start3A_81 = tpu.memref_slice %arg6[%add3A_34, %dma_start3A] : memref<10008x128xf32, #tpu.memory_space<vmem_shared>> -> memref<48x128xf32, #tpu.memory_space<vmem_shared>>
      %dma_start3A_82 = arith.constant 0 : i32
      %dma_start3A_83 = tpu.memref_slice %arg6[%add3A_34, %dma_start3A_82] : memref<10008x128xf32, #tpu.memory_space<vmem_shared>> -> memref<48x128xf32, #tpu.memory_space<vmem_shared>>
      tpu.enqueue_dma source(%arg11 : memref<48x128xf32, #tpu.memory_space<vmem>>) target(%dma_start3A_83 : memref<48x128xf32, #tpu.memory_space<vmem_shared>>) target_semaphore(%run_scoped3A : memref<!tpu.dma_semaphore, #tpu.memory_space<semaphore_mem>>)
      %dma_wait3A = arith.constant 0 : i32
      %dma_wait3A_84 = tpu.memref_slice %arg6[%add3A_34, %dma_wait3A] : memref<10008x128xf32, #tpu.memory_space<vmem_shared>> -> memref<48x128xf32, #tpu.memory_space<vmem_shared>>
      %dma_wait3A_85 = arith.constant 0 : i32
      %dma_wait3A_86 = tpu.memref_slice %arg6[%add3A_34, %dma_wait3A_85] : memref<10008x128xf32, #tpu.memory_space<vmem_shared>> -> memref<48x128xf32, #tpu.memory_space<vmem_shared>>
      tpu.wait_dma2 semaphore(%run_scoped3A : memref<!tpu.dma_semaphore, #tpu.memory_space<semaphore_mem>>) src(%arg11 : memref<48x128xf32, #tpu.memory_space<vmem>>) dst(%dma_wait3A_86 : memref<48x128xf32, #tpu.memory_space<vmem_shared>>)
      tpu.yield
    }) : () -> ()
    %eq3A = arith.constant 0 : i32
    %eq3A_35 = arith.cmpi eq, %arg1, %eq3A : i32
    %convert_element_type3A = arith.extui %eq3A_35 : i1 to i32
    %cond3A = arith.constant 0 : i32
    %cond3A_36 = arith.cmpi ne, %convert_element_type3A, %cond3A : i32
    scf.if %cond3A_36 {
      "tpu.region"() ({
        %run_scoped3A = tpu.sem_alloc : memref<!tpu.dma_semaphore, #tpu.memory_space<semaphore_mem>>
        %dma_start3A = arith.constant 0 : i32
        %dma_start3A_81 = arith.constant 0 : i32
        %dma_start3A_82 = tpu.memref_slice %arg11[%dma_start3A, %dma_start3A_81] : memref<48x128xf32, #tpu.memory_space<vmem>> -> memref<16x128xf32, #tpu.memory_space<vmem>>
        %dma_start3A_83 = arith.constant 9984 : i32
        %dma_start3A_84 = arith.constant 0 : i32
        %dma_start3A_85 = tpu.memref_slice %arg6[%dma_start3A_83, %dma_start3A_84] : memref<10008x128xf32, #tpu.memory_space<vmem_shared>> -> memref<16x128xf32, #tpu.memory_space<vmem_shared>>
        %dma_start3A_86 = arith.constant 9984 : i32
        %dma_start3A_87 = arith.constant 0 : i32
        %dma_start3A_88 = tpu.memref_slice %arg6[%dma_start3A_86, %dma_start3A_87] : memref<10008x128xf32, #tpu.memory_space<vmem_shared>> -> memref<16x128xf32, #tpu.memory_space<vmem_shared>>
        %dma_start3A_89 = arith.constant 0 : i32
        %dma_start3A_90 = arith.constant 0 : i32
        %dma_start3A_91 = tpu.memref_slice %arg11[%dma_start3A_89, %dma_start3A_90] : memref<48x128xf32, #tpu.memory_space<vmem>> -> memref<16x128xf32, #tpu.memory_space<vmem>>
        tpu.enqueue_dma source(%dma_start3A_91 : memref<16x128xf32, #tpu.memory_space<vmem>>) target(%dma_start3A_88 : memref<16x128xf32, #tpu.memory_space<vmem_shared>>) target_semaphore(%run_scoped3A : memref<!tpu.dma_semaphore, #tpu.memory_space<semaphore_mem>>)
        %dma_wait3A = arith.constant 0 : i32
        %dma_wait3A_92 = arith.constant 0 : i32
        %dma_wait3A_93 = tpu.memref_slice %arg11[%dma_wait3A, %dma_wait3A_92] : memref<48x128xf32, #tpu.memory_space<vmem>> -> memref<16x128xf32, #tpu.memory_space<vmem>>
        %dma_wait3A_94 = arith.constant 9984 : i32
        %dma_wait3A_95 = arith.constant 0 : i32
        %dma_wait3A_96 = tpu.memref_slice %arg6[%dma_wait3A_94, %dma_wait3A_95] : memref<10008x128xf32, #tpu.memory_space<vmem_shared>> -> memref<16x128xf32, #tpu.memory_space<vmem_shared>>
        %dma_wait3A_97 = arith.constant 9984 : i32
        %dma_wait3A_98 = arith.constant 0 : i32
        %dma_wait3A_99 = tpu.memref_slice %arg6[%dma_wait3A_97, %dma_wait3A_98] : memref<10008x128xf32, #tpu.memory_space<vmem_shared>> -> memref<16x128xf32, #tpu.memory_space<vmem_shared>>
        %dma_wait3A_100 = arith.constant 0 : i32
        %dma_wait3A_101 = arith.constant 0 : i32
        %dma_wait3A_102 = tpu.memref_slice %arg11[%dma_wait3A_100, %dma_wait3A_101] : memref<48x128xf32, #tpu.memory_space<vmem>> -> memref<16x128xf32, #tpu.memory_space<vmem>>
        tpu.wait_dma2 semaphore(%run_scoped3A : memref<!tpu.dma_semaphore, #tpu.memory_space<semaphore_mem>>) src(%dma_wait3A_102 : memref<16x128xf32, #tpu.memory_space<vmem>>) dst(%dma_wait3A_99 : memref<16x128xf32, #tpu.memory_space<vmem_shared>>)
        tpu.yield
      }) : () -> ()
    } else {
    }
    %barrier3A = arith.constant 0 : index
    tpu.barrier barrier_id(%barrier3A)
    "tpu.region"() ({
      %run_scoped3A = tpu.sem_alloc : memref<!tpu.dma_semaphore, #tpu.memory_space<semaphore_mem>>
      %dma_start3A = arith.constant 0 : i32
      %dma_start3A_81 = arith.constant 0 : i32
      %dma_start3A_82 = tpu.memref_slice %arg3[%add3A, %dma_start3A, %dma_start3A_81] : memref<32x128x80xi32, #tpu.memory_space<hbm>> -> memref<1x64x80xi32, #tpu.memory_space<hbm>>
      %dma_start3A_83 = tpu.memref_squeeze %dma_start3A_82 : memref<1x64x80xi32, #tpu.memory_space<hbm>> -> memref<64x80xi32, #tpu.memory_space<hbm>>
      %dma_start3A_84 = arith.constant 0 : i32
      %dma_start3A_85 = arith.constant 0 : i32
      %dma_start3A_86 = tpu.memref_slice %arg3[%add3A, %dma_start3A_84, %dma_start3A_85] : memref<32x128x80xi32, #tpu.memory_space<hbm>> -> memref<1x64x80xi32, #tpu.memory_space<hbm>>
      %dma_start3A_87 = tpu.memref_squeeze %dma_start3A_86 : memref<1x64x80xi32, #tpu.memory_space<hbm>> -> memref<64x80xi32, #tpu.memory_space<hbm>>
      tpu.enqueue_dma source(%dma_start3A_87 : memref<64x80xi32, #tpu.memory_space<hbm>>) target(%arg7 : memref<64x80xi32, #tpu.memory_space<vmem>>) target_semaphore(%run_scoped3A : memref<!tpu.dma_semaphore, #tpu.memory_space<semaphore_mem>>)
      %dma_wait3A = arith.constant 0 : i32
      %dma_wait3A_88 = arith.constant 0 : i32
      %dma_wait3A_89 = tpu.memref_slice %arg3[%add3A, %dma_wait3A, %dma_wait3A_88] : memref<32x128x80xi32, #tpu.memory_space<hbm>> -> memref<1x64x80xi32, #tpu.memory_space<hbm>>
      %dma_wait3A_90 = tpu.memref_squeeze %dma_wait3A_89 : memref<1x64x80xi32, #tpu.memory_space<hbm>> -> memref<64x80xi32, #tpu.memory_space<hbm>>
      %dma_wait3A_91 = arith.constant 0 : i32
      %dma_wait3A_92 = arith.constant 0 : i32
      %dma_wait3A_93 = tpu.memref_slice %arg3[%add3A, %dma_wait3A_91, %dma_wait3A_92] : memref<32x128x80xi32, #tpu.memory_space<hbm>> -> memref<1x64x80xi32, #tpu.memory_space<hbm>>
      %dma_wait3A_94 = tpu.memref_squeeze %dma_wait3A_93 : memref<1x64x80xi32, #tpu.memory_space<hbm>> -> memref<64x80xi32, #tpu.memory_space<hbm>>
      tpu.wait_dma2 semaphore(%run_scoped3A : memref<!tpu.dma_semaphore, #tpu.memory_space<semaphore_mem>>) src(%dma_wait3A_94 : memref<64x80xi32, #tpu.memory_space<hbm>>) dst(%arg7 : memref<64x80xi32, #tpu.memory_space<vmem>>)
      tpu.yield
    }) : () -> ()
    "tpu.region"() ({
      %run_scoped3A = tpu.sem_alloc : memref<!tpu.dma_semaphore, #tpu.memory_space<semaphore_mem>>
      %dma_start3A = arith.constant 0 : i32
      %dma_start3A_81 = arith.constant 0 : i32
      %dma_start3A_82 = tpu.memref_slice %arg4[%add3A, %dma_start3A, %dma_start3A_81] : memref<32x128x80xi32, #tpu.memory_space<hbm>> -> memref<1x64x80xi32, #tpu.memory_space<hbm>>
      %dma_start3A_83 = tpu.memref_squeeze %dma_start3A_82 : memref<1x64x80xi32, #tpu.memory_space<hbm>> -> memref<64x80xi32, #tpu.memory_space<hbm>>
      %dma_start3A_84 = arith.constant 0 : i32
      %dma_start3A_85 = arith.constant 0 : i32
      %dma_start3A_86 = tpu.memref_slice %arg4[%add3A, %dma_start3A_84, %dma_start3A_85] : memref<32x128x80xi32, #tpu.memory_space<hbm>> -> memref<1x64x80xi32, #tpu.memory_space<hbm>>
      %dma_start3A_87 = tpu.memref_squeeze %dma_start3A_86 : memref<1x64x80xi32, #tpu.memory_space<hbm>> -> memref<64x80xi32, #tpu.memory_space<hbm>>
      tpu.enqueue_dma source(%dma_start3A_87 : memref<64x80xi32, #tpu.memory_space<hbm>>) target(%arg8 : memref<64x80xi32, #tpu.memory_space<vmem>>) target_semaphore(%run_scoped3A : memref<!tpu.dma_semaphore, #tpu.memory_space<semaphore_mem>>)
      %dma_wait3A = arith.constant 0 : i32
      %dma_wait3A_88 = arith.constant 0 : i32
      %dma_wait3A_89 = tpu.memref_slice %arg4[%add3A, %dma_wait3A, %dma_wait3A_88] : memref<32x128x80xi32, #tpu.memory_space<hbm>> -> memref<1x64x80xi32, #tpu.memory_space<hbm>>
      %dma_wait3A_90 = tpu.memref_squeeze %dma_wait3A_89 : memref<1x64x80xi32, #tpu.memory_space<hbm>> -> memref<64x80xi32, #tpu.memory_space<hbm>>
      %dma_wait3A_91 = arith.constant 0 : i32
      %dma_wait3A_92 = arith.constant 0 : i32
      %dma_wait3A_93 = tpu.memref_slice %arg4[%add3A, %dma_wait3A_91, %dma_wait3A_92] : memref<32x128x80xi32, #tpu.memory_space<hbm>> -> memref<1x64x80xi32, #tpu.memory_space<hbm>>
      %dma_wait3A_94 = tpu.memref_squeeze %dma_wait3A_93 : memref<1x64x80xi32, #tpu.memory_space<hbm>> -> memref<64x80xi32, #tpu.memory_space<hbm>>
      tpu.wait_dma2 semaphore(%run_scoped3A : memref<!tpu.dma_semaphore, #tpu.memory_space<semaphore_mem>>) src(%dma_wait3A_94 : memref<64x80xi32, #tpu.memory_space<hbm>>) dst(%arg8 : memref<64x80xi32, #tpu.memory_space<vmem>>)
      tpu.yield
    }) : () -> ()
    %scan3A_37 = arith.constant 0 : i32
    %scan3A_38 = arith.constant 0 : i32
    %scan3A_39 = arith.constant 32 : i32
    %scan3A_40 = arith.addi %scan3A_38, %scan3A_39 : i32
    %scan3A_41 = arith.constant 1 : i32
    scf.for %scan3A_81 = %scan3A_38 to %scan3A_40 step %scan3A_41  : i32 {
      %mul3A_82 = arith.constant 2 : i32
      %mul3A_83 = arith.muli %mul3A_82, %scan3A_81 : i32
      %dma_start3A = arith.constant 0 : i32
      %dma_start3A_84 = tpu.memref_slice %arg7[%mul3A_83, %dma_start3A] : memref<64x80xi32, #tpu.memory_space<vmem>> -> memref<1x80xi32, #tpu.memory_space<vmem>>
      %dma_start3A_85 = tpu.memref_squeeze %dma_start3A_84 : memref<1x80xi32, #tpu.memory_space<vmem>> -> memref<80xi32, #tpu.memory_space<vmem>>
      %dma_start3A_86 = arith.constant 0 : i32
      %dma_start3A_87 = arith.constant 0 : i32
      %dma_start3A_88 = tpu.memref_slice %arg2[%dma_start3A_86, %dma_start3A_87] : memref<10000x128xf32, #tpu.memory_space<hbm>> -> memref<10000x128xf32, #tpu.memory_space<hbm>>
      tpu.enqueue_indirect_dma source(%dma_start3A_88 : memref<10000x128xf32, #tpu.memory_space<hbm>>) target(%arg9 : memref<80x128xf32, #tpu.memory_space<vmem>>) offsets(%dma_start3A_85 : memref<80xi32, #tpu.memory_space<vmem>>) semaphore(%arg12 : memref<!tpu.dma_semaphore, #tpu.memory_space<semaphore_mem>>)
      %add3A_89 = arith.constant 1 : i32
      %add3A_90 = arith.addi %mul3A_83, %add3A_89 : i32
      %dma_start3A_91 = arith.constant 0 : i32
      %dma_start3A_92 = tpu.memref_slice %arg7[%add3A_90, %dma_start3A_91] : memref<64x80xi32, #tpu.memory_space<vmem>> -> memref<1x80xi32, #tpu.memory_space<vmem>>
      %dma_start3A_93 = tpu.memref_squeeze %dma_start3A_92 : memref<1x80xi32, #tpu.memory_space<vmem>> -> memref<80xi32, #tpu.memory_space<vmem>>
      %dma_start3A_94 = arith.constant 0 : i32
      %dma_start3A_95 = arith.constant 0 : i32
      %dma_start3A_96 = tpu.memref_slice %arg2[%dma_start3A_94, %dma_start3A_95] : memref<10000x128xf32, #tpu.memory_space<hbm>> -> memref<10000x128xf32, #tpu.memory_space<hbm>>
      tpu.enqueue_indirect_dma source(%dma_start3A_96 : memref<10000x128xf32, #tpu.memory_space<hbm>>) target(%arg10 : memref<80x128xf32, #tpu.memory_space<vmem>>) offsets(%dma_start3A_93 : memref<80xi32, #tpu.memory_space<vmem>>) semaphore(%arg13 : memref<!tpu.dma_semaphore, #tpu.memory_space<semaphore_mem>>)
      %dma_wait3A = arith.constant 0 : i32
      %dma_wait3A_97 = tpu.memref_slice %arg7[%mul3A_83, %dma_wait3A] : memref<64x80xi32, #tpu.memory_space<vmem>> -> memref<1x80xi32, #tpu.memory_space<vmem>>
      %dma_wait3A_98 = tpu.memref_squeeze %dma_wait3A_97 : memref<1x80xi32, #tpu.memory_space<vmem>> -> memref<80xi32, #tpu.memory_space<vmem>>
      %dma_wait3A_99 = arith.constant 0 : i32
      %dma_wait3A_100 = arith.constant 0 : i32
      %dma_wait3A_101 = tpu.memref_slice %arg2[%dma_wait3A_99, %dma_wait3A_100] : memref<10000x128xf32, #tpu.memory_space<hbm>> -> memref<10000x128xf32, #tpu.memory_space<hbm>>
      tpu.wait_indirect_dma semaphore(%arg12 : memref<!tpu.dma_semaphore, #tpu.memory_space<semaphore_mem>>) src(%dma_wait3A_101 : memref<10000x128xf32, #tpu.memory_space<hbm>>) dst(%arg9 : memref<80x128xf32, #tpu.memory_space<vmem>>)
      "tpu.region"() ({
        %run_scoped3A = tpu.sem_alloc : memref<!tpu.dma_semaphore, #tpu.memory_space<semaphore_mem>>
        %dma_start3A_110 = arith.constant 0 : i32
        %dma_start3A_111 = tpu.memref_slice %arg8[%mul3A_83, %dma_start3A_110] : memref<64x80xi32, #tpu.memory_space<vmem>> -> memref<1x80xi32, #tpu.memory_space<vmem>>
        %dma_start3A_112 = tpu.memref_squeeze %dma_start3A_111 : memref<1x80xi32, #tpu.memory_space<vmem>> -> memref<80xi32, #tpu.memory_space<vmem>>
        %dma_start3A_113 = arith.constant 0 : i32
        %dma_start3A_114 = arith.constant 0 : i32
        %dma_start3A_115 = tpu.memref_slice %arg6[%dma_start3A_113, %dma_start3A_114] : memref<10008x128xf32, #tpu.memory_space<vmem_shared>> -> memref<10008x128xf32, #tpu.memory_space<vmem_shared>>
        tpu.enqueue_indirect_dma source(%arg9 : memref<80x128xf32, #tpu.memory_space<vmem>>) target(%dma_start3A_115 : memref<10008x128xf32, #tpu.memory_space<vmem_shared>>) offsets(%dma_start3A_112 : memref<80xi32, #tpu.memory_space<vmem>>) semaphore(%run_scoped3A : memref<!tpu.dma_semaphore, #tpu.memory_space<semaphore_mem>>) {add = true}
        %dma_wait3A_116 = arith.constant 0 : i32
        %dma_wait3A_117 = tpu.memref_slice %arg8[%mul3A_83, %dma_wait3A_116] : memref<64x80xi32, #tpu.memory_space<vmem>> -> memref<1x80xi32, #tpu.memory_space<vmem>>
        %dma_wait3A_118 = tpu.memref_squeeze %dma_wait3A_117 : memref<1x80xi32, #tpu.memory_space<vmem>> -> memref<80xi32, #tpu.memory_space<vmem>>
        %dma_wait3A_119 = arith.constant 0 : i32
        %dma_wait3A_120 = arith.constant 0 : i32
        %dma_wait3A_121 = tpu.memref_slice %arg6[%dma_wait3A_119, %dma_wait3A_120] : memref<10008x128xf32, #tpu.memory_space<vmem_shared>> -> memref<10008x128xf32, #tpu.memory_space<vmem_shared>>
        tpu.wait_indirect_dma semaphore(%run_scoped3A : memref<!tpu.dma_semaphore, #tpu.memory_space<semaphore_mem>>) src(%arg9 : memref<80x128xf32, #tpu.memory_space<vmem>>) dst(%dma_wait3A_121 : memref<10008x128xf32, #tpu.memory_space<vmem_shared>>)
        tpu.yield
      }) : () -> ()
      %dma_wait3A_102 = arith.constant 0 : i32
      %dma_wait3A_103 = tpu.memref_slice %arg7[%add3A_90, %dma_wait3A_102] : memref<64x80xi32, #tpu.memory_space<vmem>> -> memref<1x80xi32, #tpu.memory_space<vmem>>
      %dma_wait3A_104 = tpu.memref_squeeze %dma_wait3A_103 : memref<1x80xi32, #tpu.memory_space<vmem>> -> memref<80xi32, #tpu.memory_space<vmem>>
      %dma_wait3A_105 = arith.constant 0 : i32
      %dma_wait3A_106 = arith.constant 0 : i32
      %dma_wait3A_107 = tpu.memref_slice %arg2[%dma_wait3A_105, %dma_wait3A_106] : memref<10000x128xf32, #tpu.memory_space<hbm>> -> memref<10000x128xf32, #tpu.memory_space<hbm>>
      tpu.wait_indirect_dma semaphore(%arg13 : memref<!tpu.dma_semaphore, #tpu.memory_space<semaphore_mem>>) src(%dma_wait3A_107 : memref<10000x128xf32, #tpu.memory_space<hbm>>) dst(%arg10 : memref<80x128xf32, #tpu.memory_space<vmem>>)
      %add3A_108 = arith.constant 1 : i32
      %add3A_109 = arith.addi %mul3A_83, %add3A_108 : i32
      "tpu.region"() ({
        %run_scoped3A = tpu.sem_alloc : memref<!tpu.dma_semaphore, #tpu.memory_space<semaphore_mem>>
        %dma_start3A_110 = arith.constant 0 : i32
        %dma_start3A_111 = tpu.memref_slice %arg8[%add3A_109, %dma_start3A_110] : memref<64x80xi32, #tpu.memory_space<vmem>> -> memref<1x80xi32, #tpu.memory_space<vmem>>
        %dma_start3A_112 = tpu.memref_squeeze %dma_start3A_111 : memref<1x80xi32, #tpu.memory_space<vmem>> -> memref<80xi32, #tpu.memory_space<vmem>>
        %dma_start3A_113 = arith.constant 0 : i32
        %dma_start3A_114 = arith.constant 0 : i32
        %dma_start3A_115 = tpu.memref_slice %arg6[%dma_start3A_113, %dma_start3A_114] : memref<10008x128xf32, #tpu.memory_space<vmem_shared>> -> memref<10008x128xf32, #tpu.memory_space<vmem_shared>>
        tpu.enqueue_indirect_dma source(%arg10 : memref<80x128xf32, #tpu.memory_space<vmem>>) target(%dma_start3A_115 : memref<10008x128xf32, #tpu.memory_space<vmem_shared>>) offsets(%dma_start3A_112 : memref<80xi32, #tpu.memory_space<vmem>>) semaphore(%run_scoped3A : memref<!tpu.dma_semaphore, #tpu.memory_space<semaphore_mem>>) {add = true}
        %dma_wait3A_116 = arith.constant 0 : i32
        %dma_wait3A_117 = tpu.memref_slice %arg8[%add3A_109, %dma_wait3A_116] : memref<64x80xi32, #tpu.memory_space<vmem>> -> memref<1x80xi32, #tpu.memory_space<vmem>>
        %dma_wait3A_118 = tpu.memref_squeeze %dma_wait3A_117 : memref<1x80xi32, #tpu.memory_space<vmem>> -> memref<80xi32, #tpu.memory_space<vmem>>
        %dma_wait3A_119 = arith.constant 0 : i32
        %dma_wait3A_120 = arith.constant 0 : i32
        %dma_wait3A_121 = tpu.memref_slice %arg6[%dma_wait3A_119, %dma_wait3A_120] : memref<10008x128xf32, #tpu.memory_space<vmem_shared>> -> memref<10008x128xf32, #tpu.memory_space<vmem_shared>>
        tpu.wait_indirect_dma semaphore(%run_scoped3A : memref<!tpu.dma_semaphore, #tpu.memory_space<semaphore_mem>>) src(%arg10 : memref<80x128xf32, #tpu.memory_space<vmem>>) dst(%dma_wait3A_121 : memref<10008x128xf32, #tpu.memory_space<vmem_shared>>)
        tpu.yield
      }) : () -> ()
    }
    %scan3A_42 = arith.constant 32 : i32
    "tpu.region"() ({
      %run_scoped3A = tpu.sem_alloc : memref<!tpu.dma_semaphore, #tpu.memory_space<semaphore_mem>>
      %dma_start3A = arith.constant 64 : i32
      %dma_start3A_81 = arith.constant 0 : i32
      %dma_start3A_82 = tpu.memref_slice %arg3[%add3A, %dma_start3A, %dma_start3A_81] : memref<32x128x80xi32, #tpu.memory_space<hbm>> -> memref<1x64x80xi32, #tpu.memory_space<hbm>>
      %dma_start3A_83 = tpu.memref_squeeze %dma_start3A_82 : memref<1x64x80xi32, #tpu.memory_space<hbm>> -> memref<64x80xi32, #tpu.memory_space<hbm>>
      %dma_start3A_84 = arith.constant 64 : i32
      %dma_start3A_85 = arith.constant 0 : i32
      %dma_start3A_86 = tpu.memref_slice %arg3[%add3A, %dma_start3A_84, %dma_start3A_85] : memref<32x128x80xi32, #tpu.memory_space<hbm>> -> memref<1x64x80xi32, #tpu.memory_space<hbm>>
      %dma_start3A_87 = tpu.memref_squeeze %dma_start3A_86 : memref<1x64x80xi32, #tpu.memory_space<hbm>> -> memref<64x80xi32, #tpu.memory_space<hbm>>
      tpu.enqueue_dma source(%dma_start3A_87 : memref<64x80xi32, #tpu.memory_space<hbm>>) target(%arg7 : memref<64x80xi32, #tpu.memory_space<vmem>>) target_semaphore(%run_scoped3A : memref<!tpu.dma_semaphore, #tpu.memory_space<semaphore_mem>>)
      %dma_wait3A = arith.constant 64 : i32
      %dma_wait3A_88 = arith.constant 0 : i32
      %dma_wait3A_89 = tpu.memref_slice %arg3[%add3A, %dma_wait3A, %dma_wait3A_88] : memref<32x128x80xi32, #tpu.memory_space<hbm>> -> memref<1x64x80xi32, #tpu.memory_space<hbm>>
      %dma_wait3A_90 = tpu.memref_squeeze %dma_wait3A_89 : memref<1x64x80xi32, #tpu.memory_space<hbm>> -> memref<64x80xi32, #tpu.memory_space<hbm>>
      %dma_wait3A_91 = arith.constant 64 : i32
      %dma_wait3A_92 = arith.constant 0 : i32
      %dma_wait3A_93 = tpu.memref_slice %arg3[%add3A, %dma_wait3A_91, %dma_wait3A_92] : memref<32x128x80xi32, #tpu.memory_space<hbm>> -> memref<1x64x80xi32, #tpu.memory_space<hbm>>
      %dma_wait3A_94 = tpu.memref_squeeze %dma_wait3A_93 : memref<1x64x80xi32, #tpu.memory_space<hbm>> -> memref<64x80xi32, #tpu.memory_space<hbm>>
      tpu.wait_dma2 semaphore(%run_scoped3A : memref<!tpu.dma_semaphore, #tpu.memory_space<semaphore_mem>>) src(%dma_wait3A_94 : memref<64x80xi32, #tpu.memory_space<hbm>>) dst(%arg7 : memref<64x80xi32, #tpu.memory_space<vmem>>)
      tpu.yield
    }) : () -> ()
    "tpu.region"() ({
      %run_scoped3A = tpu.sem_alloc : memref<!tpu.dma_semaphore, #tpu.memory_space<semaphore_mem>>
      %dma_start3A = arith.constant 64 : i32
      %dma_start3A_81 = arith.constant 0 : i32
      %dma_start3A_82 = tpu.memref_slice %arg4[%add3A, %dma_start3A, %dma_start3A_81] : memref<32x128x80xi32, #tpu.memory_space<hbm>> -> memref<1x64x80xi32, #tpu.memory_space<hbm>>
      %dma_start3A_83 = tpu.memref_squeeze %dma_start3A_82 : memref<1x64x80xi32, #tpu.memory_space<hbm>> -> memref<64x80xi32, #tpu.memory_space<hbm>>
      %dma_start3A_84 = arith.constant 64 : i32
      %dma_start3A_85 = arith.constant 0 : i32
      %dma_start3A_86 = tpu.memref_slice %arg4[%add3A, %dma_start3A_84, %dma_start3A_85] : memref<32x128x80xi32, #tpu.memory_space<hbm>> -> memref<1x64x80xi32, #tpu.memory_space<hbm>>
      %dma_start3A_87 = tpu.memref_squeeze %dma_start3A_86 : memref<1x64x80xi32, #tpu.memory_space<hbm>> -> memref<64x80xi32, #tpu.memory_space<hbm>>
      tpu.enqueue_dma source(%dma_start3A_87 : memref<64x80xi32, #tpu.memory_space<hbm>>) target(%arg8 : memref<64x80xi32, #tpu.memory_space<vmem>>) target_semaphore(%run_scoped3A : memref<!tpu.dma_semaphore, #tpu.memory_space<semaphore_mem>>)
      %dma_wait3A = arith.constant 64 : i32
      %dma_wait3A_88 = arith.constant 0 : i32
      %dma_wait3A_89 = tpu.memref_slice %arg4[%add3A, %dma_wait3A, %dma_wait3A_88] : memref<32x128x80xi32, #tpu.memory_space<hbm>> -> memref<1x64x80xi32, #tpu.memory_space<hbm>>
      %dma_wait3A_90 = tpu.memref_squeeze %dma_wait3A_89 : memref<1x64x80xi32, #tpu.memory_space<hbm>> -> memref<64x80xi32, #tpu.memory_space<hbm>>
      %dma_wait3A_91 = arith.constant 64 : i32
      %dma_wait3A_92 = arith.constant 0 : i32
      %dma_wait3A_93 = tpu.memref_slice %arg4[%add3A, %dma_wait3A_91, %dma_wait3A_92] : memref<32x128x80xi32, #tpu.memory_space<hbm>> -> memref<1x64x80xi32, #tpu.memory_space<hbm>>
      %dma_wait3A_94 = tpu.memref_squeeze %dma_wait3A_93 : memref<1x64x80xi32, #tpu.memory_space<hbm>> -> memref<64x80xi32, #tpu.memory_space<hbm>>
      tpu.wait_dma2 semaphore(%run_scoped3A : memref<!tpu.dma_semaphore, #tpu.memory_space<semaphore_mem>>) src(%dma_wait3A_94 : memref<64x80xi32, #tpu.memory_space<hbm>>) dst(%arg8 : memref<64x80xi32, #tpu.memory_space<vmem>>)
      tpu.yield
    }) : () -> ()
    %scan3A_43 = arith.constant 0 : i32
    %scan3A_44 = arith.constant 0 : i32
    %scan3A_45 = arith.constant 32 : i32
    %scan3A_46 = arith.addi %scan3A_44, %scan3A_45 : i32
    %scan3A_47 = arith.constant 1 : i32
    scf.for %scan3A_81 = %scan3A_44 to %scan3A_46 step %scan3A_47  : i32 {
      %mul3A_82 = arith.constant 2 : i32
      %mul3A_83 = arith.muli %mul3A_82, %scan3A_81 : i32
      %dma_start3A = arith.constant 0 : i32
      %dma_start3A_84 = tpu.memref_slice %arg7[%mul3A_83, %dma_start3A] : memref<64x80xi32, #tpu.memory_space<vmem>> -> memref<1x80xi32, #tpu.memory_space<vmem>>
      %dma_start3A_85 = tpu.memref_squeeze %dma_start3A_84 : memref<1x80xi32, #tpu.memory_space<vmem>> -> memref<80xi32, #tpu.memory_space<vmem>>
      %dma_start3A_86 = arith.constant 0 : i32
      %dma_start3A_87 = arith.constant 0 : i32
      %dma_start3A_88 = tpu.memref_slice %arg2[%dma_start3A_86, %dma_start3A_87] : memref<10000x128xf32, #tpu.memory_space<hbm>> -> memref<10000x128xf32, #tpu.memory_space<hbm>>
      tpu.enqueue_indirect_dma source(%dma_start3A_88 : memref<10000x128xf32, #tpu.memory_space<hbm>>) target(%arg9 : memref<80x128xf32, #tpu.memory_space<vmem>>) offsets(%dma_start3A_85 : memref<80xi32, #tpu.memory_space<vmem>>) semaphore(%arg12 : memref<!tpu.dma_semaphore, #tpu.memory_space<semaphore_mem>>)
      %add3A_89 = arith.constant 1 : i32
      %add3A_90 = arith.addi %mul3A_83, %add3A_89 : i32
      %dma_start3A_91 = arith.constant 0 : i32
      %dma_start3A_92 = tpu.memref_slice %arg7[%add3A_90, %dma_start3A_91] : memref<64x80xi32, #tpu.memory_space<vmem>> -> memref<1x80xi32, #tpu.memory_space<vmem>>
      %dma_start3A_93 = tpu.memref_squeeze %dma_start3A_92 : memref<1x80xi32, #tpu.memory_space<vmem>> -> memref<80xi32, #tpu.memory_space<vmem>>
      %dma_start3A_94 = arith.constant 0 : i32
      %dma_start3A_95 = arith.constant 0 : i32
      %dma_start3A_96 = tpu.memref_slice %arg2[%dma_start3A_94, %dma_start3A_95] : memref<10000x128xf32, #tpu.memory_space<hbm>> -> memref<10000x128xf32, #tpu.memory_space<hbm>>
      tpu.enqueue_indirect_dma source(%dma_start3A_96 : memref<10000x128xf32, #tpu.memory_space<hbm>>) target(%arg10 : memref<80x128xf32, #tpu.memory_space<vmem>>) offsets(%dma_start3A_93 : memref<80xi32, #tpu.memory_space<vmem>>) semaphore(%arg13 : memref<!tpu.dma_semaphore, #tpu.memory_space<semaphore_mem>>)
      %dma_wait3A = arith.constant 0 : i32
      %dma_wait3A_97 = tpu.memref_slice %arg7[%mul3A_83, %dma_wait3A] : memref<64x80xi32, #tpu.memory_space<vmem>> -> memref<1x80xi32, #tpu.memory_space<vmem>>
      %dma_wait3A_98 = tpu.memref_squeeze %dma_wait3A_97 : memref<1x80xi32, #tpu.memory_space<vmem>> -> memref<80xi32, #tpu.memory_space<vmem>>
      %dma_wait3A_99 = arith.constant 0 : i32
      %dma_wait3A_100 = arith.constant 0 : i32
      %dma_wait3A_101 = tpu.memref_slice %arg2[%dma_wait3A_99, %dma_wait3A_100] : memref<10000x128xf32, #tpu.memory_space<hbm>> -> memref<10000x128xf32, #tpu.memory_space<hbm>>
      tpu.wait_indirect_dma semaphore(%arg12 : memref<!tpu.dma_semaphore, #tpu.memory_space<semaphore_mem>>) src(%dma_wait3A_101 : memref<10000x128xf32, #tpu.memory_space<hbm>>) dst(%arg9 : memref<80x128xf32, #tpu.memory_space<vmem>>)
      "tpu.region"() ({
        %run_scoped3A = tpu.sem_alloc : memref<!tpu.dma_semaphore, #tpu.memory_space<semaphore_mem>>
        %dma_start3A_110 = arith.constant 0 : i32
        %dma_start3A_111 = tpu.memref_slice %arg8[%mul3A_83, %dma_start3A_110] : memref<64x80xi32, #tpu.memory_space<vmem>> -> memref<1x80xi32, #tpu.memory_space<vmem>>
        %dma_start3A_112 = tpu.memref_squeeze %dma_start3A_111 : memref<1x80xi32, #tpu.memory_space<vmem>> -> memref<80xi32, #tpu.memory_space<vmem>>
        %dma_start3A_113 = arith.constant 0 : i32
        %dma_start3A_114 = arith.constant 0 : i32
        %dma_start3A_115 = tpu.memref_slice %arg6[%dma_start3A_113, %dma_start3A_114] : memref<10008x128xf32, #tpu.memory_space<vmem_shared>> -> memref<10008x128xf32, #tpu.memory_space<vmem_shared>>
        tpu.enqueue_indirect_dma source(%arg9 : memref<80x128xf32, #tpu.memory_space<vmem>>) target(%dma_start3A_115 : memref<10008x128xf32, #tpu.memory_space<vmem_shared>>) offsets(%dma_start3A_112 : memref<80xi32, #tpu.memory_space<vmem>>) semaphore(%run_scoped3A : memref<!tpu.dma_semaphore, #tpu.memory_space<semaphore_mem>>) {add = true}
        %dma_wait3A_116 = arith.constant 0 : i32
        %dma_wait3A_117 = tpu.memref_slice %arg8[%mul3A_83, %dma_wait3A_116] : memref<64x80xi32, #tpu.memory_space<vmem>> -> memref<1x80xi32, #tpu.memory_space<vmem>>
        %dma_wait3A_118 = tpu.memref_squeeze %dma_wait3A_117 : memref<1x80xi32, #tpu.memory_space<vmem>> -> memref<80xi32, #tpu.memory_space<vmem>>
        %dma_wait3A_119 = arith.constant 0 : i32
        %dma_wait3A_120 = arith.constant 0 : i32
        %dma_wait3A_121 = tpu.memref_slice %arg6[%dma_wait3A_119, %dma_wait3A_120] : memref<10008x128xf32, #tpu.memory_space<vmem_shared>> -> memref<10008x128xf32, #tpu.memory_space<vmem_shared>>
        tpu.wait_indirect_dma semaphore(%run_scoped3A : memref<!tpu.dma_semaphore, #tpu.memory_space<semaphore_mem>>) src(%arg9 : memref<80x128xf32, #tpu.memory_space<vmem>>) dst(%dma_wait3A_121 : memref<10008x128xf32, #tpu.memory_space<vmem_shared>>)
        tpu.yield
      }) : () -> ()
      %dma_wait3A_102 = arith.constant 0 : i32
      %dma_wait3A_103 = tpu.memref_slice %arg7[%add3A_90, %dma_wait3A_102] : memref<64x80xi32, #tpu.memory_space<vmem>> -> memref<1x80xi32, #tpu.memory_space<vmem>>
      %dma_wait3A_104 = tpu.memref_squeeze %dma_wait3A_103 : memref<1x80xi32, #tpu.memory_space<vmem>> -> memref<80xi32, #tpu.memory_space<vmem>>
      %dma_wait3A_105 = arith.constant 0 : i32
      %dma_wait3A_106 = arith.constant 0 : i32
      %dma_wait3A_107 = tpu.memref_slice %arg2[%dma_wait3A_105, %dma_wait3A_106] : memref<10000x128xf32, #tpu.memory_space<hbm>> -> memref<10000x128xf32, #tpu.memory_space<hbm>>
      tpu.wait_indirect_dma semaphore(%arg13 : memref<!tpu.dma_semaphore, #tpu.memory_space<semaphore_mem>>) src(%dma_wait3A_107 : memref<10000x128xf32, #tpu.memory_space<hbm>>) dst(%arg10 : memref<80x128xf32, #tpu.memory_space<vmem>>)
      %add3A_108 = arith.constant 1 : i32
      %add3A_109 = arith.addi %mul3A_83, %add3A_108 : i32
      "tpu.region"() ({
        %run_scoped3A = tpu.sem_alloc : memref<!tpu.dma_semaphore, #tpu.memory_space<semaphore_mem>>
        %dma_start3A_110 = arith.constant 0 : i32
        %dma_start3A_111 = tpu.memref_slice %arg8[%add3A_109, %dma_start3A_110] : memref<64x80xi32, #tpu.memory_space<vmem>> -> memref<1x80xi32, #tpu.memory_space<vmem>>
        %dma_start3A_112 = tpu.memref_squeeze %dma_start3A_111 : memref<1x80xi32, #tpu.memory_space<vmem>> -> memref<80xi32, #tpu.memory_space<vmem>>
        %dma_start3A_113 = arith.constant 0 : i32
        %dma_start3A_114 = arith.constant 0 : i32
        %dma_start3A_115 = tpu.memref_slice %arg6[%dma_start3A_113, %dma_start3A_114] : memref<10008x128xf32, #tpu.memory_space<vmem_shared>> -> memref<10008x128xf32, #tpu.memory_space<vmem_shared>>
        tpu.enqueue_indirect_dma source(%arg10 : memref<80x128xf32, #tpu.memory_space<vmem>>) target(%dma_start3A_115 : memref<10008x128xf32, #tpu.memory_space<vmem_shared>>) offsets(%dma_start3A_112 : memref<80xi32, #tpu.memory_space<vmem>>) semaphore(%run_scoped3A : memref<!tpu.dma_semaphore, #tpu.memory_space<semaphore_mem>>) {add = true}
        %dma_wait3A_116 = arith.constant 0 : i32
        %dma_wait3A_117 = tpu.memref_slice %arg8[%add3A_109, %dma_wait3A_116] : memref<64x80xi32, #tpu.memory_space<vmem>> -> memref<1x80xi32, #tpu.memory_space<vmem>>
        %dma_wait3A_118 = tpu.memref_squeeze %dma_wait3A_117 : memref<1x80xi32, #tpu.memory_space<vmem>> -> memref<80xi32, #tpu.memory_space<vmem>>
        %dma_wait3A_119 = arith.constant 0 : i32
        %dma_wait3A_120 = arith.constant 0 : i32
        %dma_wait3A_121 = tpu.memref_slice %arg6[%dma_wait3A_119, %dma_wait3A_120] : memref<10008x128xf32, #tpu.memory_space<vmem_shared>> -> memref<10008x128xf32, #tpu.memory_space<vmem_shared>>
        tpu.wait_indirect_dma semaphore(%run_scoped3A : memref<!tpu.dma_semaphore, #tpu.memory_space<semaphore_mem>>) src(%arg10 : memref<80x128xf32, #tpu.memory_space<vmem>>) dst(%dma_wait3A_121 : memref<10008x128xf32, #tpu.memory_space<vmem_shared>>)
        tpu.yield
      }) : () -> ()
    }
    %scan3A_48 = arith.constant 32 : i32
    %barrier3A_49 = arith.constant 0 : index
    tpu.barrier barrier_id(%barrier3A_49)
    %add3A_50 = arith.constant 0 : i32
    %add3A_51 = arith.addi %mul3A_2, %add3A_50 : i32
    "tpu.region"() ({
      %run_scoped3A = tpu.sem_alloc : memref<!tpu.dma_semaphore, #tpu.memory_space<semaphore_mem>>
      %dma_start3A = arith.constant 0 : i32
      %dma_start3A_81 = tpu.memref_slice %arg6[%add3A_51, %dma_start3A] : memref<10008x128xf32, #tpu.memory_space<vmem_shared>> -> memref<48x128xf32, #tpu.memory_space<vmem_shared>>
      %dma_start3A_82 = arith.constant 0 : i32
      %dma_start3A_83 = tpu.memref_slice %arg6[%add3A_51, %dma_start3A_82] : memref<10008x128xf32, #tpu.memory_space<vmem_shared>> -> memref<48x128xf32, #tpu.memory_space<vmem_shared>>
      tpu.enqueue_dma source(%dma_start3A_83 : memref<48x128xf32, #tpu.memory_space<vmem_shared>>) target(%arg11 : memref<48x128xf32, #tpu.memory_space<vmem>>) target_semaphore(%run_scoped3A : memref<!tpu.dma_semaphore, #tpu.memory_space<semaphore_mem>>)
      %dma_wait3A = arith.constant 0 : i32
      %dma_wait3A_84 = tpu.memref_slice %arg6[%add3A_51, %dma_wait3A] : memref<10008x128xf32, #tpu.memory_space<vmem_shared>> -> memref<48x128xf32, #tpu.memory_space<vmem_shared>>
      %dma_wait3A_85 = arith.constant 0 : i32
      %dma_wait3A_86 = tpu.memref_slice %arg6[%add3A_51, %dma_wait3A_85] : memref<10008x128xf32, #tpu.memory_space<vmem_shared>> -> memref<48x128xf32, #tpu.memory_space<vmem_shared>>
      tpu.wait_dma2 semaphore(%run_scoped3A : memref<!tpu.dma_semaphore, #tpu.memory_space<semaphore_mem>>) src(%dma_wait3A_86 : memref<48x128xf32, #tpu.memory_space<vmem_shared>>) dst(%arg11 : memref<48x128xf32, #tpu.memory_space<vmem>>)
      tpu.yield
    }) : () -> ()
    "tpu.region"() ({
      %run_scoped3A = tpu.sem_alloc : memref<!tpu.dma_semaphore, #tpu.memory_space<semaphore_mem>>
      %dma_start3A = arith.constant 0 : i32
      %dma_start3A_81 = tpu.memref_slice %arg5[%arg0, %add3A_51, %dma_start3A] : memref<2x10000x128xf32, #tpu.memory_space<hbm>> -> memref<1x48x128xf32, #tpu.memory_space<hbm>>
      %dma_start3A_82 = tpu.memref_squeeze %dma_start3A_81 : memref<1x48x128xf32, #tpu.memory_space<hbm>> -> memref<48x128xf32, #tpu.memory_space<hbm>>
      %dma_start3A_83 = arith.constant 0 : i32
      %dma_start3A_84 = tpu.memref_slice %arg5[%arg0, %add3A_51, %dma_start3A_83] : memref<2x10000x128xf32, #tpu.memory_space<hbm>> -> memref<1x48x128xf32, #tpu.memory_space<hbm>>
      %dma_start3A_85 = tpu.memref_squeeze %dma_start3A_84 : memref<1x48x128xf32, #tpu.memory_space<hbm>> -> memref<48x128xf32, #tpu.memory_space<hbm>>
      tpu.enqueue_dma source(%arg11 : memref<48x128xf32, #tpu.memory_space<vmem>>) target(%dma_start3A_85 : memref<48x128xf32, #tpu.memory_space<hbm>>) target_semaphore(%run_scoped3A : memref<!tpu.dma_semaphore, #tpu.memory_space<semaphore_mem>>)
      %dma_wait3A = arith.constant 0 : i32
      %dma_wait3A_86 = tpu.memref_slice %arg5[%arg0, %add3A_51, %dma_wait3A] : memref<2x10000x128xf32, #tpu.memory_space<hbm>> -> memref<1x48x128xf32, #tpu.memory_space<hbm>>
      %dma_wait3A_87 = tpu.memref_squeeze %dma_wait3A_86 : memref<1x48x128xf32, #tpu.memory_space<hbm>> -> memref<48x128xf32, #tpu.memory_space<hbm>>
      %dma_wait3A_88 = arith.constant 0 : i32
      %dma_wait3A_89 = tpu.memref_slice %arg5[%arg0, %add3A_51, %dma_wait3A_88] : memref<2x10000x128xf32, #tpu.memory_space<hbm>> -> memref<1x48x128xf32, #tpu.memory_space<hbm>>
      %dma_wait3A_90 = tpu.memref_squeeze %dma_wait3A_89 : memref<1x48x128xf32, #tpu.memory_space<hbm>> -> memref<48x128xf32, #tpu.memory_space<hbm>>
      tpu.wait_dma2 semaphore(%run_scoped3A : memref<!tpu.dma_semaphore, #tpu.memory_space<semaphore_mem>>) src(%arg11 : memref<48x128xf32, #tpu.memory_space<vmem>>) dst(%dma_wait3A_90 : memref<48x128xf32, #tpu.memory_space<hbm>>)
      tpu.yield
    }) : () -> ()
    %add3A_52 = arith.constant 48 : i32
    %add3A_53 = arith.addi %mul3A_2, %add3A_52 : i32
    "tpu.region"() ({
      %run_scoped3A = tpu.sem_alloc : memref<!tpu.dma_semaphore, #tpu.memory_space<semaphore_mem>>
      %dma_start3A = arith.constant 0 : i32
      %dma_start3A_81 = tpu.memref_slice %arg6[%add3A_53, %dma_start3A] : memref<10008x128xf32, #tpu.memory_space<vmem_shared>> -> memref<48x128xf32, #tpu.memory_space<vmem_shared>>
      %dma_start3A_82 = arith.constant 0 : i32
      %dma_start3A_83 = tpu.memref_slice %arg6[%add3A_53, %dma_start3A_82] : memref<10008x128xf32, #tpu.memory_space<vmem_shared>> -> memref<48x128xf32, #tpu.memory_space<vmem_shared>>
      tpu.enqueue_dma source(%dma_start3A_83 : memref<48x128xf32, #tpu.memory_space<vmem_shared>>) target(%arg11 : memref<48x128xf32, #tpu.memory_space<vmem>>) target_semaphore(%run_scoped3A : memref<!tpu.dma_semaphore, #tpu.memory_space<semaphore_mem>>)
      %dma_wait3A = arith.constant 0 : i32
      %dma_wait3A_84 = tpu.memref_slice %arg6[%add3A_53, %dma_wait3A] : memref<10008x128xf32, #tpu.memory_space<vmem_shared>> -> memref<48x128xf32, #tpu.memory_space<vmem_shared>>
      %dma_wait3A_85 = arith.constant 0 : i32
      %dma_wait3A_86 = tpu.memref_slice %arg6[%add3A_53, %dma_wait3A_85] : memref<10008x128xf32, #tpu.memory_space<vmem_shared>> -> memref<48x128xf32, #tpu.memory_space<vmem_shared>>
      tpu.wait_dma2 semaphore(%run_scoped3A : memref<!tpu.dma_semaphore, #tpu.memory_space<semaphore_mem>>) src(%dma_wait3A_86 : memref<48x128xf32, #tpu.memory_space<vmem_shared>>) dst(%arg11 : memref<48x128xf32, #tpu.memory_space<vmem>>)
      tpu.yield
    }) : () -> ()
    "tpu.region"() ({
      %run_scoped3A = tpu.sem_alloc : memref<!tpu.dma_semaphore, #tpu.memory_space<semaphore_mem>>
      %dma_start3A = arith.constant 0 : i32
      %dma_start3A_81 = tpu.memref_slice %arg5[%arg0, %add3A_53, %dma_start3A] : memref<2x10000x128xf32, #tpu.memory_space<hbm>> -> memref<1x48x128xf32, #tpu.memory_space<hbm>>
      %dma_start3A_82 = tpu.memref_squeeze %dma_start3A_81 : memref<1x48x128xf32, #tpu.memory_space<hbm>> -> memref<48x128xf32, #tpu.memory_space<hbm>>
      %dma_start3A_83 = arith.constant 0 : i32
      %dma_start3A_84 = tpu.memref_slice %arg5[%arg0, %add3A_53, %dma_start3A_83] : memref<2x10000x128xf32, #tpu.memory_space<hbm>> -> memref<1x48x128xf32, #tpu.memory_space<hbm>>
      %dma_start3A_85 = tpu.memref_squeeze %dma_start3A_84 : memref<1x48x128xf32, #tpu.memory_space<hbm>> -> memref<48x128xf32, #tpu.memory_space<hbm>>
      tpu.enqueue_dma source(%arg11 : memref<48x128xf32, #tpu.memory_space<vmem>>) target(%dma_start3A_85 : memref<48x128xf32, #tpu.memory_space<hbm>>) target_semaphore(%run_scoped3A : memref<!tpu.dma_semaphore, #tpu.memory_space<semaphore_mem>>)
      %dma_wait3A = arith.constant 0 : i32
      %dma_wait3A_86 = tpu.memref_slice %arg5[%arg0, %add3A_53, %dma_wait3A] : memref<2x10000x128xf32, #tpu.memory_space<hbm>> -> memref<1x48x128xf32, #tpu.memory_space<hbm>>
      %dma_wait3A_87 = tpu.memref_squeeze %dma_wait3A_86 : memref<1x48x128xf32, #tpu.memory_space<hbm>> -> memref<48x128xf32, #tpu.memory_space<hbm>>
      %dma_wait3A_88 = arith.constant 0 : i32
      %dma_wait3A_89 = tpu.memref_slice %arg5[%arg0, %add3A_53, %dma_wait3A_88] : memref<2x10000x128xf32, #tpu.memory_space<hbm>> -> memref<1x48x128xf32, #tpu.memory_space<hbm>>
      %dma_wait3A_90 = tpu.memref_squeeze %dma_wait3A_89 : memref<1x48x128xf32, #tpu.memory_space<hbm>> -> memref<48x128xf32, #tpu.memory_space<hbm>>
      tpu.wait_dma2 semaphore(%run_scoped3A : memref<!tpu.dma_semaphore, #tpu.memory_space<semaphore_mem>>) src(%arg11 : memref<48x128xf32, #tpu.memory_space<vmem>>) dst(%dma_wait3A_90 : memref<48x128xf32, #tpu.memory_space<hbm>>)
      tpu.yield
    }) : () -> ()
    %add3A_54 = arith.constant 96 : i32
    %add3A_55 = arith.addi %mul3A_2, %add3A_54 : i32
    "tpu.region"() ({
      %run_scoped3A = tpu.sem_alloc : memref<!tpu.dma_semaphore, #tpu.memory_space<semaphore_mem>>
      %dma_start3A = arith.constant 0 : i32
      %dma_start3A_81 = tpu.memref_slice %arg6[%add3A_55, %dma_start3A] : memref<10008x128xf32, #tpu.memory_space<vmem_shared>> -> memref<48x128xf32, #tpu.memory_space<vmem_shared>>
      %dma_start3A_82 = arith.constant 0 : i32
      %dma_start3A_83 = tpu.memref_slice %arg6[%add3A_55, %dma_start3A_82] : memref<10008x128xf32, #tpu.memory_space<vmem_shared>> -> memref<48x128xf32, #tpu.memory_space<vmem_shared>>
      tpu.enqueue_dma source(%dma_start3A_83 : memref<48x128xf32, #tpu.memory_space<vmem_shared>>) target(%arg11 : memref<48x128xf32, #tpu.memory_space<vmem>>) target_semaphore(%run_scoped3A : memref<!tpu.dma_semaphore, #tpu.memory_space<semaphore_mem>>)
      %dma_wait3A = arith.constant 0 : i32
      %dma_wait3A_84 = tpu.memref_slice %arg6[%add3A_55, %dma_wait3A] : memref<10008x128xf32, #tpu.memory_space<vmem_shared>> -> memref<48x128xf32, #tpu.memory_space<vmem_shared>>
      %dma_wait3A_85 = arith.constant 0 : i32
      %dma_wait3A_86 = tpu.memref_slice %arg6[%add3A_55, %dma_wait3A_85] : memref<10008x128xf32, #tpu.memory_space<vmem_shared>> -> memref<48x128xf32, #tpu.memory_space<vmem_shared>>
      tpu.wait_dma2 semaphore(%run_scoped3A : memref<!tpu.dma_semaphore, #tpu.memory_space<semaphore_mem>>) src(%dma_wait3A_86 : memref<48x128xf32, #tpu.memory_space<vmem_shared>>) dst(%arg11 : memref<48x128xf32, #tpu.memory_space<vmem>>)
      tpu.yield
    }) : () -> ()
    "tpu.region"() ({
      %run_scoped3A = tpu.sem_alloc : memref<!tpu.dma_semaphore, #tpu.memory_space<semaphore_mem>>
      %dma_start3A = arith.constant 0 : i32
      %dma_start3A_81 = tpu.memref_slice %arg5[%arg0, %add3A_55, %dma_start3A] : memref<2x10000x128xf32, #tpu.memory_space<hbm>> -> memref<1x48x128xf32, #tpu.memory_space<hbm>>
      %dma_start3A_82 = tpu.memref_squeeze %dma_start3A_81 : memref<1x48x128xf32, #tpu.memory_space<hbm>> -> memref<48x128xf32, #tpu.memory_space<hbm>>
      %dma_start3A_83 = arith.constant 0 : i32
      %dma_start3A_84 = tpu.memref_slice %arg5[%arg0, %add3A_55, %dma_start3A_83] : memref<2x10000x128xf32, #tpu.memory_space<hbm>> -> memref<1x48x128xf32, #tpu.memory_space<hbm>>
      %dma_start3A_85 = tpu.memref_squeeze %dma_start3A_84 : memref<1x48x128xf32, #tpu.memory_space<hbm>> -> memref<48x128xf32, #tpu.memory_space<hbm>>
      tpu.enqueue_dma source(%arg11 : memref<48x128xf32, #tpu.memory_space<vmem>>) target(%dma_start3A_85 : memref<48x128xf32, #tpu.memory_space<hbm>>) target_semaphore(%run_scoped3A : memref<!tpu.dma_semaphore, #tpu.memory_space<semaphore_mem>>)
      %dma_wait3A = arith.constant 0 : i32
      %dma_wait3A_86 = tpu.memref_slice %arg5[%arg0, %add3A_55, %dma_wait3A] : memref<2x10000x128xf32, #tpu.memory_space<hbm>> -> memref<1x48x128xf32, #tpu.memory_space<hbm>>
      %dma_wait3A_87 = tpu.memref_squeeze %dma_wait3A_86 : memref<1x48x128xf32, #tpu.memory_space<hbm>> -> memref<48x128xf32, #tpu.memory_space<hbm>>
      %dma_wait3A_88 = arith.constant 0 : i32
      %dma_wait3A_89 = tpu.memref_slice %arg5[%arg0, %add3A_55, %dma_wait3A_88] : memref<2x10000x128xf32, #tpu.memory_space<hbm>> -> memref<1x48x128xf32, #tpu.memory_space<hbm>>
      %dma_wait3A_90 = tpu.memref_squeeze %dma_wait3A_89 : memref<1x48x128xf32, #tpu.memory_space<hbm>> -> memref<48x128xf32, #tpu.memory_space<hbm>>
      tpu.wait_dma2 semaphore(%run_scoped3A : memref<!tpu.dma_semaphore, #tpu.memory_space<semaphore_mem>>) src(%arg11 : memref<48x128xf32, #tpu.memory_space<vmem>>) dst(%dma_wait3A_90 : memref<48x128xf32, #tpu.memory_space<hbm>>)
      tpu.yield
    }) : () -> ()
    %add3A_56 = arith.constant 144 : i32
    %add3A_57 = arith.addi %mul3A_2, %add3A_56 : i32
    "tpu.region"() ({
      %run_scoped3A = tpu.sem_alloc : memref<!tpu.dma_semaphore, #tpu.memory_space<semaphore_mem>>
      %dma_start3A = arith.constant 0 : i32
      %dma_start3A_81 = tpu.memref_slice %arg6[%add3A_57, %dma_start3A] : memref<10008x128xf32, #tpu.memory_space<vmem_shared>> -> memref<48x128xf32, #tpu.memory_space<vmem_shared>>
      %dma_start3A_82 = arith.constant 0 : i32
      %dma_start3A_83 = tpu.memref_slice %arg6[%add3A_57, %dma_start3A_82] : memref<10008x128xf32, #tpu.memory_space<vmem_shared>> -> memref<48x128xf32, #tpu.memory_space<vmem_shared>>
      tpu.enqueue_dma source(%dma_start3A_83 : memref<48x128xf32, #tpu.memory_space<vmem_shared>>) target(%arg11 : memref<48x128xf32, #tpu.memory_space<vmem>>) target_semaphore(%run_scoped3A : memref<!tpu.dma_semaphore, #tpu.memory_space<semaphore_mem>>)
      %dma_wait3A = arith.constant 0 : i32
      %dma_wait3A_84 = tpu.memref_slice %arg6[%add3A_57, %dma_wait3A] : memref<10008x128xf32, #tpu.memory_space<vmem_shared>> -> memref<48x128xf32, #tpu.memory_space<vmem_shared>>
      %dma_wait3A_85 = arith.constant 0 : i32
      %dma_wait3A_86 = tpu.memref_slice %arg6[%add3A_57, %dma_wait3A_85] : memref<10008x128xf32, #tpu.memory_space<vmem_shared>> -> memref<48x128xf32, #tpu.memory_space<vmem_shared>>
      tpu.wait_dma2 semaphore(%run_scoped3A : memref<!tpu.dma_semaphore, #tpu.memory_space<semaphore_mem>>) src(%dma_wait3A_86 : memref<48x128xf32, #tpu.memory_space<vmem_shared>>) dst(%arg11 : memref<48x128xf32, #tpu.memory_space<vmem>>)
      tpu.yield
    }) : () -> ()
    "tpu.region"() ({
      %run_scoped3A = tpu.sem_alloc : memref<!tpu.dma_semaphore, #tpu.memory_space<semaphore_mem>>
      %dma_start3A = arith.constant 0 : i32
      %dma_start3A_81 = tpu.memref_slice %arg5[%arg0, %add3A_57, %dma_start3A] : memref<2x10000x128xf32, #tpu.memory_space<hbm>> -> memref<1x48x128xf32, #tpu.memory_space<hbm>>
      %dma_start3A_82 = tpu.memref_squeeze %dma_start3A_81 : memref<1x48x128xf32, #tpu.memory_space<hbm>> -> memref<48x128xf32, #tpu.memory_space<hbm>>
      %dma_start3A_83 = arith.constant 0 : i32
      %dma_start3A_84 = tpu.memref_slice %arg5[%arg0, %add3A_57, %dma_start3A_83] : memref<2x10000x128xf32, #tpu.memory_space<hbm>> -> memref<1x48x128xf32, #tpu.memory_space<hbm>>
      %dma_start3A_85 = tpu.memref_squeeze %dma_start3A_84 : memref<1x48x128xf32, #tpu.memory_space<hbm>> -> memref<48x128xf32, #tpu.memory_space<hbm>>
      tpu.enqueue_dma source(%arg11 : memref<48x128xf32, #tpu.memory_space<vmem>>) target(%dma_start3A_85 : memref<48x128xf32, #tpu.memory_space<hbm>>) target_semaphore(%run_scoped3A : memref<!tpu.dma_semaphore, #tpu.memory_space<semaphore_mem>>)
      %dma_wait3A = arith.constant 0 : i32
      %dma_wait3A_86 = tpu.memref_slice %arg5[%arg0, %add3A_57, %dma_wait3A] : memref<2x10000x128xf32, #tpu.memory_space<hbm>> -> memref<1x48x128xf32, #tpu.memory_space<hbm>>
      %dma_wait3A_87 = tpu.memref_squeeze %dma_wait3A_86 : memref<1x48x128xf32, #tpu.memory_space<hbm>> -> memref<48x128xf32, #tpu.memory_space<hbm>>
      %dma_wait3A_88 = arith.constant 0 : i32
      %dma_wait3A_89 = tpu.memref_slice %arg5[%arg0, %add3A_57, %dma_wait3A_88] : memref<2x10000x128xf32, #tpu.memory_space<hbm>> -> memref<1x48x128xf32, #tpu.memory_space<hbm>>
      %dma_wait3A_90 = tpu.memref_squeeze %dma_wait3A_89 : memref<1x48x128xf32, #tpu.memory_space<hbm>> -> memref<48x128xf32, #tpu.memory_space<hbm>>
      tpu.wait_dma2 semaphore(%run_scoped3A : memref<!tpu.dma_semaphore, #tpu.memory_space<semaphore_mem>>) src(%arg11 : memref<48x128xf32, #tpu.memory_space<vmem>>) dst(%dma_wait3A_90 : memref<48x128xf32, #tpu.memory_space<hbm>>)
      tpu.yield
    }) : () -> ()
    %add3A_58 = arith.constant 192 : i32
    %add3A_59 = arith.addi %mul3A_2, %add3A_58 : i32
    "tpu.region"() ({
      %run_scoped3A = tpu.sem_alloc : memref<!tpu.dma_semaphore, #tpu.memory_space<semaphore_mem>>
      %dma_start3A = arith.constant 0 : i32
      %dma_start3A_81 = tpu.memref_slice %arg6[%add3A_59, %dma_start3A] : memref<10008x128xf32, #tpu.memory_space<vmem_shared>> -> memref<48x128xf32, #tpu.memory_space<vmem_shared>>
      %dma_start3A_82 = arith.constant 0 : i32
      %dma_start3A_83 = tpu.memref_slice %arg6[%add3A_59, %dma_start3A_82] : memref<10008x128xf32, #tpu.memory_space<vmem_shared>> -> memref<48x128xf32, #tpu.memory_space<vmem_shared>>
      tpu.enqueue_dma source(%dma_start3A_83 : memref<48x128xf32, #tpu.memory_space<vmem_shared>>) target(%arg11 : memref<48x128xf32, #tpu.memory_space<vmem>>) target_semaphore(%run_scoped3A : memref<!tpu.dma_semaphore, #tpu.memory_space<semaphore_mem>>)
      %dma_wait3A = arith.constant 0 : i32
      %dma_wait3A_84 = tpu.memref_slice %arg6[%add3A_59, %dma_wait3A] : memref<10008x128xf32, #tpu.memory_space<vmem_shared>> -> memref<48x128xf32, #tpu.memory_space<vmem_shared>>
      %dma_wait3A_85 = arith.constant 0 : i32
      %dma_wait3A_86 = tpu.memref_slice %arg6[%add3A_59, %dma_wait3A_85] : memref<10008x128xf32, #tpu.memory_space<vmem_shared>> -> memref<48x128xf32, #tpu.memory_space<vmem_shared>>
      tpu.wait_dma2 semaphore(%run_scoped3A : memref<!tpu.dma_semaphore, #tpu.memory_space<semaphore_mem>>) src(%dma_wait3A_86 : memref<48x128xf32, #tpu.memory_space<vmem_shared>>) dst(%arg11 : memref<48x128xf32, #tpu.memory_space<vmem>>)
      tpu.yield
    }) : () -> ()
    "tpu.region"() ({
      %run_scoped3A = tpu.sem_alloc : memref<!tpu.dma_semaphore, #tpu.memory_space<semaphore_mem>>
      %dma_start3A = arith.constant 0 : i32
      %dma_start3A_81 = tpu.memref_slice %arg5[%arg0, %add3A_59, %dma_start3A] : memref<2x10000x128xf32, #tpu.memory_space<hbm>> -> memref<1x48x128xf32, #tpu.memory_space<hbm>>
      %dma_start3A_82 = tpu.memref_squeeze %dma_start3A_81 : memref<1x48x128xf32, #tpu.memory_space<hbm>> -> memref<48x128xf32, #tpu.memory_space<hbm>>
      %dma_start3A_83 = arith.constant 0 : i32
      %dma_start3A_84 = tpu.memref_slice %arg5[%arg0, %add3A_59, %dma_start3A_83] : memref<2x10000x128xf32, #tpu.memory_space<hbm>> -> memref<1x48x128xf32, #tpu.memory_space<hbm>>
      %dma_start3A_85 = tpu.memref_squeeze %dma_start3A_84 : memref<1x48x128xf32, #tpu.memory_space<hbm>> -> memref<48x128xf32, #tpu.memory_space<hbm>>
      tpu.enqueue_dma source(%arg11 : memref<48x128xf32, #tpu.memory_space<vmem>>) target(%dma_start3A_85 : memref<48x128xf32, #tpu.memory_space<hbm>>) target_semaphore(%run_scoped3A : memref<!tpu.dma_semaphore, #tpu.memory_space<semaphore_mem>>)
      %dma_wait3A = arith.constant 0 : i32
      %dma_wait3A_86 = tpu.memref_slice %arg5[%arg0, %add3A_59, %dma_wait3A] : memref<2x10000x128xf32, #tpu.memory_space<hbm>> -> memref<1x48x128xf32, #tpu.memory_space<hbm>>
      %dma_wait3A_87 = tpu.memref_squeeze %dma_wait3A_86 : memref<1x48x128xf32, #tpu.memory_space<hbm>> -> memref<48x128xf32, #tpu.memory_space<hbm>>
      %dma_wait3A_88 = arith.constant 0 : i32
      %dma_wait3A_89 = tpu.memref_slice %arg5[%arg0, %add3A_59, %dma_wait3A_88] : memref<2x10000x128xf32, #tpu.memory_space<hbm>> -> memref<1x48x128xf32, #tpu.memory_space<hbm>>
      %dma_wait3A_90 = tpu.memref_squeeze %dma_wait3A_89 : memref<1x48x128xf32, #tpu.memory_space<hbm>> -> memref<48x128xf32, #tpu.memory_space<hbm>>
      tpu.wait_dma2 semaphore(%run_scoped3A : memref<!tpu.dma_semaphore, #tpu.memory_space<semaphore_mem>>) src(%arg11 : memref<48x128xf32, #tpu.memory_space<vmem>>) dst(%dma_wait3A_90 : memref<48x128xf32, #tpu.memory_space<hbm>>)
      tpu.yield
    }) : () -> ()
    %add3A_60 = arith.constant 240 : i32
    %add3A_61 = arith.addi %mul3A_2, %add3A_60 : i32
    "tpu.region"() ({
      %run_scoped3A = tpu.sem_alloc : memref<!tpu.dma_semaphore, #tpu.memory_space<semaphore_mem>>
      %dma_start3A = arith.constant 0 : i32
      %dma_start3A_81 = tpu.memref_slice %arg6[%add3A_61, %dma_start3A] : memref<10008x128xf32, #tpu.memory_space<vmem_shared>> -> memref<48x128xf32, #tpu.memory_space<vmem_shared>>
      %dma_start3A_82 = arith.constant 0 : i32
      %dma_start3A_83 = tpu.memref_slice %arg6[%add3A_61, %dma_start3A_82] : memref<10008x128xf32, #tpu.memory_space<vmem_shared>> -> memref<48x128xf32, #tpu.memory_space<vmem_shared>>
      tpu.enqueue_dma source(%dma_start3A_83 : memref<48x128xf32, #tpu.memory_space<vmem_shared>>) target(%arg11 : memref<48x128xf32, #tpu.memory_space<vmem>>) target_semaphore(%run_scoped3A : memref<!tpu.dma_semaphore, #tpu.memory_space<semaphore_mem>>)
      %dma_wait3A = arith.constant 0 : i32
      %dma_wait3A_84 = tpu.memref_slice %arg6[%add3A_61, %dma_wait3A] : memref<10008x128xf32, #tpu.memory_space<vmem_shared>> -> memref<48x128xf32, #tpu.memory_space<vmem_shared>>
      %dma_wait3A_85 = arith.constant 0 : i32
      %dma_wait3A_86 = tpu.memref_slice %arg6[%add3A_61, %dma_wait3A_85] : memref<10008x128xf32, #tpu.memory_space<vmem_shared>> -> memref<48x128xf32, #tpu.memory_space<vmem_shared>>
      tpu.wait_dma2 semaphore(%run_scoped3A : memref<!tpu.dma_semaphore, #tpu.memory_space<semaphore_mem>>) src(%dma_wait3A_86 : memref<48x128xf32, #tpu.memory_space<vmem_shared>>) dst(%arg11 : memref<48x128xf32, #tpu.memory_space<vmem>>)
      tpu.yield
    }) : () -> ()
    "tpu.region"() ({
      %run_scoped3A = tpu.sem_alloc : memref<!tpu.dma_semaphore, #tpu.memory_space<semaphore_mem>>
      %dma_start3A = arith.constant 0 : i32
      %dma_start3A_81 = tpu.memref_slice %arg5[%arg0, %add3A_61, %dma_start3A] : memref<2x10000x128xf32, #tpu.memory_space<hbm>> -> memref<1x48x128xf32, #tpu.memory_space<hbm>>
      %dma_start3A_82 = tpu.memref_squeeze %dma_start3A_81 : memref<1x48x128xf32, #tpu.memory_space<hbm>> -> memref<48x128xf32, #tpu.memory_space<hbm>>
      %dma_start3A_83 = arith.constant 0 : i32
      %dma_start3A_84 = tpu.memref_slice %arg5[%arg0, %add3A_61, %dma_start3A_83] : memref<2x10000x128xf32, #tpu.memory_space<hbm>> -> memref<1x48x128xf32, #tpu.memory_space<hbm>>
      %dma_start3A_85 = tpu.memref_squeeze %dma_start3A_84 : memref<1x48x128xf32, #tpu.memory_space<hbm>> -> memref<48x128xf32, #tpu.memory_space<hbm>>
      tpu.enqueue_dma source(%arg11 : memref<48x128xf32, #tpu.memory_space<vmem>>) target(%dma_start3A_85 : memref<48x128xf32, #tpu.memory_space<hbm>>) target_semaphore(%run_scoped3A : memref<!tpu.dma_semaphore, #tpu.memory_space<semaphore_mem>>)
      %dma_wait3A = arith.constant 0 : i32
      %dma_wait3A_86 = tpu.memref_slice %arg5[%arg0, %add3A_61, %dma_wait3A] : memref<2x10000x128xf32, #tpu.memory_space<hbm>> -> memref<1x48x128xf32, #tpu.memory_space<hbm>>
      %dma_wait3A_87 = tpu.memref_squeeze %dma_wait3A_86 : memref<1x48x128xf32, #tpu.memory_space<hbm>> -> memref<48x128xf32, #tpu.memory_space<hbm>>
      %dma_wait3A_88 = arith.constant 0 : i32
      %dma_wait3A_89 = tpu.memref_slice %arg5[%arg0, %add3A_61, %dma_wait3A_88] : memref<2x10000x128xf32, #tpu.memory_space<hbm>> -> memref<1x48x128xf32, #tpu.memory_space<hbm>>
      %dma_wait3A_90 = tpu.memref_squeeze %dma_wait3A_89 : memref<1x48x128xf32, #tpu.memory_space<hbm>> -> memref<48x128xf32, #tpu.memory_space<hbm>>
      tpu.wait_dma2 semaphore(%run_scoped3A : memref<!tpu.dma_semaphore, #tpu.memory_space<semaphore_mem>>) src(%arg11 : memref<48x128xf32, #tpu.memory_space<vmem>>) dst(%dma_wait3A_90 : memref<48x128xf32, #tpu.memory_space<hbm>>)
      tpu.yield
    }) : () -> ()
    %add3A_62 = arith.constant 288 : i32
    %add3A_63 = arith.addi %mul3A_2, %add3A_62 : i32
    "tpu.region"() ({
      %run_scoped3A = tpu.sem_alloc : memref<!tpu.dma_semaphore, #tpu.memory_space<semaphore_mem>>
      %dma_start3A = arith.constant 0 : i32
      %dma_start3A_81 = tpu.memref_slice %arg6[%add3A_63, %dma_start3A] : memref<10008x128xf32, #tpu.memory_space<vmem_shared>> -> memref<48x128xf32, #tpu.memory_space<vmem_shared>>
      %dma_start3A_82 = arith.constant 0 : i32
      %dma_start3A_83 = tpu.memref_slice %arg6[%add3A_63, %dma_start3A_82] : memref<10008x128xf32, #tpu.memory_space<vmem_shared>> -> memref<48x128xf32, #tpu.memory_space<vmem_shared>>
      tpu.enqueue_dma source(%dma_start3A_83 : memref<48x128xf32, #tpu.memory_space<vmem_shared>>) target(%arg11 : memref<48x128xf32, #tpu.memory_space<vmem>>) target_semaphore(%run_scoped3A : memref<!tpu.dma_semaphore, #tpu.memory_space<semaphore_mem>>)
      %dma_wait3A = arith.constant 0 : i32
      %dma_wait3A_84 = tpu.memref_slice %arg6[%add3A_63, %dma_wait3A] : memref<10008x128xf32, #tpu.memory_space<vmem_shared>> -> memref<48x128xf32, #tpu.memory_space<vmem_shared>>
      %dma_wait3A_85 = arith.constant 0 : i32
      %dma_wait3A_86 = tpu.memref_slice %arg6[%add3A_63, %dma_wait3A_85] : memref<10008x128xf32, #tpu.memory_space<vmem_shared>> -> memref<48x128xf32, #tpu.memory_space<vmem_shared>>
      tpu.wait_dma2 semaphore(%run_scoped3A : memref<!tpu.dma_semaphore, #tpu.memory_space<semaphore_mem>>) src(%dma_wait3A_86 : memref<48x128xf32, #tpu.memory_space<vmem_shared>>) dst(%arg11 : memref<48x128xf32, #tpu.memory_space<vmem>>)
      tpu.yield
    }) : () -> ()
    "tpu.region"() ({
      %run_scoped3A = tpu.sem_alloc : memref<!tpu.dma_semaphore, #tpu.memory_space<semaphore_mem>>
      %dma_start3A = arith.constant 0 : i32
      %dma_start3A_81 = tpu.memref_slice %arg5[%arg0, %add3A_63, %dma_start3A] : memref<2x10000x128xf32, #tpu.memory_space<hbm>> -> memref<1x48x128xf32, #tpu.memory_space<hbm>>
      %dma_start3A_82 = tpu.memref_squeeze %dma_start3A_81 : memref<1x48x128xf32, #tpu.memory_space<hbm>> -> memref<48x128xf32, #tpu.memory_space<hbm>>
      %dma_start3A_83 = arith.constant 0 : i32
      %dma_start3A_84 = tpu.memref_slice %arg5[%arg0, %add3A_63, %dma_start3A_83] : memref<2x10000x128xf32, #tpu.memory_space<hbm>> -> memref<1x48x128xf32, #tpu.memory_space<hbm>>
      %dma_start3A_85 = tpu.memref_squeeze %dma_start3A_84 : memref<1x48x128xf32, #tpu.memory_space<hbm>> -> memref<48x128xf32, #tpu.memory_space<hbm>>
      tpu.enqueue_dma source(%arg11 : memref<48x128xf32, #tpu.memory_space<vmem>>) target(%dma_start3A_85 : memref<48x128xf32, #tpu.memory_space<hbm>>) target_semaphore(%run_scoped3A : memref<!tpu.dma_semaphore, #tpu.memory_space<semaphore_mem>>)
      %dma_wait3A = arith.constant 0 : i32
      %dma_wait3A_86 = tpu.memref_slice %arg5[%arg0, %add3A_63, %dma_wait3A] : memref<2x10000x128xf32, #tpu.memory_space<hbm>> -> memref<1x48x128xf32, #tpu.memory_space<hbm>>
      %dma_wait3A_87 = tpu.memref_squeeze %dma_wait3A_86 : memref<1x48x128xf32, #tpu.memory_space<hbm>> -> memref<48x128xf32, #tpu.memory_space<hbm>>
      %dma_wait3A_88 = arith.constant 0 : i32
      %dma_wait3A_89 = tpu.memref_slice %arg5[%arg0, %add3A_63, %dma_wait3A_88] : memref<2x10000x128xf32, #tpu.memory_space<hbm>> -> memref<1x48x128xf32, #tpu.memory_space<hbm>>
      %dma_wait3A_90 = tpu.memref_squeeze %dma_wait3A_89 : memref<1x48x128xf32, #tpu.memory_space<hbm>> -> memref<48x128xf32, #tpu.memory_space<hbm>>
      tpu.wait_dma2 semaphore(%run_scoped3A : memref<!tpu.dma_semaphore, #tpu.memory_space<semaphore_mem>>) src(%arg11 : memref<48x128xf32, #tpu.memory_space<vmem>>) dst(%dma_wait3A_90 : memref<48x128xf32, #tpu.memory_space<hbm>>)
      tpu.yield
    }) : () -> ()
    %add3A_64 = arith.constant 336 : i32
    %add3A_65 = arith.addi %mul3A_2, %add3A_64 : i32
    "tpu.region"() ({
      %run_scoped3A = tpu.sem_alloc : memref<!tpu.dma_semaphore, #tpu.memory_space<semaphore_mem>>
      %dma_start3A = arith.constant 0 : i32
      %dma_start3A_81 = tpu.memref_slice %arg6[%add3A_65, %dma_start3A] : memref<10008x128xf32, #tpu.memory_space<vmem_shared>> -> memref<48x128xf32, #tpu.memory_space<vmem_shared>>
      %dma_start3A_82 = arith.constant 0 : i32
      %dma_start3A_83 = tpu.memref_slice %arg6[%add3A_65, %dma_start3A_82] : memref<10008x128xf32, #tpu.memory_space<vmem_shared>> -> memref<48x128xf32, #tpu.memory_space<vmem_shared>>
      tpu.enqueue_dma source(%dma_start3A_83 : memref<48x128xf32, #tpu.memory_space<vmem_shared>>) target(%arg11 : memref<48x128xf32, #tpu.memory_space<vmem>>) target_semaphore(%run_scoped3A : memref<!tpu.dma_semaphore, #tpu.memory_space<semaphore_mem>>)
      %dma_wait3A = arith.constant 0 : i32
      %dma_wait3A_84 = tpu.memref_slice %arg6[%add3A_65, %dma_wait3A] : memref<10008x128xf32, #tpu.memory_space<vmem_shared>> -> memref<48x128xf32, #tpu.memory_space<vmem_shared>>
      %dma_wait3A_85 = arith.constant 0 : i32
      %dma_wait3A_86 = tpu.memref_slice %arg6[%add3A_65, %dma_wait3A_85] : memref<10008x128xf32, #tpu.memory_space<vmem_shared>> -> memref<48x128xf32, #tpu.memory_space<vmem_shared>>
      tpu.wait_dma2 semaphore(%run_scoped3A : memref<!tpu.dma_semaphore, #tpu.memory_space<semaphore_mem>>) src(%dma_wait3A_86 : memref<48x128xf32, #tpu.memory_space<vmem_shared>>) dst(%arg11 : memref<48x128xf32, #tpu.memory_space<vmem>>)
      tpu.yield
    }) : () -> ()
    "tpu.region"() ({
      %run_scoped3A = tpu.sem_alloc : memref<!tpu.dma_semaphore, #tpu.memory_space<semaphore_mem>>
      %dma_start3A = arith.constant 0 : i32
      %dma_start3A_81 = tpu.memref_slice %arg5[%arg0, %add3A_65, %dma_start3A] : memref<2x10000x128xf32, #tpu.memory_space<hbm>> -> memref<1x48x128xf32, #tpu.memory_space<hbm>>
      %dma_start3A_82 = tpu.memref_squeeze %dma_start3A_81 : memref<1x48x128xf32, #tpu.memory_space<hbm>> -> memref<48x128xf32, #tpu.memory_space<hbm>>
      %dma_start3A_83 = arith.constant 0 : i32
      %dma_start3A_84 = tpu.memref_slice %arg5[%arg0, %add3A_65, %dma_start3A_83] : memref<2x10000x128xf32, #tpu.memory_space<hbm>> -> memref<1x48x128xf32, #tpu.memory_space<hbm>>
      %dma_start3A_85 = tpu.memref_squeeze %dma_start3A_84 : memref<1x48x128xf32, #tpu.memory_space<hbm>> -> memref<48x128xf32, #tpu.memory_space<hbm>>
      tpu.enqueue_dma source(%arg11 : memref<48x128xf32, #tpu.memory_space<vmem>>) target(%dma_start3A_85 : memref<48x128xf32, #tpu.memory_space<hbm>>) target_semaphore(%run_scoped3A : memref<!tpu.dma_semaphore, #tpu.memory_space<semaphore_mem>>)
      %dma_wait3A = arith.constant 0 : i32
      %dma_wait3A_86 = tpu.memref_slice %arg5[%arg0, %add3A_65, %dma_wait3A] : memref<2x10000x128xf32, #tpu.memory_space<hbm>> -> memref<1x48x128xf32, #tpu.memory_space<hbm>>
      %dma_wait3A_87 = tpu.memref_squeeze %dma_wait3A_86 : memref<1x48x128xf32, #tpu.memory_space<hbm>> -> memref<48x128xf32, #tpu.memory_space<hbm>>
      %dma_wait3A_88 = arith.constant 0 : i32
      %dma_wait3A_89 = tpu.memref_slice %arg5[%arg0, %add3A_65, %dma_wait3A_88] : memref<2x10000x128xf32, #tpu.memory_space<hbm>> -> memref<1x48x128xf32, #tpu.memory_space<hbm>>
      %dma_wait3A_90 = tpu.memref_squeeze %dma_wait3A_89 : memref<1x48x128xf32, #tpu.memory_space<hbm>> -> memref<48x128xf32, #tpu.memory_space<hbm>>
      tpu.wait_dma2 semaphore(%run_scoped3A : memref<!tpu.dma_semaphore, #tpu.memory_space<semaphore_mem>>) src(%arg11 : memref<48x128xf32, #tpu.memory_space<vmem>>) dst(%dma_wait3A_90 : memref<48x128xf32, #tpu.memory_space<hbm>>)
      tpu.yield
    }) : () -> ()
    %add3A_66 = arith.constant 384 : i32
    %add3A_67 = arith.addi %mul3A_2, %add3A_66 : i32
    "tpu.region"() ({
      %run_scoped3A = tpu.sem_alloc : memref<!tpu.dma_semaphore, #tpu.memory_space<semaphore_mem>>
      %dma_start3A = arith.constant 0 : i32
      %dma_start3A_81 = tpu.memref_slice %arg6[%add3A_67, %dma_start3A] : memref<10008x128xf32, #tpu.memory_space<vmem_shared>> -> memref<48x128xf32, #tpu.memory_space<vmem_shared>>
      %dma_start3A_82 = arith.constant 0 : i32
      %dma_start3A_83 = tpu.memref_slice %arg6[%add3A_67, %dma_start3A_82] : memref<10008x128xf32, #tpu.memory_space<vmem_shared>> -> memref<48x128xf32, #tpu.memory_space<vmem_shared>>
      tpu.enqueue_dma source(%dma_start3A_83 : memref<48x128xf32, #tpu.memory_space<vmem_shared>>) target(%arg11 : memref<48x128xf32, #tpu.memory_space<vmem>>) target_semaphore(%run_scoped3A : memref<!tpu.dma_semaphore, #tpu.memory_space<semaphore_mem>>)
      %dma_wait3A = arith.constant 0 : i32
      %dma_wait3A_84 = tpu.memref_slice %arg6[%add3A_67, %dma_wait3A] : memref<10008x128xf32, #tpu.memory_space<vmem_shared>> -> memref<48x128xf32, #tpu.memory_space<vmem_shared>>
      %dma_wait3A_85 = arith.constant 0 : i32
      %dma_wait3A_86 = tpu.memref_slice %arg6[%add3A_67, %dma_wait3A_85] : memref<10008x128xf32, #tpu.memory_space<vmem_shared>> -> memref<48x128xf32, #tpu.memory_space<vmem_shared>>
      tpu.wait_dma2 semaphore(%run_scoped3A : memref<!tpu.dma_semaphore, #tpu.memory_space<semaphore_mem>>) src(%dma_wait3A_86 : memref<48x128xf32, #tpu.memory_space<vmem_shared>>) dst(%arg11 : memref<48x128xf32, #tpu.memory_space<vmem>>)
      tpu.yield
    }) : () -> ()
    "tpu.region"() ({
      %run_scoped3A = tpu.sem_alloc : memref<!tpu.dma_semaphore, #tpu.memory_space<semaphore_mem>>
      %dma_start3A = arith.constant 0 : i32
      %dma_start3A_81 = tpu.memref_slice %arg5[%arg0, %add3A_67, %dma_start3A] : memref<2x10000x128xf32, #tpu.memory_space<hbm>> -> memref<1x48x128xf32, #tpu.memory_space<hbm>>
      %dma_start3A_82 = tpu.memref_squeeze %dma_start3A_81 : memref<1x48x128xf32, #tpu.memory_space<hbm>> -> memref<48x128xf32, #tpu.memory_space<hbm>>
      %dma_start3A_83 = arith.constant 0 : i32
      %dma_start3A_84 = tpu.memref_slice %arg5[%arg0, %add3A_67, %dma_start3A_83] : memref<2x10000x128xf32, #tpu.memory_space<hbm>> -> memref<1x48x128xf32, #tpu.memory_space<hbm>>
      %dma_start3A_85 = tpu.memref_squeeze %dma_start3A_84 : memref<1x48x128xf32, #tpu.memory_space<hbm>> -> memref<48x128xf32, #tpu.memory_space<hbm>>
      tpu.enqueue_dma source(%arg11 : memref<48x128xf32, #tpu.memory_space<vmem>>) target(%dma_start3A_85 : memref<48x128xf32, #tpu.memory_space<hbm>>) target_semaphore(%run_scoped3A : memref<!tpu.dma_semaphore, #tpu.memory_space<semaphore_mem>>)
      %dma_wait3A = arith.constant 0 : i32
      %dma_wait3A_86 = tpu.memref_slice %arg5[%arg0, %add3A_67, %dma_wait3A] : memref<2x10000x128xf32, #tpu.memory_space<hbm>> -> memref<1x48x128xf32, #tpu.memory_space<hbm>>
      %dma_wait3A_87 = tpu.memref_squeeze %dma_wait3A_86 : memref<1x48x128xf32, #tpu.memory_space<hbm>> -> memref<48x128xf32, #tpu.memory_space<hbm>>
      %dma_wait3A_88 = arith.constant 0 : i32
      %dma_wait3A_89 = tpu.memref_slice %arg5[%arg0, %add3A_67, %dma_wait3A_88] : memref<2x10000x128xf32, #tpu.memory_space<hbm>> -> memref<1x48x128xf32, #tpu.memory_space<hbm>>
      %dma_wait3A_90 = tpu.memref_squeeze %dma_wait3A_89 : memref<1x48x128xf32, #tpu.memory_space<hbm>> -> memref<48x128xf32, #tpu.memory_space<hbm>>
      tpu.wait_dma2 semaphore(%run_scoped3A : memref<!tpu.dma_semaphore, #tpu.memory_space<semaphore_mem>>) src(%arg11 : memref<48x128xf32, #tpu.memory_space<vmem>>) dst(%dma_wait3A_90 : memref<48x128xf32, #tpu.memory_space<hbm>>)
      tpu.yield
    }) : () -> ()
    %add3A_68 = arith.constant 432 : i32
    %add3A_69 = arith.addi %mul3A_2, %add3A_68 : i32
    "tpu.region"() ({
      %run_scoped3A = tpu.sem_alloc : memref<!tpu.dma_semaphore, #tpu.memory_space<semaphore_mem>>
      %dma_start3A = arith.constant 0 : i32
      %dma_start3A_81 = tpu.memref_slice %arg6[%add3A_69, %dma_start3A] : memref<10008x128xf32, #tpu.memory_space<vmem_shared>> -> memref<48x128xf32, #tpu.memory_space<vmem_shared>>
      %dma_start3A_82 = arith.constant 0 : i32
      %dma_start3A_83 = tpu.memref_slice %arg6[%add3A_69, %dma_start3A_82] : memref<10008x128xf32, #tpu.memory_space<vmem_shared>> -> memref<48x128xf32, #tpu.memory_space<vmem_shared>>
      tpu.enqueue_dma source(%dma_start3A_83 : memref<48x128xf32, #tpu.memory_space<vmem_shared>>) target(%arg11 : memref<48x128xf32, #tpu.memory_space<vmem>>) target_semaphore(%run_scoped3A : memref<!tpu.dma_semaphore, #tpu.memory_space<semaphore_mem>>)
      %dma_wait3A = arith.constant 0 : i32
      %dma_wait3A_84 = tpu.memref_slice %arg6[%add3A_69, %dma_wait3A] : memref<10008x128xf32, #tpu.memory_space<vmem_shared>> -> memref<48x128xf32, #tpu.memory_space<vmem_shared>>
      %dma_wait3A_85 = arith.constant 0 : i32
      %dma_wait3A_86 = tpu.memref_slice %arg6[%add3A_69, %dma_wait3A_85] : memref<10008x128xf32, #tpu.memory_space<vmem_shared>> -> memref<48x128xf32, #tpu.memory_space<vmem_shared>>
      tpu.wait_dma2 semaphore(%run_scoped3A : memref<!tpu.dma_semaphore, #tpu.memory_space<semaphore_mem>>) src(%dma_wait3A_86 : memref<48x128xf32, #tpu.memory_space<vmem_shared>>) dst(%arg11 : memref<48x128xf32, #tpu.memory_space<vmem>>)
      tpu.yield
    }) : () -> ()
    "tpu.region"() ({
      %run_scoped3A = tpu.sem_alloc : memref<!tpu.dma_semaphore, #tpu.memory_space<semaphore_mem>>
      %dma_start3A = arith.constant 0 : i32
      %dma_start3A_81 = tpu.memref_slice %arg5[%arg0, %add3A_69, %dma_start3A] : memref<2x10000x128xf32, #tpu.memory_space<hbm>> -> memref<1x48x128xf32, #tpu.memory_space<hbm>>
      %dma_start3A_82 = tpu.memref_squeeze %dma_start3A_81 : memref<1x48x128xf32, #tpu.memory_space<hbm>> -> memref<48x128xf32, #tpu.memory_space<hbm>>
      %dma_start3A_83 = arith.constant 0 : i32
      %dma_start3A_84 = tpu.memref_slice %arg5[%arg0, %add3A_69, %dma_start3A_83] : memref<2x10000x128xf32, #tpu.memory_space<hbm>> -> memref<1x48x128xf32, #tpu.memory_space<hbm>>
      %dma_start3A_85 = tpu.memref_squeeze %dma_start3A_84 : memref<1x48x128xf32, #tpu.memory_space<hbm>> -> memref<48x128xf32, #tpu.memory_space<hbm>>
      tpu.enqueue_dma source(%arg11 : memref<48x128xf32, #tpu.memory_space<vmem>>) target(%dma_start3A_85 : memref<48x128xf32, #tpu.memory_space<hbm>>) target_semaphore(%run_scoped3A : memref<!tpu.dma_semaphore, #tpu.memory_space<semaphore_mem>>)
      %dma_wait3A = arith.constant 0 : i32
      %dma_wait3A_86 = tpu.memref_slice %arg5[%arg0, %add3A_69, %dma_wait3A] : memref<2x10000x128xf32, #tpu.memory_space<hbm>> -> memref<1x48x128xf32, #tpu.memory_space<hbm>>
      %dma_wait3A_87 = tpu.memref_squeeze %dma_wait3A_86 : memref<1x48x128xf32, #tpu.memory_space<hbm>> -> memref<48x128xf32, #tpu.memory_space<hbm>>
      %dma_wait3A_88 = arith.constant 0 : i32
      %dma_wait3A_89 = tpu.memref_slice %arg5[%arg0, %add3A_69, %dma_wait3A_88] : memref<2x10000x128xf32, #tpu.memory_space<hbm>> -> memref<1x48x128xf32, #tpu.memory_space<hbm>>
      %dma_wait3A_90 = tpu.memref_squeeze %dma_wait3A_89 : memref<1x48x128xf32, #tpu.memory_space<hbm>> -> memref<48x128xf32, #tpu.memory_space<hbm>>
      tpu.wait_dma2 semaphore(%run_scoped3A : memref<!tpu.dma_semaphore, #tpu.memory_space<semaphore_mem>>) src(%arg11 : memref<48x128xf32, #tpu.memory_space<vmem>>) dst(%dma_wait3A_90 : memref<48x128xf32, #tpu.memory_space<hbm>>)
      tpu.yield
    }) : () -> ()
    %add3A_70 = arith.constant 480 : i32
    %add3A_71 = arith.addi %mul3A_2, %add3A_70 : i32
    "tpu.region"() ({
      %run_scoped3A = tpu.sem_alloc : memref<!tpu.dma_semaphore, #tpu.memory_space<semaphore_mem>>
      %dma_start3A = arith.constant 0 : i32
      %dma_start3A_81 = tpu.memref_slice %arg6[%add3A_71, %dma_start3A] : memref<10008x128xf32, #tpu.memory_space<vmem_shared>> -> memref<48x128xf32, #tpu.memory_space<vmem_shared>>
      %dma_start3A_82 = arith.constant 0 : i32
      %dma_start3A_83 = tpu.memref_slice %arg6[%add3A_71, %dma_start3A_82] : memref<10008x128xf32, #tpu.memory_space<vmem_shared>> -> memref<48x128xf32, #tpu.memory_space<vmem_shared>>
      tpu.enqueue_dma source(%dma_start3A_83 : memref<48x128xf32, #tpu.memory_space<vmem_shared>>) target(%arg11 : memref<48x128xf32, #tpu.memory_space<vmem>>) target_semaphore(%run_scoped3A : memref<!tpu.dma_semaphore, #tpu.memory_space<semaphore_mem>>)
      %dma_wait3A = arith.constant 0 : i32
      %dma_wait3A_84 = tpu.memref_slice %arg6[%add3A_71, %dma_wait3A] : memref<10008x128xf32, #tpu.memory_space<vmem_shared>> -> memref<48x128xf32, #tpu.memory_space<vmem_shared>>
      %dma_wait3A_85 = arith.constant 0 : i32
      %dma_wait3A_86 = tpu.memref_slice %arg6[%add3A_71, %dma_wait3A_85] : memref<10008x128xf32, #tpu.memory_space<vmem_shared>> -> memref<48x128xf32, #tpu.memory_space<vmem_shared>>
      tpu.wait_dma2 semaphore(%run_scoped3A : memref<!tpu.dma_semaphore, #tpu.memory_space<semaphore_mem>>) src(%dma_wait3A_86 : memref<48x128xf32, #tpu.memory_space<vmem_shared>>) dst(%arg11 : memref<48x128xf32, #tpu.memory_space<vmem>>)
      tpu.yield
    }) : () -> ()
    "tpu.region"() ({
      %run_scoped3A = tpu.sem_alloc : memref<!tpu.dma_semaphore, #tpu.memory_space<semaphore_mem>>
      %dma_start3A = arith.constant 0 : i32
      %dma_start3A_81 = tpu.memref_slice %arg5[%arg0, %add3A_71, %dma_start3A] : memref<2x10000x128xf32, #tpu.memory_space<hbm>> -> memref<1x48x128xf32, #tpu.memory_space<hbm>>
      %dma_start3A_82 = tpu.memref_squeeze %dma_start3A_81 : memref<1x48x128xf32, #tpu.memory_space<hbm>> -> memref<48x128xf32, #tpu.memory_space<hbm>>
      %dma_start3A_83 = arith.constant 0 : i32
      %dma_start3A_84 = tpu.memref_slice %arg5[%arg0, %add3A_71, %dma_start3A_83] : memref<2x10000x128xf32, #tpu.memory_space<hbm>> -> memref<1x48x128xf32, #tpu.memory_space<hbm>>
      %dma_start3A_85 = tpu.memref_squeeze %dma_start3A_84 : memref<1x48x128xf32, #tpu.memory_space<hbm>> -> memref<48x128xf32, #tpu.memory_space<hbm>>
      tpu.enqueue_dma source(%arg11 : memref<48x128xf32, #tpu.memory_space<vmem>>) target(%dma_start3A_85 : memref<48x128xf32, #tpu.memory_space<hbm>>) target_semaphore(%run_scoped3A : memref<!tpu.dma_semaphore, #tpu.memory_space<semaphore_mem>>)
      %dma_wait3A = arith.constant 0 : i32
      %dma_wait3A_86 = tpu.memref_slice %arg5[%arg0, %add3A_71, %dma_wait3A] : memref<2x10000x128xf32, #tpu.memory_space<hbm>> -> memref<1x48x128xf32, #tpu.memory_space<hbm>>
      %dma_wait3A_87 = tpu.memref_squeeze %dma_wait3A_86 : memref<1x48x128xf32, #tpu.memory_space<hbm>> -> memref<48x128xf32, #tpu.memory_space<hbm>>
      %dma_wait3A_88 = arith.constant 0 : i32
      %dma_wait3A_89 = tpu.memref_slice %arg5[%arg0, %add3A_71, %dma_wait3A_88] : memref<2x10000x128xf32, #tpu.memory_space<hbm>> -> memref<1x48x128xf32, #tpu.memory_space<hbm>>
      %dma_wait3A_90 = tpu.memref_squeeze %dma_wait3A_89 : memref<1x48x128xf32, #tpu.memory_space<hbm>> -> memref<48x128xf32, #tpu.memory_space<hbm>>
      tpu.wait_dma2 semaphore(%run_scoped3A : memref<!tpu.dma_semaphore, #tpu.memory_space<semaphore_mem>>) src(%arg11 : memref<48x128xf32, #tpu.memory_space<vmem>>) dst(%dma_wait3A_90 : memref<48x128xf32, #tpu.memory_space<hbm>>)
      tpu.yield
    }) : () -> ()
    %add3A_72 = arith.constant 528 : i32
    %add3A_73 = arith.addi %mul3A_2, %add3A_72 : i32
    "tpu.region"() ({
      %run_scoped3A = tpu.sem_alloc : memref<!tpu.dma_semaphore, #tpu.memory_space<semaphore_mem>>
      %dma_start3A = arith.constant 0 : i32
      %dma_start3A_81 = tpu.memref_slice %arg6[%add3A_73, %dma_start3A] : memref<10008x128xf32, #tpu.memory_space<vmem_shared>> -> memref<48x128xf32, #tpu.memory_space<vmem_shared>>
      %dma_start3A_82 = arith.constant 0 : i32
      %dma_start3A_83 = tpu.memref_slice %arg6[%add3A_73, %dma_start3A_82] : memref<10008x128xf32, #tpu.memory_space<vmem_shared>> -> memref<48x128xf32, #tpu.memory_space<vmem_shared>>
      tpu.enqueue_dma source(%dma_start3A_83 : memref<48x128xf32, #tpu.memory_space<vmem_shared>>) target(%arg11 : memref<48x128xf32, #tpu.memory_space<vmem>>) target_semaphore(%run_scoped3A : memref<!tpu.dma_semaphore, #tpu.memory_space<semaphore_mem>>)
      %dma_wait3A = arith.constant 0 : i32
      %dma_wait3A_84 = tpu.memref_slice %arg6[%add3A_73, %dma_wait3A] : memref<10008x128xf32, #tpu.memory_space<vmem_shared>> -> memref<48x128xf32, #tpu.memory_space<vmem_shared>>
      %dma_wait3A_85 = arith.constant 0 : i32
      %dma_wait3A_86 = tpu.memref_slice %arg6[%add3A_73, %dma_wait3A_85] : memref<10008x128xf32, #tpu.memory_space<vmem_shared>> -> memref<48x128xf32, #tpu.memory_space<vmem_shared>>
      tpu.wait_dma2 semaphore(%run_scoped3A : memref<!tpu.dma_semaphore, #tpu.memory_space<semaphore_mem>>) src(%dma_wait3A_86 : memref<48x128xf32, #tpu.memory_space<vmem_shared>>) dst(%arg11 : memref<48x128xf32, #tpu.memory_space<vmem>>)
      tpu.yield
    }) : () -> ()
    "tpu.region"() ({
      %run_scoped3A = tpu.sem_alloc : memref<!tpu.dma_semaphore, #tpu.memory_space<semaphore_mem>>
      %dma_start3A = arith.constant 0 : i32
      %dma_start3A_81 = tpu.memref_slice %arg5[%arg0, %add3A_73, %dma_start3A] : memref<2x10000x128xf32, #tpu.memory_space<hbm>> -> memref<1x48x128xf32, #tpu.memory_space<hbm>>
      %dma_start3A_82 = tpu.memref_squeeze %dma_start3A_81 : memref<1x48x128xf32, #tpu.memory_space<hbm>> -> memref<48x128xf32, #tpu.memory_space<hbm>>
      %dma_start3A_83 = arith.constant 0 : i32
      %dma_start3A_84 = tpu.memref_slice %arg5[%arg0, %add3A_73, %dma_start3A_83] : memref<2x10000x128xf32, #tpu.memory_space<hbm>> -> memref<1x48x128xf32, #tpu.memory_space<hbm>>
      %dma_start3A_85 = tpu.memref_squeeze %dma_start3A_84 : memref<1x48x128xf32, #tpu.memory_space<hbm>> -> memref<48x128xf32, #tpu.memory_space<hbm>>
      tpu.enqueue_dma source(%arg11 : memref<48x128xf32, #tpu.memory_space<vmem>>) target(%dma_start3A_85 : memref<48x128xf32, #tpu.memory_space<hbm>>) target_semaphore(%run_scoped3A : memref<!tpu.dma_semaphore, #tpu.memory_space<semaphore_mem>>)
      %dma_wait3A = arith.constant 0 : i32
      %dma_wait3A_86 = tpu.memref_slice %arg5[%arg0, %add3A_73, %dma_wait3A] : memref<2x10000x128xf32, #tpu.memory_space<hbm>> -> memref<1x48x128xf32, #tpu.memory_space<hbm>>
      %dma_wait3A_87 = tpu.memref_squeeze %dma_wait3A_86 : memref<1x48x128xf32, #tpu.memory_space<hbm>> -> memref<48x128xf32, #tpu.memory_space<hbm>>
      %dma_wait3A_88 = arith.constant 0 : i32
      %dma_wait3A_89 = tpu.memref_slice %arg5[%arg0, %add3A_73, %dma_wait3A_88] : memref<2x10000x128xf32, #tpu.memory_space<hbm>> -> memref<1x48x128xf32, #tpu.memory_space<hbm>>
      %dma_wait3A_90 = tpu.memref_squeeze %dma_wait3A_89 : memref<1x48x128xf32, #tpu.memory_space<hbm>> -> memref<48x128xf32, #tpu.memory_space<hbm>>
      tpu.wait_dma2 semaphore(%run_scoped3A : memref<!tpu.dma_semaphore, #tpu.memory_space<semaphore_mem>>) src(%arg11 : memref<48x128xf32, #tpu.memory_space<vmem>>) dst(%dma_wait3A_90 : memref<48x128xf32, #tpu.memory_space<hbm>>)
      tpu.yield
    }) : () -> ()
    %add3A_74 = arith.constant 576 : i32
    %add3A_75 = arith.addi %mul3A_2, %add3A_74 : i32
    "tpu.region"() ({
      %run_scoped3A = tpu.sem_alloc : memref<!tpu.dma_semaphore, #tpu.memory_space<semaphore_mem>>
      %dma_start3A = arith.constant 0 : i32
      %dma_start3A_81 = tpu.memref_slice %arg6[%add3A_75, %dma_start3A] : memref<10008x128xf32, #tpu.memory_space<vmem_shared>> -> memref<48x128xf32, #tpu.memory_space<vmem_shared>>
      %dma_start3A_82 = arith.constant 0 : i32
      %dma_start3A_83 = tpu.memref_slice %arg6[%add3A_75, %dma_start3A_82] : memref<10008x128xf32, #tpu.memory_space<vmem_shared>> -> memref<48x128xf32, #tpu.memory_space<vmem_shared>>
      tpu.enqueue_dma source(%dma_start3A_83 : memref<48x128xf32, #tpu.memory_space<vmem_shared>>) target(%arg11 : memref<48x128xf32, #tpu.memory_space<vmem>>) target_semaphore(%run_scoped3A : memref<!tpu.dma_semaphore, #tpu.memory_space<semaphore_mem>>)
      %dma_wait3A = arith.constant 0 : i32
      %dma_wait3A_84 = tpu.memref_slice %arg6[%add3A_75, %dma_wait3A] : memref<10008x128xf32, #tpu.memory_space<vmem_shared>> -> memref<48x128xf32, #tpu.memory_space<vmem_shared>>
      %dma_wait3A_85 = arith.constant 0 : i32
      %dma_wait3A_86 = tpu.memref_slice %arg6[%add3A_75, %dma_wait3A_85] : memref<10008x128xf32, #tpu.memory_space<vmem_shared>> -> memref<48x128xf32, #tpu.memory_space<vmem_shared>>
      tpu.wait_dma2 semaphore(%run_scoped3A : memref<!tpu.dma_semaphore, #tpu.memory_space<semaphore_mem>>) src(%dma_wait3A_86 : memref<48x128xf32, #tpu.memory_space<vmem_shared>>) dst(%arg11 : memref<48x128xf32, #tpu.memory_space<vmem>>)
      tpu.yield
    }) : () -> ()
    "tpu.region"() ({
      %run_scoped3A = tpu.sem_alloc : memref<!tpu.dma_semaphore, #tpu.memory_space<semaphore_mem>>
      %dma_start3A = arith.constant 0 : i32
      %dma_start3A_81 = tpu.memref_slice %arg5[%arg0, %add3A_75, %dma_start3A] : memref<2x10000x128xf32, #tpu.memory_space<hbm>> -> memref<1x48x128xf32, #tpu.memory_space<hbm>>
      %dma_start3A_82 = tpu.memref_squeeze %dma_start3A_81 : memref<1x48x128xf32, #tpu.memory_space<hbm>> -> memref<48x128xf32, #tpu.memory_space<hbm>>
      %dma_start3A_83 = arith.constant 0 : i32
      %dma_start3A_84 = tpu.memref_slice %arg5[%arg0, %add3A_75, %dma_start3A_83] : memref<2x10000x128xf32, #tpu.memory_space<hbm>> -> memref<1x48x128xf32, #tpu.memory_space<hbm>>
      %dma_start3A_85 = tpu.memref_squeeze %dma_start3A_84 : memref<1x48x128xf32, #tpu.memory_space<hbm>> -> memref<48x128xf32, #tpu.memory_space<hbm>>
      tpu.enqueue_dma source(%arg11 : memref<48x128xf32, #tpu.memory_space<vmem>>) target(%dma_start3A_85 : memref<48x128xf32, #tpu.memory_space<hbm>>) target_semaphore(%run_scoped3A : memref<!tpu.dma_semaphore, #tpu.memory_space<semaphore_mem>>)
      %dma_wait3A = arith.constant 0 : i32
      %dma_wait3A_86 = tpu.memref_slice %arg5[%arg0, %add3A_75, %dma_wait3A] : memref<2x10000x128xf32, #tpu.memory_space<hbm>> -> memref<1x48x128xf32, #tpu.memory_space<hbm>>
      %dma_wait3A_87 = tpu.memref_squeeze %dma_wait3A_86 : memref<1x48x128xf32, #tpu.memory_space<hbm>> -> memref<48x128xf32, #tpu.memory_space<hbm>>
      %dma_wait3A_88 = arith.constant 0 : i32
      %dma_wait3A_89 = tpu.memref_slice %arg5[%arg0, %add3A_75, %dma_wait3A_88] : memref<2x10000x128xf32, #tpu.memory_space<hbm>> -> memref<1x48x128xf32, #tpu.memory_space<hbm>>
      %dma_wait3A_90 = tpu.memref_squeeze %dma_wait3A_89 : memref<1x48x128xf32, #tpu.memory_space<hbm>> -> memref<48x128xf32, #tpu.memory_space<hbm>>
      tpu.wait_dma2 semaphore(%run_scoped3A : memref<!tpu.dma_semaphore, #tpu.memory_space<semaphore_mem>>) src(%arg11 : memref<48x128xf32, #tpu.memory_space<vmem>>) dst(%dma_wait3A_90 : memref<48x128xf32, #tpu.memory_space<hbm>>)
      tpu.yield
    }) : () -> ()
    %eq3A_76 = arith.constant 0 : i32
    %eq3A_77 = arith.cmpi eq, %arg1, %eq3A_76 : i32
    %convert_element_type3A_78 = arith.extui %eq3A_77 : i1 to i32
    %cond3A_79 = arith.constant 0 : i32
    %cond3A_80 = arith.cmpi ne, %convert_element_type3A_78, %cond3A_79 : i32
    scf.if %cond3A_80 {
      "tpu.region"() ({
        %run_scoped3A = tpu.sem_alloc : memref<!tpu.dma_semaphore, #tpu.memory_space<semaphore_mem>>
        %dma_start3A = arith.constant 0 : i32
        %dma_start3A_81 = arith.constant 0 : i32
        %dma_start3A_82 = tpu.memref_slice %arg11[%dma_start3A, %dma_start3A_81] : memref<48x128xf32, #tpu.memory_space<vmem>> -> memref<16x128xf32, #tpu.memory_space<vmem>>
        %dma_start3A_83 = arith.constant 9984 : i32
        %dma_start3A_84 = arith.constant 0 : i32
        %dma_start3A_85 = tpu.memref_slice %arg6[%dma_start3A_83, %dma_start3A_84] : memref<10008x128xf32, #tpu.memory_space<vmem_shared>> -> memref<16x128xf32, #tpu.memory_space<vmem_shared>>
        %dma_start3A_86 = arith.constant 0 : i32
        %dma_start3A_87 = arith.constant 0 : i32
        %dma_start3A_88 = tpu.memref_slice %arg11[%dma_start3A_86, %dma_start3A_87] : memref<48x128xf32, #tpu.memory_space<vmem>> -> memref<16x128xf32, #tpu.memory_space<vmem>>
        %dma_start3A_89 = arith.constant 9984 : i32
        %dma_start3A_90 = arith.constant 0 : i32
        %dma_start3A_91 = tpu.memref_slice %arg6[%dma_start3A_89, %dma_start3A_90] : memref<10008x128xf32, #tpu.memory_space<vmem_shared>> -> memref<16x128xf32, #tpu.memory_space<vmem_shared>>
        tpu.enqueue_dma source(%dma_start3A_91 : memref<16x128xf32, #tpu.memory_space<vmem_shared>>) target(%dma_start3A_88 : memref<16x128xf32, #tpu.memory_space<vmem>>) target_semaphore(%run_scoped3A : memref<!tpu.dma_semaphore, #tpu.memory_space<semaphore_mem>>)
        %dma_wait3A = arith.constant 0 : i32
        %dma_wait3A_92 = arith.constant 0 : i32
        %dma_wait3A_93 = tpu.memref_slice %arg11[%dma_wait3A, %dma_wait3A_92] : memref<48x128xf32, #tpu.memory_space<vmem>> -> memref<16x128xf32, #tpu.memory_space<vmem>>
        %dma_wait3A_94 = arith.constant 9984 : i32
        %dma_wait3A_95 = arith.constant 0 : i32
        %dma_wait3A_96 = tpu.memref_slice %arg6[%dma_wait3A_94, %dma_wait3A_95] : memref<10008x128xf32, #tpu.memory_space<vmem_shared>> -> memref<16x128xf32, #tpu.memory_space<vmem_shared>>
        %dma_wait3A_97 = arith.constant 0 : i32
        %dma_wait3A_98 = arith.constant 0 : i32
        %dma_wait3A_99 = tpu.memref_slice %arg11[%dma_wait3A_97, %dma_wait3A_98] : memref<48x128xf32, #tpu.memory_space<vmem>> -> memref<16x128xf32, #tpu.memory_space<vmem>>
        %dma_wait3A_100 = arith.constant 9984 : i32
        %dma_wait3A_101 = arith.constant 0 : i32
        %dma_wait3A_102 = tpu.memref_slice %arg6[%dma_wait3A_100, %dma_wait3A_101] : memref<10008x128xf32, #tpu.memory_space<vmem_shared>> -> memref<16x128xf32, #tpu.memory_space<vmem_shared>>
        tpu.wait_dma2 semaphore(%run_scoped3A : memref<!tpu.dma_semaphore, #tpu.memory_space<semaphore_mem>>) src(%dma_wait3A_102 : memref<16x128xf32, #tpu.memory_space<vmem_shared>>) dst(%dma_wait3A_99 : memref<16x128xf32, #tpu.memory_space<vmem>>)
        tpu.yield
      }) : () -> ()
      "tpu.region"() ({
        %run_scoped3A = tpu.sem_alloc : memref<!tpu.dma_semaphore, #tpu.memory_space<semaphore_mem>>
        %dma_start3A = arith.constant 0 : i32
        %dma_start3A_81 = arith.constant 0 : i32
        %dma_start3A_82 = tpu.memref_slice %arg11[%dma_start3A, %dma_start3A_81] : memref<48x128xf32, #tpu.memory_space<vmem>> -> memref<16x128xf32, #tpu.memory_space<vmem>>
        %dma_start3A_83 = arith.constant 9984 : i32
        %dma_start3A_84 = arith.constant 0 : i32
        %dma_start3A_85 = tpu.memref_slice %arg5[%arg0, %dma_start3A_83, %dma_start3A_84] : memref<2x10000x128xf32, #tpu.memory_space<hbm>> -> memref<1x16x128xf32, #tpu.memory_space<hbm>>
        %dma_start3A_86 = tpu.memref_squeeze %dma_start3A_85 : memref<1x16x128xf32, #tpu.memory_space<hbm>> -> memref<16x128xf32, #tpu.memory_space<hbm>>
        %dma_start3A_87 = arith.constant 9984 : i32
        %dma_start3A_88 = arith.constant 0 : i32
        %dma_start3A_89 = tpu.memref_slice %arg5[%arg0, %dma_start3A_87, %dma_start3A_88] : memref<2x10000x128xf32, #tpu.memory_space<hbm>> -> memref<1x16x128xf32, #tpu.memory_space<hbm>>
        %dma_start3A_90 = tpu.memref_squeeze %dma_start3A_89 : memref<1x16x128xf32, #tpu.memory_space<hbm>> -> memref<16x128xf32, #tpu.memory_space<hbm>>
        %dma_start3A_91 = arith.constant 0 : i32
        %dma_start3A_92 = arith.constant 0 : i32
        %dma_start3A_93 = tpu.memref_slice %arg11[%dma_start3A_91, %dma_start3A_92] : memref<48x128xf32, #tpu.memory_space<vmem>> -> memref<16x128xf32, #tpu.memory_space<vmem>>
        tpu.enqueue_dma source(%dma_start3A_93 : memref<16x128xf32, #tpu.memory_space<vmem>>) target(%dma_start3A_90 : memref<16x128xf32, #tpu.memory_space<hbm>>) target_semaphore(%run_scoped3A : memref<!tpu.dma_semaphore, #tpu.memory_space<semaphore_mem>>)
        %dma_wait3A = arith.constant 0 : i32
        %dma_wait3A_94 = arith.constant 0 : i32
        %dma_wait3A_95 = tpu.memref_slice %arg11[%dma_wait3A, %dma_wait3A_94] : memref<48x128xf32, #tpu.memory_space<vmem>> -> memref<16x128xf32, #tpu.memory_space<vmem>>
        %dma_wait3A_96 = arith.constant 9984 : i32
        %dma_wait3A_97 = arith.constant 0 : i32
        %dma_wait3A_98 = tpu.memref_slice %arg5[%arg0, %dma_wait3A_96, %dma_wait3A_97] : memref<2x10000x128xf32, #tpu.memory_space<hbm>> -> memref<1x16x128xf32, #tpu.memory_space<hbm>>
        %dma_wait3A_99 = tpu.memref_squeeze %dma_wait3A_98 : memref<1x16x128xf32, #tpu.memory_space<hbm>> -> memref<16x128xf32, #tpu.memory_space<hbm>>
        %dma_wait3A_100 = arith.constant 9984 : i32
        %dma_wait3A_101 = arith.constant 0 : i32
        %dma_wait3A_102 = tpu.memref_slice %arg5[%arg0, %dma_wait3A_100, %dma_wait3A_101] : memref<2x10000x128xf32, #tpu.memory_space<hbm>> -> memref<1x16x128xf32, #tpu.memory_space<hbm>>
        %dma_wait3A_103 = tpu.memref_squeeze %dma_wait3A_102 : memref<1x16x128xf32, #tpu.memory_space<hbm>> -> memref<16x128xf32, #tpu.memory_space<hbm>>
        %dma_wait3A_104 = arith.constant 0 : i32
        %dma_wait3A_105 = arith.constant 0 : i32
        %dma_wait3A_106 = tpu.memref_slice %arg11[%dma_wait3A_104, %dma_wait3A_105] : memref<48x128xf32, #tpu.memory_space<vmem>> -> memref<16x128xf32, #tpu.memory_space<vmem>>
        tpu.wait_dma2 semaphore(%run_scoped3A : memref<!tpu.dma_semaphore, #tpu.memory_space<semaphore_mem>>) src(%dma_wait3A_106 : memref<16x128xf32, #tpu.memory_space<vmem>>) dst(%dma_wait3A_103 : memref<16x128xf32, #tpu.memory_space<hbm>>)
        tpu.yield
      }) : () -> ()
    } else {
    }
    return
  }
}

module attributes {stable_mosaic.version = 14 : i64} {
  func.func @body(%arg0: i32, %arg1: memref<1000x128xf32, #tpu.memory_space<vmem>>, %arg2: memref<128x128xf32, #tpu.memory_space<vmem>>, %arg3: memref<128x128xf32, #tpu.memory_space<vmem>>, %arg4: memref<1x128xf32, #tpu.memory_space<vmem>>, %arg5: memref<1000x128xf32, #tpu.memory_space<vmem>>, %arg6: memref<1000x128xf32, #tpu.memory_space<vmem>>) attributes {dimension_semantics = [#tpu.dimension_semantics<arbitrary>], iteration_bounds = array<i64: 10>, scalar_prefetch = 0 : i64, scratch_operands = 0 : i64, tpu.core_type = #tpu.core_type<tc>, window_params = [{transform_indices = @transform_0, window_bounds = array<i64: 1000, 128>}, {pipeline_mode = #tpu.pipeline_mode<synchronous>, transform_indices = @transform_1, window_bounds = array<i64: 128, 128>}, {pipeline_mode = #tpu.pipeline_mode<synchronous>, transform_indices = @transform_2, window_bounds = array<i64: 128, 128>}, {pipeline_mode = #tpu.pipeline_mode<synchronous>, transform_indices = @transform_3, window_bounds = array<i64: 1, 128>}, {transform_indices = @transform_4, window_bounds = array<i64: 1000, 128>}, {transform_indices = @transform_5, window_bounds = array<i64: 1000, 128>}]} {
    %get3A = arith.constant 0 : index
    %get3A_0 = arith.constant 0 : index
    %get3A_1 = vector.load %arg1[%get3A, %get3A_0] : memref<1000x128xf32, #tpu.memory_space<vmem>>, vector<1000x128xf32>
    %get3A_2 = arith.constant 0 : index
    %get3A_3 = arith.constant 0 : index
    %get3A_4 = vector.load %arg2[%get3A_2, %get3A_3] : memref<128x128xf32, #tpu.memory_space<vmem>>, vector<128x128xf32>
    %dot_general3A = arith.constant dense<0.000000e+00> : vector<1000x128xf32>
    %dot_general3A_5 = tpu.matmul %get3A_1, %get3A_4, %dot_general3A {dimension_numbers = #tpu.dot_dimension_numbers<[1], [1], [0], [0], [0, 0, 1, 0], [], []>, transpose_lhs_hint = false} : vector<1000x128xf32>, vector<128x128xf32>, vector<1000x128xf32> -> vector<1000x128xf32>
    %swap3A = arith.constant 0 : index
    %swap3A_6 = arith.constant 0 : index
    %swap3A_7 = vector.load %arg5[%swap3A, %swap3A_6] : memref<1000x128xf32, #tpu.memory_space<vmem>>, vector<1000x128xf32>
    tpu.vector_store %arg5[%swap3A, %swap3A_6], %dot_general3A_5 {strides = array<i32>} : memref<1000x128xf32, #tpu.memory_space<vmem>>, vector<1000x128xf32>,
    %get3A_8 = arith.constant 0 : index
    %get3A_9 = arith.constant 0 : index
    %get3A_10 = vector.load %arg3[%get3A_8, %get3A_9] : memref<128x128xf32, #tpu.memory_space<vmem>>, vector<128x128xf32>
    %dot_general3A_11 = arith.constant dense<0.000000e+00> : vector<1000x128xf32>
    %dot_general3A_12 = tpu.matmul %get3A_1, %get3A_10, %dot_general3A_11 {dimension_numbers = #tpu.dot_dimension_numbers<[1], [1], [0], [0], [0, 0, 1, 0], [], []>, transpose_lhs_hint = false} : vector<1000x128xf32>, vector<128x128xf32>, vector<1000x128xf32> -> vector<1000x128xf32>
    %get3A_13 = arith.constant 0 : index
    %get3A_14 = arith.constant 0 : index
    %get3A_15 = vector.load %arg4[%get3A_13, %get3A_14] : memref<1x128xf32, #tpu.memory_space<vmem>>, vector<1x128xf32>
    %add3A = vector.broadcast %get3A_15 : vector<1x128xf32> to vector<1000x128xf32>
    %add3A_16 = arith.addf %dot_general3A_12, %add3A : vector<1000x128xf32>
    %swap3A_17 = arith.constant 0 : index
    %swap3A_18 = arith.constant 0 : index
    %swap3A_19 = vector.load %arg6[%swap3A_17, %swap3A_18] : memref<1000x128xf32, #tpu.memory_space<vmem>>, vector<1000x128xf32>
    tpu.vector_store %arg6[%swap3A_17, %swap3A_18], %add3A_16 {strides = array<i32>} : memref<1000x128xf32, #tpu.memory_space<vmem>>, vector<1000x128xf32>,
    return
  }
  func.func @transform_0(%arg0: i32) -> (i32, i32) {
    %c0_i32 = arith.constant 0 : i32
    %c0_i32_0 = arith.constant 0 : i32
    return %arg0, %c0_i32 : i32, i32
  }
  func.func @transform_1(%arg0: i32) -> (i32, i32) {
    %c0_i32 = arith.constant 0 : i32
    %c0_i32_0 = arith.constant 0 : i32
    %c0_i32_1 = arith.constant 0 : i32
    return %c0_i32, %c0_i32_0 : i32, i32
  }
  func.func @transform_2(%arg0: i32) -> (i32, i32) {
    %c0_i32 = arith.constant 0 : i32
    %c0_i32_0 = arith.constant 0 : i32
    %c0_i32_1 = arith.constant 0 : i32
    return %c0_i32, %c0_i32_0 : i32, i32
  }
  func.func @transform_3(%arg0: i32) -> (i32, i32) {
    %c0_i32 = arith.constant 0 : i32
    %c0_i32_0 = arith.constant 0 : i32
    %c0_i32_1 = arith.constant 0 : i32
    return %c0_i32, %c0_i32_0 : i32, i32
  }
  func.func @transform_4(%arg0: i32) -> (i32, i32) {
    %c0_i32 = arith.constant 0 : i32
    %c0_i32_0 = arith.constant 0 : i32
    return %arg0, %c0_i32 : i32, i32
  }
  func.func @transform_5(%arg0: i32) -> (i32, i32) {
    %c0_i32 = arith.constant 0 : i32
    %c0_i32_0 = arith.constant 0 : i32
    return %arg0, %c0_i32 : i32, i32
  }
}

module attributes {stable_mosaic.version = 14 : i64} {
  func.func @body(%arg0: i32, %arg1: memref<1000x128xf32, #tpu.memory_space<vmem>>, %arg2: memref<1000x128xf32, #tpu.memory_space<vmem>>, %arg3: memref<1000x128xf32, #tpu.memory_space<vmem>>, %arg4: memref<1000x128xf32, #tpu.memory_space<vmem>>, %arg5: memref<1000x128xf32, #tpu.memory_space<vmem>>, %arg6: memref<128x128xf32, #tpu.memory_space<vmem>>, %arg7: memref<128x128xf32, #tpu.memory_space<vmem>>, %arg8: memref<1x128xf32, #tpu.memory_space<vmem>>, %arg9: memref<1000x128xf32, #tpu.memory_space<vmem>>, %arg10: memref<1000x128xf32, #tpu.memory_space<vmem>>) attributes {dimension_semantics = [#tpu.dimension_semantics<arbitrary>], iteration_bounds = array<i64: 10>, scalar_prefetch = 0 : i64, scratch_operands = 0 : i64, tpu.core_type = #tpu.core_type<tc>, window_params = [{transform_indices = @transform_0, window_bounds = array<i64: 1000, 128>}, {transform_indices = @transform_1, window_bounds = array<i64: 1000, 128>}, {transform_indices = @transform_2, window_bounds = array<i64: 1000, 128>}, {transform_indices = @transform_3, window_bounds = array<i64: 1000, 128>}, {transform_indices = @transform_4, window_bounds = array<i64: 1000, 128>}, {pipeline_mode = #tpu.pipeline_mode<synchronous>, transform_indices = @transform_5, window_bounds = array<i64: 128, 128>}, {pipeline_mode = #tpu.pipeline_mode<synchronous>, transform_indices = @transform_6, window_bounds = array<i64: 128, 128>}, {pipeline_mode = #tpu.pipeline_mode<synchronous>, transform_indices = @transform_7, window_bounds = array<i64: 1, 128>}, {transform_indices = @transform_8, window_bounds = array<i64: 1000, 128>}, {transform_indices = @transform_9, window_bounds = array<i64: 1000, 128>}]} {
    %get3A = arith.constant 0 : index
    %get3A_0 = arith.constant 0 : index
    %get3A_1 = vector.load %arg3[%get3A, %get3A_0] : memref<1000x128xf32, #tpu.memory_space<vmem>>, vector<1000x128xf32>
    %slice3A = vector.extract_strided_slice %get3A_1 {offsets = [0, 0], sizes = [1000, 1], strides = [1, 1]} : vector<1000x128xf32> to vector<1000x1xf32>
    %get3A_2 = arith.constant 0 : index
    %get3A_3 = arith.constant 0 : index
    %get3A_4 = vector.load %arg4[%get3A_2, %get3A_3] : memref<1000x128xf32, #tpu.memory_space<vmem>>, vector<1000x128xf32>
    %slice3A_5 = vector.extract_strided_slice %get3A_4 {offsets = [0, 0], sizes = [1000, 1], strides = [1, 1]} : vector<1000x128xf32> to vector<1000x1xf32>
    %add3A = arith.addf %slice3A, %slice3A_5 : vector<1000x1xf32>
    %max3A = arith.constant 1.000000e+00 : f32
    %max3A_6 = vector.broadcast %max3A : f32 to vector<1000x1xf32>
    %max3A_7 = arith.maximumf %add3A, %max3A_6 : vector<1000x1xf32>
    %div3A = arith.constant 1.000000e+00 : f32
    %div3A_8 = vector.broadcast %div3A : f32 to vector<1000x1xf32>
    %div3A_9 = arith.divf %div3A_8, %max3A_7 : vector<1000x1xf32>
    %get3A_10 = arith.constant 0 : index
    %get3A_11 = arith.constant 0 : index
    %get3A_12 = vector.load %arg1[%get3A_10, %get3A_11] : memref<1000x128xf32, #tpu.memory_space<vmem>>, vector<1000x128xf32>
    %get3A_13 = arith.constant 0 : index
    %get3A_14 = arith.constant 0 : index
    %get3A_15 = vector.load %arg2[%get3A_13, %get3A_14] : memref<1000x128xf32, #tpu.memory_space<vmem>>, vector<1000x128xf32>
    %add3A_16 = arith.addf %get3A_12, %get3A_15 : vector<1000x128xf32>
    %mul3A = vector.broadcast %div3A_9 : vector<1000x1xf32> to vector<1000x128xf32>
    %mul3A_17 = arith.mulf %add3A_16, %mul3A : vector<1000x128xf32>
    %get3A_18 = arith.constant 0 : index
    %get3A_19 = arith.constant 0 : index
    %get3A_20 = vector.load %arg5[%get3A_18, %get3A_19] : memref<1000x128xf32, #tpu.memory_space<vmem>>, vector<1000x128xf32>
    %add3A_21 = arith.addf %mul3A_17, %get3A_20 : vector<1000x128xf32>
    %max3A_22 = arith.constant 0.000000e+00 : f32
    %max3A_23 = vector.broadcast %max3A_22 : f32 to vector<1000x128xf32>
    %max3A_24 = arith.maximumf %add3A_21, %max3A_23 : vector<1000x128xf32>
    %get3A_25 = arith.constant 0 : index
    %get3A_26 = arith.constant 0 : index
    %get3A_27 = vector.load %arg6[%get3A_25, %get3A_26] : memref<128x128xf32, #tpu.memory_space<vmem>>, vector<128x128xf32>
    %dot_general3A = arith.constant dense<0.000000e+00> : vector<1000x128xf32>
    %dot_general3A_28 = tpu.matmul %max3A_24, %get3A_27, %dot_general3A {dimension_numbers = #tpu.dot_dimension_numbers<[1], [1], [0], [0], [0, 0, 1, 0], [], []>, transpose_lhs_hint = false} : vector<1000x128xf32>, vector<128x128xf32>, vector<1000x128xf32> -> vector<1000x128xf32>
    %swap3A = arith.constant 0 : index
    %swap3A_29 = arith.constant 0 : index
    %swap3A_30 = vector.load %arg9[%swap3A, %swap3A_29] : memref<1000x128xf32, #tpu.memory_space<vmem>>, vector<1000x128xf32>
    tpu.vector_store %arg9[%swap3A, %swap3A_29], %dot_general3A_28 {strides = array<i32>} : memref<1000x128xf32, #tpu.memory_space<vmem>>, vector<1000x128xf32>,
    %get3A_31 = arith.constant 0 : index
    %get3A_32 = arith.constant 0 : index
    %get3A_33 = vector.load %arg7[%get3A_31, %get3A_32] : memref<128x128xf32, #tpu.memory_space<vmem>>, vector<128x128xf32>
    %dot_general3A_34 = arith.constant dense<0.000000e+00> : vector<1000x128xf32>
    %dot_general3A_35 = tpu.matmul %max3A_24, %get3A_33, %dot_general3A_34 {dimension_numbers = #tpu.dot_dimension_numbers<[1], [1], [0], [0], [0, 0, 1, 0], [], []>, transpose_lhs_hint = false} : vector<1000x128xf32>, vector<128x128xf32>, vector<1000x128xf32> -> vector<1000x128xf32>
    %get3A_36 = arith.constant 0 : index
    %get3A_37 = arith.constant 0 : index
    %get3A_38 = vector.load %arg8[%get3A_36, %get3A_37] : memref<1x128xf32, #tpu.memory_space<vmem>>, vector<1x128xf32>
    %add3A_39 = vector.broadcast %get3A_38 : vector<1x128xf32> to vector<1000x128xf32>
    %add3A_40 = arith.addf %dot_general3A_35, %add3A_39 : vector<1000x128xf32>
    %swap3A_41 = arith.constant 0 : index
    %swap3A_42 = arith.constant 0 : index
    %swap3A_43 = vector.load %arg10[%swap3A_41, %swap3A_42] : memref<1000x128xf32, #tpu.memory_space<vmem>>, vector<1000x128xf32>
    tpu.vector_store %arg10[%swap3A_41, %swap3A_42], %add3A_40 {strides = array<i32>} : memref<1000x128xf32, #tpu.memory_space<vmem>>, vector<1000x128xf32>,
    return
  }
  func.func @transform_0(%arg0: i32) -> (i32, i32) {
    %c0_i32 = arith.constant 0 : i32
    %c0_i32_0 = arith.constant 0 : i32
    return %arg0, %c0_i32 : i32, i32
  }
  func.func @transform_1(%arg0: i32) -> (i32, i32) {
    %c0_i32 = arith.constant 0 : i32
    %c0_i32_0 = arith.constant 0 : i32
    return %arg0, %c0_i32 : i32, i32
  }
  func.func @transform_2(%arg0: i32) -> (i32, i32) {
    %c0_i32 = arith.constant 0 : i32
    %c0_i32_0 = arith.constant 0 : i32
    return %arg0, %c0_i32 : i32, i32
  }
  func.func @transform_3(%arg0: i32) -> (i32, i32) {
    %c0_i32 = arith.constant 0 : i32
    %c0_i32_0 = arith.constant 0 : i32
    return %arg0, %c0_i32 : i32, i32
  }
  func.func @transform_4(%arg0: i32) -> (i32, i32) {
    %c0_i32 = arith.constant 0 : i32
    %c0_i32_0 = arith.constant 0 : i32
    return %arg0, %c0_i32 : i32, i32
  }
  func.func @transform_5(%arg0: i32) -> (i32, i32) {
    %c0_i32 = arith.constant 0 : i32
    %c0_i32_0 = arith.constant 0 : i32
    %c0_i32_1 = arith.constant 0 : i32
    return %c0_i32, %c0_i32_0 : i32, i32
  }
  func.func @transform_6(%arg0: i32) -> (i32, i32) {
    %c0_i32 = arith.constant 0 : i32
    %c0_i32_0 = arith.constant 0 : i32
    %c0_i32_1 = arith.constant 0 : i32
    return %c0_i32, %c0_i32_0 : i32, i32
  }
  func.func @transform_7(%arg0: i32) -> (i32, i32) {
    %c0_i32 = arith.constant 0 : i32
    %c0_i32_0 = arith.constant 0 : i32
    %c0_i32_1 = arith.constant 0 : i32
    return %c0_i32, %c0_i32_0 : i32, i32
  }
  func.func @transform_8(%arg0: i32) -> (i32, i32) {
    %c0_i32 = arith.constant 0 : i32
    %c0_i32_0 = arith.constant 0 : i32
    return %arg0, %c0_i32 : i32, i32
  }
  func.func @transform_9(%arg0: i32) -> (i32, i32) {
    %c0_i32 = arith.constant 0 : i32
    %c0_i32_0 = arith.constant 0 : i32
    return %arg0, %c0_i32 : i32, i32
  }
}

module attributes {stable_mosaic.version = 14 : i64} {
  func.func @body(%arg0: i32, %arg1: memref<1000x128xf32, #tpu.memory_space<vmem>>, %arg2: memref<1000x128xf32, #tpu.memory_space<vmem>>, %arg3: memref<1000x128xf32, #tpu.memory_space<vmem>>, %arg4: memref<1000x128xf32, #tpu.memory_space<vmem>>, %arg5: memref<1000x128xf32, #tpu.memory_space<vmem>>, %arg6: memref<1000x128xf32, #tpu.memory_space<vmem>>) attributes {dimension_semantics = [#tpu.dimension_semantics<arbitrary>], iteration_bounds = array<i64: 10>, scalar_prefetch = 0 : i64, scratch_operands = 0 : i64, tpu.core_type = #tpu.core_type<tc>, window_params = [{transform_indices = @transform_0, window_bounds = array<i64: 1000, 128>}, {transform_indices = @transform_1, window_bounds = array<i64: 1000, 128>}, {transform_indices = @transform_2, window_bounds = array<i64: 1000, 128>}, {transform_indices = @transform_3, window_bounds = array<i64: 1000, 128>}, {transform_indices = @transform_4, window_bounds = array<i64: 1000, 128>}, {transform_indices = @transform_5, window_bounds = array<i64: 1000, 128>}]} {
    %get3A = arith.constant 0 : index
    %get3A_0 = arith.constant 0 : index
    %get3A_1 = vector.load %arg3[%get3A, %get3A_0] : memref<1000x128xf32, #tpu.memory_space<vmem>>, vector<1000x128xf32>
    %slice3A = vector.extract_strided_slice %get3A_1 {offsets = [0, 0], sizes = [1000, 1], strides = [1, 1]} : vector<1000x128xf32> to vector<1000x1xf32>
    %get3A_2 = arith.constant 0 : index
    %get3A_3 = arith.constant 0 : index
    %get3A_4 = vector.load %arg4[%get3A_2, %get3A_3] : memref<1000x128xf32, #tpu.memory_space<vmem>>, vector<1000x128xf32>
    %slice3A_5 = vector.extract_strided_slice %get3A_4 {offsets = [0, 0], sizes = [1000, 1], strides = [1, 1]} : vector<1000x128xf32> to vector<1000x1xf32>
    %add3A = arith.addf %slice3A, %slice3A_5 : vector<1000x1xf32>
    %max3A = arith.constant 1.000000e+00 : f32
    %max3A_6 = vector.broadcast %max3A : f32 to vector<1000x1xf32>
    %max3A_7 = arith.maximumf %add3A, %max3A_6 : vector<1000x1xf32>
    %div3A = arith.constant 1.000000e+00 : f32
    %div3A_8 = vector.broadcast %div3A : f32 to vector<1000x1xf32>
    %div3A_9 = arith.divf %div3A_8, %max3A_7 : vector<1000x1xf32>
    %get3A_10 = arith.constant 0 : index
    %get3A_11 = arith.constant 0 : index
    %get3A_12 = vector.load %arg1[%get3A_10, %get3A_11] : memref<1000x128xf32, #tpu.memory_space<vmem>>, vector<1000x128xf32>
    %get3A_13 = arith.constant 0 : index
    %get3A_14 = arith.constant 0 : index
    %get3A_15 = vector.load %arg2[%get3A_13, %get3A_14] : memref<1000x128xf32, #tpu.memory_space<vmem>>, vector<1000x128xf32>
    %add3A_16 = arith.addf %get3A_12, %get3A_15 : vector<1000x128xf32>
    %mul3A = vector.broadcast %div3A_9 : vector<1000x1xf32> to vector<1000x128xf32>
    %mul3A_17 = arith.mulf %add3A_16, %mul3A : vector<1000x128xf32>
    %get3A_18 = arith.constant 0 : index
    %get3A_19 = arith.constant 0 : index
    %get3A_20 = vector.load %arg5[%get3A_18, %get3A_19] : memref<1000x128xf32, #tpu.memory_space<vmem>>, vector<1000x128xf32>
    %add3A_21 = arith.addf %mul3A_17, %get3A_20 : vector<1000x128xf32>
    %reduce_max3A = arith.constant dense<0xFF800000> : vector<1000xf32>
    %reduce_max3A_22 = vector.multi_reduction <maximumf>, %add3A_21, %reduce_max3A [1] : vector<1000x128xf32> to vector<1000xf32>
    %broadcast_in_dim3A = vector.shape_cast %reduce_max3A_22 : vector<1000xf32> to vector<1000x1xf32>
    %sub3A = vector.broadcast %broadcast_in_dim3A : vector<1000x1xf32> to vector<1000x128xf32>
    %sub3A_23 = arith.subf %add3A_21, %sub3A : vector<1000x128xf32>
    %exp3A = math.exp %sub3A_23 : vector<1000x128xf32>
    %reduce_sum3A = arith.constant dense<0.000000e+00> : vector<1000xf32>
    %reduce_sum3A_24 = vector.multi_reduction <add>, %exp3A, %reduce_sum3A [1] : vector<1000x128xf32> to vector<1000xf32>
    %broadcast_in_dim3A_25 = vector.shape_cast %reduce_sum3A_24 : vector<1000xf32> to vector<1000x1xf32>
    %log3A = math.log %broadcast_in_dim3A_25 : vector<1000x1xf32>
    %sub3A_26 = vector.broadcast %broadcast_in_dim3A : vector<1000x1xf32> to vector<1000x128xf32>
    %sub3A_27 = arith.subf %add3A_21, %sub3A_26 : vector<1000x128xf32>
    %sub3A_28 = vector.broadcast %log3A : vector<1000x1xf32> to vector<1000x128xf32>
    %sub3A_29 = arith.subf %sub3A_27, %sub3A_28 : vector<1000x128xf32>
    %swap3A = arith.constant 0 : index
    %swap3A_30 = arith.constant 0 : index
    %swap3A_31 = vector.load %arg6[%swap3A, %swap3A_30] : memref<1000x128xf32, #tpu.memory_space<vmem>>, vector<1000x128xf32>
    tpu.vector_store %arg6[%swap3A, %swap3A_30], %sub3A_29 {strides = array<i32>} : memref<1000x128xf32, #tpu.memory_space<vmem>>, vector<1000x128xf32>,
    return
  }
  func.func @transform_0(%arg0: i32) -> (i32, i32) {
    %c0_i32 = arith.constant 0 : i32
    %c0_i32_0 = arith.constant 0 : i32
    return %arg0, %c0_i32 : i32, i32
  }
  func.func @transform_1(%arg0: i32) -> (i32, i32) {
    %c0_i32 = arith.constant 0 : i32
    %c0_i32_0 = arith.constant 0 : i32
    return %arg0, %c0_i32 : i32, i32
  }
  func.func @transform_2(%arg0: i32) -> (i32, i32) {
    %c0_i32 = arith.constant 0 : i32
    %c0_i32_0 = arith.constant 0 : i32
    return %arg0, %c0_i32 : i32, i32
  }
  func.func @transform_3(%arg0: i32) -> (i32, i32) {
    %c0_i32 = arith.constant 0 : i32
    %c0_i32_0 = arith.constant 0 : i32
    return %arg0, %c0_i32 : i32, i32
  }
  func.func @transform_4(%arg0: i32) -> (i32, i32) {
    %c0_i32 = arith.constant 0 : i32
    %c0_i32_0 = arith.constant 0 : i32
    return %arg0, %c0_i32 : i32, i32
  }
  func.func @transform_5(%arg0: i32) -> (i32, i32) {
    %c0_i32 = arith.constant 0 : i32
    %c0_i32_0 = arith.constant 0 : i32
    return %arg0, %c0_i32 : i32, i32
  }
}

</mosaic_0001>

<sc_bundles>
// kernel: kernel.11.cloned.1.call-start
scs
__scs_entry_jumppad:
0x0: {  	(pc) =	sbr.rel $0x88, $3  }
0x1: {  	(tag) =	ssettag $0x0;
	lr =	simm.s32 $0x1  }
0x2: {  	[smem:$0x3F99] =	sst lr;
	_ =	strace $0xD0000000  }
0x3: {  	_ = 	snop  }
0x4: {  	_ = 	snop  }
0x5: {  	_ = 	snop  }
0x6: {  	_ = 	snop  }
0x7: {  	_ = 	snop  }
__scs_overlays_trampoline_lowered:
0x8: {  	[smem:$0x3FA8] =	sst s0  }
0x9: {  	[smem:$0x3FA9] =	sst s1  }
0xa: {  	[smem:$0x3FAA] =	sst s2  }
0xb: {  	[smem:$0x3FAB] =	sst s3  }
0xc: {  	[smem:$0x3FAC] =	sst s4  }
0xd: {  	[smem:$0x3FAD] =	sst s5  }
0xe: {  	[smem:$0x3FAE] =	sst s6  }
0xf: {  	[smem:$0x3FAF] =	sst s7  }
0x10: {  	[smem:$0x3FB0] =	sst s8  }
0x11: {  	[smem:$0x3FB1] =	sst s9;
	s0 =	simm.s32 @!p0 $0x0  }
0x12: {  	s1 =	sld [smem:$0x3F97];
	s0 =	simm.s32 @p0 $0x1  }
0x13: {  	[smem:$0x3FB2] =	sst s0;
	s0 =	simm.s32 @!p1 $0x0  }
0x14: {  	s2 =	sld [smem:$0x3F96];
	s0 =	simm.s32 @p1 $0x1  }
0x15: {  	[smem:$0x3FB3] =	sst s0;
	s0 =	simm.s32 @!p2 $0x0  }
0x16: {  	s3 =	sld [smem:$0x3FDB];
	s0 =	simm.s32 @p2 $0x1  }
0x17: {  	s4 =	simm.s32 $0x1BF5;
	[smem:$0x3FB5] =	sst s0  }
0x18: {  	s0 =	sld [smem:$0x3F98];
	_ =	swait.ge [sflag:s4], $0x0  }
0x19: {  	s7 =	sld [smem:$0x3F99]  }
0x1a: {  	s8 =	sadd.s32 $0xFFFFE003, lr  }
0x1b: {  	s9 =	sadd.s32 $0xFFFFFEF7, lr;
	s5 =	simm.s32 $0xFFFFFFFF;
	p2 =	slt.u32 s8, $0xFFFFF086  }
0x1c: {  	p1 =	slt.u32 s9, $0xF7A;
	s5 =	simm.s32 @!p2 $0x0  }
0x1d: {  	s5 =	simm.s32 @p1 $0x1;
	p0 =	seq.s32 s7, s2  }
0x1e: {  	s7 =	smul.u32 @!p0 $0xF7A, s2;
	p2 =	seq.s32 @!p0 s5, $0x0  }
0x1f: {  	s9 =	smul.u32 $0xF7A, s1;
	s8 =	simm.s32 @!p0 $0x1BF5;
	p2 =	por !p2, p0  }
0x20: {  	[sflag:s8] =	ssyncset.s32 @!p0 $0xFFFFF086;
	s6 =	sadd.s32 @!p0 s3, s7;
	s7 =	simm.s32 @!p0 $0x108  }
0x21: {  	s3 =	sadd.s32 s3, s9;
	s6 =	sadd.s32 @!p0 $0x88, s6;
	s7 =	simm.s32 @p2 $0x1082  }
0x22: {  	[simem:s7], [sflag:s8] =	dma.local @!p0 [hbm:s6], $0xF7A  }
0x23: {  	s9 =	sor.u32 $0xD0000000, s2;
	s6 =	simm.s32 $0x108;
	_ =	swait.ge @!p0 [sflag:s8], $0x0  }
0x24: {  	s3 =	sadd.s32 $0x88, s3;
	s6 =	simm.s32 @!p1 $0x1082;
	[sflag:s4] =	ssyncset.s32 $0xFFFFF086  }
0x25: {  	[simem:s6], [sflag:s4] =	dma.local [hbm:s3], $0xF7A  }
0x26: {  	[smem:$0x3F99] =	sst s1;
	(tag) =	ssettag s2;
	_ =	strace s9  }
0x27: {  	s1 =	sld [smem:$0x3FA9]  }
0x28: {  	s2 =	sld [smem:$0x3FAA]  }
0x29: {  	s4 =	sld [smem:$0x3FAC]  }
0x2a: {  	p0 =	seq.s32 s5, $0x0;
	s5 =	sld [smem:$0x3FAD]  }
0x2b: {  	s6 =	sld [smem:$0x3FAE]  }
0x2c: {  	s7 =	sld [smem:$0x3FAF]  }
0x2d: {  	s3 =	simm.s32 $0x108;
	s8 =	sld [smem:$0x3FB0]  }
0x2e: {  	s3 =	simm.s32 @!p0 $0x1082;
	s9 =	sld [smem:$0x3FB1]  }
0x2f: {  	lr =	sadd.s32 s0, s3;
	s0 =	sld [smem:$0x3FA8]  }
0x30: {  	s3 =	sld [smem:$0x3FAB]  }
0x31: {  	[smem:$0x3FB4] =	sst s10  }
0x32: {  	s10 =	sld [smem:$0x3FB2];
	_ =	sdelay $0x3  }
0x33: {  	p0 =	seq.s32 s10, $0x1;
	s10 =	sld [smem:$0x3FB4];
	_ =	sdelay $0x3  }
0x34: {  	[smem:$0x3FB4] =	sst s10  }
0x35: {  	s10 =	sld [smem:$0x3FB3];
	_ =	sdelay $0x3  }
0x36: {  	p1 =	seq.s32 s10, $0x1;
	s10 =	sld [smem:$0x3FB4];
	_ =	sdelay $0x3  }
0x37: {  	[smem:$0x3FB4] =	sst s10  }
0x38: {  	s10 =	sld [smem:$0x3FB5]  }
0x39: {  	_ = 	snop;
	(pc) =	sbr.ind lr, $3  }
0x3a: {  	_ = 	snop  }
0x3b: {  	_ = 	snop  }
0x3c: {  	p2 =	seq.s32 s10, $0x1;
	s10 =	sld [smem:$0x3FB4]  }
0x3d: {  	_ =	shalt  }
0x3e: {  	_ =	shalt  }
0x3f: {  	_ =	shalt  }
0x40: {  	_ =	shalt  }
0x41: {  	_ =	shalt  }
0x42: {  	_ =	shalt  }
0x43: {  	_ =	shalt  }
0x44: {  	_ =	shalt  }
0x45: {  	_ =	shalt  }
0x46: {  	_ =	shalt  }
0x47: {  	_ =	shalt  }
0x48: {  	_ =	shalt  }
0x49: {  	_ =	shalt  }
0x4a: {  	_ =	shalt  }
0x4b: {  	_ =	shalt  }
0x4c: {  	_ =	shalt  }
0x4d: {  	_ =	shalt  }
0x4e: {  	_ =	shalt  }
0x4f: {  	_ =	shalt  }
0x50: {  	_ =	shalt  }
0x51: {  	_ =	shalt  }
0x52: {  	_ =	shalt  }
0x53: {  	_ =	shalt  }
0x54: {  	_ =	shalt  }
0x55: {  	_ =	shalt  }
0x56: {  	_ =	shalt  }
0x57: {  	_ =	shalt  }
0x58: {  	_ =	shalt  }
0x59: {  	_ =	shalt  }
0x5a: {  	_ =	shalt  }
0x5b: {  	_ =	shalt  }
0x5c: {  	_ =	shalt  }
0x5d: {  	_ =	shalt  }
0x5e: {  	_ =	shalt  }
0x5f: {  	_ =	shalt  }
0x60: {  	_ =	shalt  }
0x61: {  	_ =	shalt  }
0x62: {  	_ =	shalt  }
0x63: {  	_ =	shalt  }
0x64: {  	_ =	shalt  }
0x65: {  	_ =	shalt  }
0x66: {  	_ =	shalt  }
0x67: {  	_ =	shalt  }
0x68: {  	_ =	shalt  }
0x69: {  	_ =	shalt  }
0x6a: {  	_ =	shalt  }
0x6b: {  	_ =	shalt  }
0x6c: {  	_ =	shalt  }
0x6d: {  	_ =	shalt  }
0x6e: {  	_ =	shalt  }
0x6f: {  	_ =	shalt  }
0x70: {  	_ =	shalt  }
0x71: {  	_ =	shalt  }
0x72: {  	_ =	shalt  }
0x73: {  	_ =	shalt  }
0x74: {  	_ =	shalt  }
0x75: {  	_ =	shalt  }
0x76: {  	_ =	shalt  }
0x77: {  	_ =	shalt  }
0x78: {  	_ =	shalt  }
0x79: {  	_ =	shalt  }
0x7a: {  	_ =	shalt  }
0x7b: {  	_ =	shalt  }
0x7c: {  	_ =	shalt  }
0x7d: {  	_ =	shalt  }
0x7e: {  	_ =	shalt  }
0x7f: {  	_ =	shalt  }
0x80: {  	_ =	shalt  }
0x81: {  	_ =	shalt  }
0x82: {  	_ =	shalt  }
0x83: {  	_ =	shalt  }
0x84: {  	_ =	shalt  }
0x85: {  	_ =	shalt  }
0x86: {  	_ =	shalt  }
0x87: {  	_ =	shalt  }
.Lfunc_end0:
.L_simem_size_0:
called_computation.1_lowered:
.L_overlay_start_0:
0x88: {  	s2 =	sld [smem:$0x3FD9]  }
0x89: {  	s3 =	sld [smem:$0x3FFE];
	_ =	sdelay $0x1  }
0x8a: {  	s1 =	srdreg.scid  }
0x8b: {  	s0 =	sand.u32 $0x1, s1  }
0x8c: {  	s17 =	sshll.u32 s0, $0xA;
	s2 =	sadd.s32 s3, s2  }
0x8d: {  	s2 =	sadd.s32 s2, s17  }
0x8e: {  	[smem:$0x3FC0] =	sst s2  }
0x8f: {  	_ = 	snop  }
0x90: {  	s2 =	sld [smem:$0x3FD0];
	(tm) =	ssettm $0x1  }
0x91: {  	s18 =	sld [smem:$0x3FFB];
	_ =	sdelay $0x3  }
0x92: {  	_ =	strace s18  }
0x93: {  	s3 =	sld [smem:$0x3FFC];
	_ =	sdelay $0x3  }
0x94: {  	_ =	strace s3  }
0x95: {  	s3 =	sld [smem:$0x3FFD];
	_ =	sdelay $0x3  }
0x96: {  	_ =	strace s3  }
0x97: {  	_ =	strace $0x8FFFFFFF  }
0x98: {  	s19 =	sld [smem:$0x3FDB];
	_ =	sdelay $0x1  }
0x99: {  	s4 =	simm.s32 $_scs_section_size  }
0x9a: {  	s5 =	simm.s32 $_size__tile_overlayer_lowered;
	s6 =	simm.s32 $_tile_overlayer_lowered  }
0x9b: {  	s22 =	simm.s32 $0x1BFF;
	s21 =	sshll.u32 s6, $0x1;
	s3 =	sadd.s32 s4, s19  }
0x9c: {  	s7 =	simm.s32 $0x0;
	s20 =	sshll.u32 s5, $0x1;
	s5 =	sadd.s32 s21, s3  }
0x9d: {  	[timem:s7], [sflag:s22] =	dma.local [hbm:s5], s20  }
0x9e: {  	_ =	swait.ge [sflag:s22], s20  }
0x9f: {  	s4 =	ssub.s32 $0x0, s20;
	[sflag:s22] =	ssyncset.done $0x0  }
0xa0: {  	[sflag:s22] =	ssyncadd.s32 s4;
	_ =	sdelay $0x1  }
0xa1: {  	s23 =	simm.s32 $0x1B8B  }
0xa2: {  	_ =	swait.ge [sflag:s23], $0x1  }
0xa3: {  	[sflag:s23] =	ssyncset.done $0x0  }
0xa4: {  	s25 =	simm.s32 $0x1B8E;
	s24 =	sld [smem:$0x3FFE];
	[sflag:s23] =	ssyncadd.s32 $0xFFFFFFFF  }
0xa5: {  	s26 =	simm.s32 $execute0_lowered;
	[smem:$0x3FD2] =	sst s25  }
0xa6: {  	s5 =	sshll.u32 s26, $0x1;
	_ =	strace $0x80000046;
	[dreg:$0x1] =	wrdreg $0xFFFFFFFF  }
0xa7: {  	s28 =	simm.s32 $_size_execute0_lowered;
	s3 =	sadd.s32 s3, s5;
	[dreg:$0x0] =	wrdreg $0x0  }
0xa8: {  	s5 =	sshll.u32 s28, $0x1;
	[dreg:$0x2] =	wrdreg s3  }
0xa9: {  	[dreg:$0x3] =	wrdreg s5  }
0xaa: {  	[dreg:$0x4] =	wrdreg $0xC0  }
0xab: {  	_ =	task [dreg:s7], $0x5FFFF  }
0xac: {  	[dreg:$0x1] =	wrdreg $0xFFFFFFFF  }
0xad: {  	[dreg:$0x0] =	wrdreg $0x60  }
0xae: {  	[dreg:$0x2] =	wrdreg s2  }
0xaf: {  	[dreg:$0x3] =	wrdreg s24  }
0xb0: {  	[dreg:$0x4] =	wrdreg $0x0  }
0xb1: {  	[dreg:$0x5] =	wrdreg $0xA  }
0xb2: {  	_ =	task.clear_ibuf [dreg:s7], $0x6FFFF;
	_ =	strace $0x90000046  }
0xb3: {  	s29 =	simm.s32 $0xA;
	_ =	strace $0x80000048  }
0xb4: {  	_ =	swait.ge [sflag:s29], $0x1  }
0xb5: {  	[sflag:s29] =	ssyncadd.s32 $0xFFFFFFFF  }
0xb6: {  	_ =	strace $0x90000048  }
0xb7: {  	_ =	sfence  }
0xb8: {  	s30 =	sld [smem:$0x0];
	_ =	sdelay $0x2  }
0xb9: {  	s31 =	sshll.u32 s1, $0xD;
	s1 =	sshrl.u32 s1, $0x2  }
0xba: {  	s3 =	sand.u32 $0x4000, s31;
	s1 =	sadd.s32 s1, s30  }
0xbb: {  	s0 =	sor.u32 s3, s0;
	s1 =	sshll.u32 s1, $0x11  }
0xbc: {  	s0 =	sor.u32 s1, s0  }
0xbd: {  	s0 =	sadd.s32 $0x8F2B, s0  }
0xbe: {  	[sflag:s0] =	ssyncadd.remote.s32 $0x1  }
0xbf: {  	_ =	sfence.sel $0xFFFF  }
0xc0: {  	[dreg:$0x0] =	wrdreg $0xFFFFFFFF;
	(pc) =	sbr.abs _section_cstart, $3  }
0xc1: {  	[dreg:$0x1] =	wrdreg $0xFFFFFFFF  }
0xc2: {  	_ =	task.clear_ibuf [dreg:s7], $0x2FFFF;
	_ =	strace $0x9FFFFFFF  }
0xc3: {  	(tm) =	ssettm $0x7FFFFFFF  }
tec
execute0_lowered:
.L_overlay_start_1:
0x0: {  	(tag) =	ssettag $0x1  }
0x1: {  	s2 =	rddreg [dreg:$0x1];
	s0 =	simm.s32 $0x0;
	s3 =	srdreg.scid  }
0x2: {  	s1 =	stileid.u32;
	[smem:$0x7FF] =	sst s0;
	s14 =	sand.u32 $0x1, s3  }
0x3: {  	s16 =	sadd.s32 $0x13800, s2;
	s17 =	smul.u32 $0x13800, s1;
	s18 =	sadd.s32 $0x3800, s2  }
0x4: {  	s13 =	sadd.s32 $0x4AA00, s2;
	s15 =	sshll.u32 s1, $0xC;
	p0 =	sne.s32 s1, $0x0  }
0x5: {  	s3 =	ssub.s32 $0x2, s14;
	s19 =	sshll.u32 s14, $0xB;
	s20 =	smul.u32 $0x138800, s14  }
0x6: {  	s25 =	sshrl.u32 s3, $0x1;
	s2 =	sadd.s32 $0x1800, s17;
	s5 =	sadd.s32 $0x4800, s17  }
0x7: {  	s6 =	sadd.s32 $0x6000, s17;
	s7 =	sadd.s32 $0x7800, s17;
	s8 =	sadd.s32 $0x9000, s17  }
0x8: {  	s9 =	sadd.s32 $0xA800, s17;
	s10 =	sadd.s32 $0xC000, s17;
	s11 =	sadd.s32 $0xD800, s17  }
0x9: {  	s12 =	sadd.s32 $0xF000, s17;
	s19 =	sor.u32 s19, s15;
	s14 =	sadd.s32 $0x10800, s17  }
0xa: {  	s15 =	sadd.s32 $0x12000, s17;
	s4 =	ssub.s32 s3, s25;
	s3 =	sadd.s32 $0x3000, s17  }
0xb: {  	s21 =	sadd.s32 s16, s19;
	s26 =	sadd.s32 s18, s19;
	s19 =	sor.u32 $0x400, s19  }
0xc: {  	s17 =	sadd.s32 s17, s20;
	s23 =	sadd.s32 s20, s2;
	[dreg:$0x4] =	wrdreg s21  }
0xd: {  	s25 =	sadd.s32 s20, s5;
	[dreg:$0x5] =	wrdreg s26;
	s16 =	sadd.s32 s16, s19  }
0xe: {  	s21 =	sadd.s32 s18, s19;
	s22 =	sshrl.u32 s17, $0x3;
	s24 =	sadd.s32 s20, s3  }
0xf: {  	s18 =	sadd.s32 s20, s6;
	s19 =	sadd.s32 s20, s7;
	[dreg:$0x6] =	wrdreg s16  }
0x10: {  	s4 =	smax.u32 s4, $0x1;
	[dreg:$0x7] =	wrdreg s21;
	s16 =	sadd.s32 s13, s22  }
0x11: {  	s17 =	sshrl.u32 s24, $0x3;
	s21 =	sadd.s32 s20, s8;
	s24 =	sadd.s32 s20, s9  }
0x12: {  	[dreg:$0x8] =	wrdreg s16;
	s16 =	sshrl.u32 s23, $0x3;
	s26 =	sadd.s32 s13, s17  }
0x13: {  	s17 =	sshrl.u32 s25, $0x3;
	s23 =	sshrl.u32 s21, $0x3;
	s25 =	sadd.s32 s20, s10  }
0x14: {  	s21 =	sadd.s32 s20, s14;
	s16 =	sadd.s32 s13, s16;
	[dreg:$0xa] =	wrdreg s26  }
0x15: {  	s26 =	sadd.s32 s20, s11;
	[dreg:$0x9] =	wrdreg s16;
	s16 =	sadd.s32 s13, s17  }
0x16: {  	s17 =	sshrl.u32 s19, $0x3;
	s19 =	sadd.s32 s20, s12;
	[dreg:$0xb] =	wrdreg s16  }
0x17: {  	s16 =	sshrl.u32 s18, $0x3;
	s22 =	sadd.s32 s13, s17;
	s17 =	sshrl.u32 s25, $0x3  }
0x18: {  	s18 =	sshrl.u32 s26, $0x3;
	s25 =	sshrl.u32 s20, $0x3;
	[dreg:$0xd] =	wrdreg s22  }
0x19: {  	s16 =	sadd.s32 s13, s16;
	s22 =	sadd.s32 s20, s15;
	s20 =	rddreg [dreg:$0x2]  }
0x1a: {  	s26 =	smul.u32 $0x4E000, s1;
	s17 =	sadd.s32 s13, s17;
	[dreg:$0xc] =	wrdreg s16  }
0x1b: {  	s16 =	sadd.s32 s13, s23;
	[dreg:$0x10] =	wrdreg s17;
	s17 =	sshrl.u32 s21, $0x3  }
0x1c: {  	s28 =	sadd.s32 s8, s20;
	s29 =	sadd.s32 s9, s20;
	s30 =	sadd.s32 s10, s20  }
0x1d: {  	s31 =	sadd.s32 s11, s20;
	s1 =	sadd.s32 s14, s20;
	s10 =	simm.s32 $0x50  }
0x1e: {  	s11 =	simm.s32 $0x178C0;
	s14 =	simm.s32 $0x2;
	[dreg:$0xe] =	wrdreg s16  }
0x1f: {  	s16 =	sshrl.u32 s24, $0x3;
	s23 =	sadd.s32 s13, s17;
	s24 =	sshrl.u32 s22, $0x3  }
0x20: {  	s17 =	rddreg [dreg:$0x0];
	s22 =	sadd.s32 s2, s20;
	s2 =	sadd.s32 s15, s20  }
0x21: {  	s15 =	simm.s32 $0x0;
	s16 =	sadd.s32 s13, s16;
	[dreg:$0x13] =	wrdreg s23  }
0x22: {  	s23 =	sadd.s32 s3, s20;
	[dreg:$0xf] =	wrdreg s16;
	s16 =	sadd.s32 s13, s18  }
0x23: {  	s18 =	sshrl.u32 s26, $0x2;
	s26 =	sadd.s32 s7, s20;
	s7 =	simm.s32 $0x3  }
0x24: {  	[dreg:$0x11] =	wrdreg s16;
	s16 =	sshrl.u32 s19, $0x3;
	s21 =	sadd.s32 s18, s20  }
0x25: {  	s18 =	sadd.s32 s12, s20;
	s12 =	simm.s32 $0x1A0C0;
	s16 =	sadd.s32 s13, s16  }
0x26: {  	[dreg:$0x12] =	wrdreg s16;
	s16 =	sadd.s32 s13, s24;
	s13 =	sadd.s32 s13, s25  }
0x27: {  	s24 =	sadd.s32 s5, s20;
	s25 =	sadd.s32 s6, s20;
	s5 =	sadd.s32 $0x138000, s20  }
0x28: {  	s6 =	simm.s32 $0x1C8C0;
	[dreg:$0x14] =	wrdreg s16;
	s19 =	sadd.s32 $0x27000, s13  }
0x29: {  	v0 =	vimm.f32 $0.0e+00;
	s13 =	simm.s32 $0x1;
	_ =	strace $0x80000047;
	[dreg:$0x15] =	wrdreg s19  }
.LBB2_1:
0x2a: {  	s16 =	simm.s32 $0x0;
	s19 =	simm.s32 $0x200  }
.LBB2_2:
0x2b: {  	p1 =	sne.s32 s19, $0x5E00;
	[tilespmem:s16+$0x1C930] =	vst v0  }
0x2c: {  	[tilespmem:s16+$0x1C8C0] =	vst v0  }
0x2d: {  	[tilespmem:s16+$0x1C8D0] =	vst v0  }
.Ltmp0:
0x2e: {  	[tilespmem:s16+$0x1C8E0] =	vst v0;
	(pc) =	sbr.rel @p1 .LBB2_2-.Ltmp0, $4  }
0x2f: {  	[tilespmem:s16+$0x1C8F0] =	vst v0  }
0x30: {  	[tilespmem:s16+$0x1C900] =	vst v0  }
0x31: {  	[tilespmem:s16+$0x1C910] =	vst v0  }
0x32: {  	[tilespmem:s16+$0x1C920] =	vst v0;
	s16 =	sshra.s32 s19, $0x2;
	s19 =	sadd.s32 $0x200, s19  }
0x33: {  	[tilespmem:s16+$0x1C930] =	vst v0  }
0x34: {  	[tilespmem:s16+$0x1C8C0] =	vst v0  }
0x35: {  	[tilespmem:s16+$0x1C8D0] =	vst v0  }
0x36: {  	[tilespmem:s16+$0x1C8E0] =	vst v0  }
0x37: {  	[tilespmem:s16+$0x1C8F0] =	vst v0  }
0x38: {  	[tilespmem:s16+$0x1C900] =	vst v0  }
0x39: {  	[tilespmem:s16+$0x1C910] =	vst v0  }
0x3a: {  	[tilespmem:s16+$0x1C920] =	vst v0  }
0x3b: {  	[spmem:s21] =	stream.linear.scatter [tilespmem:s6], [sflag:$0x3], $0x1800, $0x38;
	[tilespmem:$0x1E0C0] =	vst v63  }
0x3c: {  	_ =	swait.ge [sflag:s7], $0x1800  }
0x3d: {  	[sflag:s7] =	ssyncset.done $0x0  }
0x3e: {  	[sflag:s7] =	ssyncadd.s32 $0xFFFFE800  }
0x3f: {  	[spmem:s22] =	stream.linear.scatter [tilespmem:s6], [sflag:$0x3], $0x1800, $0x38;
	[tilespmem:$0x1E0C0] =	vst v63  }
0x40: {  	_ =	swait.ge [sflag:s7], $0x1800  }
0x41: {  	[sflag:s7] =	ssyncset.done $0x0  }
0x42: {  	[sflag:s7] =	ssyncadd.s32 $0xFFFFE800  }
0x43: {  	[spmem:s23] =	stream.linear.scatter [tilespmem:s6], [sflag:$0x3], $0x1800, $0x38;
	[tilespmem:$0x1E0C0] =	vst v63  }
0x44: {  	_ =	swait.ge [sflag:s7], $0x1800  }
0x45: {  	[sflag:s7] =	ssyncset.done $0x0  }
0x46: {  	[sflag:s7] =	ssyncadd.s32 $0xFFFFE800  }
0x47: {  	[spmem:s24] =	stream.linear.scatter [tilespmem:s6], [sflag:$0x3], $0x1800, $0x38;
	[tilespmem:$0x1E0C0] =	vst v63  }
0x48: {  	_ =	swait.ge [sflag:s7], $0x1800  }
0x49: {  	[sflag:s7] =	ssyncset.done $0x0  }
0x4a: {  	[sflag:s7] =	ssyncadd.s32 $0xFFFFE800  }
0x4b: {  	[spmem:s25] =	stream.linear.scatter [tilespmem:s6], [sflag:$0x3], $0x1800, $0x38;
	[tilespmem:$0x1E0C0] =	vst v63  }
0x4c: {  	_ =	swait.ge [sflag:s7], $0x1800  }
0x4d: {  	[sflag:s7] =	ssyncset.done $0x0  }
0x4e: {  	[sflag:s7] =	ssyncadd.s32 $0xFFFFE800  }
0x4f: {  	[spmem:s26] =	stream.linear.scatter [tilespmem:s6], [sflag:$0x3], $0x1800, $0x38;
	[tilespmem:$0x1E0C0] =	vst v63  }
0x50: {  	_ =	swait.ge [sflag:s7], $0x1800  }
0x51: {  	[sflag:s7] =	ssyncset.done $0x0  }
0x52: {  	[sflag:s7] =	ssyncadd.s32 $0xFFFFE800  }
0x53: {  	[spmem:s28] =	stream.linear.scatter [tilespmem:s6], [sflag:$0x3], $0x1800, $0x38;
	[tilespmem:$0x1E0C0] =	vst v63  }
0x54: {  	_ =	swait.ge [sflag:s7], $0x1800  }
0x55: {  	[sflag:s7] =	ssyncset.done $0x0  }
0x56: {  	[sflag:s7] =	ssyncadd.s32 $0xFFFFE800  }
0x57: {  	[spmem:s29] =	stream.linear.scatter [tilespmem:s6], [sflag:$0x3], $0x1800, $0x38;
	[tilespmem:$0x1E0C0] =	vst v63  }
0x58: {  	_ =	swait.ge [sflag:s7], $0x1800  }
0x59: {  	[sflag:s7] =	ssyncset.done $0x0  }
0x5a: {  	[sflag:s7] =	ssyncadd.s32 $0xFFFFE800  }
0x5b: {  	[spmem:s30] =	stream.linear.scatter [tilespmem:s6], [sflag:$0x3], $0x1800, $0x38;
	[tilespmem:$0x1E0C0] =	vst v63  }
0x5c: {  	_ =	swait.ge [sflag:s7], $0x1800  }
0x5d: {  	[sflag:s7] =	ssyncset.done $0x0  }
0x5e: {  	[sflag:s7] =	ssyncadd.s32 $0xFFFFE800  }
0x5f: {  	[spmem:s31] =	stream.linear.scatter [tilespmem:s6], [sflag:$0x3], $0x1800, $0x38;
	[tilespmem:$0x1E0C0] =	vst v63  }
0x60: {  	_ =	swait.ge [sflag:s7], $0x1800  }
0x61: {  	[sflag:s7] =	ssyncset.done $0x0  }
0x62: {  	[sflag:s7] =	ssyncadd.s32 $0xFFFFE800  }
0x63: {  	[spmem:s18] =	stream.linear.scatter [tilespmem:s6], [sflag:$0x3], $0x1800, $0x38;
	[tilespmem:$0x1E0C0] =	vst v63  }
0x64: {  	_ =	swait.ge [sflag:s7], $0x1800  }
0x65: {  	[sflag:s7] =	ssyncset.done $0x0  }
0x66: {  	[sflag:s7] =	ssyncadd.s32 $0xFFFFE800  }
0x67: {  	[spmem:s1] =	stream.linear.scatter [tilespmem:s6], [sflag:$0x3], $0x1800, $0x38;
	[tilespmem:$0x1E0C0] =	vst v63  }
0x68: {  	_ =	swait.ge [sflag:s7], $0x1800  }
0x69: {  	[sflag:s7] =	ssyncset.done $0x0  }
0x6a: {  	[sflag:s7] =	ssyncadd.s32 $0xFFFFE800  }
0x6b: {  	[spmem:s2] =	stream.linear.scatter [tilespmem:s6], [sflag:$0x3], $0x1800, $0x38;
	[tilespmem:$0x1E0C0] =	vst v63  }
0x6c: {  	_ =	swait.ge [sflag:s7], $0x1800  }
0x6d: {  	[sflag:s7] =	ssyncset.done $0x0  }
0x6e: {  	s16 =	simm.s32 @!p0 $0x1C8C0;
	[sflag:s7] =	ssyncadd.s32 $0xFFFFE800  }
0x6f: {  	[spmem:s5] =	stream.linear.scatter @!p0 [tilespmem:s16], [sflag:$0x3], $0x800, $0x38;
	[tilespmem:$0x1E0C0] =	vst v63  }
0x70: {  	s16 =	simm.s32 @!p0 $0x3  }
0x71: {  	_ =	swait.ge @!p0 [sflag:s16], $0x800  }
0x72: {  	[sflag:s16] =	ssyncset.done @!p0 $0x0  }
0x73: {  	[sflag:s16] =	ssyncadd.s32 @!p0 $0xFFFFF800  }
0x74: {  	[bflag:$0x0] =	sbarrier.arrive $0xFFFF  }
0x75: {  	s8 =	simm.s32 $0x138C0;
	s16 =	simm.s32 $0x0;
	s3 =	rddreg [dreg:$0x4]  }
0x76: {  	[tilespmem:s8], [sflag:$0x3] =	stream.linear.gather [hbm4b:s3+s16], $0x2000, $0x38;
	[tilespmem:$0x1E0C0] =	vst v63  }
0x77: {  	_ =	swait.ge [sflag:s7], $0x2000  }
0x78: {  	[sflag:s7] =	ssyncset.done $0x0  }
0x79: {  	s19 =	simm.s32 $0x158C0;
	s9 =	rddreg [dreg:$0x5];
	[sflag:s7] =	ssyncadd.s32 $0xFFFFE000  }
0x7a: {  	[tilespmem:s19], [sflag:$0x3] =	stream.linear.gather [hbm4b:s9+s16], $0x2000, $0x38;
	[tilespmem:$0x1E0C0] =	vst v63  }
0x7b: {  	_ =	swait.ge [sflag:s7], $0x2000  }
0x7c: {  	[sflag:s7] =	ssyncset.done $0x0  }
0x7d: {  	s3 =	simm.s32 $0x138C0;
	[sflag:s7] =	ssyncadd.s32 $0xFFFFE000  }
0x7e: {  	[tilespmem:s11], [sflag:$0x1] =	stream.indirect.gather [hbm4b:s17+s10], $0x80, s3, s10, $0xb8;
	[tilespmem:$0x1E0C0] =	vst v63  }
0x7f: {  	s8 =	simm.s32 $0x13940  }
0x80: {  	[tilespmem:s12], [sflag:$0x2] =	stream.indirect.gather [hbm4b:s17+s10], $0x80, s8, s10, $0xb8;
	[tilespmem:$0x1E0C0] =	vst v63  }
0x81: {  	_ =	swait.ge [sflag:s13], $0x2800  }
0x82: {  	[sflag:s13] =	ssyncset.done $0x0  }
0x83: {  	s9 =	simm.s32 $0x158C0;
	[sflag:s13] =	ssyncadd.s32 $0xFFFFD800  }
0x84: {  	[spmem:s20] =	stream.indirect.scatter.add.f32 [tilespmem:s11], [sflag:$0x3], $0x80, s9, s10, $0xb8;
	[tilespmem:$0x1E0C0] =	vst v63  }
0x85: {  	_ =	swait.ge [sflag:s7], $0x2800  }
0x86: {  	[sflag:s7] =	ssyncset.done $0x0  }
0x87: {  	[sflag:s7] =	ssyncadd.s32 $0xFFFFD800  }
0x88: {  	_ =	swait.ge [sflag:s14], $0x2800  }
0x89: {  	[sflag:s14] =	ssyncset.done $0x0  }
0x8a: {  	s19 =	simm.s32 $0x15940;
	[sflag:s14] =	ssyncadd.s32 $0xFFFFD800  }
0x8b: {  	[spmem:s20] =	stream.indirect.scatter.add.f32 [tilespmem:s12], [sflag:$0x3], $0x80, s19, s10, $0xb8;
	[tilespmem:$0x1E0C0] =	vst v63  }
0x8c: {  	_ =	swait.ge [sflag:s7], $0x2800  }
0x8d: {  	s16 =	simm.s32 $0x100;
	s19 =	simm.s32 $0x800;
	[sflag:s7] =	ssyncset.done $0x0  }
.LBB2_4:
0x8e: {  	s8 =	sadd.s32 $0x138C0, s16  }
0x8f: {  	[sflag:s7] =	ssyncadd.s32 $0xFFFFD800;
	s9 =	smov.u32 s19;
	s3 =	sadd.s32 $0x400, s19  }
0x90: {  	[tilespmem:s11], [sflag:$0x1] =	stream.indirect.gather [hbm4b:s17+s10], $0x80, s8, s10, $0xb8;
	[tilespmem:$0x1E0C0] =	vst v63  }
0x91: {  	p1 =	sne.s32 s19, $0x7C00;
	s8 =	sadd.s32 $0x13940, s16  }
0x92: {  	[tilespmem:s12], [sflag:$0x2] =	stream.indirect.gather [hbm4b:s17+s10], $0x80, s8, s10, $0xb8;
	[tilespmem:$0x1E0C0] =	vst v63  }
0x93: {  	_ =	swait.ge [sflag:s13], $0x2800  }
0x94: {  	[sflag:s13] =	ssyncset.done $0x0  }
0x95: {  	s8 =	sadd.s32 $0x158C0, s16;
	[sflag:s13] =	ssyncadd.s32 $0xFFFFD800  }
0x96: {  	[spmem:s20] =	stream.indirect.scatter.add.f32 [tilespmem:s11], [sflag:$0x3], $0x80, s8, s10, $0xb8;
	[tilespmem:$0x1E0C0] =	vst v63  }
0x97: {  	_ =	swait.ge [sflag:s7], $0x2800  }
0x98: {  	[sflag:s7] =	ssyncset.done $0x0  }
0x99: {  	[sflag:s7] =	ssyncadd.s32 $0xFFFFD800  }
0x9a: {  	_ =	swait.ge [sflag:s14], $0x2800  }
.Ltmp1:
0x9b: {  	[sflag:s14] =	ssyncset.done $0x0;
	(pc) =	sbr.rel @p1 .LBB2_4-.Ltmp1, $4  }
0x9c: {  	s8 =	sadd.s32 $0x15940, s16;
	[sflag:s14] =	ssyncadd.s32 $0xFFFFD800  }
0x9d: {  	[spmem:s20] =	stream.indirect.scatter.add.f32 [tilespmem:s12], [sflag:$0x3], $0x80, s8, s10, $0xb8;
	[tilespmem:$0x1E0C0] =	vst v63  }
0x9e: {  	_ =	swait.ge [sflag:s7], $0x2800  }
0x9f: {  	s19 =	smov.u32 s3;
	s16 =	sshra.s32 s9, $0x2;
	[sflag:s7] =	ssyncset.done $0x0  }
0xa0: {  	s3 =	sadd.s32 $0x138C0, s16;
	[sflag:s7] =	ssyncadd.s32 $0xFFFFD800  }
0xa1: {  	[tilespmem:s11], [sflag:$0x1] =	stream.indirect.gather [hbm4b:s17+s10], $0x80, s3, s10, $0xb8;
	[tilespmem:$0x1E0C0] =	vst v63  }
0xa2: {  	s19 =	sadd.s32 $0x13940, s16  }
0xa3: {  	[tilespmem:s12], [sflag:$0x2] =	stream.indirect.gather [hbm4b:s17+s10], $0x80, s19, s10, $0xb8;
	[tilespmem:$0x1E0C0] =	vst v63  }
0xa4: {  	_ =	swait.ge [sflag:s13], $0x2800  }
0xa5: {  	[sflag:s13] =	ssyncset.done $0x0  }
0xa6: {  	s8 =	sadd.s32 $0x158C0, s16;
	[sflag:s13] =	ssyncadd.s32 $0xFFFFD800  }
0xa7: {  	[spmem:s20] =	stream.indirect.scatter.add.f32 [tilespmem:s11], [sflag:$0x3], $0x80, s8, s10, $0xb8;
	[tilespmem:$0x1E0C0] =	vst v63  }
0xa8: {  	_ =	swait.ge [sflag:s7], $0x2800  }
0xa9: {  	[sflag:s7] =	ssyncset.done $0x0  }
0xaa: {  	[sflag:s7] =	ssyncadd.s32 $0xFFFFD800  }
0xab: {  	_ =	swait.ge [sflag:s14], $0x2800  }
0xac: {  	[sflag:s14] =	ssyncset.done $0x0  }
0xad: {  	s9 =	sadd.s32 $0x15940, s16;
	[sflag:s14] =	ssyncadd.s32 $0xFFFFD800  }
0xae: {  	[spmem:s20] =	stream.indirect.scatter.add.f32 [tilespmem:s12], [sflag:$0x3], $0x80, s9, s10, $0xb8;
	[tilespmem:$0x1E0C0] =	vst v63  }
0xaf: {  	_ =	swait.ge [sflag:s7], $0x2800  }
0xb0: {  	s3 =	simm.s32 $0x0;
	[sflag:s7] =	ssyncset.done $0x0  }
0xb1: {  	s9 =	simm.s32 $0x138C0;
	s8 =	rddreg [dreg:$0x6];
	[sflag:s7] =	ssyncadd.s32 $0xFFFFD800  }
0xb2: {  	[tilespmem:s9], [sflag:$0x3] =	stream.linear.gather [hbm4b:s8+s3], $0x2000, $0x38;
	[tilespmem:$0x1E0C0] =	vst v63  }
0xb3: {  	_ =	swait.ge [sflag:s7], $0x2000  }
0xb4: {  	[sflag:s7] =	ssyncset.done $0x0  }
0xb5: {  	s19 =	simm.s32 $0x158C0;
	s16 =	rddreg [dreg:$0x7];
	[sflag:s7] =	ssyncadd.s32 $0xFFFFE000  }
0xb6: {  	[tilespmem:s19], [sflag:$0x3] =	stream.linear.gather [hbm4b:s16+s3], $0x2000, $0x38;
	[tilespmem:$0x1E0C0] =	vst v63  }
0xb7: {  	_ =	swait.ge [sflag:s7], $0x2000  }
0xb8: {  	[sflag:s7] =	ssyncset.done $0x0  }
0xb9: {  	s8 =	simm.s32 $0x138C0;
	[sflag:s7] =	ssyncadd.s32 $0xFFFFE000  }
0xba: {  	[tilespmem:s11], [sflag:$0x1] =	stream.indirect.gather [hbm4b:s17+s10], $0x80, s8, s10, $0xb8;
	[tilespmem:$0x1E0C0] =	vst v63  }
0xbb: {  	s9 =	simm.s32 $0x13940  }
0xbc: {  	[tilespmem:s12], [sflag:$0x2] =	stream.indirect.gather [hbm4b:s17+s10], $0x80, s9, s10, $0xb8;
	[tilespmem:$0x1E0C0] =	vst v63  }
0xbd: {  	_ =	swait.ge [sflag:s13], $0x2800  }
0xbe: {  	[sflag:s13] =	ssyncset.done $0x0  }
0xbf: {  	s16 =	simm.s32 $0x158C0;
	[sflag:s13] =	ssyncadd.s32 $0xFFFFD800  }
0xc0: {  	[spmem:s20] =	stream.indirect.scatter.add.f32 [tilespmem:s11], [sflag:$0x3], $0x80, s16, s10, $0xb8;
	[tilespmem:$0x1E0C0] =	vst v63  }
0xc1: {  	_ =	swait.ge [sflag:s7], $0x2800  }
0xc2: {  	[sflag:s7] =	ssyncset.done $0x0  }
0xc3: {  	[sflag:s7] =	ssyncadd.s32 $0xFFFFD800  }
0xc4: {  	_ =	swait.ge [sflag:s14], $0x2800  }
0xc5: {  	[sflag:s14] =	ssyncset.done $0x0  }
0xc6: {  	s19 =	simm.s32 $0x15940;
	[sflag:s14] =	ssyncadd.s32 $0xFFFFD800  }
0xc7: {  	[spmem:s20] =	stream.indirect.scatter.add.f32 [tilespmem:s12], [sflag:$0x3], $0x80, s19, s10, $0xb8;
	[tilespmem:$0x1E0C0] =	vst v63  }
0xc8: {  	_ =	swait.ge [sflag:s7], $0x2800  }
0xc9: {  	s16 =	simm.s32 $0x100;
	s19 =	simm.s32 $0x800;
	[sflag:s7] =	ssyncset.done $0x0  }
.LBB2_6:
0xca: {  	s3 =	sadd.s32 $0x138C0, s16  }
0xcb: {  	[sflag:s7] =	ssyncadd.s32 $0xFFFFD800;
	s8 =	smov.u32 s19;
	s9 =	sadd.s32 $0x400, s19  }
0xcc: {  	[tilespmem:s11], [sflag:$0x1] =	stream.indirect.gather [hbm4b:s17+s10], $0x80, s3, s10, $0xb8;
	[tilespmem:$0x1E0C0] =	vst v63  }
0xcd: {  	p1 =	sne.s32 s19, $0x7C00;
	s3 =	sadd.s32 $0x13940, s16  }
0xce: {  	[tilespmem:s12], [sflag:$0x2] =	stream.indirect.gather [hbm4b:s17+s10], $0x80, s3, s10, $0xb8;
	[tilespmem:$0x1E0C0] =	vst v63  }
0xcf: {  	_ =	swait.ge [sflag:s13], $0x2800  }
0xd0: {  	[sflag:s13] =	ssyncset.done $0x0  }
0xd1: {  	s3 =	sadd.s32 $0x158C0, s16;
	[sflag:s13] =	ssyncadd.s32 $0xFFFFD800  }
0xd2: {  	[spmem:s20] =	stream.indirect.scatter.add.f32 [tilespmem:s11], [sflag:$0x3], $0x80, s3, s10, $0xb8;
	[tilespmem:$0x1E0C0] =	vst v63  }
0xd3: {  	_ =	swait.ge [sflag:s7], $0x2800  }
0xd4: {  	[sflag:s7] =	ssyncset.done $0x0  }
0xd5: {  	[sflag:s7] =	ssyncadd.s32 $0xFFFFD800  }
0xd6: {  	_ =	swait.ge [sflag:s14], $0x2800  }
.Ltmp2:
0xd7: {  	[sflag:s14] =	ssyncset.done $0x0;
	(pc) =	sbr.rel @p1 .LBB2_6-.Ltmp2, $4  }
0xd8: {  	s3 =	sadd.s32 $0x15940, s16;
	[sflag:s14] =	ssyncadd.s32 $0xFFFFD800  }
0xd9: {  	[spmem:s20] =	stream.indirect.scatter.add.f32 [tilespmem:s12], [sflag:$0x3], $0x80, s3, s10, $0xb8;
	[tilespmem:$0x1E0C0] =	vst v63  }
0xda: {  	_ =	swait.ge [sflag:s7], $0x2800  }
0xdb: {  	s19 =	smov.u32 s9;
	s16 =	sshra.s32 s8, $0x2;
	[sflag:s7] =	ssyncset.done $0x0  }
0xdc: {  	s3 =	sadd.s32 $0x138C0, s16;
	[sflag:s7] =	ssyncadd.s32 $0xFFFFD800  }
0xdd: {  	[tilespmem:s11], [sflag:$0x1] =	stream.indirect.gather [hbm4b:s17+s10], $0x80, s3, s10, $0xb8;
	[tilespmem:$0x1E0C0] =	vst v63  }
0xde: {  	s8 =	sadd.s32 $0x13940, s16  }
0xdf: {  	[tilespmem:s12], [sflag:$0x2] =	stream.indirect.gather [hbm4b:s17+s10], $0x80, s8, s10, $0xb8;
	[tilespmem:$0x1E0C0] =	vst v63  }
0xe0: {  	_ =	swait.ge [sflag:s13], $0x2800  }
0xe1: {  	[sflag:s13] =	ssyncset.done $0x0  }
0xe2: {  	s9 =	sadd.s32 $0x158C0, s16;
	[sflag:s13] =	ssyncadd.s32 $0xFFFFD800  }
0xe3: {  	[spmem:s20] =	stream.indirect.scatter.add.f32 [tilespmem:s11], [sflag:$0x3], $0x80, s9, s10, $0xb8;
	[tilespmem:$0x1E0C0] =	vst v63  }
0xe4: {  	_ =	swait.ge [sflag:s7], $0x2800  }
0xe5: {  	[sflag:s7] =	ssyncset.done $0x0  }
0xe6: {  	[sflag:s7] =	ssyncadd.s32 $0xFFFFD800  }
0xe7: {  	_ =	swait.ge [sflag:s14], $0x2800  }
0xe8: {  	[sflag:s14] =	ssyncset.done $0x0  }
0xe9: {  	s16 =	sadd.s32 $0x15940, s16;
	[sflag:s14] =	ssyncadd.s32 $0xFFFFD800  }
0xea: {  	[spmem:s20] =	stream.indirect.scatter.add.f32 [tilespmem:s12], [sflag:$0x3], $0x80, s16, s10, $0xb8;
	[tilespmem:$0x1E0C0] =	vst v63  }
0xeb: {  	_ =	swait.ge [sflag:s7], $0x2800  }
0xec: {  	[sflag:s7] =	ssyncset.done $0x0  }
0xed: {  	[sflag:s7] =	ssyncadd.s32 $0xFFFFD800  }
0xee: {  	[bflag:$0x0] =	sbarrier.arrive $0xFFFF  }
0xef: {  	[tilespmem:s6], [sflag:$0x3] =	stream.linear.gather [spmem:s21], $0x1800, $0x38;
	[tilespmem:$0x1E0C0] =	vst v63  }
0xf0: {  	_ =	swait.ge [sflag:s7], $0x1800  }
0xf1: {  	[sflag:s7] =	ssyncset.done $0x0  }
0xf2: {  	s19 =	rddreg [dreg:$0x8];
	[sflag:s7] =	ssyncadd.s32 $0xFFFFE800  }
0xf3: {  	[hbm4b:s19+s0] =	stream.linear.scatter [tilespmem:s6], [sflag:$0x3], $0x1800, $0x38;
	[tilespmem:$0x1E0C0] =	vst v63  }
0xf4: {  	_ =	swait.ge [sflag:s7], $0x1800  }
0xf5: {  	[sflag:s7] =	ssyncset.done $0x0  }
0xf6: {  	[sflag:s7] =	ssyncadd.s32 $0xFFFFE800  }
0xf7: {  	[tilespmem:s6], [sflag:$0x3] =	stream.linear.gather [spmem:s22], $0x1800, $0x38;
	[tilespmem:$0x1E0C0] =	vst v63  }
0xf8: {  	_ =	swait.ge [sflag:s7], $0x1800  }
0xf9: {  	[sflag:s7] =	ssyncset.done $0x0  }
0xfa: {  	s8 =	rddreg [dreg:$0x9];
	[sflag:s7] =	ssyncadd.s32 $0xFFFFE800  }
0xfb: {  	[hbm4b:s8+s0] =	stream.linear.scatter [tilespmem:s6], [sflag:$0x3], $0x1800, $0x38;
	[tilespmem:$0x1E0C0] =	vst v63  }
0xfc: {  	_ =	swait.ge [sflag:s7], $0x1800  }
0xfd: {  	[sflag:s7] =	ssyncset.done $0x0  }
0xfe: {  	[sflag:s7] =	ssyncadd.s32 $0xFFFFE800  }
0xff: {  	[tilespmem:s6], [sflag:$0x3] =	stream.linear.gather [spmem:s23], $0x1800, $0x38;
	[tilespmem:$0x1E0C0] =	vst v63  }
0x100: {  	_ =	swait.ge [sflag:s7], $0x1800  }
0x101: {  	[sflag:s7] =	ssyncset.done $0x0  }
0x102: {  	s9 =	rddreg [dreg:$0xa];
	[sflag:s7] =	ssyncadd.s32 $0xFFFFE800  }
0x103: {  	[hbm4b:s9+s0] =	stream.linear.scatter [tilespmem:s6], [sflag:$0x3], $0x1800, $0x38;
	[tilespmem:$0x1E0C0] =	vst v63  }
0x104: {  	_ =	swait.ge [sflag:s7], $0x1800  }
0x105: {  	[sflag:s7] =	ssyncset.done $0x0  }
0x106: {  	[sflag:s7] =	ssyncadd.s32 $0xFFFFE800  }
0x107: {  	[tilespmem:s6], [sflag:$0x3] =	stream.linear.gather [spmem:s24], $0x1800, $0x38;
	[tilespmem:$0x1E0C0] =	vst v63  }
0x108: {  	_ =	swait.ge [sflag:s7], $0x1800  }
0x109: {  	[sflag:s7] =	ssyncset.done $0x0  }
0x10a: {  	s16 =	rddreg [dreg:$0xb];
	[sflag:s7] =	ssyncadd.s32 $0xFFFFE800  }
0x10b: {  	[hbm4b:s16+s0] =	stream.linear.scatter [tilespmem:s6], [sflag:$0x3], $0x1800, $0x38;
	[tilespmem:$0x1E0C0] =	vst v63  }
0x10c: {  	_ =	swait.ge [sflag:s7], $0x1800  }
0x10d: {  	[sflag:s7] =	ssyncset.done $0x0  }
0x10e: {  	[sflag:s7] =	ssyncadd.s32 $0xFFFFE800  }
0x10f: {  	[tilespmem:s6], [sflag:$0x3] =	stream.linear.gather [spmem:s25], $0x1800, $0x38;
	[tilespmem:$0x1E0C0] =	vst v63  }
0x110: {  	_ =	swait.ge [sflag:s7], $0x1800  }
0x111: {  	[sflag:s7] =	ssyncset.done $0x0  }
0x112: {  	s19 =	rddreg [dreg:$0xc];
	[sflag:s7] =	ssyncadd.s32 $0xFFFFE800  }
0x113: {  	[hbm4b:s19+s0] =	stream.linear.scatter [tilespmem:s6], [sflag:$0x3], $0x1800, $0x38;
	[tilespmem:$0x1E0C0] =	vst v63  }
0x114: {  	_ =	swait.ge [sflag:s7], $0x1800  }
0x115: {  	[sflag:s7] =	ssyncset.done $0x0  }
0x116: {  	[sflag:s7] =	ssyncadd.s32 $0xFFFFE800  }
0x117: {  	[tilespmem:s6], [sflag:$0x3] =	stream.linear.gather [spmem:s26], $0x1800, $0x38;
	[tilespmem:$0x1E0C0] =	vst v63  }
0x118: {  	_ =	swait.ge [sflag:s7], $0x1800  }
0x119: {  	[sflag:s7] =	ssyncset.done $0x0  }
0x11a: {  	s8 =	rddreg [dreg:$0xd];
	[sflag:s7] =	ssyncadd.s32 $0xFFFFE800  }
0x11b: {  	[hbm4b:s8+s0] =	stream.linear.scatter [tilespmem:s6], [sflag:$0x3], $0x1800, $0x38;
	[tilespmem:$0x1E0C0] =	vst v63  }
0x11c: {  	_ =	swait.ge [sflag:s7], $0x1800  }
0x11d: {  	[sflag:s7] =	ssyncset.done $0x0  }
0x11e: {  	[sflag:s7] =	ssyncadd.s32 $0xFFFFE800  }
0x11f: {  	[tilespmem:s6], [sflag:$0x3] =	stream.linear.gather [spmem:s28], $0x1800, $0x38;
	[tilespmem:$0x1E0C0] =	vst v63  }
0x120: {  	_ =	swait.ge [sflag:s7], $0x1800  }
0x121: {  	[sflag:s7] =	ssyncset.done $0x0  }
0x122: {  	s9 =	rddreg [dreg:$0xe];
	[sflag:s7] =	ssyncadd.s32 $0xFFFFE800  }
0x123: {  	[hbm4b:s9+s0] =	stream.linear.scatter [tilespmem:s6], [sflag:$0x3], $0x1800, $0x38;
	[tilespmem:$0x1E0C0] =	vst v63  }
0x124: {  	_ =	swait.ge [sflag:s7], $0x1800  }
0x125: {  	[sflag:s7] =	ssyncset.done $0x0  }
0x126: {  	[sflag:s7] =	ssyncadd.s32 $0xFFFFE800  }
0x127: {  	[tilespmem:s6], [sflag:$0x3] =	stream.linear.gather [spmem:s29], $0x1800, $0x38;
	[tilespmem:$0x1E0C0] =	vst v63  }
0x128: {  	_ =	swait.ge [sflag:s7], $0x1800  }
0x129: {  	[sflag:s7] =	ssyncset.done $0x0  }
0x12a: {  	s16 =	rddreg [dreg:$0xf];
	[sflag:s7] =	ssyncadd.s32 $0xFFFFE800  }
0x12b: {  	[hbm4b:s16+s0] =	stream.linear.scatter [tilespmem:s6], [sflag:$0x3], $0x1800, $0x38;
	[tilespmem:$0x1E0C0] =	vst v63  }
0x12c: {  	_ =	swait.ge [sflag:s7], $0x1800  }
0x12d: {  	[sflag:s7] =	ssyncset.done $0x0  }
0x12e: {  	[sflag:s7] =	ssyncadd.s32 $0xFFFFE800  }
0x12f: {  	[tilespmem:s6], [sflag:$0x3] =	stream.linear.gather [spmem:s30], $0x1800, $0x38;
	[tilespmem:$0x1E0C0] =	vst v63  }
0x130: {  	_ =	swait.ge [sflag:s7], $0x1800  }
0x131: {  	[sflag:s7] =	ssyncset.done $0x0  }
0x132: {  	s19 =	rddreg [dreg:$0x10];
	[sflag:s7] =	ssyncadd.s32 $0xFFFFE800  }
0x133: {  	[hbm4b:s19+s0] =	stream.linear.scatter [tilespmem:s6], [sflag:$0x3], $0x1800, $0x38;
	[tilespmem:$0x1E0C0] =	vst v63  }
0x134: {  	_ =	swait.ge [sflag:s7], $0x1800  }
0x135: {  	[sflag:s7] =	ssyncset.done $0x0  }
0x136: {  	[sflag:s7] =	ssyncadd.s32 $0xFFFFE800  }
0x137: {  	[tilespmem:s6], [sflag:$0x3] =	stream.linear.gather [spmem:s31], $0x1800, $0x38;
	[tilespmem:$0x1E0C0] =	vst v63  }
0x138: {  	_ =	swait.ge [sflag:s7], $0x1800  }
0x139: {  	[sflag:s7] =	ssyncset.done $0x0  }
0x13a: {  	s8 =	rddreg [dreg:$0x11];
	[sflag:s7] =	ssyncadd.s32 $0xFFFFE800  }
0x13b: {  	[hbm4b:s8+s0] =	stream.linear.scatter [tilespmem:s6], [sflag:$0x3], $0x1800, $0x38;
	[tilespmem:$0x1E0C0] =	vst v63  }
0x13c: {  	_ =	swait.ge [sflag:s7], $0x1800  }
0x13d: {  	[sflag:s7] =	ssyncset.done $0x0  }
0x13e: {  	[sflag:s7] =	ssyncadd.s32 $0xFFFFE800  }
0x13f: {  	[tilespmem:s6], [sflag:$0x3] =	stream.linear.gather [spmem:s18], $0x1800, $0x38;
	[tilespmem:$0x1E0C0] =	vst v63  }
0x140: {  	_ =	swait.ge [sflag:s7], $0x1800  }
0x141: {  	[sflag:s7] =	ssyncset.done $0x0  }
0x142: {  	s9 =	rddreg [dreg:$0x12];
	[sflag:s7] =	ssyncadd.s32 $0xFFFFE800  }
0x143: {  	[hbm4b:s9+s0] =	stream.linear.scatter [tilespmem:s6], [sflag:$0x3], $0x1800, $0x38;
	[tilespmem:$0x1E0C0] =	vst v63  }
0x144: {  	_ =	swait.ge [sflag:s7], $0x1800  }
0x145: {  	[sflag:s7] =	ssyncset.done $0x0  }
0x146: {  	[sflag:s7] =	ssyncadd.s32 $0xFFFFE800  }
0x147: {  	[tilespmem:s6], [sflag:$0x3] =	stream.linear.gather [spmem:s1], $0x1800, $0x38;
	[tilespmem:$0x1E0C0] =	vst v63  }
0x148: {  	_ =	swait.ge [sflag:s7], $0x1800  }
0x149: {  	[sflag:s7] =	ssyncset.done $0x0  }
0x14a: {  	s16 =	rddreg [dreg:$0x13];
	[sflag:s7] =	ssyncadd.s32 $0xFFFFE800  }
0x14b: {  	[hbm4b:s16+s0] =	stream.linear.scatter [tilespmem:s6], [sflag:$0x3], $0x1800, $0x38;
	[tilespmem:$0x1E0C0] =	vst v63  }
0x14c: {  	_ =	swait.ge [sflag:s7], $0x1800  }
0x14d: {  	[sflag:s7] =	ssyncset.done $0x0  }
0x14e: {  	[sflag:s7] =	ssyncadd.s32 $0xFFFFE800  }
0x14f: {  	[tilespmem:s6], [sflag:$0x3] =	stream.linear.gather [spmem:s2], $0x1800, $0x38;
	[tilespmem:$0x1E0C0] =	vst v63  }
0x150: {  	_ =	swait.ge [sflag:s7], $0x1800  }
0x151: {  	[sflag:s7] =	ssyncset.done $0x0  }
0x152: {  	s19 =	rddreg [dreg:$0x14];
	[sflag:s7] =	ssyncadd.s32 $0xFFFFE800  }
0x153: {  	[hbm4b:s19+s0] =	stream.linear.scatter [tilespmem:s6], [sflag:$0x3], $0x1800, $0x38;
	[tilespmem:$0x1E0C0] =	vst v63  }
0x154: {  	_ =	swait.ge [sflag:s7], $0x1800  }
0x155: {  	[sflag:s7] =	ssyncset.done $0x0  }
0x156: {  	s3 =	simm.s32 @!p0 $0x1C8C0;
	s8 =	simm.s32 @!p0 $0x3;
	[sflag:s7] =	ssyncadd.s32 $0xFFFFE800  }
0x157: {  	[tilespmem:s3], [sflag:$0x3] =	stream.linear.gather @!p0 [spmem:s5], $0x800, $0x38;
	[tilespmem:$0x1E0C0] =	vst v63  }
0x158: {  	s15 =	sadd.s32 $0x1, s15;
	_ =	swait.ge @!p0 [sflag:s8], $0x800  }
0x159: {  	p1 =	sne.s32 s15, s4;
	s9 =	simm.s32 @!p0 $0x0;
	[sflag:s8] =	ssyncset.done @!p0 $0x0  }
.Ltmp3:
0x15a: {  	s16 =	rddreg [dreg:$0x15];
	[sflag:s8] =	ssyncadd.s32 @!p0 $0xFFFFF800;
	(pc) =	sbr.rel @p1 .LBB2_1-.Ltmp3, $4  }
0x15b: {  	[hbm4b:s16+s9] =	stream.linear.scatter @!p0 [tilespmem:s3], [sflag:$0x3], $0x800, $0x38;
	[tilespmem:$0x1E0C0] =	vst v63  }
0x15c: {  	_ =	swait.ge @!p0 [sflag:s8], $0x800  }
0x15d: {  	[sflag:s8] =	ssyncset.done @!p0 $0x0  }
0x15e: {  	[sflag:s8] =	ssyncadd.s32 @!p0 $0xFFFFF800  }
0x15f: {  	_ =	sfence.sel $0x180000  }
0x160: {  	[bflag:$0x0] =	sbarrier.arrive $0xFFFF  }
0x161: {  	_ =	strace $0x90000047  }
0x162: {  	[bflag:$0x2] =	sbarrier.arrive $0xFFFF  }
0x163: {  	s0 =	rddreg [dreg:$0x3]  }
0x164: {  	s0 =	sadd.s32 @!p0 $0x100000, s0  }
0x165: {  	[sflag:s0] =	ssyncadd.tile.s32 @!p0 $0x1;
	_ =	shalt  }
.Lfunc_end2:
_tile_overlayer_lowered:
.L_overlay_start_2:
0x166: {  	(tag) =	ssettag $0x2  }
0x167: {  	s0 =	rddreg [dreg:$0x0];
	s2 =	stileid.u32  }
0x168: {  	s1 =	rddreg [dreg:$0x1];
	p0 =	sne.s32 s2, $0x0  }
0x169: {  	s3 =	rddreg [dreg:$0x2];
	[bflag:$0x3] =	sbarrier.arrive $0xFFFF;
	s2 =	simm.s32 @!p0 $0x1C03  }
0x16a: {  	[timem:s3], [sflag:s2] =	dma.local @!p0 [hbm:s0], s1  }
0x16b: {  	s0 =	simm.s32 @!p0 $0x3  }
0x16c: {  	_ =	swait.ge @!p0 [sflag:s0], s1  }
0x16d: {  	s1 =	ssub.s32 @!p0 $0x0, s1;
	[sflag:s0] =	ssyncset.done @!p0 $0x0  }
0x16e: {  	[sflag:s0] =	ssyncadd.s32 @!p0 s1  }
0x16f: {  	[bflag:$0x3] =	sbarrier.arrive $0xFFFF  }
0x170: {  	_ =	shalt  }

// kernel: kernel.14.cloned.1.call-start
scs
__scs_entry_jumppad:
0x0: {  	(pc) =	sbr.rel $0x88, $3  }
0x1: {  	(tag) =	ssettag $0x0;
	lr =	simm.s32 $0x1  }
0x2: {  	[smem:$0x3F99] =	sst lr;
	_ =	strace $0xD0000000  }
0x3: {  	_ = 	snop  }
0x4: {  	_ = 	snop  }
0x5: {  	_ = 	snop  }
0x6: {  	_ = 	snop  }
0x7: {  	_ = 	snop  }
__scs_overlays_trampoline_lowered:
0x8: {  	[smem:$0x3FA8] =	sst s0  }
0x9: {  	[smem:$0x3FA9] =	sst s1  }
0xa: {  	[smem:$0x3FAA] =	sst s2  }
0xb: {  	[smem:$0x3FAB] =	sst s3  }
0xc: {  	[smem:$0x3FAC] =	sst s4  }
0xd: {  	[smem:$0x3FAD] =	sst s5  }
0xe: {  	[smem:$0x3FAE] =	sst s6  }
0xf: {  	[smem:$0x3FAF] =	sst s7  }
0x10: {  	[smem:$0x3FB0] =	sst s8  }
0x11: {  	[smem:$0x3FB1] =	sst s9;
	s0 =	simm.s32 @!p0 $0x0  }
0x12: {  	s1 =	sld [smem:$0x3F97];
	s0 =	simm.s32 @p0 $0x1  }
0x13: {  	[smem:$0x3FB2] =	sst s0;
	s0 =	simm.s32 @!p1 $0x0  }
0x14: {  	s2 =	sld [smem:$0x3F96];
	s0 =	simm.s32 @p1 $0x1  }
0x15: {  	[smem:$0x3FB3] =	sst s0;
	s0 =	simm.s32 @!p2 $0x0  }
0x16: {  	s3 =	sld [smem:$0x3FDB];
	s0 =	simm.s32 @p2 $0x1  }
0x17: {  	s4 =	simm.s32 $0x1BF5;
	[smem:$0x3FB5] =	sst s0  }
0x18: {  	s0 =	sld [smem:$0x3F98];
	_ =	swait.ge [sflag:s4], $0x0  }
0x19: {  	s7 =	sld [smem:$0x3F99]  }
0x1a: {  	s8 =	sadd.s32 $0xFFFFE003, lr  }
0x1b: {  	s9 =	sadd.s32 $0xFFFFFEF7, lr;
	s5 =	simm.s32 $0xFFFFFFFF;
	p2 =	slt.u32 s8, $0xFFFFF086  }
0x1c: {  	p1 =	slt.u32 s9, $0xF7A;
	s5 =	simm.s32 @!p2 $0x0  }
0x1d: {  	s5 =	simm.s32 @p1 $0x1;
	p0 =	seq.s32 s7, s2  }
0x1e: {  	s7 =	smul.u32 @!p0 $0xF7A, s2;
	p2 =	seq.s32 @!p0 s5, $0x0  }
0x1f: {  	s9 =	smul.u32 $0xF7A, s1;
	s8 =	simm.s32 @!p0 $0x1BF5;
	p2 =	por !p2, p0  }
0x20: {  	[sflag:s8] =	ssyncset.s32 @!p0 $0xFFFFF086;
	s6 =	sadd.s32 @!p0 s3, s7;
	s7 =	simm.s32 @!p0 $0x108  }
0x21: {  	s3 =	sadd.s32 s3, s9;
	s6 =	sadd.s32 @!p0 $0x88, s6;
	s7 =	simm.s32 @p2 $0x1082  }
0x22: {  	[simem:s7], [sflag:s8] =	dma.local @!p0 [hbm:s6], $0xF7A  }
0x23: {  	s9 =	sor.u32 $0xD0000000, s2;
	s6 =	simm.s32 $0x108;
	_ =	swait.ge @!p0 [sflag:s8], $0x0  }
0x24: {  	s3 =	sadd.s32 $0x88, s3;
	s6 =	simm.s32 @!p1 $0x1082;
	[sflag:s4] =	ssyncset.s32 $0xFFFFF086  }
0x25: {  	[simem:s6], [sflag:s4] =	dma.local [hbm:s3], $0xF7A  }
0x26: {  	[smem:$0x3F99] =	sst s1;
	(tag) =	ssettag s2;
	_ =	strace s9  }
0x27: {  	s1 =	sld [smem:$0x3FA9]  }
0x28: {  	s2 =	sld [smem:$0x3FAA]  }
0x29: {  	s4 =	sld [smem:$0x3FAC]  }
0x2a: {  	p0 =	seq.s32 s5, $0x0;
	s5 =	sld [smem:$0x3FAD]  }
0x2b: {  	s6 =	sld [smem:$0x3FAE]  }
0x2c: {  	s7 =	sld [smem:$0x3FAF]  }
0x2d: {  	s3 =	simm.s32 $0x108;
	s8 =	sld [smem:$0x3FB0]  }
0x2e: {  	s3 =	simm.s32 @!p0 $0x1082;
	s9 =	sld [smem:$0x3FB1]  }
0x2f: {  	lr =	sadd.s32 s0, s3;
	s0 =	sld [smem:$0x3FA8]  }
0x30: {  	s3 =	sld [smem:$0x3FAB]  }
0x31: {  	[smem:$0x3FB4] =	sst s10  }
0x32: {  	s10 =	sld [smem:$0x3FB2];
	_ =	sdelay $0x3  }
0x33: {  	p0 =	seq.s32 s10, $0x1;
	s10 =	sld [smem:$0x3FB4];
	_ =	sdelay $0x3  }
0x34: {  	[smem:$0x3FB4] =	sst s10  }
0x35: {  	s10 =	sld [smem:$0x3FB3];
	_ =	sdelay $0x3  }
0x36: {  	p1 =	seq.s32 s10, $0x1;
	s10 =	sld [smem:$0x3FB4];
	_ =	sdelay $0x3  }
0x37: {  	[smem:$0x3FB4] =	sst s10  }
0x38: {  	s10 =	sld [smem:$0x3FB5]  }
0x39: {  	_ = 	snop;
	(pc) =	sbr.ind lr, $3  }
0x3a: {  	_ = 	snop  }
0x3b: {  	_ = 	snop  }
0x3c: {  	p2 =	seq.s32 s10, $0x1;
	s10 =	sld [smem:$0x3FB4]  }
0x3d: {  	_ =	shalt  }
0x3e: {  	_ =	shalt  }
0x3f: {  	_ =	shalt  }
0x40: {  	_ =	shalt  }
0x41: {  	_ =	shalt  }
0x42: {  	_ =	shalt  }
0x43: {  	_ =	shalt  }
0x44: {  	_ =	shalt  }
0x45: {  	_ =	shalt  }
0x46: {  	_ =	shalt  }
0x47: {  	_ =	shalt  }
0x48: {  	_ =	shalt  }
0x49: {  	_ =	shalt  }
0x4a: {  	_ =	shalt  }
0x4b: {  	_ =	shalt  }
0x4c: {  	_ =	shalt  }
0x4d: {  	_ =	shalt  }
0x4e: {  	_ =	shalt  }
0x4f: {  	_ =	shalt  }
0x50: {  	_ =	shalt  }
0x51: {  	_ =	shalt  }
0x52: {  	_ =	shalt  }
0x53: {  	_ =	shalt  }
0x54: {  	_ =	shalt  }
0x55: {  	_ =	shalt  }
0x56: {  	_ =	shalt  }
0x57: {  	_ =	shalt  }
0x58: {  	_ =	shalt  }
0x59: {  	_ =	shalt  }
0x5a: {  	_ =	shalt  }
0x5b: {  	_ =	shalt  }
0x5c: {  	_ =	shalt  }
0x5d: {  	_ =	shalt  }
0x5e: {  	_ =	shalt  }
0x5f: {  	_ =	shalt  }
0x60: {  	_ =	shalt  }
0x61: {  	_ =	shalt  }
0x62: {  	_ =	shalt  }
0x63: {  	_ =	shalt  }
0x64: {  	_ =	shalt  }
0x65: {  	_ =	shalt  }
0x66: {  	_ =	shalt  }
0x67: {  	_ =	shalt  }
0x68: {  	_ =	shalt  }
0x69: {  	_ =	shalt  }
0x6a: {  	_ =	shalt  }
0x6b: {  	_ =	shalt  }
0x6c: {  	_ =	shalt  }
0x6d: {  	_ =	shalt  }
0x6e: {  	_ =	shalt  }
0x6f: {  	_ =	shalt  }
0x70: {  	_ =	shalt  }
0x71: {  	_ =	shalt  }
0x72: {  	_ =	shalt  }
0x73: {  	_ =	shalt  }
0x74: {  	_ =	shalt  }
0x75: {  	_ =	shalt  }
0x76: {  	_ =	shalt  }
0x77: {  	_ =	shalt  }
0x78: {  	_ =	shalt  }
0x79: {  	_ =	shalt  }
0x7a: {  	_ =	shalt  }
0x7b: {  	_ =	shalt  }
0x7c: {  	_ =	shalt  }
0x7d: {  	_ =	shalt  }
0x7e: {  	_ =	shalt  }
0x7f: {  	_ =	shalt  }
0x80: {  	_ =	shalt  }
0x81: {  	_ =	shalt  }
0x82: {  	_ =	shalt  }
0x83: {  	_ =	shalt  }
0x84: {  	_ =	shalt  }
0x85: {  	_ =	shalt  }
0x86: {  	_ =	shalt  }
0x87: {  	_ =	shalt  }
.Lfunc_end0:
.L_simem_size_0:
called_computation.2_lowered:
.L_overlay_start_0:
0x88: {  	s2 =	sld [smem:$0x3FD9]  }
0x89: {  	s3 =	sld [smem:$0x3FFE];
	_ =	sdelay $0x1  }
0x8a: {  	s1 =	srdreg.scid  }
0x8b: {  	s0 =	sand.u32 $0x1, s1  }
0x8c: {  	s16 =	sshll.u32 s0, $0xA;
	s2 =	sadd.s32 s3, s2  }
0x8d: {  	s2 =	sadd.s32 s2, s16  }
0x8e: {  	[smem:$0x3FC0] =	sst s2  }
0x8f: {  	_ = 	snop  }
0x90: {  	(tm) =	ssettm $0x1  }
0x91: {  	s17 =	sld [smem:$0x3FFB];
	_ =	sdelay $0x3  }
0x92: {  	_ =	strace s17  }
0x93: {  	s2 =	sld [smem:$0x3FFC];
	_ =	sdelay $0x3  }
0x94: {  	_ =	strace s2  }
0x95: {  	s2 =	sld [smem:$0x3FFD];
	_ =	sdelay $0x3  }
0x96: {  	_ =	strace s2  }
0x97: {  	_ =	strace $0x8FFFFFFF  }
0x98: {  	s18 =	sld [smem:$0x3FDB];
	_ =	sdelay $0x1  }
0x99: {  	s19 =	simm.s32 $_scs_section_size  }
0x9a: {  	s4 =	simm.s32 $_size__tile_overlayer_lowered;
	s5 =	simm.s32 $_tile_overlayer_lowered  }
0x9b: {  	s22 =	simm.s32 $0x1BFF;
	s21 =	sshll.u32 s5, $0x1;
	s2 =	sadd.s32 s19, s18  }
0x9c: {  	s6 =	simm.s32 $0x0;
	s20 =	sshll.u32 s4, $0x1;
	s4 =	sadd.s32 s21, s2  }
0x9d: {  	[timem:s6], [sflag:s22] =	dma.local [hbm:s4], s20  }
0x9e: {  	_ =	swait.ge [sflag:s22], s20  }
0x9f: {  	s3 =	ssub.s32 $0x0, s20;
	[sflag:s22] =	ssyncset.done $0x0  }
0xa0: {  	[sflag:s22] =	ssyncadd.s32 s3;
	_ =	sdelay $0x1  }
0xa1: {  	s23 =	simm.s32 $0x1B8B  }
0xa2: {  	_ =	swait.ge [sflag:s23], $0x1  }
0xa3: {  	[sflag:s23] =	ssyncset.done $0x0  }
0xa4: {  	s25 =	simm.s32 $0x1B8E;
	s24 =	sld [smem:$0x3FFE];
	[sflag:s23] =	ssyncadd.s32 $0xFFFFFFFF  }
0xa5: {  	s26 =	simm.s32 $execute0_lowered;
	[smem:$0x3FD2] =	sst s25  }
0xa6: {  	s4 =	sshll.u32 s26, $0x1;
	_ =	strace $0x8000004C;
	[dreg:$0x1] =	wrdreg $0xFFFFFFFF  }
0xa7: {  	s28 =	simm.s32 $_size_execute0_lowered;
	s2 =	sadd.s32 s2, s4;
	[dreg:$0x0] =	wrdreg $0x0  }
0xa8: {  	s4 =	sshll.u32 s28, $0x1;
	[dreg:$0x2] =	wrdreg s2  }
0xa9: {  	[dreg:$0x3] =	wrdreg s4  }
0xaa: {  	[dreg:$0x4] =	wrdreg $0xC0  }
0xab: {  	_ =	task [dreg:s6], $0x5FFFF  }
0xac: {  	[dreg:$0x1] =	wrdreg $0xFFFFFFFF  }
0xad: {  	[dreg:$0x0] =	wrdreg $0x60  }
0xae: {  	[dreg:$0x2] =	wrdreg s24  }
0xaf: {  	[dreg:$0x3] =	wrdreg $0x0  }
0xb0: {  	[dreg:$0x4] =	wrdreg $0x9  }
0xb1: {  	_ =	task.clear_ibuf [dreg:s6], $0x5FFFF;
	_ =	strace $0x9000004C  }
0xb2: {  	s29 =	simm.s32 $0x9;
	_ =	strace $0x8000004E  }
0xb3: {  	_ =	swait.ge [sflag:s29], $0x1  }
0xb4: {  	[sflag:s29] =	ssyncadd.s32 $0xFFFFFFFF  }
0xb5: {  	_ =	strace $0x9000004E  }
0xb6: {  	_ =	sfence  }
0xb7: {  	s30 =	sld [smem:$0x0];
	_ =	sdelay $0x2  }
0xb8: {  	s31 =	sshll.u32 s1, $0xD;
	s1 =	sshrl.u32 s1, $0x2  }
0xb9: {  	s3 =	sand.u32 $0x4000, s31;
	s1 =	sadd.s32 s1, s30  }
0xba: {  	s0 =	sor.u32 s3, s0;
	s1 =	sshll.u32 s1, $0x11  }
0xbb: {  	s0 =	sor.u32 s1, s0  }
0xbc: {  	s0 =	sadd.s32 $0x8F2B, s0  }
0xbd: {  	[sflag:s0] =	ssyncadd.remote.s32 $0x1  }
0xbe: {  	_ =	sfence.sel $0xFFFF  }
0xbf: {  	[dreg:$0x0] =	wrdreg $0xFFFFFFFF;
	(pc) =	sbr.abs _section_cstart, $3  }
0xc0: {  	[dreg:$0x1] =	wrdreg $0xFFFFFFFF  }
0xc1: {  	_ =	task.clear_ibuf [dreg:s6], $0x2FFFF;
	_ =	strace $0x9FFFFFFF  }
0xc2: {  	(tm) =	ssettm $0x7FFFFFFF  }
0xc3: {  	_ =	shalt  }
tec
execute0_lowered:
.L_overlay_start_1:
0x0: {  	(tag) =	ssettag $0x1  }
0x1: {  	s1 =	rddreg [dreg:$0x0];
	s0 =	simm.s32 $0x0;
	s2 =	srdreg.scid  }
0x2: {  	s17 =	stileid.u32;
	[smem:$0x7FF] =	sst s0;
	s2 =	sand.u32 $0x1, s2  }
0x3: {  	s16 =	sadd.s32 $0x13800, s1;
	s18 =	smul.u32 $0x13800, s17;
	s19 =	sadd.s32 $0x3800, s1  }
0x4: {  	s14 =	sadd.s32 $0x71C00, s1;
	s15 =	sshll.u32 s17, $0xC;
	p0 =	sne.s32 s17, $0x0  }
0x5: {  	s3 =	ssub.s32 $0x2, s2;
	s20 =	sshll.u32 s2, $0xB;
	s21 =	smul.u32 $0x138800, s2  }
0x6: {  	s4 =	sshrl.u32 s3, $0x1;
	s5 =	sadd.s32 $0x3000, s18;
	s6 =	sadd.s32 $0x4800, s18  }
0x7: {  	s7 =	sadd.s32 $0x6000, s18;
	s8 =	sadd.s32 $0x7800, s18;
	s9 =	sadd.s32 $0x9000, s18  }
0x8: {  	s10 =	sadd.s32 $0xA800, s18;
	s11 =	sadd.s32 $0xC000, s18;
	s12 =	sadd.s32 $0xD800, s18  }
0x9: {  	s13 =	sadd.s32 $0xF000, s18;
	s20 =	sor.u32 s20, s15;
	s15 =	sadd.s32 $0x10800, s18  }
0xa: {  	s2 =	sadd.s32 $0x12000, s18;
	s4 =	ssub.s32 s3, s4;
	s22 =	sadd.s32 s16, s20  }
0xb: {  	s3 =	sadd.s32 $0x1800, s18;
	s24 =	sadd.s32 s19, s20;
	[dreg:$0x3] =	wrdreg s22  }
0xc: {  	s20 =	sor.u32 $0x400, s20;
	s18 =	sadd.s32 s18, s21;
	[dreg:$0x4] =	wrdreg s24  }
0xd: {  	s16 =	sadd.s32 s16, s20;
	s25 =	sadd.s32 s19, s20;
	s26 =	sshrl.u32 s18, $0x3  }
0xe: {  	s18 =	sadd.s32 s21, s3;
	s19 =	sadd.s32 s21, s5;
	s20 =	sadd.s32 s21, s6  }
0xf: {  	s24 =	sadd.s32 s21, s7;
	s4 =	smax.u32 s4, $0x1;
	[dreg:$0x5] =	wrdreg s16  }
0x10: {  	[dreg:$0x6] =	wrdreg s25;
	s16 =	sadd.s32 s14, s26;
	s23 =	sshrl.u32 s20, $0x3  }
0x11: {  	s25 =	sadd.s32 s21, s8;
	[dreg:$0x7] =	wrdreg s16;
	s16 =	sshrl.u32 s18, $0x3  }
0x12: {  	s26 =	sadd.s32 s21, s9;
	s18 =	sshrl.u32 s19, $0x3;
	s16 =	sadd.s32 s14, s16  }
0x13: {  	s19 =	sadd.s32 s21, s13;
	s22 =	sadd.s32 s14, s18;
	[dreg:$0x8] =	wrdreg s16  }
0x14: {  	s18 =	sshrl.u32 s25, $0x3;
	s25 =	sadd.s32 s21, s12;
	[dreg:$0x9] =	wrdreg s22  }
0x15: {  	s16 =	sadd.s32 s14, s23;
	s20 =	sadd.s32 s14, s18;
	s22 =	sshrl.u32 s26, $0x3  }
0x16: {  	s23 =	sadd.s32 s21, s10;
	[dreg:$0xa] =	wrdreg s16;
	s16 =	sshrl.u32 s24, $0x3  }
0x17: {  	[dreg:$0xc] =	wrdreg s20;
	s24 =	sadd.s32 s21, s11;
	s16 =	sadd.s32 s14, s16  }
0x18: {  	s20 =	sadd.s32 s21, s15;
	s18 =	sshrl.u32 s24, $0x3;
	[dreg:$0xb] =	wrdreg s16  }
0x19: {  	s16 =	sadd.s32 s14, s22;
	s26 =	sadd.s32 s14, s18;
	s18 =	sshrl.u32 s25, $0x3  }
0x1a: {  	s22 =	sadd.s32 s21, s2;
	[dreg:$0xd] =	wrdreg s16;
	s16 =	sshrl.u32 s23, $0x3  }
0x1b: {  	[dreg:$0xf] =	wrdreg s26;
	s26 =	smul.u32 $0x4E000, s17;
	s16 =	sadd.s32 s14, s16  }
0x1c: {  	s25 =	sshrl.u32 s21, $0x3;
	s24 =	sshrl.u32 s22, $0x3;
	[dreg:$0xe] =	wrdreg s16  }
0x1d: {  	s16 =	sadd.s32 s14, s18;
	s18 =	sshrl.u32 s20, $0x3;
	s17 =	sshrl.u32 s26, $0x2  }
0x1e: {  	s20 =	sadd.s32 $0x23800, s1;
	[dreg:$0x10] =	wrdreg s16;
	s16 =	sshrl.u32 s19, $0x3  }
0x1f: {  	s23 =	sadd.s32 s14, s18;
	s18 =	rddreg [dreg:$0x1];
	s16 =	sadd.s32 s14, s16  }
0x20: {  	[dreg:$0x12] =	wrdreg s23;
	s21 =	sadd.s32 s17, s18;
	s22 =	sadd.s32 s3, s18  }
0x21: {  	s23 =	sadd.s32 s5, s18;
	s26 =	sadd.s32 s8, s18;
	s28 =	sadd.s32 s9, s18  }
0x22: {  	s29 =	sadd.s32 s10, s18;
	s30 =	sadd.s32 s11, s18;
	s31 =	sadd.s32 s12, s18  }
0x23: {  	s17 =	sadd.s32 s13, s18;
	s1 =	sadd.s32 s15, s18;
	s2 =	sadd.s32 s2, s18  }
0x24: {  	s5 =	sadd.s32 $0x138000, s18;
	s10 =	simm.s32 $0x50;
	s11 =	simm.s32 $0x178C0  }
0x25: {  	s12 =	simm.s32 $0x1A0C0;
	s13 =	simm.s32 $0x1;
	s15 =	simm.s32 $0x0  }
0x26: {  	[dreg:$0x11] =	wrdreg s16;
	s16 =	sadd.s32 s14, s24;
	s14 =	sadd.s32 s14, s25  }
0x27: {  	s24 =	sadd.s32 s6, s18;
	s25 =	sadd.s32 s7, s18;
	s6 =	simm.s32 $0x1C8C0  }
0x28: {  	s7 =	simm.s32 $0x3;
	[dreg:$0x13] =	wrdreg s16;
	s19 =	sadd.s32 $0x27000, s14  }
0x29: {  	v0 =	vimm.f32 $0.0e+00;
	s14 =	simm.s32 $0x2;
	_ =	strace $0x8000004D;
	[dreg:$0x14] =	wrdreg s19  }
.LBB2_1:
0x2a: {  	s16 =	simm.s32 $0x0;
	s19 =	simm.s32 $0x200  }
.LBB2_2:
0x2b: {  	p1 =	sne.s32 s19, $0x5E00;
	[tilespmem:s16+$0x1C930] =	vst v0  }
0x2c: {  	[tilespmem:s16+$0x1C8C0] =	vst v0  }
0x2d: {  	[tilespmem:s16+$0x1C8D0] =	vst v0  }
.Ltmp0:
0x2e: {  	[tilespmem:s16+$0x1C8E0] =	vst v0;
	(pc) =	sbr.rel @p1 .LBB2_2-.Ltmp0, $4  }
0x2f: {  	[tilespmem:s16+$0x1C8F0] =	vst v0  }
0x30: {  	[tilespmem:s16+$0x1C900] =	vst v0  }
0x31: {  	[tilespmem:s16+$0x1C910] =	vst v0  }
0x32: {  	[tilespmem:s16+$0x1C920] =	vst v0;
	s16 =	sshra.s32 s19, $0x2;
	s19 =	sadd.s32 $0x200, s19  }
0x33: {  	[tilespmem:s16+$0x1C930] =	vst v0  }
0x34: {  	[tilespmem:s16+$0x1C8C0] =	vst v0  }
0x35: {  	[tilespmem:s16+$0x1C8D0] =	vst v0  }
0x36: {  	[tilespmem:s16+$0x1C8E0] =	vst v0  }
0x37: {  	[tilespmem:s16+$0x1C8F0] =	vst v0  }
0x38: {  	[tilespmem:s16+$0x1C900] =	vst v0  }
0x39: {  	[tilespmem:s16+$0x1C910] =	vst v0  }
0x3a: {  	[tilespmem:s16+$0x1C920] =	vst v0  }
0x3b: {  	[spmem:s21] =	stream.linear.scatter [tilespmem:s6], [sflag:$0x3], $0x1800, $0x38;
	[tilespmem:$0x1E0C0] =	vst v63  }
0x3c: {  	_ =	swait.ge [sflag:s7], $0x1800  }
0x3d: {  	[sflag:s7] =	ssyncset.done $0x0  }
0x3e: {  	[sflag:s7] =	ssyncadd.s32 $0xFFFFE800  }
0x3f: {  	[spmem:s22] =	stream.linear.scatter [tilespmem:s6], [sflag:$0x3], $0x1800, $0x38;
	[tilespmem:$0x1E0C0] =	vst v63  }
0x40: {  	_ =	swait.ge [sflag:s7], $0x1800  }
0x41: {  	[sflag:s7] =	ssyncset.done $0x0  }
0x42: {  	[sflag:s7] =	ssyncadd.s32 $0xFFFFE800  }
0x43: {  	[spmem:s23] =	stream.linear.scatter [tilespmem:s6], [sflag:$0x3], $0x1800, $0x38;
	[tilespmem:$0x1E0C0] =	vst v63  }
0x44: {  	_ =	swait.ge [sflag:s7], $0x1800  }
0x45: {  	[sflag:s7] =	ssyncset.done $0x0  }
0x46: {  	[sflag:s7] =	ssyncadd.s32 $0xFFFFE800  }
0x47: {  	[spmem:s24] =	stream.linear.scatter [tilespmem:s6], [sflag:$0x3], $0x1800, $0x38;
	[tilespmem:$0x1E0C0] =	vst v63  }
0x48: {  	_ =	swait.ge [sflag:s7], $0x1800  }
0x49: {  	[sflag:s7] =	ssyncset.done $0x0  }
0x4a: {  	[sflag:s7] =	ssyncadd.s32 $0xFFFFE800  }
0x4b: {  	[spmem:s25] =	stream.linear.scatter [tilespmem:s6], [sflag:$0x3], $0x1800, $0x38;
	[tilespmem:$0x1E0C0] =	vst v63  }
0x4c: {  	_ =	swait.ge [sflag:s7], $0x1800  }
0x4d: {  	[sflag:s7] =	ssyncset.done $0x0  }
0x4e: {  	[sflag:s7] =	ssyncadd.s32 $0xFFFFE800  }
0x4f: {  	[spmem:s26] =	stream.linear.scatter [tilespmem:s6], [sflag:$0x3], $0x1800, $0x38;
	[tilespmem:$0x1E0C0] =	vst v63  }
0x50: {  	_ =	swait.ge [sflag:s7], $0x1800  }
0x51: {  	[sflag:s7] =	ssyncset.done $0x0  }
0x52: {  	[sflag:s7] =	ssyncadd.s32 $0xFFFFE800  }
0x53: {  	[spmem:s28] =	stream.linear.scatter [tilespmem:s6], [sflag:$0x3], $0x1800, $0x38;
	[tilespmem:$0x1E0C0] =	vst v63  }
0x54: {  	_ =	swait.ge [sflag:s7], $0x1800  }
0x55: {  	[sflag:s7] =	ssyncset.done $0x0  }
0x56: {  	[sflag:s7] =	ssyncadd.s32 $0xFFFFE800  }
0x57: {  	[spmem:s29] =	stream.linear.scatter [tilespmem:s6], [sflag:$0x3], $0x1800, $0x38;
	[tilespmem:$0x1E0C0] =	vst v63  }
0x58: {  	_ =	swait.ge [sflag:s7], $0x1800  }
0x59: {  	[sflag:s7] =	ssyncset.done $0x0  }
0x5a: {  	[sflag:s7] =	ssyncadd.s32 $0xFFFFE800  }
0x5b: {  	[spmem:s30] =	stream.linear.scatter [tilespmem:s6], [sflag:$0x3], $0x1800, $0x38;
	[tilespmem:$0x1E0C0] =	vst v63  }
0x5c: {  	_ =	swait.ge [sflag:s7], $0x1800  }
0x5d: {  	[sflag:s7] =	ssyncset.done $0x0  }
0x5e: {  	[sflag:s7] =	ssyncadd.s32 $0xFFFFE800  }
0x5f: {  	[spmem:s31] =	stream.linear.scatter [tilespmem:s6], [sflag:$0x3], $0x1800, $0x38;
	[tilespmem:$0x1E0C0] =	vst v63  }
0x60: {  	_ =	swait.ge [sflag:s7], $0x1800  }
0x61: {  	[sflag:s7] =	ssyncset.done $0x0  }
0x62: {  	[sflag:s7] =	ssyncadd.s32 $0xFFFFE800  }
0x63: {  	[spmem:s17] =	stream.linear.scatter [tilespmem:s6], [sflag:$0x3], $0x1800, $0x38;
	[tilespmem:$0x1E0C0] =	vst v63  }
0x64: {  	_ =	swait.ge [sflag:s7], $0x1800  }
0x65: {  	[sflag:s7] =	ssyncset.done $0x0  }
0x66: {  	[sflag:s7] =	ssyncadd.s32 $0xFFFFE800  }
0x67: {  	[spmem:s1] =	stream.linear.scatter [tilespmem:s6], [sflag:$0x3], $0x1800, $0x38;
	[tilespmem:$0x1E0C0] =	vst v63  }
0x68: {  	_ =	swait.ge [sflag:s7], $0x1800  }
0x69: {  	[sflag:s7] =	ssyncset.done $0x0  }
0x6a: {  	[sflag:s7] =	ssyncadd.s32 $0xFFFFE800  }
0x6b: {  	[spmem:s2] =	stream.linear.scatter [tilespmem:s6], [sflag:$0x3], $0x1800, $0x38;
	[tilespmem:$0x1E0C0] =	vst v63  }
0x6c: {  	_ =	swait.ge [sflag:s7], $0x1800  }
0x6d: {  	[sflag:s7] =	ssyncset.done $0x0  }
0x6e: {  	s16 =	simm.s32 @!p0 $0x1C8C0;
	[sflag:s7] =	ssyncadd.s32 $0xFFFFE800  }
0x6f: {  	[spmem:s5] =	stream.linear.scatter @!p0 [tilespmem:s16], [sflag:$0x3], $0x800, $0x38;
	[tilespmem:$0x1E0C0] =	vst v63  }
0x70: {  	s16 =	simm.s32 @!p0 $0x3  }
0x71: {  	_ =	swait.ge @!p0 [sflag:s16], $0x800  }
0x72: {  	[sflag:s16] =	ssyncset.done @!p0 $0x0  }
0x73: {  	[sflag:s16] =	ssyncadd.s32 @!p0 $0xFFFFF800  }
0x74: {  	[bflag:$0x0] =	sbarrier.arrive $0xFFFF  }
0x75: {  	s8 =	simm.s32 $0x138C0;
	s16 =	simm.s32 $0x0;
	s3 =	rddreg [dreg:$0x3]  }
0x76: {  	[tilespmem:s8], [sflag:$0x3] =	stream.linear.gather [hbm4b:s3+s16], $0x2000, $0x38;
	[tilespmem:$0x1E0C0] =	vst v63  }
0x77: {  	_ =	swait.ge [sflag:s7], $0x2000  }
0x78: {  	[sflag:s7] =	ssyncset.done $0x0  }
0x79: {  	s19 =	simm.s32 $0x158C0;
	s9 =	rddreg [dreg:$0x4];
	[sflag:s7] =	ssyncadd.s32 $0xFFFFE000  }
0x7a: {  	[tilespmem:s19], [sflag:$0x3] =	stream.linear.gather [hbm4b:s9+s16], $0x2000, $0x38;
	[tilespmem:$0x1E0C0] =	vst v63  }
0x7b: {  	_ =	swait.ge [sflag:s7], $0x2000  }
0x7c: {  	[sflag:s7] =	ssyncset.done $0x0  }
0x7d: {  	s3 =	simm.s32 $0x138C0;
	[sflag:s7] =	ssyncadd.s32 $0xFFFFE000  }
0x7e: {  	[tilespmem:s11], [sflag:$0x1] =	stream.indirect.gather [hbm4b:s20+s10], $0x80, s3, s10, $0xb8;
	[tilespmem:$0x1E0C0] =	vst v63  }
0x7f: {  	s8 =	simm.s32 $0x13940  }
0x80: {  	[tilespmem:s12], [sflag:$0x2] =	stream.indirect.gather [hbm4b:s20+s10], $0x80, s8, s10, $0xb8;
	[tilespmem:$0x1E0C0] =	vst v63  }
0x81: {  	_ =	swait.ge [sflag:s13], $0x2800  }
0x82: {  	[sflag:s13] =	ssyncset.done $0x0  }
0x83: {  	s9 =	simm.s32 $0x158C0;
	[sflag:s13] =	ssyncadd.s32 $0xFFFFD800  }
0x84: {  	[spmem:s18] =	stream.indirect.scatter.add.f32 [tilespmem:s11], [sflag:$0x3], $0x80, s9, s10, $0xb8;
	[tilespmem:$0x1E0C0] =	vst v63  }
0x85: {  	_ =	swait.ge [sflag:s7], $0x2800  }
0x86: {  	[sflag:s7] =	ssyncset.done $0x0  }
0x87: {  	[sflag:s7] =	ssyncadd.s32 $0xFFFFD800  }
0x88: {  	_ =	swait.ge [sflag:s14], $0x2800  }
0x89: {  	[sflag:s14] =	ssyncset.done $0x0  }
0x8a: {  	s19 =	simm.s32 $0x15940;
	[sflag:s14] =	ssyncadd.s32 $0xFFFFD800  }
0x8b: {  	[spmem:s18] =	stream.indirect.scatter.add.f32 [tilespmem:s12], [sflag:$0x3], $0x80, s19, s10, $0xb8;
	[tilespmem:$0x1E0C0] =	vst v63  }
0x8c: {  	_ =	swait.ge [sflag:s7], $0x2800  }
0x8d: {  	s16 =	simm.s32 $0x100;
	s19 =	simm.s32 $0x800;
	[sflag:s7] =	ssyncset.done $0x0  }
.LBB2_4:
0x8e: {  	s8 =	sadd.s32 $0x138C0, s16  }
0x8f: {  	[sflag:s7] =	ssyncadd.s32 $0xFFFFD800;
	s9 =	smov.u32 s19;
	s3 =	sadd.s32 $0x400, s19  }
0x90: {  	[tilespmem:s11], [sflag:$0x1] =	stream.indirect.gather [hbm4b:s20+s10], $0x80, s8, s10, $0xb8;
	[tilespmem:$0x1E0C0] =	vst v63  }
0x91: {  	p1 =	sne.s32 s19, $0x7C00;
	s8 =	sadd.s32 $0x13940, s16  }
0x92: {  	[tilespmem:s12], [sflag:$0x2] =	stream.indirect.gather [hbm4b:s20+s10], $0x80, s8, s10, $0xb8;
	[tilespmem:$0x1E0C0] =	vst v63  }
0x93: {  	_ =	swait.ge [sflag:s13], $0x2800  }
0x94: {  	[sflag:s13] =	ssyncset.done $0x0  }
0x95: {  	s8 =	sadd.s32 $0x158C0, s16;
	[sflag:s13] =	ssyncadd.s32 $0xFFFFD800  }
0x96: {  	[spmem:s18] =	stream.indirect.scatter.add.f32 [tilespmem:s11], [sflag:$0x3], $0x80, s8, s10, $0xb8;
	[tilespmem:$0x1E0C0] =	vst v63  }
0x97: {  	_ =	swait.ge [sflag:s7], $0x2800  }
0x98: {  	[sflag:s7] =	ssyncset.done $0x0  }
0x99: {  	[sflag:s7] =	ssyncadd.s32 $0xFFFFD800  }
0x9a: {  	_ =	swait.ge [sflag:s14], $0x2800  }
.Ltmp1:
0x9b: {  	[sflag:s14] =	ssyncset.done $0x0;
	(pc) =	sbr.rel @p1 .LBB2_4-.Ltmp1, $4  }
0x9c: {  	s8 =	sadd.s32 $0x15940, s16;
	[sflag:s14] =	ssyncadd.s32 $0xFFFFD800  }
0x9d: {  	[spmem:s18] =	stream.indirect.scatter.add.f32 [tilespmem:s12], [sflag:$0x3], $0x80, s8, s10, $0xb8;
	[tilespmem:$0x1E0C0] =	vst v63  }
0x9e: {  	_ =	swait.ge [sflag:s7], $0x2800  }
0x9f: {  	s19 =	smov.u32 s3;
	s16 =	sshra.s32 s9, $0x2;
	[sflag:s7] =	ssyncset.done $0x0  }
0xa0: {  	s3 =	sadd.s32 $0x138C0, s16;
	[sflag:s7] =	ssyncadd.s32 $0xFFFFD800  }
0xa1: {  	[tilespmem:s11], [sflag:$0x1] =	stream.indirect.gather [hbm4b:s20+s10], $0x80, s3, s10, $0xb8;
	[tilespmem:$0x1E0C0] =	vst v63  }
0xa2: {  	s19 =	sadd.s32 $0x13940, s16  }
0xa3: {  	[tilespmem:s12], [sflag:$0x2] =	stream.indirect.gather [hbm4b:s20+s10], $0x80, s19, s10, $0xb8;
	[tilespmem:$0x1E0C0] =	vst v63  }
0xa4: {  	_ =	swait.ge [sflag:s13], $0x2800  }
0xa5: {  	[sflag:s13] =	ssyncset.done $0x0  }
0xa6: {  	s8 =	sadd.s32 $0x158C0, s16;
	[sflag:s13] =	ssyncadd.s32 $0xFFFFD800  }
0xa7: {  	[spmem:s18] =	stream.indirect.scatter.add.f32 [tilespmem:s11], [sflag:$0x3], $0x80, s8, s10, $0xb8;
	[tilespmem:$0x1E0C0] =	vst v63  }
0xa8: {  	_ =	swait.ge [sflag:s7], $0x2800  }
0xa9: {  	[sflag:s7] =	ssyncset.done $0x0  }
0xaa: {  	[sflag:s7] =	ssyncadd.s32 $0xFFFFD800  }
0xab: {  	_ =	swait.ge [sflag:s14], $0x2800  }
0xac: {  	[sflag:s14] =	ssyncset.done $0x0  }
0xad: {  	s9 =	sadd.s32 $0x15940, s16;
	[sflag:s14] =	ssyncadd.s32 $0xFFFFD800  }
0xae: {  	[spmem:s18] =	stream.indirect.scatter.add.f32 [tilespmem:s12], [sflag:$0x3], $0x80, s9, s10, $0xb8;
	[tilespmem:$0x1E0C0] =	vst v63  }
0xaf: {  	_ =	swait.ge [sflag:s7], $0x2800  }
0xb0: {  	s3 =	simm.s32 $0x0;
	[sflag:s7] =	ssyncset.done $0x0  }
0xb1: {  	s9 =	simm.s32 $0x138C0;
	s8 =	rddreg [dreg:$0x5];
	[sflag:s7] =	ssyncadd.s32 $0xFFFFD800  }
0xb2: {  	[tilespmem:s9], [sflag:$0x3] =	stream.linear.gather [hbm4b:s8+s3], $0x2000, $0x38;
	[tilespmem:$0x1E0C0] =	vst v63  }
0xb3: {  	_ =	swait.ge [sflag:s7], $0x2000  }
0xb4: {  	[sflag:s7] =	ssyncset.done $0x0  }
0xb5: {  	s19 =	simm.s32 $0x158C0;
	s16 =	rddreg [dreg:$0x6];
	[sflag:s7] =	ssyncadd.s32 $0xFFFFE000  }
0xb6: {  	[tilespmem:s19], [sflag:$0x3] =	stream.linear.gather [hbm4b:s16+s3], $0x2000, $0x38;
	[tilespmem:$0x1E0C0] =	vst v63  }
0xb7: {  	_ =	swait.ge [sflag:s7], $0x2000  }
0xb8: {  	[sflag:s7] =	ssyncset.done $0x0  }
0xb9: {  	s8 =	simm.s32 $0x138C0;
	[sflag:s7] =	ssyncadd.s32 $0xFFFFE000  }
0xba: {  	[tilespmem:s11], [sflag:$0x1] =	stream.indirect.gather [hbm4b:s20+s10], $0x80, s8, s10, $0xb8;
	[tilespmem:$0x1E0C0] =	vst v63  }
0xbb: {  	s9 =	simm.s32 $0x13940  }
0xbc: {  	[tilespmem:s12], [sflag:$0x2] =	stream.indirect.gather [hbm4b:s20+s10], $0x80, s9, s10, $0xb8;
	[tilespmem:$0x1E0C0] =	vst v63  }
0xbd: {  	_ =	swait.ge [sflag:s13], $0x2800  }
0xbe: {  	[sflag:s13] =	ssyncset.done $0x0  }
0xbf: {  	s16 =	simm.s32 $0x158C0;
	[sflag:s13] =	ssyncadd.s32 $0xFFFFD800  }
0xc0: {  	[spmem:s18] =	stream.indirect.scatter.add.f32 [tilespmem:s11], [sflag:$0x3], $0x80, s16, s10, $0xb8;
	[tilespmem:$0x1E0C0] =	vst v63  }
0xc1: {  	_ =	swait.ge [sflag:s7], $0x2800  }
0xc2: {  	[sflag:s7] =	ssyncset.done $0x0  }
0xc3: {  	[sflag:s7] =	ssyncadd.s32 $0xFFFFD800  }
0xc4: {  	_ =	swait.ge [sflag:s14], $0x2800  }
0xc5: {  	[sflag:s14] =	ssyncset.done $0x0  }
0xc6: {  	s19 =	simm.s32 $0x15940;
	[sflag:s14] =	ssyncadd.s32 $0xFFFFD800  }
0xc7: {  	[spmem:s18] =	stream.indirect.scatter.add.f32 [tilespmem:s12], [sflag:$0x3], $0x80, s19, s10, $0xb8;
	[tilespmem:$0x1E0C0] =	vst v63  }
0xc8: {  	_ =	swait.ge [sflag:s7], $0x2800  }
0xc9: {  	s16 =	simm.s32 $0x100;
	s19 =	simm.s32 $0x800;
	[sflag:s7] =	ssyncset.done $0x0  }
.LBB2_6:
0xca: {  	s3 =	sadd.s32 $0x138C0, s16  }
0xcb: {  	[sflag:s7] =	ssyncadd.s32 $0xFFFFD800;
	s8 =	smov.u32 s19;
	s9 =	sadd.s32 $0x400, s19  }
0xcc: {  	[tilespmem:s11], [sflag:$0x1] =	stream.indirect.gather [hbm4b:s20+s10], $0x80, s3, s10, $0xb8;
	[tilespmem:$0x1E0C0] =	vst v63  }
0xcd: {  	p1 =	sne.s32 s19, $0x7C00;
	s3 =	sadd.s32 $0x13940, s16  }
0xce: {  	[tilespmem:s12], [sflag:$0x2] =	stream.indirect.gather [hbm4b:s20+s10], $0x80, s3, s10, $0xb8;
	[tilespmem:$0x1E0C0] =	vst v63  }
0xcf: {  	_ =	swait.ge [sflag:s13], $0x2800  }
0xd0: {  	[sflag:s13] =	ssyncset.done $0x0  }
0xd1: {  	s3 =	sadd.s32 $0x158C0, s16;
	[sflag:s13] =	ssyncadd.s32 $0xFFFFD800  }
0xd2: {  	[spmem:s18] =	stream.indirect.scatter.add.f32 [tilespmem:s11], [sflag:$0x3], $0x80, s3, s10, $0xb8;
	[tilespmem:$0x1E0C0] =	vst v63  }
0xd3: {  	_ =	swait.ge [sflag:s7], $0x2800  }
0xd4: {  	[sflag:s7] =	ssyncset.done $0x0  }
0xd5: {  	[sflag:s7] =	ssyncadd.s32 $0xFFFFD800  }
0xd6: {  	_ =	swait.ge [sflag:s14], $0x2800  }
.Ltmp2:
0xd7: {  	[sflag:s14] =	ssyncset.done $0x0;
	(pc) =	sbr.rel @p1 .LBB2_6-.Ltmp2, $4  }
0xd8: {  	s3 =	sadd.s32 $0x15940, s16;
	[sflag:s14] =	ssyncadd.s32 $0xFFFFD800  }
0xd9: {  	[spmem:s18] =	stream.indirect.scatter.add.f32 [tilespmem:s12], [sflag:$0x3], $0x80, s3, s10, $0xb8;
	[tilespmem:$0x1E0C0] =	vst v63  }
0xda: {  	_ =	swait.ge [sflag:s7], $0x2800  }
0xdb: {  	s19 =	smov.u32 s9;
	s16 =	sshra.s32 s8, $0x2;
	[sflag:s7] =	ssyncset.done $0x0  }
0xdc: {  	s3 =	sadd.s32 $0x138C0, s16;
	[sflag:s7] =	ssyncadd.s32 $0xFFFFD800  }
0xdd: {  	[tilespmem:s11], [sflag:$0x1] =	stream.indirect.gather [hbm4b:s20+s10], $0x80, s3, s10, $0xb8;
	[tilespmem:$0x1E0C0] =	vst v63  }
0xde: {  	s8 =	sadd.s32 $0x13940, s16  }
0xdf: {  	[tilespmem:s12], [sflag:$0x2] =	stream.indirect.gather [hbm4b:s20+s10], $0x80, s8, s10, $0xb8;
	[tilespmem:$0x1E0C0] =	vst v63  }
0xe0: {  	_ =	swait.ge [sflag:s13], $0x2800  }
0xe1: {  	[sflag:s13] =	ssyncset.done $0x0  }
0xe2: {  	s9 =	sadd.s32 $0x158C0, s16;
	[sflag:s13] =	ssyncadd.s32 $0xFFFFD800  }
0xe3: {  	[spmem:s18] =	stream.indirect.scatter.add.f32 [tilespmem:s11], [sflag:$0x3], $0x80, s9, s10, $0xb8;
	[tilespmem:$0x1E0C0] =	vst v63  }
0xe4: {  	_ =	swait.ge [sflag:s7], $0x2800  }
0xe5: {  	[sflag:s7] =	ssyncset.done $0x0  }
0xe6: {  	[sflag:s7] =	ssyncadd.s32 $0xFFFFD800  }
0xe7: {  	_ =	swait.ge [sflag:s14], $0x2800  }
0xe8: {  	[sflag:s14] =	ssyncset.done $0x0  }
0xe9: {  	s16 =	sadd.s32 $0x15940, s16;
	[sflag:s14] =	ssyncadd.s32 $0xFFFFD800  }
0xea: {  	[spmem:s18] =	stream.indirect.scatter.add.f32 [tilespmem:s12], [sflag:$0x3], $0x80, s16, s10, $0xb8;
	[tilespmem:$0x1E0C0] =	vst v63  }
0xeb: {  	_ =	swait.ge [sflag:s7], $0x2800  }
0xec: {  	[sflag:s7] =	ssyncset.done $0x0  }
0xed: {  	[sflag:s7] =	ssyncadd.s32 $0xFFFFD800  }
0xee: {  	[bflag:$0x0] =	sbarrier.arrive $0xFFFF  }
0xef: {  	[tilespmem:s6], [sflag:$0x3] =	stream.linear.gather [spmem:s21], $0x1800, $0x38;
	[tilespmem:$0x1E0C0] =	vst v63  }
0xf0: {  	_ =	swait.ge [sflag:s7], $0x1800  }
0xf1: {  	[sflag:s7] =	ssyncset.done $0x0  }
0xf2: {  	s19 =	rddreg [dreg:$0x7];
	[sflag:s7] =	ssyncadd.s32 $0xFFFFE800  }
0xf3: {  	[hbm4b:s19+s0] =	stream.linear.scatter [tilespmem:s6], [sflag:$0x3], $0x1800, $0x38;
	[tilespmem:$0x1E0C0] =	vst v63  }
0xf4: {  	_ =	swait.ge [sflag:s7], $0x1800  }
0xf5: {  	[sflag:s7] =	ssyncset.done $0x0  }
0xf6: {  	[sflag:s7] =	ssyncadd.s32 $0xFFFFE800  }
0xf7: {  	[tilespmem:s6], [sflag:$0x3] =	stream.linear.gather [spmem:s22], $0x1800, $0x38;
	[tilespmem:$0x1E0C0] =	vst v63  }
0xf8: {  	_ =	swait.ge [sflag:s7], $0x1800  }
0xf9: {  	[sflag:s7] =	ssyncset.done $0x0  }
0xfa: {  	s8 =	rddreg [dreg:$0x8];
	[sflag:s7] =	ssyncadd.s32 $0xFFFFE800  }
0xfb: {  	[hbm4b:s8+s0] =	stream.linear.scatter [tilespmem:s6], [sflag:$0x3], $0x1800, $0x38;
	[tilespmem:$0x1E0C0] =	vst v63  }
0xfc: {  	_ =	swait.ge [sflag:s7], $0x1800  }
0xfd: {  	[sflag:s7] =	ssyncset.done $0x0  }
0xfe: {  	[sflag:s7] =	ssyncadd.s32 $0xFFFFE800  }
0xff: {  	[tilespmem:s6], [sflag:$0x3] =	stream.linear.gather [spmem:s23], $0x1800, $0x38;
	[tilespmem:$0x1E0C0] =	vst v63  }
0x100: {  	_ =	swait.ge [sflag:s7], $0x1800  }
0x101: {  	[sflag:s7] =	ssyncset.done $0x0  }
0x102: {  	s9 =	rddreg [dreg:$0x9];
	[sflag:s7] =	ssyncadd.s32 $0xFFFFE800  }
0x103: {  	[hbm4b:s9+s0] =	stream.linear.scatter [tilespmem:s6], [sflag:$0x3], $0x1800, $0x38;
	[tilespmem:$0x1E0C0] =	vst v63  }
0x104: {  	_ =	swait.ge [sflag:s7], $0x1800  }
0x105: {  	[sflag:s7] =	ssyncset.done $0x0  }
0x106: {  	[sflag:s7] =	ssyncadd.s32 $0xFFFFE800  }
0x107: {  	[tilespmem:s6], [sflag:$0x3] =	stream.linear.gather [spmem:s24], $0x1800, $0x38;
	[tilespmem:$0x1E0C0] =	vst v63  }
0x108: {  	_ =	swait.ge [sflag:s7], $0x1800  }
0x109: {  	[sflag:s7] =	ssyncset.done $0x0  }
0x10a: {  	s16 =	rddreg [dreg:$0xa];
	[sflag:s7] =	ssyncadd.s32 $0xFFFFE800  }
0x10b: {  	[hbm4b:s16+s0] =	stream.linear.scatter [tilespmem:s6], [sflag:$0x3], $0x1800, $0x38;
	[tilespmem:$0x1E0C0] =	vst v63  }
0x10c: {  	_ =	swait.ge [sflag:s7], $0x1800  }
0x10d: {  	[sflag:s7] =	ssyncset.done $0x0  }
0x10e: {  	[sflag:s7] =	ssyncadd.s32 $0xFFFFE800  }
0x10f: {  	[tilespmem:s6], [sflag:$0x3] =	stream.linear.gather [spmem:s25], $0x1800, $0x38;
	[tilespmem:$0x1E0C0] =	vst v63  }
0x110: {  	_ =	swait.ge [sflag:s7], $0x1800  }
0x111: {  	[sflag:s7] =	ssyncset.done $0x0  }
0x112: {  	s19 =	rddreg [dreg:$0xb];
	[sflag:s7] =	ssyncadd.s32 $0xFFFFE800  }
0x113: {  	[hbm4b:s19+s0] =	stream.linear.scatter [tilespmem:s6], [sflag:$0x3], $0x1800, $0x38;
	[tilespmem:$0x1E0C0] =	vst v63  }
0x114: {  	_ =	swait.ge [sflag:s7], $0x1800  }
0x115: {  	[sflag:s7] =	ssyncset.done $0x0  }
0x116: {  	[sflag:s7] =	ssyncadd.s32 $0xFFFFE800  }
0x117: {  	[tilespmem:s6], [sflag:$0x3] =	stream.linear.gather [spmem:s26], $0x1800, $0x38;
	[tilespmem:$0x1E0C0] =	vst v63  }
0x118: {  	_ =	swait.ge [sflag:s7], $0x1800  }
0x119: {  	[sflag:s7] =	ssyncset.done $0x0  }
0x11a: {  	s8 =	rddreg [dreg:$0xc];
	[sflag:s7] =	ssyncadd.s32 $0xFFFFE800  }
0x11b: {  	[hbm4b:s8+s0] =	stream.linear.scatter [tilespmem:s6], [sflag:$0x3], $0x1800, $0x38;
	[tilespmem:$0x1E0C0] =	vst v63  }
0x11c: {  	_ =	swait.ge [sflag:s7], $0x1800  }
0x11d: {  	[sflag:s7] =	ssyncset.done $0x0  }
0x11e: {  	[sflag:s7] =	ssyncadd.s32 $0xFFFFE800  }
0x11f: {  	[tilespmem:s6], [sflag:$0x3] =	stream.linear.gather [spmem:s28], $0x1800, $0x38;
	[tilespmem:$0x1E0C0] =	vst v63  }
0x120: {  	_ =	swait.ge [sflag:s7], $0x1800  }
0x121: {  	[sflag:s7] =	ssyncset.done $0x0  }
0x122: {  	s9 =	rddreg [dreg:$0xd];
	[sflag:s7] =	ssyncadd.s32 $0xFFFFE800  }
0x123: {  	[hbm4b:s9+s0] =	stream.linear.scatter [tilespmem:s6], [sflag:$0x3], $0x1800, $0x38;
	[tilespmem:$0x1E0C0] =	vst v63  }
0x124: {  	_ =	swait.ge [sflag:s7], $0x1800  }
0x125: {  	[sflag:s7] =	ssyncset.done $0x0  }
0x126: {  	[sflag:s7] =	ssyncadd.s32 $0xFFFFE800  }
0x127: {  	[tilespmem:s6], [sflag:$0x3] =	stream.linear.gather [spmem:s29], $0x1800, $0x38;
	[tilespmem:$0x1E0C0] =	vst v63  }
0x128: {  	_ =	swait.ge [sflag:s7], $0x1800  }
0x129: {  	[sflag:s7] =	ssyncset.done $0x0  }
0x12a: {  	s16 =	rddreg [dreg:$0xe];
	[sflag:s7] =	ssyncadd.s32 $0xFFFFE800  }
0x12b: {  	[hbm4b:s16+s0] =	stream.linear.scatter [tilespmem:s6], [sflag:$0x3], $0x1800, $0x38;
	[tilespmem:$0x1E0C0] =	vst v63  }
0x12c: {  	_ =	swait.ge [sflag:s7], $0x1800  }
0x12d: {  	[sflag:s7] =	ssyncset.done $0x0  }
0x12e: {  	[sflag:s7] =	ssyncadd.s32 $0xFFFFE800  }
0x12f: {  	[tilespmem:s6], [sflag:$0x3] =	stream.linear.gather [spmem:s30], $0x1800, $0x38;
	[tilespmem:$0x1E0C0] =	vst v63  }
0x130: {  	_ =	swait.ge [sflag:s7], $0x1800  }
0x131: {  	[sflag:s7] =	ssyncset.done $0x0  }
0x132: {  	s19 =	rddreg [dreg:$0xf];
	[sflag:s7] =	ssyncadd.s32 $0xFFFFE800  }
0x133: {  	[hbm4b:s19+s0] =	stream.linear.scatter [tilespmem:s6], [sflag:$0x3], $0x1800, $0x38;
	[tilespmem:$0x1E0C0] =	vst v63  }
0x134: {  	_ =	swait.ge [sflag:s7], $0x1800  }
0x135: {  	[sflag:s7] =	ssyncset.done $0x0  }
0x136: {  	[sflag:s7] =	ssyncadd.s32 $0xFFFFE800  }
0x137: {  	[tilespmem:s6], [sflag:$0x3] =	stream.linear.gather [spmem:s31], $0x1800, $0x38;
	[tilespmem:$0x1E0C0] =	vst v63  }
0x138: {  	_ =	swait.ge [sflag:s7], $0x1800  }
0x139: {  	[sflag:s7] =	ssyncset.done $0x0  }
0x13a: {  	s8 =	rddreg [dreg:$0x10];
	[sflag:s7] =	ssyncadd.s32 $0xFFFFE800  }
0x13b: {  	[hbm4b:s8+s0] =	stream.linear.scatter [tilespmem:s6], [sflag:$0x3], $0x1800, $0x38;
	[tilespmem:$0x1E0C0] =	vst v63  }
0x13c: {  	_ =	swait.ge [sflag:s7], $0x1800  }
0x13d: {  	[sflag:s7] =	ssyncset.done $0x0  }
0x13e: {  	[sflag:s7] =	ssyncadd.s32 $0xFFFFE800  }
0x13f: {  	[tilespmem:s6], [sflag:$0x3] =	stream.linear.gather [spmem:s17], $0x1800, $0x38;
	[tilespmem:$0x1E0C0] =	vst v63  }
0x140: {  	_ =	swait.ge [sflag:s7], $0x1800  }
0x141: {  	[sflag:s7] =	ssyncset.done $0x0  }
0x142: {  	s9 =	rddreg [dreg:$0x11];
	[sflag:s7] =	ssyncadd.s32 $0xFFFFE800  }
0x143: {  	[hbm4b:s9+s0] =	stream.linear.scatter [tilespmem:s6], [sflag:$0x3], $0x1800, $0x38;
	[tilespmem:$0x1E0C0] =	vst v63  }
0x144: {  	_ =	swait.ge [sflag:s7], $0x1800  }
0x145: {  	[sflag:s7] =	ssyncset.done $0x0  }
0x146: {  	[sflag:s7] =	ssyncadd.s32 $0xFFFFE800  }
0x147: {  	[tilespmem:s6], [sflag:$0x3] =	stream.linear.gather [spmem:s1], $0x1800, $0x38;
	[tilespmem:$0x1E0C0] =	vst v63  }
0x148: {  	_ =	swait.ge [sflag:s7], $0x1800  }
0x149: {  	[sflag:s7] =	ssyncset.done $0x0  }
0x14a: {  	s16 =	rddreg [dreg:$0x12];
	[sflag:s7] =	ssyncadd.s32 $0xFFFFE800  }
0x14b: {  	[hbm4b:s16+s0] =	stream.linear.scatter [tilespmem:s6], [sflag:$0x3], $0x1800, $0x38;
	[tilespmem:$0x1E0C0] =	vst v63  }
0x14c: {  	_ =	swait.ge [sflag:s7], $0x1800  }
0x14d: {  	[sflag:s7] =	ssyncset.done $0x0  }
0x14e: {  	[sflag:s7] =	ssyncadd.s32 $0xFFFFE800  }
0x14f: {  	[tilespmem:s6], [sflag:$0x3] =	stream.linear.gather [spmem:s2], $0x1800, $0x38;
	[tilespmem:$0x1E0C0] =	vst v63  }
0x150: {  	_ =	swait.ge [sflag:s7], $0x1800  }
0x151: {  	[sflag:s7] =	ssyncset.done $0x0  }
0x152: {  	s19 =	rddreg [dreg:$0x13];
	[sflag:s7] =	ssyncadd.s32 $0xFFFFE800  }
0x153: {  	[hbm4b:s19+s0] =	stream.linear.scatter [tilespmem:s6], [sflag:$0x3], $0x1800, $0x38;
	[tilespmem:$0x1E0C0] =	vst v63  }
0x154: {  	_ =	swait.ge [sflag:s7], $0x1800  }
0x155: {  	[sflag:s7] =	ssyncset.done $0x0  }
0x156: {  	s3 =	simm.s32 @!p0 $0x1C8C0;
	s8 =	simm.s32 @!p0 $0x3;
	[sflag:s7] =	ssyncadd.s32 $0xFFFFE800  }
0x157: {  	[tilespmem:s3], [sflag:$0x3] =	stream.linear.gather @!p0 [spmem:s5], $0x800, $0x38;
	[tilespmem:$0x1E0C0] =	vst v63  }
0x158: {  	s15 =	sadd.s32 $0x1, s15;
	_ =	swait.ge @!p0 [sflag:s8], $0x800  }
0x159: {  	p1 =	sne.s32 s15, s4;
	s9 =	simm.s32 @!p0 $0x0;
	[sflag:s8] =	ssyncset.done @!p0 $0x0  }
.Ltmp3:
0x15a: {  	s16 =	rddreg [dreg:$0x14];
	[sflag:s8] =	ssyncadd.s32 @!p0 $0xFFFFF800;
	(pc) =	sbr.rel @p1 .LBB2_1-.Ltmp3, $4  }
0x15b: {  	[hbm4b:s16+s9] =	stream.linear.scatter @!p0 [tilespmem:s3], [sflag:$0x3], $0x800, $0x38;
	[tilespmem:$0x1E0C0] =	vst v63  }
0x15c: {  	_ =	swait.ge @!p0 [sflag:s8], $0x800  }
0x15d: {  	[sflag:s8] =	ssyncset.done @!p0 $0x0  }
0x15e: {  	[sflag:s8] =	ssyncadd.s32 @!p0 $0xFFFFF800  }
0x15f: {  	_ =	sfence.sel $0x180000  }
0x160: {  	[bflag:$0x0] =	sbarrier.arrive $0xFFFF  }
0x161: {  	_ =	strace $0x9000004D  }
0x162: {  	[bflag:$0x2] =	sbarrier.arrive $0xFFFF  }
0x163: {  	s0 =	rddreg [dreg:$0x2]  }
0x164: {  	s0 =	sadd.s32 @!p0 $0x100000, s0  }
0x165: {  	[sflag:s0] =	ssyncadd.tile.s32 @!p0 $0x1;
	_ =	shalt  }
.Lfunc_end2:
_tile_overlayer_lowered:
.L_overlay_start_2:
0x166: {  	(tag) =	ssettag $0x2  }
0x167: {  	s0 =	rddreg [dreg:$0x0];
	s2 =	stileid.u32  }
0x168: {  	s1 =	rddreg [dreg:$0x1];
	p0 =	sne.s32 s2, $0x0  }
0x169: {  	s3 =	rddreg [dreg:$0x2];
	[bflag:$0x3] =	sbarrier.arrive $0xFFFF;
	s2 =	simm.s32 @!p0 $0x1C03  }
0x16a: {  	[timem:s3], [sflag:s2] =	dma.local @!p0 [hbm:s0], s1  }
0x16b: {  	s0 =	simm.s32 @!p0 $0x3  }
0x16c: {  	_ =	swait.ge @!p0 [sflag:s0], s1  }
0x16d: {  	s1 =	ssub.s32 @!p0 $0x0, s1;
	[sflag:s0] =	ssyncset.done @!p0 $0x0  }
0x16e: {  	[sflag:s0] =	ssyncadd.s32 @!p0 s1  }
0x16f: {  	[bflag:$0x3] =	sbarrier.arrive $0xFFFF  }
0x170: {  	_ =	shalt  }

// kernel: kernel.8.cloned.1.call-start
scs
__scs_entry_jumppad:
0x0: {  	(pc) =	sbr.rel $0x88, $3  }
0x1: {  	(tag) =	ssettag $0x0;
	lr =	simm.s32 $0x1  }
0x2: {  	[smem:$0x3F99] =	sst lr;
	_ =	strace $0xD0000000  }
0x3: {  	_ = 	snop  }
0x4: {  	_ = 	snop  }
0x5: {  	_ = 	snop  }
0x6: {  	_ = 	snop  }
0x7: {  	_ = 	snop  }
__scs_overlays_trampoline_lowered:
0x8: {  	[smem:$0x3FA8] =	sst s0  }
0x9: {  	[smem:$0x3FA9] =	sst s1  }
0xa: {  	[smem:$0x3FAA] =	sst s2  }
0xb: {  	[smem:$0x3FAB] =	sst s3  }
0xc: {  	[smem:$0x3FAC] =	sst s4  }
0xd: {  	[smem:$0x3FAD] =	sst s5  }
0xe: {  	[smem:$0x3FAE] =	sst s6  }
0xf: {  	[smem:$0x3FAF] =	sst s7  }
0x10: {  	[smem:$0x3FB0] =	sst s8  }
0x11: {  	[smem:$0x3FB1] =	sst s9;
	s0 =	simm.s32 @!p0 $0x0  }
0x12: {  	s1 =	sld [smem:$0x3F97];
	s0 =	simm.s32 @p0 $0x1  }
0x13: {  	[smem:$0x3FB2] =	sst s0;
	s0 =	simm.s32 @!p1 $0x0  }
0x14: {  	s2 =	sld [smem:$0x3F96];
	s0 =	simm.s32 @p1 $0x1  }
0x15: {  	[smem:$0x3FB3] =	sst s0;
	s0 =	simm.s32 @!p2 $0x0  }
0x16: {  	s3 =	sld [smem:$0x3FDB];
	s0 =	simm.s32 @p2 $0x1  }
0x17: {  	s4 =	simm.s32 $0x1BF5;
	[smem:$0x3FB5] =	sst s0  }
0x18: {  	s0 =	sld [smem:$0x3F98];
	_ =	swait.ge [sflag:s4], $0x0  }
0x19: {  	s7 =	sld [smem:$0x3F99]  }
0x1a: {  	s8 =	sadd.s32 $0xFFFFE003, lr  }
0x1b: {  	s9 =	sadd.s32 $0xFFFFFEF7, lr;
	s5 =	simm.s32 $0xFFFFFFFF;
	p2 =	slt.u32 s8, $0xFFFFF086  }
0x1c: {  	p1 =	slt.u32 s9, $0xF7A;
	s5 =	simm.s32 @!p2 $0x0  }
0x1d: {  	s5 =	simm.s32 @p1 $0x1;
	p0 =	seq.s32 s7, s2  }
0x1e: {  	s7 =	smul.u32 @!p0 $0xF7A, s2;
	p2 =	seq.s32 @!p0 s5, $0x0  }
0x1f: {  	s9 =	smul.u32 $0xF7A, s1;
	s8 =	simm.s32 @!p0 $0x1BF5;
	p2 =	por !p2, p0  }
0x20: {  	[sflag:s8] =	ssyncset.s32 @!p0 $0xFFFFF086;
	s6 =	sadd.s32 @!p0 s3, s7;
	s7 =	simm.s32 @!p0 $0x108  }
0x21: {  	s3 =	sadd.s32 s3, s9;
	s6 =	sadd.s32 @!p0 $0x88, s6;
	s7 =	simm.s32 @p2 $0x1082  }
0x22: {  	[simem:s7], [sflag:s8] =	dma.local @!p0 [hbm:s6], $0xF7A  }
0x23: {  	s9 =	sor.u32 $0xD0000000, s2;
	s6 =	simm.s32 $0x108;
	_ =	swait.ge @!p0 [sflag:s8], $0x0  }
0x24: {  	s3 =	sadd.s32 $0x88, s3;
	s6 =	simm.s32 @!p1 $0x1082;
	[sflag:s4] =	ssyncset.s32 $0xFFFFF086  }
0x25: {  	[simem:s6], [sflag:s4] =	dma.local [hbm:s3], $0xF7A  }
0x26: {  	[smem:$0x3F99] =	sst s1;
	(tag) =	ssettag s2;
	_ =	strace s9  }
0x27: {  	s1 =	sld [smem:$0x3FA9]  }
0x28: {  	s2 =	sld [smem:$0x3FAA]  }
0x29: {  	s4 =	sld [smem:$0x3FAC]  }
0x2a: {  	p0 =	seq.s32 s5, $0x0;
	s5 =	sld [smem:$0x3FAD]  }
0x2b: {  	s6 =	sld [smem:$0x3FAE]  }
0x2c: {  	s7 =	sld [smem:$0x3FAF]  }
0x2d: {  	s3 =	simm.s32 $0x108;
	s8 =	sld [smem:$0x3FB0]  }
0x2e: {  	s3 =	simm.s32 @!p0 $0x1082;
	s9 =	sld [smem:$0x3FB1]  }
0x2f: {  	lr =	sadd.s32 s0, s3;
	s0 =	sld [smem:$0x3FA8]  }
0x30: {  	s3 =	sld [smem:$0x3FAB]  }
0x31: {  	[smem:$0x3FB4] =	sst s10  }
0x32: {  	s10 =	sld [smem:$0x3FB2];
	_ =	sdelay $0x3  }
0x33: {  	p0 =	seq.s32 s10, $0x1;
	s10 =	sld [smem:$0x3FB4];
	_ =	sdelay $0x3  }
0x34: {  	[smem:$0x3FB4] =	sst s10  }
0x35: {  	s10 =	sld [smem:$0x3FB3];
	_ =	sdelay $0x3  }
0x36: {  	p1 =	seq.s32 s10, $0x1;
	s10 =	sld [smem:$0x3FB4];
	_ =	sdelay $0x3  }
0x37: {  	[smem:$0x3FB4] =	sst s10  }
0x38: {  	s10 =	sld [smem:$0x3FB5]  }
0x39: {  	_ = 	snop;
	(pc) =	sbr.ind lr, $3  }
0x3a: {  	_ = 	snop  }
0x3b: {  	_ = 	snop  }
0x3c: {  	p2 =	seq.s32 s10, $0x1;
	s10 =	sld [smem:$0x3FB4]  }
0x3d: {  	_ =	shalt  }
0x3e: {  	_ =	shalt  }
0x3f: {  	_ =	shalt  }
0x40: {  	_ =	shalt  }
0x41: {  	_ =	shalt  }
0x42: {  	_ =	shalt  }
0x43: {  	_ =	shalt  }
0x44: {  	_ =	shalt  }
0x45: {  	_ =	shalt  }
0x46: {  	_ =	shalt  }
0x47: {  	_ =	shalt  }
0x48: {  	_ =	shalt  }
0x49: {  	_ =	shalt  }
0x4a: {  	_ =	shalt  }
0x4b: {  	_ =	shalt  }
0x4c: {  	_ =	shalt  }
0x4d: {  	_ =	shalt  }
0x4e: {  	_ =	shalt  }
0x4f: {  	_ =	shalt  }
0x50: {  	_ =	shalt  }
0x51: {  	_ =	shalt  }
0x52: {  	_ =	shalt  }
0x53: {  	_ =	shalt  }
0x54: {  	_ =	shalt  }
0x55: {  	_ =	shalt  }
0x56: {  	_ =	shalt  }
0x57: {  	_ =	shalt  }
0x58: {  	_ =	shalt  }
0x59: {  	_ =	shalt  }
0x5a: {  	_ =	shalt  }
0x5b: {  	_ =	shalt  }
0x5c: {  	_ =	shalt  }
0x5d: {  	_ =	shalt  }
0x5e: {  	_ =	shalt  }
0x5f: {  	_ =	shalt  }
0x60: {  	_ =	shalt  }
0x61: {  	_ =	shalt  }
0x62: {  	_ =	shalt  }
0x63: {  	_ =	shalt  }
0x64: {  	_ =	shalt  }
0x65: {  	_ =	shalt  }
0x66: {  	_ =	shalt  }
0x67: {  	_ =	shalt  }
0x68: {  	_ =	shalt  }
0x69: {  	_ =	shalt  }
0x6a: {  	_ =	shalt  }
0x6b: {  	_ =	shalt  }
0x6c: {  	_ =	shalt  }
0x6d: {  	_ =	shalt  }
0x6e: {  	_ =	shalt  }
0x6f: {  	_ =	shalt  }
0x70: {  	_ =	shalt  }
0x71: {  	_ =	shalt  }
0x72: {  	_ =	shalt  }
0x73: {  	_ =	shalt  }
0x74: {  	_ =	shalt  }
0x75: {  	_ =	shalt  }
0x76: {  	_ =	shalt  }
0x77: {  	_ =	shalt  }
0x78: {  	_ =	shalt  }
0x79: {  	_ =	shalt  }
0x7a: {  	_ =	shalt  }
0x7b: {  	_ =	shalt  }
0x7c: {  	_ =	shalt  }
0x7d: {  	_ =	shalt  }
0x7e: {  	_ =	shalt  }
0x7f: {  	_ =	shalt  }
0x80: {  	_ =	shalt  }
0x81: {  	_ =	shalt  }
0x82: {  	_ =	shalt  }
0x83: {  	_ =	shalt  }
0x84: {  	_ =	shalt  }
0x85: {  	_ =	shalt  }
0x86: {  	_ =	shalt  }
0x87: {  	_ =	shalt  }
.Lfunc_end0:
.L_simem_size_0:
called_computation_lowered:
.L_overlay_start_0:
0x88: {  	s2 =	sld [smem:$0x3FD9]  }
0x89: {  	s3 =	sld [smem:$0x3FFE];
	_ =	sdelay $0x1  }
0x8a: {  	s1 =	srdreg.scid  }
0x8b: {  	s0 =	sand.u32 $0x1, s1  }
0x8c: {  	s17 =	sshll.u32 s0, $0xA;
	s2 =	sadd.s32 s3, s2  }
0x8d: {  	s2 =	sadd.s32 s2, s17  }
0x8e: {  	[smem:$0x3FC0] =	sst s2  }
0x8f: {  	_ = 	snop  }
0x90: {  	(tm) =	ssettm $0x1  }
0x91: {  	s18 =	sld [smem:$0x3FFB];
	_ =	sdelay $0x3  }
0x92: {  	_ =	strace s18  }
0x93: {  	s2 =	sld [smem:$0x3FFC];
	_ =	sdelay $0x3  }
0x94: {  	_ =	strace s2  }
0x95: {  	s2 =	sld [smem:$0x3FFD];
	_ =	sdelay $0x3  }
0x96: {  	_ =	strace s2  }
0x97: {  	_ =	strace $0x8FFFFFFF  }
0x98: {  	s19 =	sld [smem:$0x3FDB];
	_ =	sdelay $0x1  }
0x99: {  	s20 =	simm.s32 $_scs_section_size  }
0x9a: {  	s4 =	simm.s32 $_size__tile_overlayer_lowered;
	s5 =	simm.s32 $_tile_overlayer_lowered  }
0x9b: {  	s6 =	simm.s32 $0x1BFF;
	s21 =	sshll.u32 s5, $0x1;
	s3 =	sadd.s32 s20, s19  }
0x9c: {  	s22 =	simm.s32 $0x0;
	s4 =	sshll.u32 s4, $0x1;
	s5 =	sadd.s32 s21, s3  }
0x9d: {  	[timem:s22], [sflag:s6] =	dma.local [hbm:s5], s4  }
0x9e: {  	_ =	swait.ge [sflag:s6], s4  }
0x9f: {  	s4 =	ssub.s32 $0x0, s4;
	[sflag:s6] =	ssyncset.done $0x0  }
0xa0: {  	[sflag:s6] =	ssyncadd.s32 s4;
	_ =	sdelay $0x1  }
0xa1: {  	s23 =	simm.s32 $0x1B8B  }
0xa2: {  	_ =	swait.ge [sflag:s23], $0x1  }
0xa3: {  	[sflag:s23] =	ssyncset.done $0x0  }
0xa4: {  	[sflag:s23] =	ssyncadd.s32 $0xFFFFFFFF  }
0xa5: {  	s4 =	sld [smem:$0x0]  }
0xa6: {  	s5 =	sand.u32 $0xFFFFFFFE, s1  }
0xa7: {  	p0 =	sne.s32 s1, s5  }
0xa8: {  	s5 =	sshll.u32 @p0 s5, $0xE  }
0xa9: {  	s5 =	sadd.s32 @p0 $0x11B8D, s5;
	s6 =	sshll.u32 @p0 s4, $0x11  }
0xaa: {  	s5 =	sor.u32 @p0 s6, s5  }
0xab: {  	[sflag:s5] =	ssyncadd.remote.s32 @p0 $0x1;
	_ =	sdelay $0x1  }
0xac: {  	s5 =	simm.s32 @p0 $0x1B8D  }
0xad: {  	_ =	swait.eq @p0 [sflag:s5], $0x1  }
0xae: {  	[sflag:s5] =	ssyncadd.s32 @p0 $0xFFFFFFFF  }
0xaf: {  	s6 =	sshll.u32 @!p0 s1, $0xE  }
0xb0: {  	s6 =	sor.u32 @!p0 $0x4000, s6;
	s5 =	simm.s32 @!p0 $0x1B8D  }
0xb1: {  	s4 =	sshll.u32 @!p0 s4, $0x11;
	s6 =	sadd.s32 @!p0 $0x11B8D, s6;
	_ =	swait.eq @!p0 [sflag:s5], $0x1  }
0xb2: {  	s4 =	sor.u32 @!p0 s4, s6;
	[sflag:s5] =	ssyncadd.s32 @!p0 $0xFFFFFFFF  }
0xb3: {  	s25 =	simm.s32 $0x1B8E;
	s24 =	sld [smem:$0x3FFE];
	[sflag:s4] =	ssyncadd.remote.s32 @!p0 $0x1  }
0xb4: {  	s26 =	simm.s32 $execute0_lowered;
	[smem:$0x3FD2] =	sst s25  }
0xb5: {  	s5 =	sshll.u32 s26, $0x1;
	_ =	strace $0x80000049;
	[dreg:$0x1] =	wrdreg $0xFFFFFFFF  }
0xb6: {  	s28 =	simm.s32 $_size_execute0_lowered;
	s3 =	sadd.s32 s3, s5;
	[dreg:$0x0] =	wrdreg $0x0  }
0xb7: {  	s5 =	sshll.u32 s28, $0x1;
	[dreg:$0x2] =	wrdreg s3  }
0xb8: {  	[dreg:$0x3] =	wrdreg s5  }
0xb9: {  	[dreg:$0x4] =	wrdreg $0xC0  }
0xba: {  	_ =	task [dreg:s22], $0x5FFFF  }
0xbb: {  	[dreg:$0x1] =	wrdreg $0xFFFFFFFF  }
0xbc: {  	[dreg:$0x0] =	wrdreg $0x60  }
0xbd: {  	[dreg:$0x2] =	wrdreg s24  }
0xbe: {  	[dreg:$0x3] =	wrdreg $0x0  }
0xbf: {  	[dreg:$0x4] =	wrdreg $0x9  }
0xc0: {  	_ =	task.clear_ibuf [dreg:s22], $0x5FFFF;
	_ =	strace $0x90000049  }
0xc1: {  	s29 =	simm.s32 $0x9;
	_ =	strace $0x8000004B  }
0xc2: {  	_ =	swait.ge [sflag:s29], $0x1  }
0xc3: {  	[sflag:s29] =	ssyncadd.s32 $0xFFFFFFFF  }
0xc4: {  	_ =	strace $0x9000004B  }
0xc5: {  	_ =	sfence  }
0xc6: {  	s30 =	sld [smem:$0x0];
	_ =	sdelay $0x2  }
0xc7: {  	s31 =	sshll.u32 s1, $0xD;
	s1 =	sshrl.u32 s1, $0x2  }
0xc8: {  	s4 =	sand.u32 $0x4000, s31;
	s1 =	sadd.s32 s1, s30  }
0xc9: {  	s0 =	sor.u32 s4, s0;
	s1 =	sshll.u32 s1, $0x11  }
0xca: {  	s0 =	sor.u32 s1, s0  }
0xcb: {  	s0 =	sadd.s32 $0x8F2B, s0  }
0xcc: {  	[sflag:s0] =	ssyncadd.remote.s32 $0x1  }
0xcd: {  	_ =	sfence.sel $0xFFFF  }
0xce: {  	[dreg:$0x0] =	wrdreg $0xFFFFFFFF;
	(pc) =	sbr.abs _section_cstart, $3  }
0xcf: {  	[dreg:$0x1] =	wrdreg $0xFFFFFFFF  }
0xd0: {  	_ =	task.clear_ibuf [dreg:s22], $0x2FFFF;
	_ =	strace $0x9FFFFFFF  }
0xd1: {  	(tm) =	ssettm $0x7FFFFFFF  }
tec
execute0_lowered:
.L_overlay_start_1:
0x0: {  	(tag) =	ssettag $0x1  }
0x1: {  	s1 =	rddreg [dreg:$0x0];
	s0 =	simm.s32 $0x0;
	s2 =	srdreg.scid  }
0x2: {  	[smem:$0x7FF] =	sst s0;
	s3 =	sand.u32 $0x1, s2;
	s2 =	stileid.u32  }
0x3: {  	s8 =	sadd.s32 $0x98C00, s1;
	s4 =	sshll.u32 s3, $0xB;
	s7 =	smul.u32 $0x13800, s2  }
0x4: {  	s5 =	ssub.s32 $0x2, s3;
	s11 =	sshll.u32 s2, $0xC;
	s3 =	smul.u32 $0x138800, s3  }
0x5: {  	p0 =	sne.s32 s2, $0x0;
	s4 =	sadd.s32 s4, s1;
	s6 =	sshrl.u32 s5, $0x1  }
0x6: {  	s1 =	ssub.s32 s5, s6;
	s4 =	sadd.s32 s11, s4;
	s5 =	sadd.s32 $0x1800, s7  }
0x7: {  	s6 =	sadd.s32 $0x3000, s7;
	s13 =	sadd.s32 $0x4800, s7;
	s21 =	sadd.s32 $0x6000, s7  }
0x8: {  	s22 =	sadd.s32 $0x7800, s7;
	s23 =	sadd.s32 $0x9000, s7;
	s24 =	sadd.s32 $0xA800, s7  }
0x9: {  	s25 =	sadd.s32 $0xC000, s7;
	s26 =	sadd.s32 $0xD800, s7;
	s28 =	sadd.s32 $0xF000, s7  }
0xa: {  	s29 =	sadd.s32 $0x10800, s7;
	s30 =	sadd.s32 $0x12000, s7;
	s7 =	sadd.s32 s7, s3  }
0xb: {  	s7 =	sshrl.u32 s7, $0x3;
	s9 =	sadd.s32 s3, s5;
	s10 =	sadd.s32 s3, s6  }
0xc: {  	s16 =	sadd.s32 s3, s13;
	s17 =	sadd.s32 s3, s21;
	s18 =	sadd.s32 s3, s22  }
0xd: {  	s11 =	sadd.s32 s3, s24;
	s7 =	sadd.s32 s8, s7;
	s12 =	sshrl.u32 s9, $0x3  }
0xe: {  	s14 =	sshrl.u32 s10, $0x3;
	s19 =	sshrl.u32 s17, $0x3;
	s20 =	sshrl.u32 s18, $0x3  }
0xf: {  	s10 =	sadd.s32 s3, s23;
	s17 =	sadd.s32 s3, s26;
	[dreg:$0x3] =	wrdreg s7  }
0x10: {  	s7 =	sadd.s32 s8, s12;
	s15 =	sadd.s32 s8, s14;
	s9 =	sadd.s32 s8, s20  }
0x11: {  	s12 =	sadd.s32 s3, s25;
	s14 =	sshrl.u32 s11, $0x3;
	[dreg:$0x4] =	wrdreg s7  }
0x12: {  	s11 =	sadd.s32 s3, s28;
	[dreg:$0x5] =	wrdreg s15;
	s7 =	sshrl.u32 s16, $0x3  }
0x13: {  	[dreg:$0x8] =	wrdreg s9;
	s15 =	sshrl.u32 s12, $0x3;
	s12 =	sadd.s32 s3, s29  }
0x14: {  	s7 =	sadd.s32 s8, s7;
	s16 =	sadd.s32 s8, s15;
	s15 =	rddreg [dreg:$0x1]  }
0x15: {  	s18 =	sshrl.u32 s11, $0x3;
	s12 =	sshrl.u32 s12, $0x3;
	[dreg:$0x6] =	wrdreg s7  }
0x16: {  	s11 =	sadd.s32 s8, s18;
	s7 =	sadd.s32 s8, s19;
	[dreg:$0xb] =	wrdreg s16  }
0x17: {  	s12 =	sadd.s32 s8, s12;
	s19 =	sadd.s32 s3, s30;
	s3 =	sshrl.u32 s3, $0x3  }
0x18: {  	s16 =	smul.u32 $0x4E000, s2;
	s18 =	sadd.s32 s5, s15;
	s21 =	sadd.s32 s21, s15  }
0x19: {  	s22 =	sadd.s32 s22, s15;
	s23 =	sadd.s32 s23, s15;
	s24 =	sadd.s32 s24, s15  }
0x1a: {  	s25 =	sadd.s32 s25, s15;
	s26 =	sadd.s32 s26, s15;
	s28 =	sadd.s32 s28, s15  }
0x1b: {  	s29 =	sadd.s32 s29, s15;
	s30 =	sadd.s32 s30, s15;
	s2 =	simm.s32 $0x1  }
0x1c: {  	s5 =	simm.s32 $0x178C0;
	[dreg:$0x7] =	wrdreg s7;
	s7 =	sshrl.u32 s10, $0x3  }
0x1d: {  	s3 =	sadd.s32 s8, s3;
	s7 =	sadd.s32 s8, s7;
	s20 =	sshrl.u32 s16, $0x2  }
0x1e: {  	s16 =	sadd.s32 $0x3800, s4;
	s31 =	sadd.s32 $0x27000, s3;
	s3 =	simm.s32 $0x1A0C0  }
0x1f: {  	s4 =	simm.s32 $0x50;
	[dreg:$0x9] =	wrdreg s7;
	s7 =	sadd.s32 s8, s14  }
0x20: {  	[dreg:$0xa] =	wrdreg s7;
	s7 =	sshrl.u32 s17, $0x3;
	s17 =	sadd.s32 s20, s15  }
0x21: {  	s20 =	sadd.s32 s13, s15;
	s13 =	smax.u32 s1, $0x1;
	s1 =	sadd.s32 $0x138000, s15  }
0x22: {  	s10 =	sadd.s32 s8, s7;
	s7 =	sshrl.u32 s19, $0x3;
	_ =	strace $0x8000004A  }
0x23: {  	v0 =	vimm.f32 $1.000000000e+00;
	v1 =	vimm.f32 $0.0e+00;
	s19 =	sadd.s32 s6, s15;
	s6 =	simm.s32 $0x0;
	s14 =	sadd.s32 s8, s7  }
.LBB2_1:
0x24: {  	s7 =	simm.s32 $0x138C0  }
0x25: {  	[tilespmem:s7], [sflag:$0x1] =	stream.linear.gather [hbm4b:s16+s0], $0x4000, $0x38;
	[tilespmem:$0x1B8C0] =	vst v63  }
0x26: {  	_ =	swait.ge [sflag:s2], $0x4000  }
0x27: {  	[sflag:s2] =	ssyncset.done $0x0  }
0x28: {  	s8 =	simm.s32 $0x200;
	s7 =	simm.s32 $0x0;
	[sflag:s2] =	ssyncadd.s32 $0xFFFFC000  }
.LBB2_2:
0x29: {  	p1 =	sne.s32 s8, $0x9E00;
	[tilespmem:s7+$0x17930] =	vst v0  }
0x2a: {  	[tilespmem:s7+$0x178C0] =	vst v0  }
0x2b: {  	[tilespmem:s7+$0x178D0] =	vst v0  }
.Ltmp0:
0x2c: {  	[tilespmem:s7+$0x178E0] =	vst v0;
	(pc) =	sbr.rel @p1 .LBB2_2-.Ltmp0, $4  }
0x2d: {  	[tilespmem:s7+$0x178F0] =	vst v0  }
0x2e: {  	[tilespmem:s7+$0x17900] =	vst v0  }
0x2f: {  	[tilespmem:s7+$0x17910] =	vst v0  }
0x30: {  	[tilespmem:s7+$0x17920] =	vst v0;
	s7 =	sshra.s32 s8, $0x2;
	s8 =	sadd.s32 $0x200, s8  }
0x31: {  	[tilespmem:s7+$0x17930] =	vst v0  }
0x32: {  	[tilespmem:s7+$0x178C0] =	vst v0  }
0x33: {  	[tilespmem:s7+$0x178D0] =	vst v0  }
0x34: {  	[tilespmem:s7+$0x178E0] =	vst v0  }
0x35: {  	[tilespmem:s7+$0x178F0] =	vst v0  }
0x36: {  	[tilespmem:s7+$0x17900] =	vst v0  }
0x37: {  	[tilespmem:s7+$0x17910] =	vst v0  }
0x38: {  	[tilespmem:s7+$0x17920] =	vst v0;
	s7 =	simm.s32 $0x0;
	s8 =	simm.s32 $0x200  }
.LBB2_4:
0x39: {  	p1 =	sne.s32 s8, $0x5E00;
	[tilespmem:s7+$0x1A130] =	vst v1  }
0x3a: {  	[tilespmem:s7+$0x1A0C0] =	vst v1  }
0x3b: {  	[tilespmem:s7+$0x1A0D0] =	vst v1  }
.Ltmp1:
0x3c: {  	[tilespmem:s7+$0x1A0E0] =	vst v1;
	(pc) =	sbr.rel @p1 .LBB2_4-.Ltmp1, $4  }
0x3d: {  	[tilespmem:s7+$0x1A0F0] =	vst v1  }
0x3e: {  	[tilespmem:s7+$0x1A100] =	vst v1  }
0x3f: {  	[tilespmem:s7+$0x1A110] =	vst v1  }
0x40: {  	[tilespmem:s7+$0x1A120] =	vst v1;
	s7 =	sshra.s32 s8, $0x2;
	s8 =	sadd.s32 $0x200, s8  }
0x41: {  	[tilespmem:s7+$0x1A130] =	vst v1  }
0x42: {  	[tilespmem:s7+$0x1A0C0] =	vst v1  }
0x43: {  	[tilespmem:s7+$0x1A0D0] =	vst v1  }
0x44: {  	[tilespmem:s7+$0x1A0E0] =	vst v1  }
0x45: {  	[tilespmem:s7+$0x1A0F0] =	vst v1  }
0x46: {  	[tilespmem:s7+$0x1A100] =	vst v1  }
0x47: {  	[tilespmem:s7+$0x1A110] =	vst v1  }
0x48: {  	[tilespmem:s7+$0x1A120] =	vst v1  }
0x49: {  	[spmem:s17] =	stream.linear.scatter [tilespmem:s3], [sflag:$0x1], $0x1800, $0x38;
	[tilespmem:$0x1B8C0] =	vst v63  }
0x4a: {  	_ =	swait.ge [sflag:s2], $0x1800  }
0x4b: {  	[sflag:s2] =	ssyncset.done $0x0  }
0x4c: {  	[sflag:s2] =	ssyncadd.s32 $0xFFFFE800  }
0x4d: {  	[spmem:s18] =	stream.linear.scatter [tilespmem:s3], [sflag:$0x1], $0x1800, $0x38;
	[tilespmem:$0x1B8C0] =	vst v63  }
0x4e: {  	_ =	swait.ge [sflag:s2], $0x1800  }
0x4f: {  	[sflag:s2] =	ssyncset.done $0x0  }
0x50: {  	[sflag:s2] =	ssyncadd.s32 $0xFFFFE800  }
0x51: {  	[spmem:s19] =	stream.linear.scatter [tilespmem:s3], [sflag:$0x1], $0x1800, $0x38;
	[tilespmem:$0x1B8C0] =	vst v63  }
0x52: {  	_ =	swait.ge [sflag:s2], $0x1800  }
0x53: {  	[sflag:s2] =	ssyncset.done $0x0  }
0x54: {  	[sflag:s2] =	ssyncadd.s32 $0xFFFFE800  }
0x55: {  	[spmem:s20] =	stream.linear.scatter [tilespmem:s3], [sflag:$0x1], $0x1800, $0x38;
	[tilespmem:$0x1B8C0] =	vst v63  }
0x56: {  	_ =	swait.ge [sflag:s2], $0x1800  }
0x57: {  	[sflag:s2] =	ssyncset.done $0x0  }
0x58: {  	[sflag:s2] =	ssyncadd.s32 $0xFFFFE800  }
0x59: {  	[spmem:s21] =	stream.linear.scatter [tilespmem:s3], [sflag:$0x1], $0x1800, $0x38;
	[tilespmem:$0x1B8C0] =	vst v63  }
0x5a: {  	_ =	swait.ge [sflag:s2], $0x1800  }
0x5b: {  	[sflag:s2] =	ssyncset.done $0x0  }
0x5c: {  	[sflag:s2] =	ssyncadd.s32 $0xFFFFE800  }
0x5d: {  	[spmem:s22] =	stream.linear.scatter [tilespmem:s3], [sflag:$0x1], $0x1800, $0x38;
	[tilespmem:$0x1B8C0] =	vst v63  }
0x5e: {  	_ =	swait.ge [sflag:s2], $0x1800  }
0x5f: {  	[sflag:s2] =	ssyncset.done $0x0  }
0x60: {  	[sflag:s2] =	ssyncadd.s32 $0xFFFFE800  }
0x61: {  	[spmem:s23] =	stream.linear.scatter [tilespmem:s3], [sflag:$0x1], $0x1800, $0x38;
	[tilespmem:$0x1B8C0] =	vst v63  }
0x62: {  	_ =	swait.ge [sflag:s2], $0x1800  }
0x63: {  	[sflag:s2] =	ssyncset.done $0x0  }
0x64: {  	[sflag:s2] =	ssyncadd.s32 $0xFFFFE800  }
0x65: {  	[spmem:s24] =	stream.linear.scatter [tilespmem:s3], [sflag:$0x1], $0x1800, $0x38;
	[tilespmem:$0x1B8C0] =	vst v63  }
0x66: {  	_ =	swait.ge [sflag:s2], $0x1800  }
0x67: {  	[sflag:s2] =	ssyncset.done $0x0  }
0x68: {  	[sflag:s2] =	ssyncadd.s32 $0xFFFFE800  }
0x69: {  	[spmem:s25] =	stream.linear.scatter [tilespmem:s3], [sflag:$0x1], $0x1800, $0x38;
	[tilespmem:$0x1B8C0] =	vst v63  }
0x6a: {  	_ =	swait.ge [sflag:s2], $0x1800  }
0x6b: {  	[sflag:s2] =	ssyncset.done $0x0  }
0x6c: {  	[sflag:s2] =	ssyncadd.s32 $0xFFFFE800  }
0x6d: {  	[spmem:s26] =	stream.linear.scatter [tilespmem:s3], [sflag:$0x1], $0x1800, $0x38;
	[tilespmem:$0x1B8C0] =	vst v63  }
0x6e: {  	_ =	swait.ge [sflag:s2], $0x1800  }
0x6f: {  	[sflag:s2] =	ssyncset.done $0x0  }
0x70: {  	[sflag:s2] =	ssyncadd.s32 $0xFFFFE800  }
0x71: {  	[spmem:s28] =	stream.linear.scatter [tilespmem:s3], [sflag:$0x1], $0x1800, $0x38;
	[tilespmem:$0x1B8C0] =	vst v63  }
0x72: {  	_ =	swait.ge [sflag:s2], $0x1800  }
0x73: {  	[sflag:s2] =	ssyncset.done $0x0  }
0x74: {  	[sflag:s2] =	ssyncadd.s32 $0xFFFFE800  }
0x75: {  	[spmem:s29] =	stream.linear.scatter [tilespmem:s3], [sflag:$0x1], $0x1800, $0x38;
	[tilespmem:$0x1B8C0] =	vst v63  }
0x76: {  	_ =	swait.ge [sflag:s2], $0x1800  }
0x77: {  	[sflag:s2] =	ssyncset.done $0x0  }
0x78: {  	[sflag:s2] =	ssyncadd.s32 $0xFFFFE800  }
0x79: {  	[spmem:s30] =	stream.linear.scatter [tilespmem:s3], [sflag:$0x1], $0x1800, $0x38;
	[tilespmem:$0x1B8C0] =	vst v63  }
0x7a: {  	_ =	swait.ge [sflag:s2], $0x1800  }
0x7b: {  	[sflag:s2] =	ssyncset.done $0x0  }
0x7c: {  	s7 =	simm.s32 @!p0 $0x1A0C0;
	[sflag:s2] =	ssyncadd.s32 $0xFFFFE800  }
0x7d: {  	[spmem:s1] =	stream.linear.scatter @!p0 [tilespmem:s7], [sflag:$0x1], $0x800, $0x38;
	[tilespmem:$0x1B8C0] =	vst v63  }
0x7e: {  	s7 =	simm.s32 @!p0 $0x1  }
0x7f: {  	_ =	swait.ge @!p0 [sflag:s7], $0x800  }
0x80: {  	[sflag:s7] =	ssyncset.done @!p0 $0x0  }
0x81: {  	[sflag:s7] =	ssyncadd.s32 @!p0 $0xFFFFF800  }
0x82: {  	s9 =	simm.s32 $0x138C0;
	[bflag:$0x0] =	sbarrier.arrive $0xFFFF  }
0x83: {  	[spmem:s15] =	stream.indirect.scatter.add.f32 [tilespmem:s5], [sflag:$0x1], $0x80, s9, s4, $0xb8;
	[tilespmem:$0x1B8C0] =	vst v63  }
0x84: {  	s7 =	simm.s32 $0x200;
	_ =	swait.ge [sflag:s2], $0x2800  }
.LBB2_6:
0x85: {  	s8 =	sshra.s32 s7, $0x2;
	[sflag:s2] =	ssyncset.done $0x0;
	p1 =	sne.s32 s7, $0xFE00  }
.Ltmp2:
0x86: {  	s8 =	sadd.s32 $0x138C0, s8;
	[sflag:s2] =	ssyncadd.s32 $0xFFFFD800;
	(pc) =	sbr.rel @p1 .LBB2_6-.Ltmp2, $3  }
0x87: {  	[spmem:s15] =	stream.indirect.scatter.add.f32 [tilespmem:s5], [sflag:$0x1], $0x80, s8, s4, $0xb8;
	[tilespmem:$0x1B8C0] =	vst v63  }
0x88: {  	s7 =	sadd.s32 $0x200, s7;
	_ =	sdelay $0x1  }
0x89: {  	_ =	swait.ge [sflag:s2], $0x2800  }
0x8a: {  	[sflag:s2] =	ssyncset.done $0x0  }
0x8b: {  	[sflag:s2] =	ssyncadd.s32 $0xFFFFD800  }
0x8c: {  	[bflag:$0x0] =	sbarrier.arrive $0xFFFF  }
0x8d: {  	[tilespmem:s3], [sflag:$0x1] =	stream.linear.gather [spmem:s17], $0x1800, $0x38;
	[tilespmem:$0x1B8C0] =	vst v63  }
0x8e: {  	_ =	swait.ge [sflag:s2], $0x1800  }
0x8f: {  	[sflag:s2] =	ssyncset.done $0x0  }
0x90: {  	s7 =	rddreg [dreg:$0x3];
	[sflag:s2] =	ssyncadd.s32 $0xFFFFE800  }
0x91: {  	[hbm4b:s7+s0] =	stream.linear.scatter [tilespmem:s3], [sflag:$0x1], $0x1800, $0x38;
	[tilespmem:$0x1B8C0] =	vst v63  }
0x92: {  	_ =	swait.ge [sflag:s2], $0x1800  }
0x93: {  	[sflag:s2] =	ssyncset.done $0x0  }
0x94: {  	[sflag:s2] =	ssyncadd.s32 $0xFFFFE800  }
0x95: {  	[tilespmem:s3], [sflag:$0x1] =	stream.linear.gather [spmem:s18], $0x1800, $0x38;
	[tilespmem:$0x1B8C0] =	vst v63  }
0x96: {  	_ =	swait.ge [sflag:s2], $0x1800  }
0x97: {  	[sflag:s2] =	ssyncset.done $0x0  }
0x98: {  	s8 =	rddreg [dreg:$0x4];
	[sflag:s2] =	ssyncadd.s32 $0xFFFFE800  }
0x99: {  	[hbm4b:s8+s0] =	stream.linear.scatter [tilespmem:s3], [sflag:$0x1], $0x1800, $0x38;
	[tilespmem:$0x1B8C0] =	vst v63  }
0x9a: {  	_ =	swait.ge [sflag:s2], $0x1800  }
0x9b: {  	[sflag:s2] =	ssyncset.done $0x0  }
0x9c: {  	[sflag:s2] =	ssyncadd.s32 $0xFFFFE800  }
0x9d: {  	[tilespmem:s3], [sflag:$0x1] =	stream.linear.gather [spmem:s19], $0x1800, $0x38;
	[tilespmem:$0x1B8C0] =	vst v63  }
0x9e: {  	_ =	swait.ge [sflag:s2], $0x1800  }
0x9f: {  	[sflag:s2] =	ssyncset.done $0x0  }
0xa0: {  	s9 =	rddreg [dreg:$0x5];
	[sflag:s2] =	ssyncadd.s32 $0xFFFFE800  }
0xa1: {  	[hbm4b:s9+s0] =	stream.linear.scatter [tilespmem:s3], [sflag:$0x1], $0x1800, $0x38;
	[tilespmem:$0x1B8C0] =	vst v63  }
0xa2: {  	_ =	swait.ge [sflag:s2], $0x1800  }
0xa3: {  	[sflag:s2] =	ssyncset.done $0x0  }
0xa4: {  	[sflag:s2] =	ssyncadd.s32 $0xFFFFE800  }
0xa5: {  	[tilespmem:s3], [sflag:$0x1] =	stream.linear.gather [spmem:s20], $0x1800, $0x38;
	[tilespmem:$0x1B8C0] =	vst v63  }
0xa6: {  	_ =	swait.ge [sflag:s2], $0x1800  }
0xa7: {  	[sflag:s2] =	ssyncset.done $0x0  }
0xa8: {  	s8 =	rddreg [dreg:$0x6];
	[sflag:s2] =	ssyncadd.s32 $0xFFFFE800  }
0xa9: {  	[hbm4b:s8+s0] =	stream.linear.scatter [tilespmem:s3], [sflag:$0x1], $0x1800, $0x38;
	[tilespmem:$0x1B8C0] =	vst v63  }
0xaa: {  	_ =	swait.ge [sflag:s2], $0x1800  }
0xab: {  	[sflag:s2] =	ssyncset.done $0x0  }
0xac: {  	[sflag:s2] =	ssyncadd.s32 $0xFFFFE800  }
0xad: {  	[tilespmem:s3], [sflag:$0x1] =	stream.linear.gather [spmem:s21], $0x1800, $0x38;
	[tilespmem:$0x1B8C0] =	vst v63  }
0xae: {  	_ =	swait.ge [sflag:s2], $0x1800  }
0xaf: {  	[sflag:s2] =	ssyncset.done $0x0  }
0xb0: {  	s9 =	rddreg [dreg:$0x7];
	[sflag:s2] =	ssyncadd.s32 $0xFFFFE800  }
0xb1: {  	[hbm4b:s9+s0] =	stream.linear.scatter [tilespmem:s3], [sflag:$0x1], $0x1800, $0x38;
	[tilespmem:$0x1B8C0] =	vst v63  }
0xb2: {  	_ =	swait.ge [sflag:s2], $0x1800  }
0xb3: {  	[sflag:s2] =	ssyncset.done $0x0  }
0xb4: {  	[sflag:s2] =	ssyncadd.s32 $0xFFFFE800  }
0xb5: {  	[tilespmem:s3], [sflag:$0x1] =	stream.linear.gather [spmem:s22], $0x1800, $0x38;
	[tilespmem:$0x1B8C0] =	vst v63  }
0xb6: {  	_ =	swait.ge [sflag:s2], $0x1800  }
0xb7: {  	[sflag:s2] =	ssyncset.done $0x0  }
0xb8: {  	s8 =	rddreg [dreg:$0x8];
	[sflag:s2] =	ssyncadd.s32 $0xFFFFE800  }
0xb9: {  	[hbm4b:s8+s0] =	stream.linear.scatter [tilespmem:s3], [sflag:$0x1], $0x1800, $0x38;
	[tilespmem:$0x1B8C0] =	vst v63  }
0xba: {  	_ =	swait.ge [sflag:s2], $0x1800  }
0xbb: {  	[sflag:s2] =	ssyncset.done $0x0  }
0xbc: {  	[sflag:s2] =	ssyncadd.s32 $0xFFFFE800  }
0xbd: {  	[tilespmem:s3], [sflag:$0x1] =	stream.linear.gather [spmem:s23], $0x1800, $0x38;
	[tilespmem:$0x1B8C0] =	vst v63  }
0xbe: {  	_ =	swait.ge [sflag:s2], $0x1800  }
0xbf: {  	[sflag:s2] =	ssyncset.done $0x0  }
0xc0: {  	s9 =	rddreg [dreg:$0x9];
	[sflag:s2] =	ssyncadd.s32 $0xFFFFE800  }
0xc1: {  	[hbm4b:s9+s0] =	stream.linear.scatter [tilespmem:s3], [sflag:$0x1], $0x1800, $0x38;
	[tilespmem:$0x1B8C0] =	vst v63  }
0xc2: {  	_ =	swait.ge [sflag:s2], $0x1800  }
0xc3: {  	[sflag:s2] =	ssyncset.done $0x0  }
0xc4: {  	[sflag:s2] =	ssyncadd.s32 $0xFFFFE800  }
0xc5: {  	[tilespmem:s3], [sflag:$0x1] =	stream.linear.gather [spmem:s24], $0x1800, $0x38;
	[tilespmem:$0x1B8C0] =	vst v63  }
0xc6: {  	_ =	swait.ge [sflag:s2], $0x1800  }
0xc7: {  	[sflag:s2] =	ssyncset.done $0x0  }
0xc8: {  	s8 =	rddreg [dreg:$0xa];
	[sflag:s2] =	ssyncadd.s32 $0xFFFFE800  }
0xc9: {  	[hbm4b:s8+s0] =	stream.linear.scatter [tilespmem:s3], [sflag:$0x1], $0x1800, $0x38;
	[tilespmem:$0x1B8C0] =	vst v63  }
0xca: {  	_ =	swait.ge [sflag:s2], $0x1800  }
0xcb: {  	[sflag:s2] =	ssyncset.done $0x0  }
0xcc: {  	[sflag:s2] =	ssyncadd.s32 $0xFFFFE800  }
0xcd: {  	[tilespmem:s3], [sflag:$0x1] =	stream.linear.gather [spmem:s25], $0x1800, $0x38;
	[tilespmem:$0x1B8C0] =	vst v63  }
0xce: {  	_ =	swait.ge [sflag:s2], $0x1800  }
0xcf: {  	[sflag:s2] =	ssyncset.done $0x0  }
0xd0: {  	s9 =	rddreg [dreg:$0xb];
	[sflag:s2] =	ssyncadd.s32 $0xFFFFE800  }
0xd1: {  	[hbm4b:s9+s0] =	stream.linear.scatter [tilespmem:s3], [sflag:$0x1], $0x1800, $0x38;
	[tilespmem:$0x1B8C0] =	vst v63  }
0xd2: {  	_ =	swait.ge [sflag:s2], $0x1800  }
0xd3: {  	[sflag:s2] =	ssyncset.done $0x0  }
0xd4: {  	[sflag:s2] =	ssyncadd.s32 $0xFFFFE800  }
0xd5: {  	[tilespmem:s3], [sflag:$0x1] =	stream.linear.gather [spmem:s26], $0x1800, $0x38;
	[tilespmem:$0x1B8C0] =	vst v63  }
0xd6: {  	_ =	swait.ge [sflag:s2], $0x1800  }
0xd7: {  	[sflag:s2] =	ssyncset.done $0x0  }
0xd8: {  	[sflag:s2] =	ssyncadd.s32 $0xFFFFE800  }
0xd9: {  	[hbm4b:s10+s0] =	stream.linear.scatter [tilespmem:s3], [sflag:$0x1], $0x1800, $0x38;
	[tilespmem:$0x1B8C0] =	vst v63  }
0xda: {  	_ =	swait.ge [sflag:s2], $0x1800  }
0xdb: {  	[sflag:s2] =	ssyncset.done $0x0  }
0xdc: {  	[sflag:s2] =	ssyncadd.s32 $0xFFFFE800  }
0xdd: {  	[tilespmem:s3], [sflag:$0x1] =	stream.linear.gather [spmem:s28], $0x1800, $0x38;
	[tilespmem:$0x1B8C0] =	vst v63  }
0xde: {  	_ =	swait.ge [sflag:s2], $0x1800  }
0xdf: {  	[sflag:s2] =	ssyncset.done $0x0  }
0xe0: {  	[sflag:s2] =	ssyncadd.s32 $0xFFFFE800  }
0xe1: {  	[hbm4b:s11+s0] =	stream.linear.scatter [tilespmem:s3], [sflag:$0x1], $0x1800, $0x38;
	[tilespmem:$0x1B8C0] =	vst v63  }
0xe2: {  	_ =	swait.ge [sflag:s2], $0x1800  }
0xe3: {  	[sflag:s2] =	ssyncset.done $0x0  }
0xe4: {  	[sflag:s2] =	ssyncadd.s32 $0xFFFFE800  }
0xe5: {  	[tilespmem:s3], [sflag:$0x1] =	stream.linear.gather [spmem:s29], $0x1800, $0x38;
	[tilespmem:$0x1B8C0] =	vst v63  }
0xe6: {  	_ =	swait.ge [sflag:s2], $0x1800  }
0xe7: {  	[sflag:s2] =	ssyncset.done $0x0  }
0xe8: {  	[sflag:s2] =	ssyncadd.s32 $0xFFFFE800  }
0xe9: {  	[hbm4b:s12+s0] =	stream.linear.scatter [tilespmem:s3], [sflag:$0x1], $0x1800, $0x38;
	[tilespmem:$0x1B8C0] =	vst v63  }
0xea: {  	_ =	swait.ge [sflag:s2], $0x1800  }
0xeb: {  	[sflag:s2] =	ssyncset.done $0x0  }
0xec: {  	[sflag:s2] =	ssyncadd.s32 $0xFFFFE800  }
0xed: {  	[tilespmem:s3], [sflag:$0x1] =	stream.linear.gather [spmem:s30], $0x1800, $0x38;
	[tilespmem:$0x1B8C0] =	vst v63  }
0xee: {  	_ =	swait.ge [sflag:s2], $0x1800  }
0xef: {  	[sflag:s2] =	ssyncset.done $0x0  }
0xf0: {  	[sflag:s2] =	ssyncadd.s32 $0xFFFFE800  }
0xf1: {  	[hbm4b:s14+s0] =	stream.linear.scatter [tilespmem:s3], [sflag:$0x1], $0x1800, $0x38;
	[tilespmem:$0x1B8C0] =	vst v63  }
0xf2: {  	_ =	swait.ge [sflag:s2], $0x1800  }
0xf3: {  	[sflag:s2] =	ssyncset.done $0x0  }
0xf4: {  	s7 =	simm.s32 @!p0 $0x1A0C0;
	s8 =	simm.s32 @!p0 $0x1;
	[sflag:s2] =	ssyncadd.s32 $0xFFFFE800  }
0xf5: {  	[tilespmem:s7], [sflag:$0x1] =	stream.linear.gather @!p0 [spmem:s1], $0x800, $0x38;
	[tilespmem:$0x1B8C0] =	vst v63  }
0xf6: {  	s6 =	sadd.s32 $0x1, s6;
	_ =	swait.ge @!p0 [sflag:s8], $0x800  }
0xf7: {  	p1 =	sne.s32 s6, s13;
	[sflag:s8] =	ssyncset.done @!p0 $0x0  }
.Ltmp3:
0xf8: {  	s9 =	simm.s32 @!p0 $0x0;
	[sflag:s8] =	ssyncadd.s32 @!p0 $0xFFFFF800;
	(pc) =	sbr.rel @p1 .LBB2_1-.Ltmp3, $4  }
0xf9: {  	[hbm4b:s31+s9] =	stream.linear.scatter @!p0 [tilespmem:s7], [sflag:$0x1], $0x800, $0x38;
	[tilespmem:$0x1B8C0] =	vst v63  }
0xfa: {  	_ =	swait.ge @!p0 [sflag:s8], $0x800  }
0xfb: {  	[sflag:s8] =	ssyncset.done @!p0 $0x0  }
0xfc: {  	[sflag:s8] =	ssyncadd.s32 @!p0 $0xFFFFF800  }
0xfd: {  	_ =	sfence.sel $0x180000  }
0xfe: {  	[bflag:$0x0] =	sbarrier.arrive $0xFFFF  }
0xff: {  	_ =	strace $0x9000004A  }
0x100: {  	[bflag:$0x2] =	sbarrier.arrive $0xFFFF  }
0x101: {  	s0 =	rddreg [dreg:$0x2]  }
0x102: {  	s0 =	sadd.s32 @!p0 $0x100000, s0  }
0x103: {  	[sflag:s0] =	ssyncadd.tile.s32 @!p0 $0x1;
	_ =	shalt  }
.Lfunc_end2:
_tile_overlayer_lowered:
.L_overlay_start_2:
0x104: {  	(tag) =	ssettag $0x2  }
0x105: {  	s0 =	rddreg [dreg:$0x0];
	s2 =	stileid.u32  }
0x106: {  	s1 =	rddreg [dreg:$0x1];
	p0 =	sne.s32 s2, $0x0  }
0x107: {  	s3 =	rddreg [dreg:$0x2];
	[bflag:$0x3] =	sbarrier.arrive $0xFFFF;
	s2 =	simm.s32 @!p0 $0x1C01  }
0x108: {  	[timem:s3], [sflag:s2] =	dma.local @!p0 [hbm:s0], s1  }
0x109: {  	s0 =	simm.s32 @!p0 $0x1  }
0x10a: {  	_ =	swait.ge @!p0 [sflag:s0], s1  }
0x10b: {  	s1 =	ssub.s32 @!p0 $0x0, s1;
	[sflag:s0] =	ssyncset.done @!p0 $0x0  }
0x10c: {  	[sflag:s0] =	ssyncadd.s32 @!p0 s1  }
0x10d: {  	[bflag:$0x3] =	sbarrier.arrive $0xFFFF  }
0x10e: {  	_ =	shalt  }

</sc_bundles>
